<compile_context>
chip_gen: v7x
topology: tpu7x:2x2x1
jax: 0.10.2.dev20260603
libtpu: 0.0.44.dev20260713+nightly
codegen_flags: <defaults>
</compile_context>

<pallas_src>
import functools

import jax
import jax.numpy as jnp
from jax import lax
from jax.experimental import pallas as pl
from jax.experimental.pallas import tpu as pltpu
from jax.experimental.pallas import tpu_sc as plsc

C = 64
B, N, Q, D = 16, 2048, 2048, 512
QT = 2048
NQ = Q // QT

NC, NS = 2, 16
NW = NC * NS
CHUNK = 64
NCHUNK = N // CHUNK
DCOL = D // 2
EPC = NCHUNK

_sc_mesh = plsc.VectorSubcoreMesh(core_axis_name="c", subcore_axis_name="s")


@functools.partial(
    pl.kernel,
    out_type=jax.ShapeDtypeStruct((B * C, D), jnp.float32),
    mesh=_sc_mesh,
    compiler_params=pltpu.CompilerParams(needs_layout_passes=False),
    scratch_types=[
        pltpu.VMEM((NCHUNK, CHUNK), jnp.int32),
        pltpu.VMEM((CHUNK, DCOL), jnp.float32),
        pltpu.VMEM((CHUNK, DCOL), jnp.float32),
        pltpu.VMEM((C, DCOL), jnp.float32),
        pltpu.SemaphoreType.DMA,
        pltpu.SemaphoreType.DMA,
    ],
)
def _sc_proto_sums(sup_hbm, idx_hbm, out_hbm, idx_v, buf_a, buf_b, acc,
                   sem_a, sem_b):
    cid = lax.axis_index("c")
    sid = lax.axis_index("s")
    w = cid * NS + sid
    e = w // 2
    col0 = (w % 2) * DCOL
    row0 = e * N

    def _zero_row(i, _):
        for k in range(DCOL // 16):
            acc[i, pl.ds(k * 16, 16)] = jnp.zeros((16,), jnp.float32)
        return 0
    lax.fori_loop(0, C, _zero_row, 0)

    pltpu.sync_copy(idx_hbm.at[pl.ds(e * EPC, EPC)], idx_v)

    lanes = lax.iota(jnp.int32, 16)
    cols = [lanes + (k * 16) for k in range(DCOL // 16)]

    def _start(j, buf, sem):
        pltpu.async_copy(
            sup_hbm.at[pl.ds(row0 + j * CHUNK, CHUNK), pl.ds(col0, DCOL)],
            buf, sem)

    def _wait(buf, sem):
        pltpu.make_async_copy(
            sup_hbm.at[pl.ds(row0, CHUNK), pl.ds(col0, DCOL)], buf,
            sem).wait()

    def _scatter_chunk(j, buf):
        def _grp(g, _):
            tv = idx_v[j, pl.ds(g * 16, 16)]
            for i in range(16):
                trow = jnp.full((16,), tv[i], jnp.int32)
                r = g * 16 + i
                for k in range(DCOL // 16):
                    plsc.addupdate_scatter(
                        acc, [trow, cols[k]],
                        buf[r, pl.ds(k * 16, 16)])
            return 0
        lax.fori_loop(0, CHUNK // 16, _grp, 0)

    _start(0, buf_a, sem_a)
    _start(1, buf_b, sem_b)

    def _pair(g, _):
        _wait(buf_a, sem_a)
        _scatter_chunk(2 * g, buf_a)
        _start(jnp.minimum(2 * g + 2, NCHUNK - 2), buf_a, sem_a)
        _wait(buf_b, sem_b)
        _scatter_chunk(2 * g + 1, buf_b)
        _start(jnp.minimum(2 * g + 3, NCHUNK - 1), buf_b, sem_b)
        return 0
    lax.fori_loop(0, NCHUNK // 2, _pair, 0)

    _wait(buf_a, sem_a)
    _wait(buf_b, sem_b)

    pltpu.sync_copy(acc, out_hbm.at[pl.ds(e * C, C), pl.ds(col0, DCOL)])


def _tc_body(sup_t3_ref, q_ref, qt3_ref, sums_ref,
             dist_ref, pred_ref, loss_ref, acc_ref,
             protos_ref, p2_ref):
    b = pl.program_id(0)
    qi = pl.program_id(1)

    @pl.when(qi == 0)
    def _compute_protos():
        t = sup_t3_ref[0, 0, :]
        onehot = (lax.broadcasted_iota(jnp.int32, (C, N), 0)
                  == t[None, :]).astype(jnp.float32)
        counts = jnp.sum(onehot, axis=1, keepdims=True)
        protos = sums_ref[0] / jnp.maximum(counts, 1.0)
        protos_ref[...] = protos
        p2_ref[...] = jnp.sum(protos * protos, axis=1, keepdims=True)

    qblk = q_ref[0]
    q2 = jnp.sum(qblk * qblk, axis=1)
    protos = protos_ref[...]
    cross = lax.dot_general(protos, qblk, (((1,), (1,)), ((), ())),
                            preferred_element_type=jnp.float32)
    dist = p2_ref[...] + q2[None, :] - 2.0 * cross
    dist_ref[0] = dist

    logits = -dist
    mx = jnp.max(logits, axis=0, keepdims=True)
    se = jnp.sum(jnp.exp(logits - mx), axis=0, keepdims=True)
    lse = mx + jnp.log(se)
    tq = qt3_ref[0, 0, :]
    cls_iota = lax.broadcasted_iota(jnp.int32, (C, QT), 0)
    sel = jnp.sum(jnp.where(cls_iota == tq[None, :], logits, 0.0),
                  axis=0, keepdims=True)
    nll_sum = jnp.sum(lse - sel)

    mn = jnp.min(dist, axis=0, keepdims=True)
    pred = jnp.min(jnp.where(dist == mn, cls_iota, C), axis=0)
    pred_ref[0, 0, :] = pred
    acc_sum = jnp.sum((pred == tq).astype(jnp.float32))

    @pl.when((b == 0) & (qi == 0))
    def _init_stats():
        loss_ref[...] = jnp.zeros_like(loss_ref)
        acc_ref[...] = jnp.zeros_like(acc_ref)

    inv = 1.0 / (B * Q)
    loss_ref[...] += jnp.full((1, 128), nll_sum * inv, jnp.float32)
    acc_ref[...] += jnp.full((1, 128), acc_sum * inv, jnp.float32)


def kernel(support_embeddings, support_targets, query_embeddings,
           query_targets):
    sums = _sc_proto_sums(
        support_embeddings.reshape(B * N, D),
        support_targets.astype(jnp.int32).reshape(B * N // CHUNK, CHUNK))
    sums3 = sums.reshape(B, C, D)

    sup_t3 = support_targets.reshape(B, 1, N)
    qt3 = query_targets.reshape(B * NQ, 1, QT)

    grid = (B, NQ)
    dist, pred3, loss_v, acc_v = pl.pallas_call(
        _tc_body,
        grid=grid,
        in_specs=[
            pl.BlockSpec((1, 1, N), lambda b, q: (b, 0, 0)),
            pl.BlockSpec((1, QT, D), lambda b, q: (b, q, 0)),
            pl.BlockSpec((1, 1, QT), lambda b, q: (b * NQ + q, 0, 0)),
            pl.BlockSpec((1, C, D), lambda b, q: (b, 0, 0)),
        ],
        out_specs=[
            pl.BlockSpec((1, C, QT), lambda b, q: (b, 0, q)),
            pl.BlockSpec((1, 1, QT), lambda b, q: (b * NQ + q, 0, 0)),
            pl.BlockSpec((1, 128), lambda b, q: (0, 0)),
            pl.BlockSpec((1, 128), lambda b, q: (0, 0)),
        ],
        out_shape=[
            jax.ShapeDtypeStruct((B, C, Q), jnp.float32),
            jax.ShapeDtypeStruct((B * NQ, 1, QT), jnp.int32),
            jax.ShapeDtypeStruct((1, 128), jnp.float32),
            jax.ShapeDtypeStruct((1, 128), jnp.float32),
        ],
        scratch_shapes=[
            pltpu.VMEM((C, D), jnp.float32),
            pltpu.VMEM((C, 1), jnp.float32),
        ],
    )(sup_t3, query_embeddings, qt3, sums3)

    predictions = pred3.reshape(B, Q)
    loss = loss_v[0, 0]
    accuracy = acc_v[0, 0]
    return (loss, predictions, accuracy, dist)

# --- scband reference (transcript-rebuilt; emitter-appended) ---
"""Pipeline reference for scband-prototypical-network-88880053223770 (READ-ONLY COPY).

The authoritative reference and input builder live on the scoring server;
editing this copy changes nothing except your own understanding.
"""

import jax, jax.numpy as jnp
import numpy as np

NUM_CLASSES = 64


def setup_inputs(seed: int = 0) -> dict:
    key = jax.random.key(seed)
    k1, k2, k3, k4 = jax.random.split(key, 4)
    B, N, Q, D = 16, 2048, 2048, 512
    return {
        "support_embeddings": jax.random.normal(k1, (B, N, D), dtype=jnp.float32),
        "support_targets": jax.random.randint(k2, (B, N), 0, NUM_CLASSES),
        "query_embeddings": jax.random.normal(k3, (B, Q, D), dtype=jnp.float32),
        "query_targets": jax.random.randint(k4, (B, Q), 0, NUM_CLASSES),
    }


def _get_prototypes(embeddings, targets, num_classes):
    # embeddings: [B, N, D], targets: [B, N] -> prototypes: [B, C, D]
    B, N, D = embeddings.shape
    rows = jnp.arange(B)[:, None]
    ones = jnp.ones((B, N), dtype=embeddings.dtype)
    # get_num_samples: scatter_add of ones along class dim
    num_samples = jnp.zeros((B, num_classes), dtype=embeddings.dtype).at[rows, targets].add(ones)
    num_samples = jnp.maximum(num_samples, 1.0)[:, :, None]
    # scatter_add of embeddings into per-class prototype slots, then mean
    prototypes = jnp.zeros((B, num_classes, D), dtype=embeddings.dtype).at[rows, targets].add(embeddings)
    return prototypes / num_samples


def _euclidean_distances(prototypes, embeddings):
    # sum((p.unsqueeze(2) - q.unsqueeze(1))**2, -1) computed via the
    # mathematically identical expansion ||p||^2 + ||q||^2 - 2 p.q
    p2 = jnp.sum(prototypes ** 2, axis=-1)[:, :, None]   # [B, C, 1]
    q2 = jnp.sum(embeddings ** 2, axis=-1)[:, None, :]    # [B, 1, Q]
    cross = jnp.einsum('bcd,bqd->bcq', prototypes, embeddings)
    return p2 + q2 - 2.0 * cross                            # [B, C, Q]


def reference(support_embeddings, support_targets, query_embeddings, query_targets):
    prototypes = _get_prototypes(support_embeddings, support_targets, NUM_CLASSES)
    distances = _euclidean_distances(prototypes, query_embeddings)  # [B, C, Q]
    predictions = jnp.argmin(distances, axis=1)                      # [B, Q]
    # F.cross_entropy(-distances, query_targets): logits over class dim 1
    logits = -distances
    log_probs = jax.nn.log_softmax(logits, axis=1)
    nll = -jnp.take_along_axis(log_probs, query_targets[:, None, :], axis=1)[:, 0, :]
    loss = jnp.mean(nll)
    accuracy = jnp.mean((predictions == query_targets).astype(jnp.float32))
    return (loss, predictions, accuracy, distances)

if __name__ == "__main__":
    import jax
    _d = setup_inputs()
    print(jax.jit(kernel)(*tuple(_d.values())))

</pallas_src>

<mosaic_0001>
#map = affine_map<(d0, d1) -> (0, 0)>
module attributes {stable_mosaic.version = 14 : i64} {
  func.func @_sc_proto_sums(%arg0: i32, %arg1: i32, %arg2: memref<32768x512xf32, #tpu.memory_space<hbm>>, %arg3: memref<512x64xi32, #tpu.memory_space<hbm>>, %arg4: memref<1024x512xf32, #tpu.memory_space<hbm>>, %arg5: memref<32x64xi32, #tpu.memory_space<vmem>>, %arg6: memref<64x256xf32, #tpu.memory_space<vmem>>, %arg7: memref<64x256xf32, #tpu.memory_space<vmem>>, %arg8: memref<64x256xf32, #tpu.memory_space<vmem>>, %arg9: memref<!tpu.dma_semaphore, #tpu.memory_space<semaphore_mem>>, %arg10: memref<!tpu.dma_semaphore, #tpu.memory_space<semaphore_mem>>) attributes {dimension_semantics = [#tpu.dimension_semantics<core_parallel>, #tpu.dimension_semantics<subcore_parallel>], iteration_bounds = array<i64: 2, 16>, scalar_prefetch = 0 : i64, scratch_operands = 6 : i64, tpu.core_type = #tpu.core_type<sc_vector_subcore>, window_params = [{transform_indices = #map}, {transform_indices = #map}, {transform_indices = #map}]} {
    %mul3A = arith.constant 16 : i32
    %mul3A_0 = arith.muli %arg0, %mul3A : i32
    %add3A = arith.addi %mul3A_0, %arg1 : i32
    %jit3A = arith.constant 2 : i32
    %div3A = arith.divsi %add3A, %jit3A : i32
    %sign3A = arith.constant 0 : i32
    %sign3A_1 = arith.cmpi sgt, %add3A, %sign3A : i32
    %sign3A_2 = arith.extui %sign3A_1 : i1 to i32
    %sign3A_3 = arith.constant 0 : i32
    %sign3A_4 = arith.cmpi slt, %add3A, %sign3A_3 : i32
    %sign3A_5 = arith.extui %sign3A_4 : i1 to i32
    %sign3A_6 = arith.subi %sign3A_2, %sign3A_5 : i32
    %sign3A_7 = arith.constant 0 : i32
    %sign3A_8 = arith.cmpi sgt, %jit3A, %sign3A_7 : i32
    %sign3A_9 = arith.extui %sign3A_8 : i1 to i32
    %sign3A_10 = arith.constant 0 : i32
    %sign3A_11 = arith.cmpi slt, %jit3A, %sign3A_10 : i32
    %sign3A_12 = arith.extui %sign3A_11 : i1 to i32
    %sign3A_13 = arith.subi %sign3A_9, %sign3A_12 : i32
    %ne3A = arith.cmpi ne, %sign3A_6, %sign3A_13 : i32
    %rem3A = arith.remsi %add3A, %jit3A : i32
    %ne3A_14 = arith.constant 0 : i32
    %ne3A_15 = arith.cmpi ne, %rem3A, %ne3A_14 : i32
    %and3A = arith.andi %ne3A, %ne3A_15 : i1
    %sub3A = arith.constant 1 : i32
    %sub3A_16 = arith.subi %div3A, %sub3A : i32
    %select_n3A = arith.select %and3A, %sub3A_16, %div3A : i32
    %jit3A_17 = arith.constant 2 : i32
    %eq3A = arith.constant 0 : i32
    %eq3A_18 = arith.cmpi eq, %jit3A_17, %eq3A : i32
    %jit3A_19 = arith.constant 1 : i32
    %select_n3A_20 = arith.select %eq3A_18, %jit3A_19, %jit3A_17 : i32
    %rem3A_21 = arith.remsi %add3A, %select_n3A_20 : i32
    %ne3A_22 = arith.constant 0 : i32
    %ne3A_23 = arith.cmpi ne, %rem3A_21, %ne3A_22 : i32
    %lt3A = arith.constant 0 : i32
    %lt3A_24 = arith.cmpi slt, %rem3A_21, %lt3A : i32
    %lt3A_25 = arith.constant 0 : i32
    %lt3A_26 = arith.cmpi slt, %select_n3A_20, %lt3A_25 : i32
    %ne3A_27 = arith.xori %lt3A_24, %lt3A_26 : i1
    %and3A_28 = arith.andi %ne3A_27, %ne3A_23 : i1
    %add3A_29 = arith.addi %rem3A_21, %select_n3A_20 : i32
    %select_n3A_30 = arith.select %and3A_28, %add3A_29, %rem3A_21 : i32
    %mul3A_31 = arith.constant 256 : i32
    %mul3A_32 = arith.muli %select_n3A_30, %mul3A_31 : i32
    %mul3A_33 = arith.constant 2048 : i32
    %mul3A_34 = arith.muli %select_n3A, %mul3A_33 : i32
    %scan3A = arith.constant 0 : i32
    %scan3A_35 = arith.constant 0 : i32
    %scan3A_36 = arith.constant 64 : i32
    %scan3A_37 = arith.addi %scan3A_35, %scan3A_36 : i32
    %scan3A_38 = arith.constant 1 : i32
    %scan3A_39 = scf.for %scan3A_110 = %scan3A_35 to %scan3A_37 step %scan3A_38 iter_args(%scan3A_111 = %scan3A) -> (i32)  : i32 {
      %broadcast_in_dim3A = arith.constant 0.000000e+00 : f32
      %broadcast_in_dim3A_112 = vector.broadcast %broadcast_in_dim3A : f32 to vector<16xf32>
      %swap3A = arith.index_cast %scan3A_110 : i32 to index
      %swap3A_113 = arith.constant 0 : index
      %swap3A_114 = tpu.vector_load %arg8[%swap3A, %swap3A_113] {strides = array<i32>} : memref<64x256xf32, #tpu.memory_space<vmem>>, vector<16xf32>,
      tpu.vector_store %arg8[%swap3A, %swap3A_113], %broadcast_in_dim3A_112 {strides = array<i32>} : memref<64x256xf32, #tpu.memory_space<vmem>>, vector<16xf32>,
      %broadcast_in_dim3A_115 = arith.constant 0.000000e+00 : f32
      %broadcast_in_dim3A_116 = vector.broadcast %broadcast_in_dim3A_115 : f32 to vector<16xf32>
      %swap3A_117 = arith.index_cast %scan3A_110 : i32 to index
      %swap3A_118 = arith.constant 16 : index
      %swap3A_119 = tpu.vector_load %arg8[%swap3A_117, %swap3A_118] {strides = array<i32>} : memref<64x256xf32, #tpu.memory_space<vmem>>, vector<16xf32>,
      tpu.vector_store %arg8[%swap3A_117, %swap3A_118], %broadcast_in_dim3A_116 {strides = array<i32>} : memref<64x256xf32, #tpu.memory_space<vmem>>, vector<16xf32>,
      %broadcast_in_dim3A_120 = arith.constant 0.000000e+00 : f32
      %broadcast_in_dim3A_121 = vector.broadcast %broadcast_in_dim3A_120 : f32 to vector<16xf32>
      %swap3A_122 = arith.index_cast %scan3A_110 : i32 to index
      %swap3A_123 = arith.constant 32 : index
      %swap3A_124 = tpu.vector_load %arg8[%swap3A_122, %swap3A_123] {strides = array<i32>} : memref<64x256xf32, #tpu.memory_space<vmem>>, vector<16xf32>,
      tpu.vector_store %arg8[%swap3A_122, %swap3A_123], %broadcast_in_dim3A_121 {strides = array<i32>} : memref<64x256xf32, #tpu.memory_space<vmem>>, vector<16xf32>,
      %broadcast_in_dim3A_125 = arith.constant 0.000000e+00 : f32
      %broadcast_in_dim3A_126 = vector.broadcast %broadcast_in_dim3A_125 : f32 to vector<16xf32>
      %swap3A_127 = arith.index_cast %scan3A_110 : i32 to index
      %swap3A_128 = arith.constant 48 : index
      %swap3A_129 = tpu.vector_load %arg8[%swap3A_127, %swap3A_128] {strides = array<i32>} : memref<64x256xf32, #tpu.memory_space<vmem>>, vector<16xf32>,
      tpu.vector_store %arg8[%swap3A_127, %swap3A_128], %broadcast_in_dim3A_126 {strides = array<i32>} : memref<64x256xf32, #tpu.memory_space<vmem>>, vector<16xf32>,
      %broadcast_in_dim3A_130 = arith.constant 0.000000e+00 : f32
      %broadcast_in_dim3A_131 = vector.broadcast %broadcast_in_dim3A_130 : f32 to vector<16xf32>
      %swap3A_132 = arith.index_cast %scan3A_110 : i32 to index
      %swap3A_133 = arith.constant 64 : index
      %swap3A_134 = tpu.vector_load %arg8[%swap3A_132, %swap3A_133] {strides = array<i32>} : memref<64x256xf32, #tpu.memory_space<vmem>>, vector<16xf32>,
      tpu.vector_store %arg8[%swap3A_132, %swap3A_133], %broadcast_in_dim3A_131 {strides = array<i32>} : memref<64x256xf32, #tpu.memory_space<vmem>>, vector<16xf32>,
      %broadcast_in_dim3A_135 = arith.constant 0.000000e+00 : f32
      %broadcast_in_dim3A_136 = vector.broadcast %broadcast_in_dim3A_135 : f32 to vector<16xf32>
      %swap3A_137 = arith.index_cast %scan3A_110 : i32 to index
      %swap3A_138 = arith.constant 80 : index
      %swap3A_139 = tpu.vector_load %arg8[%swap3A_137, %swap3A_138] {strides = array<i32>} : memref<64x256xf32, #tpu.memory_space<vmem>>, vector<16xf32>,
      tpu.vector_store %arg8[%swap3A_137, %swap3A_138], %broadcast_in_dim3A_136 {strides = array<i32>} : memref<64x256xf32, #tpu.memory_space<vmem>>, vector<16xf32>,
      %broadcast_in_dim3A_140 = arith.constant 0.000000e+00 : f32
      %broadcast_in_dim3A_141 = vector.broadcast %broadcast_in_dim3A_140 : f32 to vector<16xf32>
      %swap3A_142 = arith.index_cast %scan3A_110 : i32 to index
      %swap3A_143 = arith.constant 96 : index
      %swap3A_144 = tpu.vector_load %arg8[%swap3A_142, %swap3A_143] {strides = array<i32>} : memref<64x256xf32, #tpu.memory_space<vmem>>, vector<16xf32>,
      tpu.vector_store %arg8[%swap3A_142, %swap3A_143], %broadcast_in_dim3A_141 {strides = array<i32>} : memref<64x256xf32, #tpu.memory_space<vmem>>, vector<16xf32>,
      %broadcast_in_dim3A_145 = arith.constant 0.000000e+00 : f32
      %broadcast_in_dim3A_146 = vector.broadcast %broadcast_in_dim3A_145 : f32 to vector<16xf32>
      %swap3A_147 = arith.index_cast %scan3A_110 : i32 to index
      %swap3A_148 = arith.constant 112 : index
      %swap3A_149 = tpu.vector_load %arg8[%swap3A_147, %swap3A_148] {strides = array<i32>} : memref<64x256xf32, #tpu.memory_space<vmem>>, vector<16xf32>,
      tpu.vector_store %arg8[%swap3A_147, %swap3A_148], %broadcast_in_dim3A_146 {strides = array<i32>} : memref<64x256xf32, #tpu.memory_space<vmem>>, vector<16xf32>,
      %broadcast_in_dim3A_150 = arith.constant 0.000000e+00 : f32
      %broadcast_in_dim3A_151 = vector.broadcast %broadcast_in_dim3A_150 : f32 to vector<16xf32>
      %swap3A_152 = arith.index_cast %scan3A_110 : i32 to index
      %swap3A_153 = arith.constant 128 : index
      %swap3A_154 = tpu.vector_load %arg8[%swap3A_152, %swap3A_153] {strides = array<i32>} : memref<64x256xf32, #tpu.memory_space<vmem>>, vector<16xf32>,
      tpu.vector_store %arg8[%swap3A_152, %swap3A_153], %broadcast_in_dim3A_151 {strides = array<i32>} : memref<64x256xf32, #tpu.memory_space<vmem>>, vector<16xf32>,
      %broadcast_in_dim3A_155 = arith.constant 0.000000e+00 : f32
      %broadcast_in_dim3A_156 = vector.broadcast %broadcast_in_dim3A_155 : f32 to vector<16xf32>
      %swap3A_157 = arith.index_cast %scan3A_110 : i32 to index
      %swap3A_158 = arith.constant 144 : index
      %swap3A_159 = tpu.vector_load %arg8[%swap3A_157, %swap3A_158] {strides = array<i32>} : memref<64x256xf32, #tpu.memory_space<vmem>>, vector<16xf32>,
      tpu.vector_store %arg8[%swap3A_157, %swap3A_158], %broadcast_in_dim3A_156 {strides = array<i32>} : memref<64x256xf32, #tpu.memory_space<vmem>>, vector<16xf32>,
      %broadcast_in_dim3A_160 = arith.constant 0.000000e+00 : f32
      %broadcast_in_dim3A_161 = vector.broadcast %broadcast_in_dim3A_160 : f32 to vector<16xf32>
      %swap3A_162 = arith.index_cast %scan3A_110 : i32 to index
      %swap3A_163 = arith.constant 160 : index
      %swap3A_164 = tpu.vector_load %arg8[%swap3A_162, %swap3A_163] {strides = array<i32>} : memref<64x256xf32, #tpu.memory_space<vmem>>, vector<16xf32>,
      tpu.vector_store %arg8[%swap3A_162, %swap3A_163], %broadcast_in_dim3A_161 {strides = array<i32>} : memref<64x256xf32, #tpu.memory_space<vmem>>, vector<16xf32>,
      %broadcast_in_dim3A_165 = arith.constant 0.000000e+00 : f32
      %broadcast_in_dim3A_166 = vector.broadcast %broadcast_in_dim3A_165 : f32 to vector<16xf32>
      %swap3A_167 = arith.index_cast %scan3A_110 : i32 to index
      %swap3A_168 = arith.constant 176 : index
      %swap3A_169 = tpu.vector_load %arg8[%swap3A_167, %swap3A_168] {strides = array<i32>} : memref<64x256xf32, #tpu.memory_space<vmem>>, vector<16xf32>,
      tpu.vector_store %arg8[%swap3A_167, %swap3A_168], %broadcast_in_dim3A_166 {strides = array<i32>} : memref<64x256xf32, #tpu.memory_space<vmem>>, vector<16xf32>,
      %broadcast_in_dim3A_170 = arith.constant 0.000000e+00 : f32
      %broadcast_in_dim3A_171 = vector.broadcast %broadcast_in_dim3A_170 : f32 to vector<16xf32>
      %swap3A_172 = arith.index_cast %scan3A_110 : i32 to index
      %swap3A_173 = arith.constant 192 : index
      %swap3A_174 = tpu.vector_load %arg8[%swap3A_172, %swap3A_173] {strides = array<i32>} : memref<64x256xf32, #tpu.memory_space<vmem>>, vector<16xf32>,
      tpu.vector_store %arg8[%swap3A_172, %swap3A_173], %broadcast_in_dim3A_171 {strides = array<i32>} : memref<64x256xf32, #tpu.memory_space<vmem>>, vector<16xf32>,
      %broadcast_in_dim3A_175 = arith.constant 0.000000e+00 : f32
      %broadcast_in_dim3A_176 = vector.broadcast %broadcast_in_dim3A_175 : f32 to vector<16xf32>
      %swap3A_177 = arith.index_cast %scan3A_110 : i32 to index
      %swap3A_178 = arith.constant 208 : index
      %swap3A_179 = tpu.vector_load %arg8[%swap3A_177, %swap3A_178] {strides = array<i32>} : memref<64x256xf32, #tpu.memory_space<vmem>>, vector<16xf32>,
      tpu.vector_store %arg8[%swap3A_177, %swap3A_178], %broadcast_in_dim3A_176 {strides = array<i32>} : memref<64x256xf32, #tpu.memory_space<vmem>>, vector<16xf32>,
      %broadcast_in_dim3A_180 = arith.constant 0.000000e+00 : f32
      %broadcast_in_dim3A_181 = vector.broadcast %broadcast_in_dim3A_180 : f32 to vector<16xf32>
      %swap3A_182 = arith.index_cast %scan3A_110 : i32 to index
      %swap3A_183 = arith.constant 224 : index
      %swap3A_184 = tpu.vector_load %arg8[%swap3A_182, %swap3A_183] {strides = array<i32>} : memref<64x256xf32, #tpu.memory_space<vmem>>, vector<16xf32>,
      tpu.vector_store %arg8[%swap3A_182, %swap3A_183], %broadcast_in_dim3A_181 {strides = array<i32>} : memref<64x256xf32, #tpu.memory_space<vmem>>, vector<16xf32>,
      %broadcast_in_dim3A_185 = arith.constant 0.000000e+00 : f32
      %broadcast_in_dim3A_186 = vector.broadcast %broadcast_in_dim3A_185 : f32 to vector<16xf32>
      %swap3A_187 = arith.index_cast %scan3A_110 : i32 to index
      %swap3A_188 = arith.constant 240 : index
      %swap3A_189 = tpu.vector_load %arg8[%swap3A_187, %swap3A_188] {strides = array<i32>} : memref<64x256xf32, #tpu.memory_space<vmem>>, vector<16xf32>,
      tpu.vector_store %arg8[%swap3A_187, %swap3A_188], %broadcast_in_dim3A_186 {strides = array<i32>} : memref<64x256xf32, #tpu.memory_space<vmem>>, vector<16xf32>,
      %scan3A_190 = arith.constant 0 : i32
      scf.yield %scan3A_190 : i32
    }
    %scan3A_40 = arith.constant 64 : i32
    %mul3A_41 = arith.constant 32 : i32
    %mul3A_42 = arith.muli %select_n3A, %mul3A_41 : i32
    "tpu.region"() ({
      %run_scoped3A = tpu.sem_alloc : memref<!tpu.dma_semaphore, #tpu.memory_space<semaphore_mem>>
      %dma_start3A_110 = arith.constant 0 : i32
      %dma_start3A_111 = tpu.memref_slice %arg3[%mul3A_42, %dma_start3A_110] : memref<512x64xi32, #tpu.memory_space<hbm>> -> memref<32x64xi32, #tpu.memory_space<hbm>>
      %dma_start3A_112 = arith.constant 0 : i32
      %dma_start3A_113 = tpu.memref_slice %arg3[%mul3A_42, %dma_start3A_112] : memref<512x64xi32, #tpu.memory_space<hbm>> -> memref<32x64xi32, #tpu.memory_space<hbm>>
      tpu.enqueue_dma source(%dma_start3A_113 : memref<32x64xi32, #tpu.memory_space<hbm>>) target(%arg5 : memref<32x64xi32, #tpu.memory_space<vmem>>) target_semaphore(%run_scoped3A : memref<!tpu.dma_semaphore, #tpu.memory_space<semaphore_mem>>)
      %dma_wait3A_114 = arith.constant 0 : i32
      %dma_wait3A_115 = tpu.memref_slice %arg3[%mul3A_42, %dma_wait3A_114] : memref<512x64xi32, #tpu.memory_space<hbm>> -> memref<32x64xi32, #tpu.memory_space<hbm>>
      %dma_wait3A_116 = arith.constant 0 : i32
      %dma_wait3A_117 = tpu.memref_slice %arg3[%mul3A_42, %dma_wait3A_116] : memref<512x64xi32, #tpu.memory_space<hbm>> -> memref<32x64xi32, #tpu.memory_space<hbm>>
      tpu.wait_dma2 semaphore(%run_scoped3A : memref<!tpu.dma_semaphore, #tpu.memory_space<semaphore_mem>>) src(%dma_wait3A_117 : memref<32x64xi32, #tpu.memory_space<hbm>>) dst(%arg5 : memref<32x64xi32, #tpu.memory_space<vmem>>)
      tpu.yield
    }) : () -> ()
    %iota3A = tpu.iota {dimensions = array<i32: 0>} : vector<16xi32>
    %add3A_43 = arith.constant 0 : i32
    %add3A_44 = vector.broadcast %add3A_43 : i32 to vector<16xi32>
    %add3A_45 = arith.addi %iota3A, %add3A_44 : vector<16xi32>
    %add3A_46 = arith.constant 16 : i32
    %add3A_47 = vector.broadcast %add3A_46 : i32 to vector<16xi32>
    %add3A_48 = arith.addi %iota3A, %add3A_47 : vector<16xi32>
    %add3A_49 = arith.constant 32 : i32
    %add3A_50 = vector.broadcast %add3A_49 : i32 to vector<16xi32>
    %add3A_51 = arith.addi %iota3A, %add3A_50 : vector<16xi32>
    %add3A_52 = arith.constant 48 : i32
    %add3A_53 = vector.broadcast %add3A_52 : i32 to vector<16xi32>
    %add3A_54 = arith.addi %iota3A, %add3A_53 : vector<16xi32>
    %add3A_55 = arith.constant 64 : i32
    %add3A_56 = vector.broadcast %add3A_55 : i32 to vector<16xi32>
    %add3A_57 = arith.addi %iota3A, %add3A_56 : vector<16xi32>
    %add3A_58 = arith.constant 80 : i32
    %add3A_59 = vector.broadcast %add3A_58 : i32 to vector<16xi32>
    %add3A_60 = arith.addi %iota3A, %add3A_59 : vector<16xi32>
    %add3A_61 = arith.constant 96 : i32
    %add3A_62 = vector.broadcast %add3A_61 : i32 to vector<16xi32>
    %add3A_63 = arith.addi %iota3A, %add3A_62 : vector<16xi32>
    %add3A_64 = arith.constant 112 : i32
    %add3A_65 = vector.broadcast %add3A_64 : i32 to vector<16xi32>
    %add3A_66 = arith.addi %iota3A, %add3A_65 : vector<16xi32>
    %add3A_67 = arith.constant 128 : i32
    %add3A_68 = vector.broadcast %add3A_67 : i32 to vector<16xi32>
    %add3A_69 = arith.addi %iota3A, %add3A_68 : vector<16xi32>
    %add3A_70 = arith.constant 144 : i32
    %add3A_71 = vector.broadcast %add3A_70 : i32 to vector<16xi32>
    %add3A_72 = arith.addi %iota3A, %add3A_71 : vector<16xi32>
    %add3A_73 = arith.constant 160 : i32
    %add3A_74 = vector.broadcast %add3A_73 : i32 to vector<16xi32>
    %add3A_75 = arith.addi %iota3A, %add3A_74 : vector<16xi32>
    %add3A_76 = arith.constant 176 : i32
    %add3A_77 = vector.broadcast %add3A_76 : i32 to vector<16xi32>
    %add3A_78 = arith.addi %iota3A, %add3A_77 : vector<16xi32>
    %add3A_79 = arith.constant 192 : i32
    %add3A_80 = vector.broadcast %add3A_79 : i32 to vector<16xi32>
    %add3A_81 = arith.addi %iota3A, %add3A_80 : vector<16xi32>
    %add3A_82 = arith.constant 208 : i32
    %add3A_83 = vector.broadcast %add3A_82 : i32 to vector<16xi32>
    %add3A_84 = arith.addi %iota3A, %add3A_83 : vector<16xi32>
    %add3A_85 = arith.constant 224 : i32
    %add3A_86 = vector.broadcast %add3A_85 : i32 to vector<16xi32>
    %add3A_87 = arith.addi %iota3A, %add3A_86 : vector<16xi32>
    %add3A_88 = arith.constant 240 : i32
    %add3A_89 = vector.broadcast %add3A_88 : i32 to vector<16xi32>
    %add3A_90 = arith.addi %iota3A, %add3A_89 : vector<16xi32>
    %add3A_91 = arith.constant 0 : i32
    %add3A_92 = arith.addi %mul3A_34, %add3A_91 : i32
    %dma_start3A = tpu.memref_slice %arg2[%add3A_92, %mul3A_32] : memref<32768x512xf32, #tpu.memory_space<hbm>> -> memref<64x256xf32, #tpu.memory_space<hbm>>
    %dma_start3A_93 = tpu.memref_slice %arg2[%add3A_92, %mul3A_32] : memref<32768x512xf32, #tpu.memory_space<hbm>> -> memref<64x256xf32, #tpu.memory_space<hbm>>
    tpu.enqueue_dma source(%dma_start3A_93 : memref<64x256xf32, #tpu.memory_space<hbm>>) target(%arg6 : memref<64x256xf32, #tpu.memory_space<vmem>>) target_semaphore(%arg9 : memref<!tpu.dma_semaphore, #tpu.memory_space<semaphore_mem>>)
    %add3A_94 = arith.constant 64 : i32
    %add3A_95 = arith.addi %mul3A_34, %add3A_94 : i32
    %dma_start3A_96 = tpu.memref_slice %arg2[%add3A_95, %mul3A_32] : memref<32768x512xf32, #tpu.memory_space<hbm>> -> memref<64x256xf32, #tpu.memory_space<hbm>>
    %dma_start3A_97 = tpu.memref_slice %arg2[%add3A_95, %mul3A_32] : memref<32768x512xf32, #tpu.memory_space<hbm>> -> memref<64x256xf32, #tpu.memory_space<hbm>>
    tpu.enqueue_dma source(%dma_start3A_97 : memref<64x256xf32, #tpu.memory_space<hbm>>) target(%arg7 : memref<64x256xf32, #tpu.memory_space<vmem>>) target_semaphore(%arg10 : memref<!tpu.dma_semaphore, #tpu.memory_space<semaphore_mem>>)
    %scan3A_98 = arith.constant 0 : i32
    %scan3A_99 = arith.constant 0 : i32
    %scan3A_100 = arith.constant 16 : i32
    %scan3A_101 = arith.addi %scan3A_99, %scan3A_100 : i32
    %scan3A_102 = arith.constant 1 : i32
    %scan3A_103 = scf.for %scan3A_110 = %scan3A_99 to %scan3A_101 step %scan3A_102 iter_args(%scan3A_111 = %scan3A_98) -> (i32)  : i32 {
      %dma_wait3A_112 = tpu.memref_slice %arg2[%mul3A_34, %mul3A_32] : memref<32768x512xf32, #tpu.memory_space<hbm>> -> memref<64x256xf32, #tpu.memory_space<hbm>>
      %dma_wait3A_113 = tpu.memref_slice %arg2[%mul3A_34, %mul3A_32] : memref<32768x512xf32, #tpu.memory_space<hbm>> -> memref<64x256xf32, #tpu.memory_space<hbm>>
      tpu.wait_dma2 semaphore(%arg9 : memref<!tpu.dma_semaphore, #tpu.memory_space<semaphore_mem>>) src(%dma_wait3A_113 : memref<64x256xf32, #tpu.memory_space<hbm>>) dst(%arg6 : memref<64x256xf32, #tpu.memory_space<vmem>>)
      %mul3A_114 = arith.constant 2 : i32
      %mul3A_115 = arith.muli %mul3A_114, %scan3A_110 : i32
      %scan3A_116 = arith.constant 0 : i32
      %scan3A_117 = arith.constant 0 : i32
      %scan3A_118 = arith.constant 4 : i32
      %scan3A_119 = arith.addi %scan3A_117, %scan3A_118 : i32
      %scan3A_120 = arith.constant 1 : i32
      %scan3A_121 = scf.for %scan3A_158 = %scan3A_117 to %scan3A_119 step %scan3A_120 iter_args(%scan3A_159 = %scan3A_116) -> (i32)  : i32 {
        %mul3A_160 = arith.constant 16 : i32
        %mul3A_161 = arith.muli %scan3A_158, %mul3A_160 : i32
        %get3A = arith.index_cast %mul3A_115 : i32 to index
        %get3A_162 = arith.index_cast %mul3A_161 : i32 to index
        %get3A_163 = tpu.vector_load %arg5[%get3A, %get3A_162] {strides = array<i32>} : memref<32x64xi32, #tpu.memory_space<vmem>>, vector<16xi32>,
        %slice3A = vector.extract_strided_slice %get3A_163 {offsets = [0], sizes = [1], strides = [1]} : vector<16xi32> to vector<1xi32>
        %squeeze3A = vector.extract %slice3A[0] : i32 from vector<1xi32>
        %broadcast_in_dim3A = vector.broadcast %squeeze3A : i32 to vector<16xi32>
        %mul3A_164 = arith.constant 16 : i32
        %mul3A_165 = arith.muli %scan3A_158, %mul3A_164 : i32
        %add3A_166 = arith.constant 0 : i32
        %add3A_167 = arith.addi %mul3A_165, %add3A_166 : i32
        %get3A_168 = arith.index_cast %add3A_167 : i32 to index
        %get3A_169 = arith.constant 0 : index
        %get3A_170 = tpu.vector_load %arg6[%get3A_168, %get3A_169] {strides = array<i32>} : memref<64x256xf32, #tpu.memory_space<vmem>>, vector<16xf32>,
        tpu.vector_store_idx %arg8[%broadcast_in_dim3A, %add3A_45], %get3A_170 {add = true} : memref<64x256xf32, #tpu.memory_space<vmem>>[vector<16xi32>, vector<16xi32>], vector<16xf32>,
        %get3A_171 = arith.index_cast %add3A_167 : i32 to index
        %get3A_172 = arith.constant 16 : index
        %get3A_173 = tpu.vector_load %arg6[%get3A_171, %get3A_172] {strides = array<i32>} : memref<64x256xf32, #tpu.memory_space<vmem>>, vector<16xf32>,
        tpu.vector_store_idx %arg8[%broadcast_in_dim3A, %add3A_48], %get3A_173 {add = true} : memref<64x256xf32, #tpu.memory_space<vmem>>[vector<16xi32>, vector<16xi32>], vector<16xf32>,
        %get3A_174 = arith.index_cast %add3A_167 : i32 to index
        %get3A_175 = arith.constant 32 : index
        %get3A_176 = tpu.vector_load %arg6[%get3A_174, %get3A_175] {strides = array<i32>} : memref<64x256xf32, #tpu.memory_space<vmem>>, vector<16xf32>,
        tpu.vector_store_idx %arg8[%broadcast_in_dim3A, %add3A_51], %get3A_176 {add = true} : memref<64x256xf32, #tpu.memory_space<vmem>>[vector<16xi32>, vector<16xi32>], vector<16xf32>,
        %get3A_177 = arith.index_cast %add3A_167 : i32 to index
        %get3A_178 = arith.constant 48 : index
        %get3A_179 = tpu.vector_load %arg6[%get3A_177, %get3A_178] {strides = array<i32>} : memref<64x256xf32, #tpu.memory_space<vmem>>, vector<16xf32>,
        tpu.vector_store_idx %arg8[%broadcast_in_dim3A, %add3A_54], %get3A_179 {add = true} : memref<64x256xf32, #tpu.memory_space<vmem>>[vector<16xi32>, vector<16xi32>], vector<16xf32>,
        %get3A_180 = arith.index_cast %add3A_167 : i32 to index
        %get3A_181 = arith.constant 64 : index
        %get3A_182 = tpu.vector_load %arg6[%get3A_180, %get3A_181] {strides = array<i32>} : memref<64x256xf32, #tpu.memory_space<vmem>>, vector<16xf32>,
        tpu.vector_store_idx %arg8[%broadcast_in_dim3A, %add3A_57], %get3A_182 {add = true} : memref<64x256xf32, #tpu.memory_space<vmem>>[vector<16xi32>, vector<16xi32>], vector<16xf32>,
        %get3A_183 = arith.index_cast %add3A_167 : i32 to index
        %get3A_184 = arith.constant 80 : index
        %get3A_185 = tpu.vector_load %arg6[%get3A_183, %get3A_184] {strides = array<i32>} : memref<64x256xf32, #tpu.memory_space<vmem>>, vector<16xf32>,
        tpu.vector_store_idx %arg8[%broadcast_in_dim3A, %add3A_60], %get3A_185 {add = true} : memref<64x256xf32, #tpu.memory_space<vmem>>[vector<16xi32>, vector<16xi32>], vector<16xf32>,
        %get3A_186 = arith.index_cast %add3A_167 : i32 to index
        %get3A_187 = arith.constant 96 : index
        %get3A_188 = tpu.vector_load %arg6[%get3A_186, %get3A_187] {strides = array<i32>} : memref<64x256xf32, #tpu.memory_space<vmem>>, vector<16xf32>,
        tpu.vector_store_idx %arg8[%broadcast_in_dim3A, %add3A_63], %get3A_188 {add = true} : memref<64x256xf32, #tpu.memory_space<vmem>>[vector<16xi32>, vector<16xi32>], vector<16xf32>,
        %get3A_189 = arith.index_cast %add3A_167 : i32 to index
        %get3A_190 = arith.constant 112 : index
        %get3A_191 = tpu.vector_load %arg6[%get3A_189, %get3A_190] {strides = array<i32>} : memref<64x256xf32, #tpu.memory_space<vmem>>, vector<16xf32>,
        tpu.vector_store_idx %arg8[%broadcast_in_dim3A, %add3A_66], %get3A_191 {add = true} : memref<64x256xf32, #tpu.memory_space<vmem>>[vector<16xi32>, vector<16xi32>], vector<16xf32>,
        %get3A_192 = arith.index_cast %add3A_167 : i32 to index
        %get3A_193 = arith.constant 128 : index
        %get3A_194 = tpu.vector_load %arg6[%get3A_192, %get3A_193] {strides = array<i32>} : memref<64x256xf32, #tpu.memory_space<vmem>>, vector<16xf32>,
        tpu.vector_store_idx %arg8[%broadcast_in_dim3A, %add3A_69], %get3A_194 {add = true} : memref<64x256xf32, #tpu.memory_space<vmem>>[vector<16xi32>, vector<16xi32>], vector<16xf32>,
        %get3A_195 = arith.index_cast %add3A_167 : i32 to index
        %get3A_196 = arith.constant 144 : index
        %get3A_197 = tpu.vector_load %arg6[%get3A_195, %get3A_196] {strides = array<i32>} : memref<64x256xf32, #tpu.memory_space<vmem>>, vector<16xf32>,
        tpu.vector_store_idx %arg8[%broadcast_in_dim3A, %add3A_72], %get3A_197 {add = true} : memref<64x256xf32, #tpu.memory_space<vmem>>[vector<16xi32>, vector<16xi32>], vector<16xf32>,
        %get3A_198 = arith.index_cast %add3A_167 : i32 to index
        %get3A_199 = arith.constant 160 : index
        %get3A_200 = tpu.vector_load %arg6[%get3A_198, %get3A_199] {strides = array<i32>} : memref<64x256xf32, #tpu.memory_space<vmem>>, vector<16xf32>,
        tpu.vector_store_idx %arg8[%broadcast_in_dim3A, %add3A_75], %get3A_200 {add = true} : memref<64x256xf32, #tpu.memory_space<vmem>>[vector<16xi32>, vector<16xi32>], vector<16xf32>,
        %get3A_201 = arith.index_cast %add3A_167 : i32 to index
        %get3A_202 = arith.constant 176 : index
        %get3A_203 = tpu.vector_load %arg6[%get3A_201, %get3A_202] {strides = array<i32>} : memref<64x256xf32, #tpu.memory_space<vmem>>, vector<16xf32>,
        tpu.vector_store_idx %arg8[%broadcast_in_dim3A, %add3A_78], %get3A_203 {add = true} : memref<64x256xf32, #tpu.memory_space<vmem>>[vector<16xi32>, vector<16xi32>], vector<16xf32>,
        %get3A_204 = arith.index_cast %add3A_167 : i32 to index
        %get3A_205 = arith.constant 192 : index
        %get3A_206 = tpu.vector_load %arg6[%get3A_204, %get3A_205] {strides = array<i32>} : memref<64x256xf32, #tpu.memory_space<vmem>>, vector<16xf32>,
        tpu.vector_store_idx %arg8[%broadcast_in_dim3A, %add3A_81], %get3A_206 {add = true} : memref<64x256xf32, #tpu.memory_space<vmem>>[vector<16xi32>, vector<16xi32>], vector<16xf32>,
        %get3A_207 = arith.index_cast %add3A_167 : i32 to index
        %get3A_208 = arith.constant 208 : index
        %get3A_209 = tpu.vector_load %arg6[%get3A_207, %get3A_208] {strides = array<i32>} : memref<64x256xf32, #tpu.memory_space<vmem>>, vector<16xf32>,
        tpu.vector_store_idx %arg8[%broadcast_in_dim3A, %add3A_84], %get3A_209 {add = true} : memref<64x256xf32, #tpu.memory_space<vmem>>[vector<16xi32>, vector<16xi32>], vector<16xf32>,
        %get3A_210 = arith.index_cast %add3A_167 : i32 to index
        %get3A_211 = arith.constant 224 : index
        %get3A_212 = tpu.vector_load %arg6[%get3A_210, %get3A_211] {strides = array<i32>} : memref<64x256xf32, #tpu.memory_space<vmem>>, vector<16xf32>,
        tpu.vector_store_idx %arg8[%broadcast_in_dim3A, %add3A_87], %get3A_212 {add = true} : memref<64x256xf32, #tpu.memory_space<vmem>>[vector<16xi32>, vector<16xi32>], vector<16xf32>,
        %get3A_213 = arith.index_cast %add3A_167 : i32 to index
        %get3A_214 = arith.constant 240 : index
        %get3A_215 = tpu.vector_load %arg6[%get3A_213, %get3A_214] {strides = array<i32>} : memref<64x256xf32, #tpu.memory_space<vmem>>, vector<16xf32>,
        tpu.vector_store_idx %arg8[%broadcast_in_dim3A, %add3A_90], %get3A_215 {add = true} : memref<64x256xf32, #tpu.memory_space<vmem>>[vector<16xi32>, vector<16xi32>], vector<16xf32>,
        %slice3A_216 = vector.extract_strided_slice %get3A_163 {offsets = [1], sizes = [1], strides = [1]} : vector<16xi32> to vector<1xi32>
        %squeeze3A_217 = vector.extract %slice3A_216[0] : i32 from vector<1xi32>
        %broadcast_in_dim3A_218 = vector.broadcast %squeeze3A_217 : i32 to vector<16xi32>
        %mul3A_219 = arith.constant 16 : i32
        %mul3A_220 = arith.muli %scan3A_158, %mul3A_219 : i32
        %add3A_221 = arith.constant 1 : i32
        %add3A_222 = arith.addi %mul3A_220, %add3A_221 : i32
        %get3A_223 = arith.index_cast %add3A_222 : i32 to index
        %get3A_224 = arith.constant 0 : index
        %get3A_225 = tpu.vector_load %arg6[%get3A_223, %get3A_224] {strides = array<i32>} : memref<64x256xf32, #tpu.memory_space<vmem>>, vector<16xf32>,
        tpu.vector_store_idx %arg8[%broadcast_in_dim3A_218, %add3A_45], %get3A_225 {add = true} : memref<64x256xf32, #tpu.memory_space<vmem>>[vector<16xi32>, vector<16xi32>], vector<16xf32>,
        %get3A_226 = arith.index_cast %add3A_222 : i32 to index
        %get3A_227 = arith.constant 16 : index
        %get3A_228 = tpu.vector_load %arg6[%get3A_226, %get3A_227] {strides = array<i32>} : memref<64x256xf32, #tpu.memory_space<vmem>>, vector<16xf32>,
        tpu.vector_store_idx %arg8[%broadcast_in_dim3A_218, %add3A_48], %get3A_228 {add = true} : memref<64x256xf32, #tpu.memory_space<vmem>>[vector<16xi32>, vector<16xi32>], vector<16xf32>,
        %get3A_229 = arith.index_cast %add3A_222 : i32 to index
        %get3A_230 = arith.constant 32 : index
        %get3A_231 = tpu.vector_load %arg6[%get3A_229, %get3A_230] {strides = array<i32>} : memref<64x256xf32, #tpu.memory_space<vmem>>, vector<16xf32>,
        tpu.vector_store_idx %arg8[%broadcast_in_dim3A_218, %add3A_51], %get3A_231 {add = true} : memref<64x256xf32, #tpu.memory_space<vmem>>[vector<16xi32>, vector<16xi32>], vector<16xf32>,
        %get3A_232 = arith.index_cast %add3A_222 : i32 to index
        %get3A_233 = arith.constant 48 : index
        %get3A_234 = tpu.vector_load %arg6[%get3A_232, %get3A_233] {strides = array<i32>} : memref<64x256xf32, #tpu.memory_space<vmem>>, vector<16xf32>,
        tpu.vector_store_idx %arg8[%broadcast_in_dim3A_218, %add3A_54], %get3A_234 {add = true} : memref<64x256xf32, #tpu.memory_space<vmem>>[vector<16xi32>, vector<16xi32>], vector<16xf32>,
        %get3A_235 = arith.index_cast %add3A_222 : i32 to index
        %get3A_236 = arith.constant 64 : index
        %get3A_237 = tpu.vector_load %arg6[%get3A_235, %get3A_236] {strides = array<i32>} : memref<64x256xf32, #tpu.memory_space<vmem>>, vector<16xf32>,
        tpu.vector_store_idx %arg8[%broadcast_in_dim3A_218, %add3A_57], %get3A_237 {add = true} : memref<64x256xf32, #tpu.memory_space<vmem>>[vector<16xi32>, vector<16xi32>], vector<16xf32>,
        %get3A_238 = arith.index_cast %add3A_222 : i32 to index
        %get3A_239 = arith.constant 80 : index
        %get3A_240 = tpu.vector_load %arg6[%get3A_238, %get3A_239] {strides = array<i32>} : memref<64x256xf32, #tpu.memory_space<vmem>>, vector<16xf32>,
        tpu.vector_store_idx %arg8[%broadcast_in_dim3A_218, %add3A_60], %get3A_240 {add = true} : memref<64x256xf32, #tpu.memory_space<vmem>>[vector<16xi32>, vector<16xi32>], vector<16xf32>,
        %get3A_241 = arith.index_cast %add3A_222 : i32 to index
        %get3A_242 = arith.constant 96 : index
        %get3A_243 = tpu.vector_load %arg6[%get3A_241, %get3A_242] {strides = array<i32>} : memref<64x256xf32, #tpu.memory_space<vmem>>, vector<16xf32>,
        tpu.vector_store_idx %arg8[%broadcast_in_dim3A_218, %add3A_63], %get3A_243 {add = true} : memref<64x256xf32, #tpu.memory_space<vmem>>[vector<16xi32>, vector<16xi32>], vector<16xf32>,
        %get3A_244 = arith.index_cast %add3A_222 : i32 to index
        %get3A_245 = arith.constant 112 : index
        %get3A_246 = tpu.vector_load %arg6[%get3A_244, %get3A_245] {strides = array<i32>} : memref<64x256xf32, #tpu.memory_space<vmem>>, vector<16xf32>,
        tpu.vector_store_idx %arg8[%broadcast_in_dim3A_218, %add3A_66], %get3A_246 {add = true} : memref<64x256xf32, #tpu.memory_space<vmem>>[vector<16xi32>, vector<16xi32>], vector<16xf32>,
        %get3A_247 = arith.index_cast %add3A_222 : i32 to index
        %get3A_248 = arith.constant 128 : index
        %get3A_249 = tpu.vector_load %arg6[%get3A_247, %get3A_248] {strides = array<i32>} : memref<64x256xf32, #tpu.memory_space<vmem>>, vector<16xf32>,
        tpu.vector_store_idx %arg8[%broadcast_in_dim3A_218, %add3A_69], %get3A_249 {add = true} : memref<64x256xf32, #tpu.memory_space<vmem>>[vector<16xi32>, vector<16xi32>], vector<16xf32>,
        %get3A_250 = arith.index_cast %add3A_222 : i32 to index
        %get3A_251 = arith.constant 144 : index
        %get3A_252 = tpu.vector_load %arg6[%get3A_250, %get3A_251] {strides = array<i32>} : memref<64x256xf32, #tpu.memory_space<vmem>>, vector<16xf32>,
        tpu.vector_store_idx %arg8[%broadcast_in_dim3A_218, %add3A_72], %get3A_252 {add = true} : memref<64x256xf32, #tpu.memory_space<vmem>>[vector<16xi32>, vector<16xi32>], vector<16xf32>,
        %get3A_253 = arith.index_cast %add3A_222 : i32 to index
        %get3A_254 = arith.constant 160 : index
        %get3A_255 = tpu.vector_load %arg6[%get3A_253, %get3A_254] {strides = array<i32>} : memref<64x256xf32, #tpu.memory_space<vmem>>, vector<16xf32>,
        tpu.vector_store_idx %arg8[%broadcast_in_dim3A_218, %add3A_75], %get3A_255 {add = true} : memref<64x256xf32, #tpu.memory_space<vmem>>[vector<16xi32>, vector<16xi32>], vector<16xf32>,
        %get3A_256 = arith.index_cast %add3A_222 : i32 to index
        %get3A_257 = arith.constant 176 : index
        %get3A_258 = tpu.vector_load %arg6[%get3A_256, %get3A_257] {strides = array<i32>} : memref<64x256xf32, #tpu.memory_space<vmem>>, vector<16xf32>,
        tpu.vector_store_idx %arg8[%broadcast_in_dim3A_218, %add3A_78], %get3A_258 {add = true} : memref<64x256xf32, #tpu.memory_space<vmem>>[vector<16xi32>, vector<16xi32>], vector<16xf32>,
        %get3A_259 = arith.index_cast %add3A_222 : i32 to index
        %get3A_260 = arith.constant 192 : index
        %get3A_261 = tpu.vector_load %arg6[%get3A_259, %get3A_260] {strides = array<i32>} : memref<64x256xf32, #tpu.memory_space<vmem>>, vector<16xf32>,
        tpu.vector_store_idx %arg8[%broadcast_in_dim3A_218, %add3A_81], %get3A_261 {add = true} : memref<64x256xf32, #tpu.memory_space<vmem>>[vector<16xi32>, vector<16xi32>], vector<16xf32>,
        %get3A_262 = arith.index_cast %add3A_222 : i32 to index
        %get3A_263 = arith.constant 208 : index
        %get3A_264 = tpu.vector_load %arg6[%get3A_262, %get3A_263] {strides = array<i32>} : memref<64x256xf32, #tpu.memory_space<vmem>>, vector<16xf32>,
        tpu.vector_store_idx %arg8[%broadcast_in_dim3A_218, %add3A_84], %get3A_264 {add = true} : memref<64x256xf32, #tpu.memory_space<vmem>>[vector<16xi32>, vector<16xi32>], vector<16xf32>,
        %get3A_265 = arith.index_cast %add3A_222 : i32 to index
        %get3A_266 = arith.constant 224 : index
        %get3A_267 = tpu.vector_load %arg6[%get3A_265, %get3A_266] {strides = array<i32>} : memref<64x256xf32, #tpu.memory_space<vmem>>, vector<16xf32>,
        tpu.vector_store_idx %arg8[%broadcast_in_dim3A_218, %add3A_87], %get3A_267 {add = true} : memref<64x256xf32, #tpu.memory_space<vmem>>[vector<16xi32>, vector<16xi32>], vector<16xf32>,
        %get3A_268 = arith.index_cast %add3A_222 : i32 to index
        %get3A_269 = arith.constant 240 : index
        %get3A_270 = tpu.vector_load %arg6[%get3A_268, %get3A_269] {strides = array<i32>} : memref<64x256xf32, #tpu.memory_space<vmem>>, vector<16xf32>,
        tpu.vector_store_idx %arg8[%broadcast_in_dim3A_218, %add3A_90], %get3A_270 {add = true} : memref<64x256xf32, #tpu.memory_space<vmem>>[vector<16xi32>, vector<16xi32>], vector<16xf32>,
        %slice3A_271 = vector.extract_strided_slice %get3A_163 {offsets = [2], sizes = [1], strides = [1]} : vector<16xi32> to vector<1xi32>
        %squeeze3A_272 = vector.extract %slice3A_271[0] : i32 from vector<1xi32>
        %broadcast_in_dim3A_273 = vector.broadcast %squeeze3A_272 : i32 to vector<16xi32>
        %mul3A_274 = arith.constant 16 : i32
        %mul3A_275 = arith.muli %scan3A_158, %mul3A_274 : i32
        %add3A_276 = arith.constant 2 : i32
        %add3A_277 = arith.addi %mul3A_275, %add3A_276 : i32
        %get3A_278 = arith.index_cast %add3A_277 : i32 to index
        %get3A_279 = arith.constant 0 : index
        %get3A_280 = tpu.vector_load %arg6[%get3A_278, %get3A_279] {strides = array<i32>} : memref<64x256xf32, #tpu.memory_space<vmem>>, vector<16xf32>,
        tpu.vector_store_idx %arg8[%broadcast_in_dim3A_273, %add3A_45], %get3A_280 {add = true} : memref<64x256xf32, #tpu.memory_space<vmem>>[vector<16xi32>, vector<16xi32>], vector<16xf32>,
        %get3A_281 = arith.index_cast %add3A_277 : i32 to index
        %get3A_282 = arith.constant 16 : index
        %get3A_283 = tpu.vector_load %arg6[%get3A_281, %get3A_282] {strides = array<i32>} : memref<64x256xf32, #tpu.memory_space<vmem>>, vector<16xf32>,
        tpu.vector_store_idx %arg8[%broadcast_in_dim3A_273, %add3A_48], %get3A_283 {add = true} : memref<64x256xf32, #tpu.memory_space<vmem>>[vector<16xi32>, vector<16xi32>], vector<16xf32>,
        %get3A_284 = arith.index_cast %add3A_277 : i32 to index
        %get3A_285 = arith.constant 32 : index
        %get3A_286 = tpu.vector_load %arg6[%get3A_284, %get3A_285] {strides = array<i32>} : memref<64x256xf32, #tpu.memory_space<vmem>>, vector<16xf32>,
        tpu.vector_store_idx %arg8[%broadcast_in_dim3A_273, %add3A_51], %get3A_286 {add = true} : memref<64x256xf32, #tpu.memory_space<vmem>>[vector<16xi32>, vector<16xi32>], vector<16xf32>,
        %get3A_287 = arith.index_cast %add3A_277 : i32 to index
        %get3A_288 = arith.constant 48 : index
        %get3A_289 = tpu.vector_load %arg6[%get3A_287, %get3A_288] {strides = array<i32>} : memref<64x256xf32, #tpu.memory_space<vmem>>, vector<16xf32>,
        tpu.vector_store_idx %arg8[%broadcast_in_dim3A_273, %add3A_54], %get3A_289 {add = true} : memref<64x256xf32, #tpu.memory_space<vmem>>[vector<16xi32>, vector<16xi32>], vector<16xf32>,
        %get3A_290 = arith.index_cast %add3A_277 : i32 to index
        %get3A_291 = arith.constant 64 : index
        %get3A_292 = tpu.vector_load %arg6[%get3A_290, %get3A_291] {strides = array<i32>} : memref<64x256xf32, #tpu.memory_space<vmem>>, vector<16xf32>,
        tpu.vector_store_idx %arg8[%broadcast_in_dim3A_273, %add3A_57], %get3A_292 {add = true} : memref<64x256xf32, #tpu.memory_space<vmem>>[vector<16xi32>, vector<16xi32>], vector<16xf32>,
        %get3A_293 = arith.index_cast %add3A_277 : i32 to index
        %get3A_294 = arith.constant 80 : index
        %get3A_295 = tpu.vector_load %arg6[%get3A_293, %get3A_294] {strides = array<i32>} : memref<64x256xf32, #tpu.memory_space<vmem>>, vector<16xf32>,
        tpu.vector_store_idx %arg8[%broadcast_in_dim3A_273, %add3A_60], %get3A_295 {add = true} : memref<64x256xf32, #tpu.memory_space<vmem>>[vector<16xi32>, vector<16xi32>], vector<16xf32>,
        %get3A_296 = arith.index_cast %add3A_277 : i32 to index
        %get3A_297 = arith.constant 96 : index
        %get3A_298 = tpu.vector_load %arg6[%get3A_296, %get3A_297] {strides = array<i32>} : memref<64x256xf32, #tpu.memory_space<vmem>>, vector<16xf32>,
        tpu.vector_store_idx %arg8[%broadcast_in_dim3A_273, %add3A_63], %get3A_298 {add = true} : memref<64x256xf32, #tpu.memory_space<vmem>>[vector<16xi32>, vector<16xi32>], vector<16xf32>,
        %get3A_299 = arith.index_cast %add3A_277 : i32 to index
        %get3A_300 = arith.constant 112 : index
        %get3A_301 = tpu.vector_load %arg6[%get3A_299, %get3A_300] {strides = array<i32>} : memref<64x256xf32, #tpu.memory_space<vmem>>, vector<16xf32>,
        tpu.vector_store_idx %arg8[%broadcast_in_dim3A_273, %add3A_66], %get3A_301 {add = true} : memref<64x256xf32, #tpu.memory_space<vmem>>[vector<16xi32>, vector<16xi32>], vector<16xf32>,
        %get3A_302 = arith.index_cast %add3A_277 : i32 to index
        %get3A_303 = arith.constant 128 : index
        %get3A_304 = tpu.vector_load %arg6[%get3A_302, %get3A_303] {strides = array<i32>} : memref<64x256xf32, #tpu.memory_space<vmem>>, vector<16xf32>,
        tpu.vector_store_idx %arg8[%broadcast_in_dim3A_273, %add3A_69], %get3A_304 {add = true} : memref<64x256xf32, #tpu.memory_space<vmem>>[vector<16xi32>, vector<16xi32>], vector<16xf32>,
        %get3A_305 = arith.index_cast %add3A_277 : i32 to index
        %get3A_306 = arith.constant 144 : index
        %get3A_307 = tpu.vector_load %arg6[%get3A_305, %get3A_306] {strides = array<i32>} : memref<64x256xf32, #tpu.memory_space<vmem>>, vector<16xf32>,
        tpu.vector_store_idx %arg8[%broadcast_in_dim3A_273, %add3A_72], %get3A_307 {add = true} : memref<64x256xf32, #tpu.memory_space<vmem>>[vector<16xi32>, vector<16xi32>], vector<16xf32>,
        %get3A_308 = arith.index_cast %add3A_277 : i32 to index
        %get3A_309 = arith.constant 160 : index
        %get3A_310 = tpu.vector_load %arg6[%get3A_308, %get3A_309] {strides = array<i32>} : memref<64x256xf32, #tpu.memory_space<vmem>>, vector<16xf32>,
        tpu.vector_store_idx %arg8[%broadcast_in_dim3A_273, %add3A_75], %get3A_310 {add = true} : memref<64x256xf32, #tpu.memory_space<vmem>>[vector<16xi32>, vector<16xi32>], vector<16xf32>,
        %get3A_311 = arith.index_cast %add3A_277 : i32 to index
        %get3A_312 = arith.constant 176 : index
        %get3A_313 = tpu.vector_load %arg6[%get3A_311, %get3A_312] {strides = array<i32>} : memref<64x256xf32, #tpu.memory_space<vmem>>, vector<16xf32>,
        tpu.vector_store_idx %arg8[%broadcast_in_dim3A_273, %add3A_78], %get3A_313 {add = true} : memref<64x256xf32, #tpu.memory_space<vmem>>[vector<16xi32>, vector<16xi32>], vector<16xf32>,
        %get3A_314 = arith.index_cast %add3A_277 : i32 to index
        %get3A_315 = arith.constant 192 : index
        %get3A_316 = tpu.vector_load %arg6[%get3A_314, %get3A_315] {strides = array<i32>} : memref<64x256xf32, #tpu.memory_space<vmem>>, vector<16xf32>,
        tpu.vector_store_idx %arg8[%broadcast_in_dim3A_273, %add3A_81], %get3A_316 {add = true} : memref<64x256xf32, #tpu.memory_space<vmem>>[vector<16xi32>, vector<16xi32>], vector<16xf32>,
        %get3A_317 = arith.index_cast %add3A_277 : i32 to index
        %get3A_318 = arith.constant 208 : index
        %get3A_319 = tpu.vector_load %arg6[%get3A_317, %get3A_318] {strides = array<i32>} : memref<64x256xf32, #tpu.memory_space<vmem>>, vector<16xf32>,
        tpu.vector_store_idx %arg8[%broadcast_in_dim3A_273, %add3A_84], %get3A_319 {add = true} : memref<64x256xf32, #tpu.memory_space<vmem>>[vector<16xi32>, vector<16xi32>], vector<16xf32>,
        %get3A_320 = arith.index_cast %add3A_277 : i32 to index
        %get3A_321 = arith.constant 224 : index
        %get3A_322 = tpu.vector_load %arg6[%get3A_320, %get3A_321] {strides = array<i32>} : memref<64x256xf32, #tpu.memory_space<vmem>>, vector<16xf32>,
        tpu.vector_store_idx %arg8[%broadcast_in_dim3A_273, %add3A_87], %get3A_322 {add = true} : memref<64x256xf32, #tpu.memory_space<vmem>>[vector<16xi32>, vector<16xi32>], vector<16xf32>,
        %get3A_323 = arith.index_cast %add3A_277 : i32 to index
        %get3A_324 = arith.constant 240 : index
        %get3A_325 = tpu.vector_load %arg6[%get3A_323, %get3A_324] {strides = array<i32>} : memref<64x256xf32, #tpu.memory_space<vmem>>, vector<16xf32>,
        tpu.vector_store_idx %arg8[%broadcast_in_dim3A_273, %add3A_90], %get3A_325 {add = true} : memref<64x256xf32, #tpu.memory_space<vmem>>[vector<16xi32>, vector<16xi32>], vector<16xf32>,
        %slice3A_326 = vector.extract_strided_slice %get3A_163 {offsets = [3], sizes = [1], strides = [1]} : vector<16xi32> to vector<1xi32>
        %squeeze3A_327 = vector.extract %slice3A_326[0] : i32 from vector<1xi32>
        %broadcast_in_dim3A_328 = vector.broadcast %squeeze3A_327 : i32 to vector<16xi32>
        %mul3A_329 = arith.constant 16 : i32
        %mul3A_330 = arith.muli %scan3A_158, %mul3A_329 : i32
        %add3A_331 = arith.constant 3 : i32
        %add3A_332 = arith.addi %mul3A_330, %add3A_331 : i32
        %get3A_333 = arith.index_cast %add3A_332 : i32 to index
        %get3A_334 = arith.constant 0 : index
        %get3A_335 = tpu.vector_load %arg6[%get3A_333, %get3A_334] {strides = array<i32>} : memref<64x256xf32, #tpu.memory_space<vmem>>, vector<16xf32>,
        tpu.vector_store_idx %arg8[%broadcast_in_dim3A_328, %add3A_45], %get3A_335 {add = true} : memref<64x256xf32, #tpu.memory_space<vmem>>[vector<16xi32>, vector<16xi32>], vector<16xf32>,
        %get3A_336 = arith.index_cast %add3A_332 : i32 to index
        %get3A_337 = arith.constant 16 : index
        %get3A_338 = tpu.vector_load %arg6[%get3A_336, %get3A_337] {strides = array<i32>} : memref<64x256xf32, #tpu.memory_space<vmem>>, vector<16xf32>,
        tpu.vector_store_idx %arg8[%broadcast_in_dim3A_328, %add3A_48], %get3A_338 {add = true} : memref<64x256xf32, #tpu.memory_space<vmem>>[vector<16xi32>, vector<16xi32>], vector<16xf32>,
        %get3A_339 = arith.index_cast %add3A_332 : i32 to index
        %get3A_340 = arith.constant 32 : index
        %get3A_341 = tpu.vector_load %arg6[%get3A_339, %get3A_340] {strides = array<i32>} : memref<64x256xf32, #tpu.memory_space<vmem>>, vector<16xf32>,
        tpu.vector_store_idx %arg8[%broadcast_in_dim3A_328, %add3A_51], %get3A_341 {add = true} : memref<64x256xf32, #tpu.memory_space<vmem>>[vector<16xi32>, vector<16xi32>], vector<16xf32>,
        %get3A_342 = arith.index_cast %add3A_332 : i32 to index
        %get3A_343 = arith.constant 48 : index
        %get3A_344 = tpu.vector_load %arg6[%get3A_342, %get3A_343] {strides = array<i32>} : memref<64x256xf32, #tpu.memory_space<vmem>>, vector<16xf32>,
        tpu.vector_store_idx %arg8[%broadcast_in_dim3A_328, %add3A_54], %get3A_344 {add = true} : memref<64x256xf32, #tpu.memory_space<vmem>>[vector<16xi32>, vector<16xi32>], vector<16xf32>,
        %get3A_345 = arith.index_cast %add3A_332 : i32 to index
        %get3A_346 = arith.constant 64 : index
        %get3A_347 = tpu.vector_load %arg6[%get3A_345, %get3A_346] {strides = array<i32>} : memref<64x256xf32, #tpu.memory_space<vmem>>, vector<16xf32>,
        tpu.vector_store_idx %arg8[%broadcast_in_dim3A_328, %add3A_57], %get3A_347 {add = true} : memref<64x256xf32, #tpu.memory_space<vmem>>[vector<16xi32>, vector<16xi32>], vector<16xf32>,
        %get3A_348 = arith.index_cast %add3A_332 : i32 to index
        %get3A_349 = arith.constant 80 : index
        %get3A_350 = tpu.vector_load %arg6[%get3A_348, %get3A_349] {strides = array<i32>} : memref<64x256xf32, #tpu.memory_space<vmem>>, vector<16xf32>,
        tpu.vector_store_idx %arg8[%broadcast_in_dim3A_328, %add3A_60], %get3A_350 {add = true} : memref<64x256xf32, #tpu.memory_space<vmem>>[vector<16xi32>, vector<16xi32>], vector<16xf32>,
        %get3A_351 = arith.index_cast %add3A_332 : i32 to index
        %get3A_352 = arith.constant 96 : index
        %get3A_353 = tpu.vector_load %arg6[%get3A_351, %get3A_352] {strides = array<i32>} : memref<64x256xf32, #tpu.memory_space<vmem>>, vector<16xf32>,
        tpu.vector_store_idx %arg8[%broadcast_in_dim3A_328, %add3A_63], %get3A_353 {add = true} : memref<64x256xf32, #tpu.memory_space<vmem>>[vector<16xi32>, vector<16xi32>], vector<16xf32>,
        %get3A_354 = arith.index_cast %add3A_332 : i32 to index
        %get3A_355 = arith.constant 112 : index
        %get3A_356 = tpu.vector_load %arg6[%get3A_354, %get3A_355] {strides = array<i32>} : memref<64x256xf32, #tpu.memory_space<vmem>>, vector<16xf32>,
        tpu.vector_store_idx %arg8[%broadcast_in_dim3A_328, %add3A_66], %get3A_356 {add = true} : memref<64x256xf32, #tpu.memory_space<vmem>>[vector<16xi32>, vector<16xi32>], vector<16xf32>,
        %get3A_357 = arith.index_cast %add3A_332 : i32 to index
        %get3A_358 = arith.constant 128 : index
        %get3A_359 = tpu.vector_load %arg6[%get3A_357, %get3A_358] {strides = array<i32>} : memref<64x256xf32, #tpu.memory_space<vmem>>, vector<16xf32>,
        tpu.vector_store_idx %arg8[%broadcast_in_dim3A_328, %add3A_69], %get3A_359 {add = true} : memref<64x256xf32, #tpu.memory_space<vmem>>[vector<16xi32>, vector<16xi32>], vector<16xf32>,
        %get3A_360 = arith.index_cast %add3A_332 : i32 to index
        %get3A_361 = arith.constant 144 : index
        %get3A_362 = tpu.vector_load %arg6[%get3A_360, %get3A_361] {strides = array<i32>} : memref<64x256xf32, #tpu.memory_space<vmem>>, vector<16xf32>,
        tpu.vector_store_idx %arg8[%broadcast_in_dim3A_328, %add3A_72], %get3A_362 {add = true} : memref<64x256xf32, #tpu.memory_space<vmem>>[vector<16xi32>, vector<16xi32>], vector<16xf32>,
        %get3A_363 = arith.index_cast %add3A_332 : i32 to index
        %get3A_364 = arith.constant 160 : index
        %get3A_365 = tpu.vector_load %arg6[%get3A_363, %get3A_364] {strides = array<i32>} : memref<64x256xf32, #tpu.memory_space<vmem>>, vector<16xf32>,
        tpu.vector_store_idx %arg8[%broadcast_in_dim3A_328, %add3A_75], %get3A_365 {add = true} : memref<64x256xf32, #tpu.memory_space<vmem>>[vector<16xi32>, vector<16xi32>], vector<16xf32>,
        %get3A_366 = arith.index_cast %add3A_332 : i32 to index
        %get3A_367 = arith.constant 176 : index
        %get3A_368 = tpu.vector_load %arg6[%get3A_366, %get3A_367] {strides = array<i32>} : memref<64x256xf32, #tpu.memory_space<vmem>>, vector<16xf32>,
        tpu.vector_store_idx %arg8[%broadcast_in_dim3A_328, %add3A_78], %get3A_368 {add = true} : memref<64x256xf32, #tpu.memory_space<vmem>>[vector<16xi32>, vector<16xi32>], vector<16xf32>,
        %get3A_369 = arith.index_cast %add3A_332 : i32 to index
        %get3A_370 = arith.constant 192 : index
        %get3A_371 = tpu.vector_load %arg6[%get3A_369, %get3A_370] {strides = array<i32>} : memref<64x256xf32, #tpu.memory_space<vmem>>, vector<16xf32>,
        tpu.vector_store_idx %arg8[%broadcast_in_dim3A_328, %add3A_81], %get3A_371 {add = true} : memref<64x256xf32, #tpu.memory_space<vmem>>[vector<16xi32>, vector<16xi32>], vector<16xf32>,
        %get3A_372 = arith.index_cast %add3A_332 : i32 to index
        %get3A_373 = arith.constant 208 : index
        %get3A_374 = tpu.vector_load %arg6[%get3A_372, %get3A_373] {strides = array<i32>} : memref<64x256xf32, #tpu.memory_space<vmem>>, vector<16xf32>,
        tpu.vector_store_idx %arg8[%broadcast_in_dim3A_328, %add3A_84], %get3A_374 {add = true} : memref<64x256xf32, #tpu.memory_space<vmem>>[vector<16xi32>, vector<16xi32>], vector<16xf32>,
        %get3A_375 = arith.index_cast %add3A_332 : i32 to index
        %get3A_376 = arith.constant 224 : index
        %get3A_377 = tpu.vector_load %arg6[%get3A_375, %get3A_376] {strides = array<i32>} : memref<64x256xf32, #tpu.memory_space<vmem>>, vector<16xf32>,
        tpu.vector_store_idx %arg8[%broadcast_in_dim3A_328, %add3A_87], %get3A_377 {add = true} : memref<64x256xf32, #tpu.memory_space<vmem>>[vector<16xi32>, vector<16xi32>], vector<16xf32>,
        %get3A_378 = arith.index_cast %add3A_332 : i32 to index
        %get3A_379 = arith.constant 240 : index
        %get3A_380 = tpu.vector_load %arg6[%get3A_378, %get3A_379] {strides = array<i32>} : memref<64x256xf32, #tpu.memory_space<vmem>>, vector<16xf32>,
        tpu.vector_store_idx %arg8[%broadcast_in_dim3A_328, %add3A_90], %get3A_380 {add = true} : memref<64x256xf32, #tpu.memory_space<vmem>>[vector<16xi32>, vector<16xi32>], vector<16xf32>,
        %slice3A_381 = vector.extract_strided_slice %get3A_163 {offsets = [4], sizes = [1], strides = [1]} : vector<16xi32> to vector<1xi32>
        %squeeze3A_382 = vector.extract %slice3A_381[0] : i32 from vector<1xi32>
        %broadcast_in_dim3A_383 = vector.broadcast %squeeze3A_382 : i32 to vector<16xi32>
        %mul3A_384 = arith.constant 16 : i32
        %mul3A_385 = arith.muli %scan3A_158, %mul3A_384 : i32
        %add3A_386 = arith.constant 4 : i32
        %add3A_387 = arith.addi %mul3A_385, %add3A_386 : i32
        %get3A_388 = arith.index_cast %add3A_387 : i32 to index
        %get3A_389 = arith.constant 0 : index
        %get3A_390 = tpu.vector_load %arg6[%get3A_388, %get3A_389] {strides = array<i32>} : memref<64x256xf32, #tpu.memory_space<vmem>>, vector<16xf32>,
        tpu.vector_store_idx %arg8[%broadcast_in_dim3A_383, %add3A_45], %get3A_390 {add = true} : memref<64x256xf32, #tpu.memory_space<vmem>>[vector<16xi32>, vector<16xi32>], vector<16xf32>,
        %get3A_391 = arith.index_cast %add3A_387 : i32 to index
        %get3A_392 = arith.constant 16 : index
        %get3A_393 = tpu.vector_load %arg6[%get3A_391, %get3A_392] {strides = array<i32>} : memref<64x256xf32, #tpu.memory_space<vmem>>, vector<16xf32>,
        tpu.vector_store_idx %arg8[%broadcast_in_dim3A_383, %add3A_48], %get3A_393 {add = true} : memref<64x256xf32, #tpu.memory_space<vmem>>[vector<16xi32>, vector<16xi32>], vector<16xf32>,
        %get3A_394 = arith.index_cast %add3A_387 : i32 to index
        %get3A_395 = arith.constant 32 : index
        %get3A_396 = tpu.vector_load %arg6[%get3A_394, %get3A_395] {strides = array<i32>} : memref<64x256xf32, #tpu.memory_space<vmem>>, vector<16xf32>,
        tpu.vector_store_idx %arg8[%broadcast_in_dim3A_383, %add3A_51], %get3A_396 {add = true} : memref<64x256xf32, #tpu.memory_space<vmem>>[vector<16xi32>, vector<16xi32>], vector<16xf32>,
        %get3A_397 = arith.index_cast %add3A_387 : i32 to index
        %get3A_398 = arith.constant 48 : index
        %get3A_399 = tpu.vector_load %arg6[%get3A_397, %get3A_398] {strides = array<i32>} : memref<64x256xf32, #tpu.memory_space<vmem>>, vector<16xf32>,
        tpu.vector_store_idx %arg8[%broadcast_in_dim3A_383, %add3A_54], %get3A_399 {add = true} : memref<64x256xf32, #tpu.memory_space<vmem>>[vector<16xi32>, vector<16xi32>], vector<16xf32>,
        %get3A_400 = arith.index_cast %add3A_387 : i32 to index
        %get3A_401 = arith.constant 64 : index
        %get3A_402 = tpu.vector_load %arg6[%get3A_400, %get3A_401] {strides = array<i32>} : memref<64x256xf32, #tpu.memory_space<vmem>>, vector<16xf32>,
        tpu.vector_store_idx %arg8[%broadcast_in_dim3A_383, %add3A_57], %get3A_402 {add = true} : memref<64x256xf32, #tpu.memory_space<vmem>>[vector<16xi32>, vector<16xi32>], vector<16xf32>,
        %get3A_403 = arith.index_cast %add3A_387 : i32 to index
        %get3A_404 = arith.constant 80 : index
        %get3A_405 = tpu.vector_load %arg6[%get3A_403, %get3A_404] {strides = array<i32>} : memref<64x256xf32, #tpu.memory_space<vmem>>, vector<16xf32>,
        tpu.vector_store_idx %arg8[%broadcast_in_dim3A_383, %add3A_60], %get3A_405 {add = true} : memref<64x256xf32, #tpu.memory_space<vmem>>[vector<16xi32>, vector<16xi32>], vector<16xf32>,
        %get3A_406 = arith.index_cast %add3A_387 : i32 to index
        %get3A_407 = arith.constant 96 : index
        %get3A_408 = tpu.vector_load %arg6[%get3A_406, %get3A_407] {strides = array<i32>} : memref<64x256xf32, #tpu.memory_space<vmem>>, vector<16xf32>,
        tpu.vector_store_idx %arg8[%broadcast_in_dim3A_383, %add3A_63], %get3A_408 {add = true} : memref<64x256xf32, #tpu.memory_space<vmem>>[vector<16xi32>, vector<16xi32>], vector<16xf32>,
        %get3A_409 = arith.index_cast %add3A_387 : i32 to index
        %get3A_410 = arith.constant 112 : index
        %get3A_411 = tpu.vector_load %arg6[%get3A_409, %get3A_410] {strides = array<i32>} : memref<64x256xf32, #tpu.memory_space<vmem>>, vector<16xf32>,
        tpu.vector_store_idx %arg8[%broadcast_in_dim3A_383, %add3A_66], %get3A_411 {add = true} : memref<64x256xf32, #tpu.memory_space<vmem>>[vector<16xi32>, vector<16xi32>], vector<16xf32>,
        %get3A_412 = arith.index_cast %add3A_387 : i32 to index
        %get3A_413 = arith.constant 128 : index
        %get3A_414 = tpu.vector_load %arg6[%get3A_412, %get3A_413] {strides = array<i32>} : memref<64x256xf32, #tpu.memory_space<vmem>>, vector<16xf32>,
        tpu.vector_store_idx %arg8[%broadcast_in_dim3A_383, %add3A_69], %get3A_414 {add = true} : memref<64x256xf32, #tpu.memory_space<vmem>>[vector<16xi32>, vector<16xi32>], vector<16xf32>,
        %get3A_415 = arith.index_cast %add3A_387 : i32 to index
        %get3A_416 = arith.constant 144 : index
        %get3A_417 = tpu.vector_load %arg6[%get3A_415, %get3A_416] {strides = array<i32>} : memref<64x256xf32, #tpu.memory_space<vmem>>, vector<16xf32>,
        tpu.vector_store_idx %arg8[%broadcast_in_dim3A_383, %add3A_72], %get3A_417 {add = true} : memref<64x256xf32, #tpu.memory_space<vmem>>[vector<16xi32>, vector<16xi32>], vector<16xf32>,
        %get3A_418 = arith.index_cast %add3A_387 : i32 to index
        %get3A_419 = arith.constant 160 : index
        %get3A_420 = tpu.vector_load %arg6[%get3A_418, %get3A_419] {strides = array<i32>} : memref<64x256xf32, #tpu.memory_space<vmem>>, vector<16xf32>,
        tpu.vector_store_idx %arg8[%broadcast_in_dim3A_383, %add3A_75], %get3A_420 {add = true} : memref<64x256xf32, #tpu.memory_space<vmem>>[vector<16xi32>, vector<16xi32>], vector<16xf32>,
        %get3A_421 = arith.index_cast %add3A_387 : i32 to index
        %get3A_422 = arith.constant 176 : index
        %get3A_423 = tpu.vector_load %arg6[%get3A_421, %get3A_422] {strides = array<i32>} : memref<64x256xf32, #tpu.memory_space<vmem>>, vector<16xf32>,
        tpu.vector_store_idx %arg8[%broadcast_in_dim3A_383, %add3A_78], %get3A_423 {add = true} : memref<64x256xf32, #tpu.memory_space<vmem>>[vector<16xi32>, vector<16xi32>], vector<16xf32>,
        %get3A_424 = arith.index_cast %add3A_387 : i32 to index
        %get3A_425 = arith.constant 192 : index
        %get3A_426 = tpu.vector_load %arg6[%get3A_424, %get3A_425] {strides = array<i32>} : memref<64x256xf32, #tpu.memory_space<vmem>>, vector<16xf32>,
        tpu.vector_store_idx %arg8[%broadcast_in_dim3A_383, %add3A_81], %get3A_426 {add = true} : memref<64x256xf32, #tpu.memory_space<vmem>>[vector<16xi32>, vector<16xi32>], vector<16xf32>,
        %get3A_427 = arith.index_cast %add3A_387 : i32 to index
        %get3A_428 = arith.constant 208 : index
        %get3A_429 = tpu.vector_load %arg6[%get3A_427, %get3A_428] {strides = array<i32>} : memref<64x256xf32, #tpu.memory_space<vmem>>, vector<16xf32>,
        tpu.vector_store_idx %arg8[%broadcast_in_dim3A_383, %add3A_84], %get3A_429 {add = true} : memref<64x256xf32, #tpu.memory_space<vmem>>[vector<16xi32>, vector<16xi32>], vector<16xf32>,
        %get3A_430 = arith.index_cast %add3A_387 : i32 to index
        %get3A_431 = arith.constant 224 : index
        %get3A_432 = tpu.vector_load %arg6[%get3A_430, %get3A_431] {strides = array<i32>} : memref<64x256xf32, #tpu.memory_space<vmem>>, vector<16xf32>,
        tpu.vector_store_idx %arg8[%broadcast_in_dim3A_383, %add3A_87], %get3A_432 {add = true} : memref<64x256xf32, #tpu.memory_space<vmem>>[vector<16xi32>, vector<16xi32>], vector<16xf32>,
        %get3A_433 = arith.index_cast %add3A_387 : i32 to index
        %get3A_434 = arith.constant 240 : index
        %get3A_435 = tpu.vector_load %arg6[%get3A_433, %get3A_434] {strides = array<i32>} : memref<64x256xf32, #tpu.memory_space<vmem>>, vector<16xf32>,
        tpu.vector_store_idx %arg8[%broadcast_in_dim3A_383, %add3A_90], %get3A_435 {add = true} : memref<64x256xf32, #tpu.memory_space<vmem>>[vector<16xi32>, vector<16xi32>], vector<16xf32>,
        %slice3A_436 = vector.extract_strided_slice %get3A_163 {offsets = [5], sizes = [1], strides = [1]} : vector<16xi32> to vector<1xi32>
        %squeeze3A_437 = vector.extract %slice3A_436[0] : i32 from vector<1xi32>
        %broadcast_in_dim3A_438 = vector.broadcast %squeeze3A_437 : i32 to vector<16xi32>
        %mul3A_439 = arith.constant 16 : i32
        %mul3A_440 = arith.muli %scan3A_158, %mul3A_439 : i32
        %add3A_441 = arith.constant 5 : i32
        %add3A_442 = arith.addi %mul3A_440, %add3A_441 : i32
        %get3A_443 = arith.index_cast %add3A_442 : i32 to index
        %get3A_444 = arith.constant 0 : index
        %get3A_445 = tpu.vector_load %arg6[%get3A_443, %get3A_444] {strides = array<i32>} : memref<64x256xf32, #tpu.memory_space<vmem>>, vector<16xf32>,
        tpu.vector_store_idx %arg8[%broadcast_in_dim3A_438, %add3A_45], %get3A_445 {add = true} : memref<64x256xf32, #tpu.memory_space<vmem>>[vector<16xi32>, vector<16xi32>], vector<16xf32>,
        %get3A_446 = arith.index_cast %add3A_442 : i32 to index
        %get3A_447 = arith.constant 16 : index
        %get3A_448 = tpu.vector_load %arg6[%get3A_446, %get3A_447] {strides = array<i32>} : memref<64x256xf32, #tpu.memory_space<vmem>>, vector<16xf32>,
        tpu.vector_store_idx %arg8[%broadcast_in_dim3A_438, %add3A_48], %get3A_448 {add = true} : memref<64x256xf32, #tpu.memory_space<vmem>>[vector<16xi32>, vector<16xi32>], vector<16xf32>,
        %get3A_449 = arith.index_cast %add3A_442 : i32 to index
        %get3A_450 = arith.constant 32 : index
        %get3A_451 = tpu.vector_load %arg6[%get3A_449, %get3A_450] {strides = array<i32>} : memref<64x256xf32, #tpu.memory_space<vmem>>, vector<16xf32>,
        tpu.vector_store_idx %arg8[%broadcast_in_dim3A_438, %add3A_51], %get3A_451 {add = true} : memref<64x256xf32, #tpu.memory_space<vmem>>[vector<16xi32>, vector<16xi32>], vector<16xf32>,
        %get3A_452 = arith.index_cast %add3A_442 : i32 to index
        %get3A_453 = arith.constant 48 : index
        %get3A_454 = tpu.vector_load %arg6[%get3A_452, %get3A_453] {strides = array<i32>} : memref<64x256xf32, #tpu.memory_space<vmem>>, vector<16xf32>,
        tpu.vector_store_idx %arg8[%broadcast_in_dim3A_438, %add3A_54], %get3A_454 {add = true} : memref<64x256xf32, #tpu.memory_space<vmem>>[vector<16xi32>, vector<16xi32>], vector<16xf32>,
        %get3A_455 = arith.index_cast %add3A_442 : i32 to index
        %get3A_456 = arith.constant 64 : index
        %get3A_457 = tpu.vector_load %arg6[%get3A_455, %get3A_456] {strides = array<i32>} : memref<64x256xf32, #tpu.memory_space<vmem>>, vector<16xf32>,
        tpu.vector_store_idx %arg8[%broadcast_in_dim3A_438, %add3A_57], %get3A_457 {add = true} : memref<64x256xf32, #tpu.memory_space<vmem>>[vector<16xi32>, vector<16xi32>], vector<16xf32>,
        %get3A_458 = arith.index_cast %add3A_442 : i32 to index
        %get3A_459 = arith.constant 80 : index
        %get3A_460 = tpu.vector_load %arg6[%get3A_458, %get3A_459] {strides = array<i32>} : memref<64x256xf32, #tpu.memory_space<vmem>>, vector<16xf32>,
        tpu.vector_store_idx %arg8[%broadcast_in_dim3A_438, %add3A_60], %get3A_460 {add = true} : memref<64x256xf32, #tpu.memory_space<vmem>>[vector<16xi32>, vector<16xi32>], vector<16xf32>,
        %get3A_461 = arith.index_cast %add3A_442 : i32 to index
        %get3A_462 = arith.constant 96 : index
        %get3A_463 = tpu.vector_load %arg6[%get3A_461, %get3A_462] {strides = array<i32>} : memref<64x256xf32, #tpu.memory_space<vmem>>, vector<16xf32>,
        tpu.vector_store_idx %arg8[%broadcast_in_dim3A_438, %add3A_63], %get3A_463 {add = true} : memref<64x256xf32, #tpu.memory_space<vmem>>[vector<16xi32>, vector<16xi32>], vector<16xf32>,
        %get3A_464 = arith.index_cast %add3A_442 : i32 to index
        %get3A_465 = arith.constant 112 : index
        %get3A_466 = tpu.vector_load %arg6[%get3A_464, %get3A_465] {strides = array<i32>} : memref<64x256xf32, #tpu.memory_space<vmem>>, vector<16xf32>,
        tpu.vector_store_idx %arg8[%broadcast_in_dim3A_438, %add3A_66], %get3A_466 {add = true} : memref<64x256xf32, #tpu.memory_space<vmem>>[vector<16xi32>, vector<16xi32>], vector<16xf32>,
        %get3A_467 = arith.index_cast %add3A_442 : i32 to index
        %get3A_468 = arith.constant 128 : index
        %get3A_469 = tpu.vector_load %arg6[%get3A_467, %get3A_468] {strides = array<i32>} : memref<64x256xf32, #tpu.memory_space<vmem>>, vector<16xf32>,
        tpu.vector_store_idx %arg8[%broadcast_in_dim3A_438, %add3A_69], %get3A_469 {add = true} : memref<64x256xf32, #tpu.memory_space<vmem>>[vector<16xi32>, vector<16xi32>], vector<16xf32>,
        %get3A_470 = arith.index_cast %add3A_442 : i32 to index
        %get3A_471 = arith.constant 144 : index
        %get3A_472 = tpu.vector_load %arg6[%get3A_470, %get3A_471] {strides = array<i32>} : memref<64x256xf32, #tpu.memory_space<vmem>>, vector<16xf32>,
        tpu.vector_store_idx %arg8[%broadcast_in_dim3A_438, %add3A_72], %get3A_472 {add = true} : memref<64x256xf32, #tpu.memory_space<vmem>>[vector<16xi32>, vector<16xi32>], vector<16xf32>,
        %get3A_473 = arith.index_cast %add3A_442 : i32 to index
        %get3A_474 = arith.constant 160 : index
        %get3A_475 = tpu.vector_load %arg6[%get3A_473, %get3A_474] {strides = array<i32>} : memref<64x256xf32, #tpu.memory_space<vmem>>, vector<16xf32>,
        tpu.vector_store_idx %arg8[%broadcast_in_dim3A_438, %add3A_75], %get3A_475 {add = true} : memref<64x256xf32, #tpu.memory_space<vmem>>[vector<16xi32>, vector<16xi32>], vector<16xf32>,
        %get3A_476 = arith.index_cast %add3A_442 : i32 to index
        %get3A_477 = arith.constant 176 : index
        %get3A_478 = tpu.vector_load %arg6[%get3A_476, %get3A_477] {strides = array<i32>} : memref<64x256xf32, #tpu.memory_space<vmem>>, vector<16xf32>,
        tpu.vector_store_idx %arg8[%broadcast_in_dim3A_438, %add3A_78], %get3A_478 {add = true} : memref<64x256xf32, #tpu.memory_space<vmem>>[vector<16xi32>, vector<16xi32>], vector<16xf32>,
        %get3A_479 = arith.index_cast %add3A_442 : i32 to index
        %get3A_480 = arith.constant 192 : index
        %get3A_481 = tpu.vector_load %arg6[%get3A_479, %get3A_480] {strides = array<i32>} : memref<64x256xf32, #tpu.memory_space<vmem>>, vector<16xf32>,
        tpu.vector_store_idx %arg8[%broadcast_in_dim3A_438, %add3A_81], %get3A_481 {add = true} : memref<64x256xf32, #tpu.memory_space<vmem>>[vector<16xi32>, vector<16xi32>], vector<16xf32>,
        %get3A_482 = arith.index_cast %add3A_442 : i32 to index
        %get3A_483 = arith.constant 208 : index
        %get3A_484 = tpu.vector_load %arg6[%get3A_482, %get3A_483] {strides = array<i32>} : memref<64x256xf32, #tpu.memory_space<vmem>>, vector<16xf32>,
        tpu.vector_store_idx %arg8[%broadcast_in_dim3A_438, %add3A_84], %get3A_484 {add = true} : memref<64x256xf32, #tpu.memory_space<vmem>>[vector<16xi32>, vector<16xi32>], vector<16xf32>,
        %get3A_485 = arith.index_cast %add3A_442 : i32 to index
        %get3A_486 = arith.constant 224 : index
        %get3A_487 = tpu.vector_load %arg6[%get3A_485, %get3A_486] {strides = array<i32>} : memref<64x256xf32, #tpu.memory_space<vmem>>, vector<16xf32>,
        tpu.vector_store_idx %arg8[%broadcast_in_dim3A_438, %add3A_87], %get3A_487 {add = true} : memref<64x256xf32, #tpu.memory_space<vmem>>[vector<16xi32>, vector<16xi32>], vector<16xf32>,
        %get3A_488 = arith.index_cast %add3A_442 : i32 to index
        %get3A_489 = arith.constant 240 : index
        %get3A_490 = tpu.vector_load %arg6[%get3A_488, %get3A_489] {strides = array<i32>} : memref<64x256xf32, #tpu.memory_space<vmem>>, vector<16xf32>,
        tpu.vector_store_idx %arg8[%broadcast_in_dim3A_438, %add3A_90], %get3A_490 {add = true} : memref<64x256xf32, #tpu.memory_space<vmem>>[vector<16xi32>, vector<16xi32>], vector<16xf32>,
        %slice3A_491 = vector.extract_strided_slice %get3A_163 {offsets = [6], sizes = [1], strides = [1]} : vector<16xi32> to vector<1xi32>
        %squeeze3A_492 = vector.extract %slice3A_491[0] : i32 from vector<1xi32>
        %broadcast_in_dim3A_493 = vector.broadcast %squeeze3A_492 : i32 to vector<16xi32>
        %mul3A_494 = arith.constant 16 : i32
        %mul3A_495 = arith.muli %scan3A_158, %mul3A_494 : i32
        %add3A_496 = arith.constant 6 : i32
        %add3A_497 = arith.addi %mul3A_495, %add3A_496 : i32
        %get3A_498 = arith.index_cast %add3A_497 : i32 to index
        %get3A_499 = arith.constant 0 : index
        %get3A_500 = tpu.vector_load %arg6[%get3A_498, %get3A_499] {strides = array<i32>} : memref<64x256xf32, #tpu.memory_space<vmem>>, vector<16xf32>,
        tpu.vector_store_idx %arg8[%broadcast_in_dim3A_493, %add3A_45], %get3A_500 {add = true} : memref<64x256xf32, #tpu.memory_space<vmem>>[vector<16xi32>, vector<16xi32>], vector<16xf32>,
        %get3A_501 = arith.index_cast %add3A_497 : i32 to index
        %get3A_502 = arith.constant 16 : index
        %get3A_503 = tpu.vector_load %arg6[%get3A_501, %get3A_502] {strides = array<i32>} : memref<64x256xf32, #tpu.memory_space<vmem>>, vector<16xf32>,
        tpu.vector_store_idx %arg8[%broadcast_in_dim3A_493, %add3A_48], %get3A_503 {add = true} : memref<64x256xf32, #tpu.memory_space<vmem>>[vector<16xi32>, vector<16xi32>], vector<16xf32>,
        %get3A_504 = arith.index_cast %add3A_497 : i32 to index
        %get3A_505 = arith.constant 32 : index
        %get3A_506 = tpu.vector_load %arg6[%get3A_504, %get3A_505] {strides = array<i32>} : memref<64x256xf32, #tpu.memory_space<vmem>>, vector<16xf32>,
        tpu.vector_store_idx %arg8[%broadcast_in_dim3A_493, %add3A_51], %get3A_506 {add = true} : memref<64x256xf32, #tpu.memory_space<vmem>>[vector<16xi32>, vector<16xi32>], vector<16xf32>,
        %get3A_507 = arith.index_cast %add3A_497 : i32 to index
        %get3A_508 = arith.constant 48 : index
        %get3A_509 = tpu.vector_load %arg6[%get3A_507, %get3A_508] {strides = array<i32>} : memref<64x256xf32, #tpu.memory_space<vmem>>, vector<16xf32>,
        tpu.vector_store_idx %arg8[%broadcast_in_dim3A_493, %add3A_54], %get3A_509 {add = true} : memref<64x256xf32, #tpu.memory_space<vmem>>[vector<16xi32>, vector<16xi32>], vector<16xf32>,
        %get3A_510 = arith.index_cast %add3A_497 : i32 to index
        %get3A_511 = arith.constant 64 : index
        %get3A_512 = tpu.vector_load %arg6[%get3A_510, %get3A_511] {strides = array<i32>} : memref<64x256xf32, #tpu.memory_space<vmem>>, vector<16xf32>,
        tpu.vector_store_idx %arg8[%broadcast_in_dim3A_493, %add3A_57], %get3A_512 {add = true} : memref<64x256xf32, #tpu.memory_space<vmem>>[vector<16xi32>, vector<16xi32>], vector<16xf32>,
        %get3A_513 = arith.index_cast %add3A_497 : i32 to index
        %get3A_514 = arith.constant 80 : index
        %get3A_515 = tpu.vector_load %arg6[%get3A_513, %get3A_514] {strides = array<i32>} : memref<64x256xf32, #tpu.memory_space<vmem>>, vector<16xf32>,
        tpu.vector_store_idx %arg8[%broadcast_in_dim3A_493, %add3A_60], %get3A_515 {add = true} : memref<64x256xf32, #tpu.memory_space<vmem>>[vector<16xi32>, vector<16xi32>], vector<16xf32>,
        %get3A_516 = arith.index_cast %add3A_497 : i32 to index
        %get3A_517 = arith.constant 96 : index
        %get3A_518 = tpu.vector_load %arg6[%get3A_516, %get3A_517] {strides = array<i32>} : memref<64x256xf32, #tpu.memory_space<vmem>>, vector<16xf32>,
        tpu.vector_store_idx %arg8[%broadcast_in_dim3A_493, %add3A_63], %get3A_518 {add = true} : memref<64x256xf32, #tpu.memory_space<vmem>>[vector<16xi32>, vector<16xi32>], vector<16xf32>,
        %get3A_519 = arith.index_cast %add3A_497 : i32 to index
        %get3A_520 = arith.constant 112 : index
        %get3A_521 = tpu.vector_load %arg6[%get3A_519, %get3A_520] {strides = array<i32>} : memref<64x256xf32, #tpu.memory_space<vmem>>, vector<16xf32>,
        tpu.vector_store_idx %arg8[%broadcast_in_dim3A_493, %add3A_66], %get3A_521 {add = true} : memref<64x256xf32, #tpu.memory_space<vmem>>[vector<16xi32>, vector<16xi32>], vector<16xf32>,
        %get3A_522 = arith.index_cast %add3A_497 : i32 to index
        %get3A_523 = arith.constant 128 : index
        %get3A_524 = tpu.vector_load %arg6[%get3A_522, %get3A_523] {strides = array<i32>} : memref<64x256xf32, #tpu.memory_space<vmem>>, vector<16xf32>,
        tpu.vector_store_idx %arg8[%broadcast_in_dim3A_493, %add3A_69], %get3A_524 {add = true} : memref<64x256xf32, #tpu.memory_space<vmem>>[vector<16xi32>, vector<16xi32>], vector<16xf32>,
        %get3A_525 = arith.index_cast %add3A_497 : i32 to index
        %get3A_526 = arith.constant 144 : index
        %get3A_527 = tpu.vector_load %arg6[%get3A_525, %get3A_526] {strides = array<i32>} : memref<64x256xf32, #tpu.memory_space<vmem>>, vector<16xf32>,
        tpu.vector_store_idx %arg8[%broadcast_in_dim3A_493, %add3A_72], %get3A_527 {add = true} : memref<64x256xf32, #tpu.memory_space<vmem>>[vector<16xi32>, vector<16xi32>], vector<16xf32>,
        %get3A_528 = arith.index_cast %add3A_497 : i32 to index
        %get3A_529 = arith.constant 160 : index
        %get3A_530 = tpu.vector_load %arg6[%get3A_528, %get3A_529] {strides = array<i32>} : memref<64x256xf32, #tpu.memory_space<vmem>>, vector<16xf32>,
        tpu.vector_store_idx %arg8[%broadcast_in_dim3A_493, %add3A_75], %get3A_530 {add = true} : memref<64x256xf32, #tpu.memory_space<vmem>>[vector<16xi32>, vector<16xi32>], vector<16xf32>,
        %get3A_531 = arith.index_cast %add3A_497 : i32 to index
        %get3A_532 = arith.constant 176 : index
        %get3A_533 = tpu.vector_load %arg6[%get3A_531, %get3A_532] {strides = array<i32>} : memref<64x256xf32, #tpu.memory_space<vmem>>, vector<16xf32>,
        tpu.vector_store_idx %arg8[%broadcast_in_dim3A_493, %add3A_78], %get3A_533 {add = true} : memref<64x256xf32, #tpu.memory_space<vmem>>[vector<16xi32>, vector<16xi32>], vector<16xf32>,
        %get3A_534 = arith.index_cast %add3A_497 : i32 to index
        %get3A_535 = arith.constant 192 : index
        %get3A_536 = tpu.vector_load %arg6[%get3A_534, %get3A_535] {strides = array<i32>} : memref<64x256xf32, #tpu.memory_space<vmem>>, vector<16xf32>,
        tpu.vector_store_idx %arg8[%broadcast_in_dim3A_493, %add3A_81], %get3A_536 {add = true} : memref<64x256xf32, #tpu.memory_space<vmem>>[vector<16xi32>, vector<16xi32>], vector<16xf32>,
        %get3A_537 = arith.index_cast %add3A_497 : i32 to index
        %get3A_538 = arith.constant 208 : index
        %get3A_539 = tpu.vector_load %arg6[%get3A_537, %get3A_538] {strides = array<i32>} : memref<64x256xf32, #tpu.memory_space<vmem>>, vector<16xf32>,
        tpu.vector_store_idx %arg8[%broadcast_in_dim3A_493, %add3A_84], %get3A_539 {add = true} : memref<64x256xf32, #tpu.memory_space<vmem>>[vector<16xi32>, vector<16xi32>], vector<16xf32>,
        %get3A_540 = arith.index_cast %add3A_497 : i32 to index
        %get3A_541 = arith.constant 224 : index
        %get3A_542 = tpu.vector_load %arg6[%get3A_540, %get3A_541] {strides = array<i32>} : memref<64x256xf32, #tpu.memory_space<vmem>>, vector<16xf32>,
        tpu.vector_store_idx %arg8[%broadcast_in_dim3A_493, %add3A_87], %get3A_542 {add = true} : memref<64x256xf32, #tpu.memory_space<vmem>>[vector<16xi32>, vector<16xi32>], vector<16xf32>,
        %get3A_543 = arith.index_cast %add3A_497 : i32 to index
        %get3A_544 = arith.constant 240 : index
        %get3A_545 = tpu.vector_load %arg6[%get3A_543, %get3A_544] {strides = array<i32>} : memref<64x256xf32, #tpu.memory_space<vmem>>, vector<16xf32>,
        tpu.vector_store_idx %arg8[%broadcast_in_dim3A_493, %add3A_90], %get3A_545 {add = true} : memref<64x256xf32, #tpu.memory_space<vmem>>[vector<16xi32>, vector<16xi32>], vector<16xf32>,
        %slice3A_546 = vector.extract_strided_slice %get3A_163 {offsets = [7], sizes = [1], strides = [1]} : vector<16xi32> to vector<1xi32>
        %squeeze3A_547 = vector.extract %slice3A_546[0] : i32 from vector<1xi32>
        %broadcast_in_dim3A_548 = vector.broadcast %squeeze3A_547 : i32 to vector<16xi32>
        %mul3A_549 = arith.constant 16 : i32
        %mul3A_550 = arith.muli %scan3A_158, %mul3A_549 : i32
        %add3A_551 = arith.constant 7 : i32
        %add3A_552 = arith.addi %mul3A_550, %add3A_551 : i32
        %get3A_553 = arith.index_cast %add3A_552 : i32 to index
        %get3A_554 = arith.constant 0 : index
        %get3A_555 = tpu.vector_load %arg6[%get3A_553, %get3A_554] {strides = array<i32>} : memref<64x256xf32, #tpu.memory_space<vmem>>, vector<16xf32>,
        tpu.vector_store_idx %arg8[%broadcast_in_dim3A_548, %add3A_45], %get3A_555 {add = true} : memref<64x256xf32, #tpu.memory_space<vmem>>[vector<16xi32>, vector<16xi32>], vector<16xf32>,
        %get3A_556 = arith.index_cast %add3A_552 : i32 to index
        %get3A_557 = arith.constant 16 : index
        %get3A_558 = tpu.vector_load %arg6[%get3A_556, %get3A_557] {strides = array<i32>} : memref<64x256xf32, #tpu.memory_space<vmem>>, vector<16xf32>,
        tpu.vector_store_idx %arg8[%broadcast_in_dim3A_548, %add3A_48], %get3A_558 {add = true} : memref<64x256xf32, #tpu.memory_space<vmem>>[vector<16xi32>, vector<16xi32>], vector<16xf32>,
        %get3A_559 = arith.index_cast %add3A_552 : i32 to index
        %get3A_560 = arith.constant 32 : index
        %get3A_561 = tpu.vector_load %arg6[%get3A_559, %get3A_560] {strides = array<i32>} : memref<64x256xf32, #tpu.memory_space<vmem>>, vector<16xf32>,
        tpu.vector_store_idx %arg8[%broadcast_in_dim3A_548, %add3A_51], %get3A_561 {add = true} : memref<64x256xf32, #tpu.memory_space<vmem>>[vector<16xi32>, vector<16xi32>], vector<16xf32>,
        %get3A_562 = arith.index_cast %add3A_552 : i32 to index
        %get3A_563 = arith.constant 48 : index
        %get3A_564 = tpu.vector_load %arg6[%get3A_562, %get3A_563] {strides = array<i32>} : memref<64x256xf32, #tpu.memory_space<vmem>>, vector<16xf32>,
        tpu.vector_store_idx %arg8[%broadcast_in_dim3A_548, %add3A_54], %get3A_564 {add = true} : memref<64x256xf32, #tpu.memory_space<vmem>>[vector<16xi32>, vector<16xi32>], vector<16xf32>,
        %get3A_565 = arith.index_cast %add3A_552 : i32 to index
        %get3A_566 = arith.constant 64 : index
        %get3A_567 = tpu.vector_load %arg6[%get3A_565, %get3A_566] {strides = array<i32>} : memref<64x256xf32, #tpu.memory_space<vmem>>, vector<16xf32>,
        tpu.vector_store_idx %arg8[%broadcast_in_dim3A_548, %add3A_57], %get3A_567 {add = true} : memref<64x256xf32, #tpu.memory_space<vmem>>[vector<16xi32>, vector<16xi32>], vector<16xf32>,
        %get3A_568 = arith.index_cast %add3A_552 : i32 to index
        %get3A_569 = arith.constant 80 : index
        %get3A_570 = tpu.vector_load %arg6[%get3A_568, %get3A_569] {strides = array<i32>} : memref<64x256xf32, #tpu.memory_space<vmem>>, vector<16xf32>,
        tpu.vector_store_idx %arg8[%broadcast_in_dim3A_548, %add3A_60], %get3A_570 {add = true} : memref<64x256xf32, #tpu.memory_space<vmem>>[vector<16xi32>, vector<16xi32>], vector<16xf32>,
        %get3A_571 = arith.index_cast %add3A_552 : i32 to index
        %get3A_572 = arith.constant 96 : index
        %get3A_573 = tpu.vector_load %arg6[%get3A_571, %get3A_572] {strides = array<i32>} : memref<64x256xf32, #tpu.memory_space<vmem>>, vector<16xf32>,
        tpu.vector_store_idx %arg8[%broadcast_in_dim3A_548, %add3A_63], %get3A_573 {add = true} : memref<64x256xf32, #tpu.memory_space<vmem>>[vector<16xi32>, vector<16xi32>], vector<16xf32>,
        %get3A_574 = arith.index_cast %add3A_552 : i32 to index
        %get3A_575 = arith.constant 112 : index
        %get3A_576 = tpu.vector_load %arg6[%get3A_574, %get3A_575] {strides = array<i32>} : memref<64x256xf32, #tpu.memory_space<vmem>>, vector<16xf32>,
        tpu.vector_store_idx %arg8[%broadcast_in_dim3A_548, %add3A_66], %get3A_576 {add = true} : memref<64x256xf32, #tpu.memory_space<vmem>>[vector<16xi32>, vector<16xi32>], vector<16xf32>,
        %get3A_577 = arith.index_cast %add3A_552 : i32 to index
        %get3A_578 = arith.constant 128 : index
        %get3A_579 = tpu.vector_load %arg6[%get3A_577, %get3A_578] {strides = array<i32>} : memref<64x256xf32, #tpu.memory_space<vmem>>, vector<16xf32>,
        tpu.vector_store_idx %arg8[%broadcast_in_dim3A_548, %add3A_69], %get3A_579 {add = true} : memref<64x256xf32, #tpu.memory_space<vmem>>[vector<16xi32>, vector<16xi32>], vector<16xf32>,
        %get3A_580 = arith.index_cast %add3A_552 : i32 to index
        %get3A_581 = arith.constant 144 : index
        %get3A_582 = tpu.vector_load %arg6[%get3A_580, %get3A_581] {strides = array<i32>} : memref<64x256xf32, #tpu.memory_space<vmem>>, vector<16xf32>,
        tpu.vector_store_idx %arg8[%broadcast_in_dim3A_548, %add3A_72], %get3A_582 {add = true} : memref<64x256xf32, #tpu.memory_space<vmem>>[vector<16xi32>, vector<16xi32>], vector<16xf32>,
        %get3A_583 = arith.index_cast %add3A_552 : i32 to index
        %get3A_584 = arith.constant 160 : index
        %get3A_585 = tpu.vector_load %arg6[%get3A_583, %get3A_584] {strides = array<i32>} : memref<64x256xf32, #tpu.memory_space<vmem>>, vector<16xf32>,
        tpu.vector_store_idx %arg8[%broadcast_in_dim3A_548, %add3A_75], %get3A_585 {add = true} : memref<64x256xf32, #tpu.memory_space<vmem>>[vector<16xi32>, vector<16xi32>], vector<16xf32>,
        %get3A_586 = arith.index_cast %add3A_552 : i32 to index
        %get3A_587 = arith.constant 176 : index
        %get3A_588 = tpu.vector_load %arg6[%get3A_586, %get3A_587] {strides = array<i32>} : memref<64x256xf32, #tpu.memory_space<vmem>>, vector<16xf32>,
        tpu.vector_store_idx %arg8[%broadcast_in_dim3A_548, %add3A_78], %get3A_588 {add = true} : memref<64x256xf32, #tpu.memory_space<vmem>>[vector<16xi32>, vector<16xi32>], vector<16xf32>,
        %get3A_589 = arith.index_cast %add3A_552 : i32 to index
        %get3A_590 = arith.constant 192 : index
        %get3A_591 = tpu.vector_load %arg6[%get3A_589, %get3A_590] {strides = array<i32>} : memref<64x256xf32, #tpu.memory_space<vmem>>, vector<16xf32>,
        tpu.vector_store_idx %arg8[%broadcast_in_dim3A_548, %add3A_81], %get3A_591 {add = true} : memref<64x256xf32, #tpu.memory_space<vmem>>[vector<16xi32>, vector<16xi32>], vector<16xf32>,
        %get3A_592 = arith.index_cast %add3A_552 : i32 to index
        %get3A_593 = arith.constant 208 : index
        %get3A_594 = tpu.vector_load %arg6[%get3A_592, %get3A_593] {strides = array<i32>} : memref<64x256xf32, #tpu.memory_space<vmem>>, vector<16xf32>,
        tpu.vector_store_idx %arg8[%broadcast_in_dim3A_548, %add3A_84], %get3A_594 {add = true} : memref<64x256xf32, #tpu.memory_space<vmem>>[vector<16xi32>, vector<16xi32>], vector<16xf32>,
        %get3A_595 = arith.index_cast %add3A_552 : i32 to index
        %get3A_596 = arith.constant 224 : index
        %get3A_597 = tpu.vector_load %arg6[%get3A_595, %get3A_596] {strides = array<i32>} : memref<64x256xf32, #tpu.memory_space<vmem>>, vector<16xf32>,
        tpu.vector_store_idx %arg8[%broadcast_in_dim3A_548, %add3A_87], %get3A_597 {add = true} : memref<64x256xf32, #tpu.memory_space<vmem>>[vector<16xi32>, vector<16xi32>], vector<16xf32>,
        %get3A_598 = arith.index_cast %add3A_552 : i32 to index
        %get3A_599 = arith.constant 240 : index
        %get3A_600 = tpu.vector_load %arg6[%get3A_598, %get3A_599] {strides = array<i32>} : memref<64x256xf32, #tpu.memory_space<vmem>>, vector<16xf32>,
        tpu.vector_store_idx %arg8[%broadcast_in_dim3A_548, %add3A_90], %get3A_600 {add = true} : memref<64x256xf32, #tpu.memory_space<vmem>>[vector<16xi32>, vector<16xi32>], vector<16xf32>,
        %slice3A_601 = vector.extract_strided_slice %get3A_163 {offsets = [8], sizes = [1], strides = [1]} : vector<16xi32> to vector<1xi32>
        %squeeze3A_602 = vector.extract %slice3A_601[0] : i32 from vector<1xi32>
        %broadcast_in_dim3A_603 = vector.broadcast %squeeze3A_602 : i32 to vector<16xi32>
        %mul3A_604 = arith.constant 16 : i32
        %mul3A_605 = arith.muli %scan3A_158, %mul3A_604 : i32
        %add3A_606 = arith.constant 8 : i32
        %add3A_607 = arith.addi %mul3A_605, %add3A_606 : i32
        %get3A_608 = arith.index_cast %add3A_607 : i32 to index
        %get3A_609 = arith.constant 0 : index
        %get3A_610 = tpu.vector_load %arg6[%get3A_608, %get3A_609] {strides = array<i32>} : memref<64x256xf32, #tpu.memory_space<vmem>>, vector<16xf32>,
        tpu.vector_store_idx %arg8[%broadcast_in_dim3A_603, %add3A_45], %get3A_610 {add = true} : memref<64x256xf32, #tpu.memory_space<vmem>>[vector<16xi32>, vector<16xi32>], vector<16xf32>,
        %get3A_611 = arith.index_cast %add3A_607 : i32 to index
        %get3A_612 = arith.constant 16 : index
        %get3A_613 = tpu.vector_load %arg6[%get3A_611, %get3A_612] {strides = array<i32>} : memref<64x256xf32, #tpu.memory_space<vmem>>, vector<16xf32>,
        tpu.vector_store_idx %arg8[%broadcast_in_dim3A_603, %add3A_48], %get3A_613 {add = true} : memref<64x256xf32, #tpu.memory_space<vmem>>[vector<16xi32>, vector<16xi32>], vector<16xf32>,
        %get3A_614 = arith.index_cast %add3A_607 : i32 to index
        %get3A_615 = arith.constant 32 : index
        %get3A_616 = tpu.vector_load %arg6[%get3A_614, %get3A_615] {strides = array<i32>} : memref<64x256xf32, #tpu.memory_space<vmem>>, vector<16xf32>,
        tpu.vector_store_idx %arg8[%broadcast_in_dim3A_603, %add3A_51], %get3A_616 {add = true} : memref<64x256xf32, #tpu.memory_space<vmem>>[vector<16xi32>, vector<16xi32>], vector<16xf32>,
        %get3A_617 = arith.index_cast %add3A_607 : i32 to index
        %get3A_618 = arith.constant 48 : index
        %get3A_619 = tpu.vector_load %arg6[%get3A_617, %get3A_618] {strides = array<i32>} : memref<64x256xf32, #tpu.memory_space<vmem>>, vector<16xf32>,
        tpu.vector_store_idx %arg8[%broadcast_in_dim3A_603, %add3A_54], %get3A_619 {add = true} : memref<64x256xf32, #tpu.memory_space<vmem>>[vector<16xi32>, vector<16xi32>], vector<16xf32>,
        %get3A_620 = arith.index_cast %add3A_607 : i32 to index
        %get3A_621 = arith.constant 64 : index
        %get3A_622 = tpu.vector_load %arg6[%get3A_620, %get3A_621] {strides = array<i32>} : memref<64x256xf32, #tpu.memory_space<vmem>>, vector<16xf32>,
        tpu.vector_store_idx %arg8[%broadcast_in_dim3A_603, %add3A_57], %get3A_622 {add = true} : memref<64x256xf32, #tpu.memory_space<vmem>>[vector<16xi32>, vector<16xi32>], vector<16xf32>,
        %get3A_623 = arith.index_cast %add3A_607 : i32 to index
        %get3A_624 = arith.constant 80 : index
        %get3A_625 = tpu.vector_load %arg6[%get3A_623, %get3A_624] {strides = array<i32>} : memref<64x256xf32, #tpu.memory_space<vmem>>, vector<16xf32>,
        tpu.vector_store_idx %arg8[%broadcast_in_dim3A_603, %add3A_60], %get3A_625 {add = true} : memref<64x256xf32, #tpu.memory_space<vmem>>[vector<16xi32>, vector<16xi32>], vector<16xf32>,
        %get3A_626 = arith.index_cast %add3A_607 : i32 to index
        %get3A_627 = arith.constant 96 : index
        %get3A_628 = tpu.vector_load %arg6[%get3A_626, %get3A_627] {strides = array<i32>} : memref<64x256xf32, #tpu.memory_space<vmem>>, vector<16xf32>,
        tpu.vector_store_idx %arg8[%broadcast_in_dim3A_603, %add3A_63], %get3A_628 {add = true} : memref<64x256xf32, #tpu.memory_space<vmem>>[vector<16xi32>, vector<16xi32>], vector<16xf32>,
        %get3A_629 = arith.index_cast %add3A_607 : i32 to index
        %get3A_630 = arith.constant 112 : index
        %get3A_631 = tpu.vector_load %arg6[%get3A_629, %get3A_630] {strides = array<i32>} : memref<64x256xf32, #tpu.memory_space<vmem>>, vector<16xf32>,
        tpu.vector_store_idx %arg8[%broadcast_in_dim3A_603, %add3A_66], %get3A_631 {add = true} : memref<64x256xf32, #tpu.memory_space<vmem>>[vector<16xi32>, vector<16xi32>], vector<16xf32>,
        %get3A_632 = arith.index_cast %add3A_607 : i32 to index
        %get3A_633 = arith.constant 128 : index
        %get3A_634 = tpu.vector_load %arg6[%get3A_632, %get3A_633] {strides = array<i32>} : memref<64x256xf32, #tpu.memory_space<vmem>>, vector<16xf32>,
        tpu.vector_store_idx %arg8[%broadcast_in_dim3A_603, %add3A_69], %get3A_634 {add = true} : memref<64x256xf32, #tpu.memory_space<vmem>>[vector<16xi32>, vector<16xi32>], vector<16xf32>,
        %get3A_635 = arith.index_cast %add3A_607 : i32 to index
        %get3A_636 = arith.constant 144 : index
        %get3A_637 = tpu.vector_load %arg6[%get3A_635, %get3A_636] {strides = array<i32>} : memref<64x256xf32, #tpu.memory_space<vmem>>, vector<16xf32>,
        tpu.vector_store_idx %arg8[%broadcast_in_dim3A_603, %add3A_72], %get3A_637 {add = true} : memref<64x256xf32, #tpu.memory_space<vmem>>[vector<16xi32>, vector<16xi32>], vector<16xf32>,
        %get3A_638 = arith.index_cast %add3A_607 : i32 to index
        %get3A_639 = arith.constant 160 : index
        %get3A_640 = tpu.vector_load %arg6[%get3A_638, %get3A_639] {strides = array<i32>} : memref<64x256xf32, #tpu.memory_space<vmem>>, vector<16xf32>,
        tpu.vector_store_idx %arg8[%broadcast_in_dim3A_603, %add3A_75], %get3A_640 {add = true} : memref<64x256xf32, #tpu.memory_space<vmem>>[vector<16xi32>, vector<16xi32>], vector<16xf32>,
        %get3A_641 = arith.index_cast %add3A_607 : i32 to index
        %get3A_642 = arith.constant 176 : index
        %get3A_643 = tpu.vector_load %arg6[%get3A_641, %get3A_642] {strides = array<i32>} : memref<64x256xf32, #tpu.memory_space<vmem>>, vector<16xf32>,
        tpu.vector_store_idx %arg8[%broadcast_in_dim3A_603, %add3A_78], %get3A_643 {add = true} : memref<64x256xf32, #tpu.memory_space<vmem>>[vector<16xi32>, vector<16xi32>], vector<16xf32>,
        %get3A_644 = arith.index_cast %add3A_607 : i32 to index
        %get3A_645 = arith.constant 192 : index
        %get3A_646 = tpu.vector_load %arg6[%get3A_644, %get3A_645] {strides = array<i32>} : memref<64x256xf32, #tpu.memory_space<vmem>>, vector<16xf32>,
        tpu.vector_store_idx %arg8[%broadcast_in_dim3A_603, %add3A_81], %get3A_646 {add = true} : memref<64x256xf32, #tpu.memory_space<vmem>>[vector<16xi32>, vector<16xi32>], vector<16xf32>,
        %get3A_647 = arith.index_cast %add3A_607 : i32 to index
        %get3A_648 = arith.constant 208 : index
        %get3A_649 = tpu.vector_load %arg6[%get3A_647, %get3A_648] {strides = array<i32>} : memref<64x256xf32, #tpu.memory_space<vmem>>, vector<16xf32>,
        tpu.vector_store_idx %arg8[%broadcast_in_dim3A_603, %add3A_84], %get3A_649 {add = true} : memref<64x256xf32, #tpu.memory_space<vmem>>[vector<16xi32>, vector<16xi32>], vector<16xf32>,
        %get3A_650 = arith.index_cast %add3A_607 : i32 to index
        %get3A_651 = arith.constant 224 : index
        %get3A_652 = tpu.vector_load %arg6[%get3A_650, %get3A_651] {strides = array<i32>} : memref<64x256xf32, #tpu.memory_space<vmem>>, vector<16xf32>,
        tpu.vector_store_idx %arg8[%broadcast_in_dim3A_603, %add3A_87], %get3A_652 {add = true} : memref<64x256xf32, #tpu.memory_space<vmem>>[vector<16xi32>, vector<16xi32>], vector<16xf32>,
        %get3A_653 = arith.index_cast %add3A_607 : i32 to index
        %get3A_654 = arith.constant 240 : index
        %get3A_655 = tpu.vector_load %arg6[%get3A_653, %get3A_654] {strides = array<i32>} : memref<64x256xf32, #tpu.memory_space<vmem>>, vector<16xf32>,
        tpu.vector_store_idx %arg8[%broadcast_in_dim3A_603, %add3A_90], %get3A_655 {add = true} : memref<64x256xf32, #tpu.memory_space<vmem>>[vector<16xi32>, vector<16xi32>], vector<16xf32>,
        %slice3A_656 = vector.extract_strided_slice %get3A_163 {offsets = [9], sizes = [1], strides = [1]} : vector<16xi32> to vector<1xi32>
        %squeeze3A_657 = vector.extract %slice3A_656[0] : i32 from vector<1xi32>
        %broadcast_in_dim3A_658 = vector.broadcast %squeeze3A_657 : i32 to vector<16xi32>
        %mul3A_659 = arith.constant 16 : i32
        %mul3A_660 = arith.muli %scan3A_158, %mul3A_659 : i32
        %add3A_661 = arith.constant 9 : i32
        %add3A_662 = arith.addi %mul3A_660, %add3A_661 : i32
        %get3A_663 = arith.index_cast %add3A_662 : i32 to index
        %get3A_664 = arith.constant 0 : index
        %get3A_665 = tpu.vector_load %arg6[%get3A_663, %get3A_664] {strides = array<i32>} : memref<64x256xf32, #tpu.memory_space<vmem>>, vector<16xf32>,
        tpu.vector_store_idx %arg8[%broadcast_in_dim3A_658, %add3A_45], %get3A_665 {add = true} : memref<64x256xf32, #tpu.memory_space<vmem>>[vector<16xi32>, vector<16xi32>], vector<16xf32>,
        %get3A_666 = arith.index_cast %add3A_662 : i32 to index
        %get3A_667 = arith.constant 16 : index
        %get3A_668 = tpu.vector_load %arg6[%get3A_666, %get3A_667] {strides = array<i32>} : memref<64x256xf32, #tpu.memory_space<vmem>>, vector<16xf32>,
        tpu.vector_store_idx %arg8[%broadcast_in_dim3A_658, %add3A_48], %get3A_668 {add = true} : memref<64x256xf32, #tpu.memory_space<vmem>>[vector<16xi32>, vector<16xi32>], vector<16xf32>,
        %get3A_669 = arith.index_cast %add3A_662 : i32 to index
        %get3A_670 = arith.constant 32 : index
        %get3A_671 = tpu.vector_load %arg6[%get3A_669, %get3A_670] {strides = array<i32>} : memref<64x256xf32, #tpu.memory_space<vmem>>, vector<16xf32>,
        tpu.vector_store_idx %arg8[%broadcast_in_dim3A_658, %add3A_51], %get3A_671 {add = true} : memref<64x256xf32, #tpu.memory_space<vmem>>[vector<16xi32>, vector<16xi32>], vector<16xf32>,
        %get3A_672 = arith.index_cast %add3A_662 : i32 to index
        %get3A_673 = arith.constant 48 : index
        %get3A_674 = tpu.vector_load %arg6[%get3A_672, %get3A_673] {strides = array<i32>} : memref<64x256xf32, #tpu.memory_space<vmem>>, vector<16xf32>,
        tpu.vector_store_idx %arg8[%broadcast_in_dim3A_658, %add3A_54], %get3A_674 {add = true} : memref<64x256xf32, #tpu.memory_space<vmem>>[vector<16xi32>, vector<16xi32>], vector<16xf32>,
        %get3A_675 = arith.index_cast %add3A_662 : i32 to index
        %get3A_676 = arith.constant 64 : index
        %get3A_677 = tpu.vector_load %arg6[%get3A_675, %get3A_676] {strides = array<i32>} : memref<64x256xf32, #tpu.memory_space<vmem>>, vector<16xf32>,
        tpu.vector_store_idx %arg8[%broadcast_in_dim3A_658, %add3A_57], %get3A_677 {add = true} : memref<64x256xf32, #tpu.memory_space<vmem>>[vector<16xi32>, vector<16xi32>], vector<16xf32>,
        %get3A_678 = arith.index_cast %add3A_662 : i32 to index
        %get3A_679 = arith.constant 80 : index
        %get3A_680 = tpu.vector_load %arg6[%get3A_678, %get3A_679] {strides = array<i32>} : memref<64x256xf32, #tpu.memory_space<vmem>>, vector<16xf32>,
        tpu.vector_store_idx %arg8[%broadcast_in_dim3A_658, %add3A_60], %get3A_680 {add = true} : memref<64x256xf32, #tpu.memory_space<vmem>>[vector<16xi32>, vector<16xi32>], vector<16xf32>,
        %get3A_681 = arith.index_cast %add3A_662 : i32 to index
        %get3A_682 = arith.constant 96 : index
        %get3A_683 = tpu.vector_load %arg6[%get3A_681, %get3A_682] {strides = array<i32>} : memref<64x256xf32, #tpu.memory_space<vmem>>, vector<16xf32>,
        tpu.vector_store_idx %arg8[%broadcast_in_dim3A_658, %add3A_63], %get3A_683 {add = true} : memref<64x256xf32, #tpu.memory_space<vmem>>[vector<16xi32>, vector<16xi32>], vector<16xf32>,
        %get3A_684 = arith.index_cast %add3A_662 : i32 to index
        %get3A_685 = arith.constant 112 : index
        %get3A_686 = tpu.vector_load %arg6[%get3A_684, %get3A_685] {strides = array<i32>} : memref<64x256xf32, #tpu.memory_space<vmem>>, vector<16xf32>,
        tpu.vector_store_idx %arg8[%broadcast_in_dim3A_658, %add3A_66], %get3A_686 {add = true} : memref<64x256xf32, #tpu.memory_space<vmem>>[vector<16xi32>, vector<16xi32>], vector<16xf32>,
        %get3A_687 = arith.index_cast %add3A_662 : i32 to index
        %get3A_688 = arith.constant 128 : index
        %get3A_689 = tpu.vector_load %arg6[%get3A_687, %get3A_688] {strides = array<i32>} : memref<64x256xf32, #tpu.memory_space<vmem>>, vector<16xf32>,
        tpu.vector_store_idx %arg8[%broadcast_in_dim3A_658, %add3A_69], %get3A_689 {add = true} : memref<64x256xf32, #tpu.memory_space<vmem>>[vector<16xi32>, vector<16xi32>], vector<16xf32>,
        %get3A_690 = arith.index_cast %add3A_662 : i32 to index
        %get3A_691 = arith.constant 144 : index
        %get3A_692 = tpu.vector_load %arg6[%get3A_690, %get3A_691] {strides = array<i32>} : memref<64x256xf32, #tpu.memory_space<vmem>>, vector<16xf32>,
        tpu.vector_store_idx %arg8[%broadcast_in_dim3A_658, %add3A_72], %get3A_692 {add = true} : memref<64x256xf32, #tpu.memory_space<vmem>>[vector<16xi32>, vector<16xi32>], vector<16xf32>,
        %get3A_693 = arith.index_cast %add3A_662 : i32 to index
        %get3A_694 = arith.constant 160 : index
        %get3A_695 = tpu.vector_load %arg6[%get3A_693, %get3A_694] {strides = array<i32>} : memref<64x256xf32, #tpu.memory_space<vmem>>, vector<16xf32>,
        tpu.vector_store_idx %arg8[%broadcast_in_dim3A_658, %add3A_75], %get3A_695 {add = true} : memref<64x256xf32, #tpu.memory_space<vmem>>[vector<16xi32>, vector<16xi32>], vector<16xf32>,
        %get3A_696 = arith.index_cast %add3A_662 : i32 to index
        %get3A_697 = arith.constant 176 : index
        %get3A_698 = tpu.vector_load %arg6[%get3A_696, %get3A_697] {strides = array<i32>} : memref<64x256xf32, #tpu.memory_space<vmem>>, vector<16xf32>,
        tpu.vector_store_idx %arg8[%broadcast_in_dim3A_658, %add3A_78], %get3A_698 {add = true} : memref<64x256xf32, #tpu.memory_space<vmem>>[vector<16xi32>, vector<16xi32>], vector<16xf32>,
        %get3A_699 = arith.index_cast %add3A_662 : i32 to index
        %get3A_700 = arith.constant 192 : index
        %get3A_701 = tpu.vector_load %arg6[%get3A_699, %get3A_700] {strides = array<i32>} : memref<64x256xf32, #tpu.memory_space<vmem>>, vector<16xf32>,
        tpu.vector_store_idx %arg8[%broadcast_in_dim3A_658, %add3A_81], %get3A_701 {add = true} : memref<64x256xf32, #tpu.memory_space<vmem>>[vector<16xi32>, vector<16xi32>], vector<16xf32>,
        %get3A_702 = arith.index_cast %add3A_662 : i32 to index
        %get3A_703 = arith.constant 208 : index
        %get3A_704 = tpu.vector_load %arg6[%get3A_702, %get3A_703] {strides = array<i32>} : memref<64x256xf32, #tpu.memory_space<vmem>>, vector<16xf32>,
        tpu.vector_store_idx %arg8[%broadcast_in_dim3A_658, %add3A_84], %get3A_704 {add = true} : memref<64x256xf32, #tpu.memory_space<vmem>>[vector<16xi32>, vector<16xi32>], vector<16xf32>,
        %get3A_705 = arith.index_cast %add3A_662 : i32 to index
        %get3A_706 = arith.constant 224 : index
        %get3A_707 = tpu.vector_load %arg6[%get3A_705, %get3A_706] {strides = array<i32>} : memref<64x256xf32, #tpu.memory_space<vmem>>, vector<16xf32>,
        tpu.vector_store_idx %arg8[%broadcast_in_dim3A_658, %add3A_87], %get3A_707 {add = true} : memref<64x256xf32, #tpu.memory_space<vmem>>[vector<16xi32>, vector<16xi32>], vector<16xf32>,
        %get3A_708 = arith.index_cast %add3A_662 : i32 to index
        %get3A_709 = arith.constant 240 : index
        %get3A_710 = tpu.vector_load %arg6[%get3A_708, %get3A_709] {strides = array<i32>} : memref<64x256xf32, #tpu.memory_space<vmem>>, vector<16xf32>,
        tpu.vector_store_idx %arg8[%broadcast_in_dim3A_658, %add3A_90], %get3A_710 {add = true} : memref<64x256xf32, #tpu.memory_space<vmem>>[vector<16xi32>, vector<16xi32>], vector<16xf32>,
        %slice3A_711 = vector.extract_strided_slice %get3A_163 {offsets = [10], sizes = [1], strides = [1]} : vector<16xi32> to vector<1xi32>
        %squeeze3A_712 = vector.extract %slice3A_711[0] : i32 from vector<1xi32>
        %broadcast_in_dim3A_713 = vector.broadcast %squeeze3A_712 : i32 to vector<16xi32>
        %mul3A_714 = arith.constant 16 : i32
        %mul3A_715 = arith.muli %scan3A_158, %mul3A_714 : i32
        %add3A_716 = arith.constant 10 : i32
        %add3A_717 = arith.addi %mul3A_715, %add3A_716 : i32
        %get3A_718 = arith.index_cast %add3A_717 : i32 to index
        %get3A_719 = arith.constant 0 : index
        %get3A_720 = tpu.vector_load %arg6[%get3A_718, %get3A_719] {strides = array<i32>} : memref<64x256xf32, #tpu.memory_space<vmem>>, vector<16xf32>,
        tpu.vector_store_idx %arg8[%broadcast_in_dim3A_713, %add3A_45], %get3A_720 {add = true} : memref<64x256xf32, #tpu.memory_space<vmem>>[vector<16xi32>, vector<16xi32>], vector<16xf32>,
        %get3A_721 = arith.index_cast %add3A_717 : i32 to index
        %get3A_722 = arith.constant 16 : index
        %get3A_723 = tpu.vector_load %arg6[%get3A_721, %get3A_722] {strides = array<i32>} : memref<64x256xf32, #tpu.memory_space<vmem>>, vector<16xf32>,
        tpu.vector_store_idx %arg8[%broadcast_in_dim3A_713, %add3A_48], %get3A_723 {add = true} : memref<64x256xf32, #tpu.memory_space<vmem>>[vector<16xi32>, vector<16xi32>], vector<16xf32>,
        %get3A_724 = arith.index_cast %add3A_717 : i32 to index
        %get3A_725 = arith.constant 32 : index
        %get3A_726 = tpu.vector_load %arg6[%get3A_724, %get3A_725] {strides = array<i32>} : memref<64x256xf32, #tpu.memory_space<vmem>>, vector<16xf32>,
        tpu.vector_store_idx %arg8[%broadcast_in_dim3A_713, %add3A_51], %get3A_726 {add = true} : memref<64x256xf32, #tpu.memory_space<vmem>>[vector<16xi32>, vector<16xi32>], vector<16xf32>,
        %get3A_727 = arith.index_cast %add3A_717 : i32 to index
        %get3A_728 = arith.constant 48 : index
        %get3A_729 = tpu.vector_load %arg6[%get3A_727, %get3A_728] {strides = array<i32>} : memref<64x256xf32, #tpu.memory_space<vmem>>, vector<16xf32>,
        tpu.vector_store_idx %arg8[%broadcast_in_dim3A_713, %add3A_54], %get3A_729 {add = true} : memref<64x256xf32, #tpu.memory_space<vmem>>[vector<16xi32>, vector<16xi32>], vector<16xf32>,
        %get3A_730 = arith.index_cast %add3A_717 : i32 to index
        %get3A_731 = arith.constant 64 : index
        %get3A_732 = tpu.vector_load %arg6[%get3A_730, %get3A_731] {strides = array<i32>} : memref<64x256xf32, #tpu.memory_space<vmem>>, vector<16xf32>,
        tpu.vector_store_idx %arg8[%broadcast_in_dim3A_713, %add3A_57], %get3A_732 {add = true} : memref<64x256xf32, #tpu.memory_space<vmem>>[vector<16xi32>, vector<16xi32>], vector<16xf32>,
        %get3A_733 = arith.index_cast %add3A_717 : i32 to index
        %get3A_734 = arith.constant 80 : index
        %get3A_735 = tpu.vector_load %arg6[%get3A_733, %get3A_734] {strides = array<i32>} : memref<64x256xf32, #tpu.memory_space<vmem>>, vector<16xf32>,
        tpu.vector_store_idx %arg8[%broadcast_in_dim3A_713, %add3A_60], %get3A_735 {add = true} : memref<64x256xf32, #tpu.memory_space<vmem>>[vector<16xi32>, vector<16xi32>], vector<16xf32>,
        %get3A_736 = arith.index_cast %add3A_717 : i32 to index
        %get3A_737 = arith.constant 96 : index
        %get3A_738 = tpu.vector_load %arg6[%get3A_736, %get3A_737] {strides = array<i32>} : memref<64x256xf32, #tpu.memory_space<vmem>>, vector<16xf32>,
        tpu.vector_store_idx %arg8[%broadcast_in_dim3A_713, %add3A_63], %get3A_738 {add = true} : memref<64x256xf32, #tpu.memory_space<vmem>>[vector<16xi32>, vector<16xi32>], vector<16xf32>,
        %get3A_739 = arith.index_cast %add3A_717 : i32 to index
        %get3A_740 = arith.constant 112 : index
        %get3A_741 = tpu.vector_load %arg6[%get3A_739, %get3A_740] {strides = array<i32>} : memref<64x256xf32, #tpu.memory_space<vmem>>, vector<16xf32>,
        tpu.vector_store_idx %arg8[%broadcast_in_dim3A_713, %add3A_66], %get3A_741 {add = true} : memref<64x256xf32, #tpu.memory_space<vmem>>[vector<16xi32>, vector<16xi32>], vector<16xf32>,
        %get3A_742 = arith.index_cast %add3A_717 : i32 to index
        %get3A_743 = arith.constant 128 : index
        %get3A_744 = tpu.vector_load %arg6[%get3A_742, %get3A_743] {strides = array<i32>} : memref<64x256xf32, #tpu.memory_space<vmem>>, vector<16xf32>,
        tpu.vector_store_idx %arg8[%broadcast_in_dim3A_713, %add3A_69], %get3A_744 {add = true} : memref<64x256xf32, #tpu.memory_space<vmem>>[vector<16xi32>, vector<16xi32>], vector<16xf32>,
        %get3A_745 = arith.index_cast %add3A_717 : i32 to index
        %get3A_746 = arith.constant 144 : index
        %get3A_747 = tpu.vector_load %arg6[%get3A_745, %get3A_746] {strides = array<i32>} : memref<64x256xf32, #tpu.memory_space<vmem>>, vector<16xf32>,
        tpu.vector_store_idx %arg8[%broadcast_in_dim3A_713, %add3A_72], %get3A_747 {add = true} : memref<64x256xf32, #tpu.memory_space<vmem>>[vector<16xi32>, vector<16xi32>], vector<16xf32>,
        %get3A_748 = arith.index_cast %add3A_717 : i32 to index
        %get3A_749 = arith.constant 160 : index
        %get3A_750 = tpu.vector_load %arg6[%get3A_748, %get3A_749] {strides = array<i32>} : memref<64x256xf32, #tpu.memory_space<vmem>>, vector<16xf32>,
        tpu.vector_store_idx %arg8[%broadcast_in_dim3A_713, %add3A_75], %get3A_750 {add = true} : memref<64x256xf32, #tpu.memory_space<vmem>>[vector<16xi32>, vector<16xi32>], vector<16xf32>,
        %get3A_751 = arith.index_cast %add3A_717 : i32 to index
        %get3A_752 = arith.constant 176 : index
        %get3A_753 = tpu.vector_load %arg6[%get3A_751, %get3A_752] {strides = array<i32>} : memref<64x256xf32, #tpu.memory_space<vmem>>, vector<16xf32>,
        tpu.vector_store_idx %arg8[%broadcast_in_dim3A_713, %add3A_78], %get3A_753 {add = true} : memref<64x256xf32, #tpu.memory_space<vmem>>[vector<16xi32>, vector<16xi32>], vector<16xf32>,
        %get3A_754 = arith.index_cast %add3A_717 : i32 to index
        %get3A_755 = arith.constant 192 : index
        %get3A_756 = tpu.vector_load %arg6[%get3A_754, %get3A_755] {strides = array<i32>} : memref<64x256xf32, #tpu.memory_space<vmem>>, vector<16xf32>,
        tpu.vector_store_idx %arg8[%broadcast_in_dim3A_713, %add3A_81], %get3A_756 {add = true} : memref<64x256xf32, #tpu.memory_space<vmem>>[vector<16xi32>, vector<16xi32>], vector<16xf32>,
        %get3A_757 = arith.index_cast %add3A_717 : i32 to index
        %get3A_758 = arith.constant 208 : index
        %get3A_759 = tpu.vector_load %arg6[%get3A_757, %get3A_758] {strides = array<i32>} : memref<64x256xf32, #tpu.memory_space<vmem>>, vector<16xf32>,
        tpu.vector_store_idx %arg8[%broadcast_in_dim3A_713, %add3A_84], %get3A_759 {add = true} : memref<64x256xf32, #tpu.memory_space<vmem>>[vector<16xi32>, vector<16xi32>], vector<16xf32>,
        %get3A_760 = arith.index_cast %add3A_717 : i32 to index
        %get3A_761 = arith.constant 224 : index
        %get3A_762 = tpu.vector_load %arg6[%get3A_760, %get3A_761] {strides = array<i32>} : memref<64x256xf32, #tpu.memory_space<vmem>>, vector<16xf32>,
        tpu.vector_store_idx %arg8[%broadcast_in_dim3A_713, %add3A_87], %get3A_762 {add = true} : memref<64x256xf32, #tpu.memory_space<vmem>>[vector<16xi32>, vector<16xi32>], vector<16xf32>,
        %get3A_763 = arith.index_cast %add3A_717 : i32 to index
        %get3A_764 = arith.constant 240 : index
        %get3A_765 = tpu.vector_load %arg6[%get3A_763, %get3A_764] {strides = array<i32>} : memref<64x256xf32, #tpu.memory_space<vmem>>, vector<16xf32>,
        tpu.vector_store_idx %arg8[%broadcast_in_dim3A_713, %add3A_90], %get3A_765 {add = true} : memref<64x256xf32, #tpu.memory_space<vmem>>[vector<16xi32>, vector<16xi32>], vector<16xf32>,
        %slice3A_766 = vector.extract_strided_slice %get3A_163 {offsets = [11], sizes = [1], strides = [1]} : vector<16xi32> to vector<1xi32>
        %squeeze3A_767 = vector.extract %slice3A_766[0] : i32 from vector<1xi32>
        %broadcast_in_dim3A_768 = vector.broadcast %squeeze3A_767 : i32 to vector<16xi32>
        %mul3A_769 = arith.constant 16 : i32
        %mul3A_770 = arith.muli %scan3A_158, %mul3A_769 : i32
        %add3A_771 = arith.constant 11 : i32
        %add3A_772 = arith.addi %mul3A_770, %add3A_771 : i32
        %get3A_773 = arith.index_cast %add3A_772 : i32 to index
        %get3A_774 = arith.constant 0 : index
        %get3A_775 = tpu.vector_load %arg6[%get3A_773, %get3A_774] {strides = array<i32>} : memref<64x256xf32, #tpu.memory_space<vmem>>, vector<16xf32>,
        tpu.vector_store_idx %arg8[%broadcast_in_dim3A_768, %add3A_45], %get3A_775 {add = true} : memref<64x256xf32, #tpu.memory_space<vmem>>[vector<16xi32>, vector<16xi32>], vector<16xf32>,
        %get3A_776 = arith.index_cast %add3A_772 : i32 to index
        %get3A_777 = arith.constant 16 : index
        %get3A_778 = tpu.vector_load %arg6[%get3A_776, %get3A_777] {strides = array<i32>} : memref<64x256xf32, #tpu.memory_space<vmem>>, vector<16xf32>,
        tpu.vector_store_idx %arg8[%broadcast_in_dim3A_768, %add3A_48], %get3A_778 {add = true} : memref<64x256xf32, #tpu.memory_space<vmem>>[vector<16xi32>, vector<16xi32>], vector<16xf32>,
        %get3A_779 = arith.index_cast %add3A_772 : i32 to index
        %get3A_780 = arith.constant 32 : index
        %get3A_781 = tpu.vector_load %arg6[%get3A_779, %get3A_780] {strides = array<i32>} : memref<64x256xf32, #tpu.memory_space<vmem>>, vector<16xf32>,
        tpu.vector_store_idx %arg8[%broadcast_in_dim3A_768, %add3A_51], %get3A_781 {add = true} : memref<64x256xf32, #tpu.memory_space<vmem>>[vector<16xi32>, vector<16xi32>], vector<16xf32>,
        %get3A_782 = arith.index_cast %add3A_772 : i32 to index
        %get3A_783 = arith.constant 48 : index
        %get3A_784 = tpu.vector_load %arg6[%get3A_782, %get3A_783] {strides = array<i32>} : memref<64x256xf32, #tpu.memory_space<vmem>>, vector<16xf32>,
        tpu.vector_store_idx %arg8[%broadcast_in_dim3A_768, %add3A_54], %get3A_784 {add = true} : memref<64x256xf32, #tpu.memory_space<vmem>>[vector<16xi32>, vector<16xi32>], vector<16xf32>,
        %get3A_785 = arith.index_cast %add3A_772 : i32 to index
        %get3A_786 = arith.constant 64 : index
        %get3A_787 = tpu.vector_load %arg6[%get3A_785, %get3A_786] {strides = array<i32>} : memref<64x256xf32, #tpu.memory_space<vmem>>, vector<16xf32>,
        tpu.vector_store_idx %arg8[%broadcast_in_dim3A_768, %add3A_57], %get3A_787 {add = true} : memref<64x256xf32, #tpu.memory_space<vmem>>[vector<16xi32>, vector<16xi32>], vector<16xf32>,
        %get3A_788 = arith.index_cast %add3A_772 : i32 to index
        %get3A_789 = arith.constant 80 : index
        %get3A_790 = tpu.vector_load %arg6[%get3A_788, %get3A_789] {strides = array<i32>} : memref<64x256xf32, #tpu.memory_space<vmem>>, vector<16xf32>,
        tpu.vector_store_idx %arg8[%broadcast_in_dim3A_768, %add3A_60], %get3A_790 {add = true} : memref<64x256xf32, #tpu.memory_space<vmem>>[vector<16xi32>, vector<16xi32>], vector<16xf32>,
        %get3A_791 = arith.index_cast %add3A_772 : i32 to index
        %get3A_792 = arith.constant 96 : index
        %get3A_793 = tpu.vector_load %arg6[%get3A_791, %get3A_792] {strides = array<i32>} : memref<64x256xf32, #tpu.memory_space<vmem>>, vector<16xf32>,
        tpu.vector_store_idx %arg8[%broadcast_in_dim3A_768, %add3A_63], %get3A_793 {add = true} : memref<64x256xf32, #tpu.memory_space<vmem>>[vector<16xi32>, vector<16xi32>], vector<16xf32>,
        %get3A_794 = arith.index_cast %add3A_772 : i32 to index
        %get3A_795 = arith.constant 112 : index
        %get3A_796 = tpu.vector_load %arg6[%get3A_794, %get3A_795] {strides = array<i32>} : memref<64x256xf32, #tpu.memory_space<vmem>>, vector<16xf32>,
        tpu.vector_store_idx %arg8[%broadcast_in_dim3A_768, %add3A_66], %get3A_796 {add = true} : memref<64x256xf32, #tpu.memory_space<vmem>>[vector<16xi32>, vector<16xi32>], vector<16xf32>,
        %get3A_797 = arith.index_cast %add3A_772 : i32 to index
        %get3A_798 = arith.constant 128 : index
        %get3A_799 = tpu.vector_load %arg6[%get3A_797, %get3A_798] {strides = array<i32>} : memref<64x256xf32, #tpu.memory_space<vmem>>, vector<16xf32>,
        tpu.vector_store_idx %arg8[%broadcast_in_dim3A_768, %add3A_69], %get3A_799 {add = true} : memref<64x256xf32, #tpu.memory_space<vmem>>[vector<16xi32>, vector<16xi32>], vector<16xf32>,
        %get3A_800 = arith.index_cast %add3A_772 : i32 to index
        %get3A_801 = arith.constant 144 : index
        %get3A_802 = tpu.vector_load %arg6[%get3A_800, %get3A_801] {strides = array<i32>} : memref<64x256xf32, #tpu.memory_space<vmem>>, vector<16xf32>,
        tpu.vector_store_idx %arg8[%broadcast_in_dim3A_768, %add3A_72], %get3A_802 {add = true} : memref<64x256xf32, #tpu.memory_space<vmem>>[vector<16xi32>, vector<16xi32>], vector<16xf32>,
        %get3A_803 = arith.index_cast %add3A_772 : i32 to index
        %get3A_804 = arith.constant 160 : index
        %get3A_805 = tpu.vector_load %arg6[%get3A_803, %get3A_804] {strides = array<i32>} : memref<64x256xf32, #tpu.memory_space<vmem>>, vector<16xf32>,
        tpu.vector_store_idx %arg8[%broadcast_in_dim3A_768, %add3A_75], %get3A_805 {add = true} : memref<64x256xf32, #tpu.memory_space<vmem>>[vector<16xi32>, vector<16xi32>], vector<16xf32>,
        %get3A_806 = arith.index_cast %add3A_772 : i32 to index
        %get3A_807 = arith.constant 176 : index
        %get3A_808 = tpu.vector_load %arg6[%get3A_806, %get3A_807] {strides = array<i32>} : memref<64x256xf32, #tpu.memory_space<vmem>>, vector<16xf32>,
        tpu.vector_store_idx %arg8[%broadcast_in_dim3A_768, %add3A_78], %get3A_808 {add = true} : memref<64x256xf32, #tpu.memory_space<vmem>>[vector<16xi32>, vector<16xi32>], vector<16xf32>,
        %get3A_809 = arith.index_cast %add3A_772 : i32 to index
        %get3A_810 = arith.constant 192 : index
        %get3A_811 = tpu.vector_load %arg6[%get3A_809, %get3A_810] {strides = array<i32>} : memref<64x256xf32, #tpu.memory_space<vmem>>, vector<16xf32>,
        tpu.vector_store_idx %arg8[%broadcast_in_dim3A_768, %add3A_81], %get3A_811 {add = true} : memref<64x256xf32, #tpu.memory_space<vmem>>[vector<16xi32>, vector<16xi32>], vector<16xf32>,
        %get3A_812 = arith.index_cast %add3A_772 : i32 to index
        %get3A_813 = arith.constant 208 : index
        %get3A_814 = tpu.vector_load %arg6[%get3A_812, %get3A_813] {strides = array<i32>} : memref<64x256xf32, #tpu.memory_space<vmem>>, vector<16xf32>,
        tpu.vector_store_idx %arg8[%broadcast_in_dim3A_768, %add3A_84], %get3A_814 {add = true} : memref<64x256xf32, #tpu.memory_space<vmem>>[vector<16xi32>, vector<16xi32>], vector<16xf32>,
        %get3A_815 = arith.index_cast %add3A_772 : i32 to index
        %get3A_816 = arith.constant 224 : index
        %get3A_817 = tpu.vector_load %arg6[%get3A_815, %get3A_816] {strides = array<i32>} : memref<64x256xf32, #tpu.memory_space<vmem>>, vector<16xf32>,
        tpu.vector_store_idx %arg8[%broadcast_in_dim3A_768, %add3A_87], %get3A_817 {add = true} : memref<64x256xf32, #tpu.memory_space<vmem>>[vector<16xi32>, vector<16xi32>], vector<16xf32>,
        %get3A_818 = arith.index_cast %add3A_772 : i32 to index
        %get3A_819 = arith.constant 240 : index
        %get3A_820 = tpu.vector_load %arg6[%get3A_818, %get3A_819] {strides = array<i32>} : memref<64x256xf32, #tpu.memory_space<vmem>>, vector<16xf32>,
        tpu.vector_store_idx %arg8[%broadcast_in_dim3A_768, %add3A_90], %get3A_820 {add = true} : memref<64x256xf32, #tpu.memory_space<vmem>>[vector<16xi32>, vector<16xi32>], vector<16xf32>,
        %slice3A_821 = vector.extract_strided_slice %get3A_163 {offsets = [12], sizes = [1], strides = [1]} : vector<16xi32> to vector<1xi32>
        %squeeze3A_822 = vector.extract %slice3A_821[0] : i32 from vector<1xi32>
        %broadcast_in_dim3A_823 = vector.broadcast %squeeze3A_822 : i32 to vector<16xi32>
        %mul3A_824 = arith.constant 16 : i32
        %mul3A_825 = arith.muli %scan3A_158, %mul3A_824 : i32
        %add3A_826 = arith.constant 12 : i32
        %add3A_827 = arith.addi %mul3A_825, %add3A_826 : i32
        %get3A_828 = arith.index_cast %add3A_827 : i32 to index
        %get3A_829 = arith.constant 0 : index
        %get3A_830 = tpu.vector_load %arg6[%get3A_828, %get3A_829] {strides = array<i32>} : memref<64x256xf32, #tpu.memory_space<vmem>>, vector<16xf32>,
        tpu.vector_store_idx %arg8[%broadcast_in_dim3A_823, %add3A_45], %get3A_830 {add = true} : memref<64x256xf32, #tpu.memory_space<vmem>>[vector<16xi32>, vector<16xi32>], vector<16xf32>,
        %get3A_831 = arith.index_cast %add3A_827 : i32 to index
        %get3A_832 = arith.constant 16 : index
        %get3A_833 = tpu.vector_load %arg6[%get3A_831, %get3A_832] {strides = array<i32>} : memref<64x256xf32, #tpu.memory_space<vmem>>, vector<16xf32>,
        tpu.vector_store_idx %arg8[%broadcast_in_dim3A_823, %add3A_48], %get3A_833 {add = true} : memref<64x256xf32, #tpu.memory_space<vmem>>[vector<16xi32>, vector<16xi32>], vector<16xf32>,
        %get3A_834 = arith.index_cast %add3A_827 : i32 to index
        %get3A_835 = arith.constant 32 : index
        %get3A_836 = tpu.vector_load %arg6[%get3A_834, %get3A_835] {strides = array<i32>} : memref<64x256xf32, #tpu.memory_space<vmem>>, vector<16xf32>,
        tpu.vector_store_idx %arg8[%broadcast_in_dim3A_823, %add3A_51], %get3A_836 {add = true} : memref<64x256xf32, #tpu.memory_space<vmem>>[vector<16xi32>, vector<16xi32>], vector<16xf32>,
        %get3A_837 = arith.index_cast %add3A_827 : i32 to index
        %get3A_838 = arith.constant 48 : index
        %get3A_839 = tpu.vector_load %arg6[%get3A_837, %get3A_838] {strides = array<i32>} : memref<64x256xf32, #tpu.memory_space<vmem>>, vector<16xf32>,
        tpu.vector_store_idx %arg8[%broadcast_in_dim3A_823, %add3A_54], %get3A_839 {add = true} : memref<64x256xf32, #tpu.memory_space<vmem>>[vector<16xi32>, vector<16xi32>], vector<16xf32>,
        %get3A_840 = arith.index_cast %add3A_827 : i32 to index
        %get3A_841 = arith.constant 64 : index
        %get3A_842 = tpu.vector_load %arg6[%get3A_840, %get3A_841] {strides = array<i32>} : memref<64x256xf32, #tpu.memory_space<vmem>>, vector<16xf32>,
        tpu.vector_store_idx %arg8[%broadcast_in_dim3A_823, %add3A_57], %get3A_842 {add = true} : memref<64x256xf32, #tpu.memory_space<vmem>>[vector<16xi32>, vector<16xi32>], vector<16xf32>,
        %get3A_843 = arith.index_cast %add3A_827 : i32 to index
        %get3A_844 = arith.constant 80 : index
        %get3A_845 = tpu.vector_load %arg6[%get3A_843, %get3A_844] {strides = array<i32>} : memref<64x256xf32, #tpu.memory_space<vmem>>, vector<16xf32>,
        tpu.vector_store_idx %arg8[%broadcast_in_dim3A_823, %add3A_60], %get3A_845 {add = true} : memref<64x256xf32, #tpu.memory_space<vmem>>[vector<16xi32>, vector<16xi32>], vector<16xf32>,
        %get3A_846 = arith.index_cast %add3A_827 : i32 to index
        %get3A_847 = arith.constant 96 : index
        %get3A_848 = tpu.vector_load %arg6[%get3A_846, %get3A_847] {strides = array<i32>} : memref<64x256xf32, #tpu.memory_space<vmem>>, vector<16xf32>,
        tpu.vector_store_idx %arg8[%broadcast_in_dim3A_823, %add3A_63], %get3A_848 {add = true} : memref<64x256xf32, #tpu.memory_space<vmem>>[vector<16xi32>, vector<16xi32>], vector<16xf32>,
        %get3A_849 = arith.index_cast %add3A_827 : i32 to index
        %get3A_850 = arith.constant 112 : index
        %get3A_851 = tpu.vector_load %arg6[%get3A_849, %get3A_850] {strides = array<i32>} : memref<64x256xf32, #tpu.memory_space<vmem>>, vector<16xf32>,
        tpu.vector_store_idx %arg8[%broadcast_in_dim3A_823, %add3A_66], %get3A_851 {add = true} : memref<64x256xf32, #tpu.memory_space<vmem>>[vector<16xi32>, vector<16xi32>], vector<16xf32>,
        %get3A_852 = arith.index_cast %add3A_827 : i32 to index
        %get3A_853 = arith.constant 128 : index
        %get3A_854 = tpu.vector_load %arg6[%get3A_852, %get3A_853] {strides = array<i32>} : memref<64x256xf32, #tpu.memory_space<vmem>>, vector<16xf32>,
        tpu.vector_store_idx %arg8[%broadcast_in_dim3A_823, %add3A_69], %get3A_854 {add = true} : memref<64x256xf32, #tpu.memory_space<vmem>>[vector<16xi32>, vector<16xi32>], vector<16xf32>,
        %get3A_855 = arith.index_cast %add3A_827 : i32 to index
        %get3A_856 = arith.constant 144 : index
        %get3A_857 = tpu.vector_load %arg6[%get3A_855, %get3A_856] {strides = array<i32>} : memref<64x256xf32, #tpu.memory_space<vmem>>, vector<16xf32>,
        tpu.vector_store_idx %arg8[%broadcast_in_dim3A_823, %add3A_72], %get3A_857 {add = true} : memref<64x256xf32, #tpu.memory_space<vmem>>[vector<16xi32>, vector<16xi32>], vector<16xf32>,
        %get3A_858 = arith.index_cast %add3A_827 : i32 to index
        %get3A_859 = arith.constant 160 : index
        %get3A_860 = tpu.vector_load %arg6[%get3A_858, %get3A_859] {strides = array<i32>} : memref<64x256xf32, #tpu.memory_space<vmem>>, vector<16xf32>,
        tpu.vector_store_idx %arg8[%broadcast_in_dim3A_823, %add3A_75], %get3A_860 {add = true} : memref<64x256xf32, #tpu.memory_space<vmem>>[vector<16xi32>, vector<16xi32>], vector<16xf32>,
        %get3A_861 = arith.index_cast %add3A_827 : i32 to index
        %get3A_862 = arith.constant 176 : index
        %get3A_863 = tpu.vector_load %arg6[%get3A_861, %get3A_862] {strides = array<i32>} : memref<64x256xf32, #tpu.memory_space<vmem>>, vector<16xf32>,
        tpu.vector_store_idx %arg8[%broadcast_in_dim3A_823, %add3A_78], %get3A_863 {add = true} : memref<64x256xf32, #tpu.memory_space<vmem>>[vector<16xi32>, vector<16xi32>], vector<16xf32>,
        %get3A_864 = arith.index_cast %add3A_827 : i32 to index
        %get3A_865 = arith.constant 192 : index
        %get3A_866 = tpu.vector_load %arg6[%get3A_864, %get3A_865] {strides = array<i32>} : memref<64x256xf32, #tpu.memory_space<vmem>>, vector<16xf32>,
        tpu.vector_store_idx %arg8[%broadcast_in_dim3A_823, %add3A_81], %get3A_866 {add = true} : memref<64x256xf32, #tpu.memory_space<vmem>>[vector<16xi32>, vector<16xi32>], vector<16xf32>,
        %get3A_867 = arith.index_cast %add3A_827 : i32 to index
        %get3A_868 = arith.constant 208 : index
        %get3A_869 = tpu.vector_load %arg6[%get3A_867, %get3A_868] {strides = array<i32>} : memref<64x256xf32, #tpu.memory_space<vmem>>, vector<16xf32>,
        tpu.vector_store_idx %arg8[%broadcast_in_dim3A_823, %add3A_84], %get3A_869 {add = true} : memref<64x256xf32, #tpu.memory_space<vmem>>[vector<16xi32>, vector<16xi32>], vector<16xf32>,
        %get3A_870 = arith.index_cast %add3A_827 : i32 to index
        %get3A_871 = arith.constant 224 : index
        %get3A_872 = tpu.vector_load %arg6[%get3A_870, %get3A_871] {strides = array<i32>} : memref<64x256xf32, #tpu.memory_space<vmem>>, vector<16xf32>,
        tpu.vector_store_idx %arg8[%broadcast_in_dim3A_823, %add3A_87], %get3A_872 {add = true} : memref<64x256xf32, #tpu.memory_space<vmem>>[vector<16xi32>, vector<16xi32>], vector<16xf32>,
        %get3A_873 = arith.index_cast %add3A_827 : i32 to index
        %get3A_874 = arith.constant 240 : index
        %get3A_875 = tpu.vector_load %arg6[%get3A_873, %get3A_874] {strides = array<i32>} : memref<64x256xf32, #tpu.memory_space<vmem>>, vector<16xf32>,
        tpu.vector_store_idx %arg8[%broadcast_in_dim3A_823, %add3A_90], %get3A_875 {add = true} : memref<64x256xf32, #tpu.memory_space<vmem>>[vector<16xi32>, vector<16xi32>], vector<16xf32>,
        %slice3A_876 = vector.extract_strided_slice %get3A_163 {offsets = [13], sizes = [1], strides = [1]} : vector<16xi32> to vector<1xi32>
        %squeeze3A_877 = vector.extract %slice3A_876[0] : i32 from vector<1xi32>
        %broadcast_in_dim3A_878 = vector.broadcast %squeeze3A_877 : i32 to vector<16xi32>
        %mul3A_879 = arith.constant 16 : i32
        %mul3A_880 = arith.muli %scan3A_158, %mul3A_879 : i32
        %add3A_881 = arith.constant 13 : i32
        %add3A_882 = arith.addi %mul3A_880, %add3A_881 : i32
        %get3A_883 = arith.index_cast %add3A_882 : i32 to index
        %get3A_884 = arith.constant 0 : index
        %get3A_885 = tpu.vector_load %arg6[%get3A_883, %get3A_884] {strides = array<i32>} : memref<64x256xf32, #tpu.memory_space<vmem>>, vector<16xf32>,
        tpu.vector_store_idx %arg8[%broadcast_in_dim3A_878, %add3A_45], %get3A_885 {add = true} : memref<64x256xf32, #tpu.memory_space<vmem>>[vector<16xi32>, vector<16xi32>], vector<16xf32>,
        %get3A_886 = arith.index_cast %add3A_882 : i32 to index
        %get3A_887 = arith.constant 16 : index
        %get3A_888 = tpu.vector_load %arg6[%get3A_886, %get3A_887] {strides = array<i32>} : memref<64x256xf32, #tpu.memory_space<vmem>>, vector<16xf32>,
        tpu.vector_store_idx %arg8[%broadcast_in_dim3A_878, %add3A_48], %get3A_888 {add = true} : memref<64x256xf32, #tpu.memory_space<vmem>>[vector<16xi32>, vector<16xi32>], vector<16xf32>,
        %get3A_889 = arith.index_cast %add3A_882 : i32 to index
        %get3A_890 = arith.constant 32 : index
        %get3A_891 = tpu.vector_load %arg6[%get3A_889, %get3A_890] {strides = array<i32>} : memref<64x256xf32, #tpu.memory_space<vmem>>, vector<16xf32>,
        tpu.vector_store_idx %arg8[%broadcast_in_dim3A_878, %add3A_51], %get3A_891 {add = true} : memref<64x256xf32, #tpu.memory_space<vmem>>[vector<16xi32>, vector<16xi32>], vector<16xf32>,
        %get3A_892 = arith.index_cast %add3A_882 : i32 to index
        %get3A_893 = arith.constant 48 : index
        %get3A_894 = tpu.vector_load %arg6[%get3A_892, %get3A_893] {strides = array<i32>} : memref<64x256xf32, #tpu.memory_space<vmem>>, vector<16xf32>,
        tpu.vector_store_idx %arg8[%broadcast_in_dim3A_878, %add3A_54], %get3A_894 {add = true} : memref<64x256xf32, #tpu.memory_space<vmem>>[vector<16xi32>, vector<16xi32>], vector<16xf32>,
        %get3A_895 = arith.index_cast %add3A_882 : i32 to index
        %get3A_896 = arith.constant 64 : index
        %get3A_897 = tpu.vector_load %arg6[%get3A_895, %get3A_896] {strides = array<i32>} : memref<64x256xf32, #tpu.memory_space<vmem>>, vector<16xf32>,
        tpu.vector_store_idx %arg8[%broadcast_in_dim3A_878, %add3A_57], %get3A_897 {add = true} : memref<64x256xf32, #tpu.memory_space<vmem>>[vector<16xi32>, vector<16xi32>], vector<16xf32>,
        %get3A_898 = arith.index_cast %add3A_882 : i32 to index
        %get3A_899 = arith.constant 80 : index
        %get3A_900 = tpu.vector_load %arg6[%get3A_898, %get3A_899] {strides = array<i32>} : memref<64x256xf32, #tpu.memory_space<vmem>>, vector<16xf32>,
        tpu.vector_store_idx %arg8[%broadcast_in_dim3A_878, %add3A_60], %get3A_900 {add = true} : memref<64x256xf32, #tpu.memory_space<vmem>>[vector<16xi32>, vector<16xi32>], vector<16xf32>,
        %get3A_901 = arith.index_cast %add3A_882 : i32 to index
        %get3A_902 = arith.constant 96 : index
        %get3A_903 = tpu.vector_load %arg6[%get3A_901, %get3A_902] {strides = array<i32>} : memref<64x256xf32, #tpu.memory_space<vmem>>, vector<16xf32>,
        tpu.vector_store_idx %arg8[%broadcast_in_dim3A_878, %add3A_63], %get3A_903 {add = true} : memref<64x256xf32, #tpu.memory_space<vmem>>[vector<16xi32>, vector<16xi32>], vector<16xf32>,
        %get3A_904 = arith.index_cast %add3A_882 : i32 to index
        %get3A_905 = arith.constant 112 : index
        %get3A_906 = tpu.vector_load %arg6[%get3A_904, %get3A_905] {strides = array<i32>} : memref<64x256xf32, #tpu.memory_space<vmem>>, vector<16xf32>,
        tpu.vector_store_idx %arg8[%broadcast_in_dim3A_878, %add3A_66], %get3A_906 {add = true} : memref<64x256xf32, #tpu.memory_space<vmem>>[vector<16xi32>, vector<16xi32>], vector<16xf32>,
        %get3A_907 = arith.index_cast %add3A_882 : i32 to index
        %get3A_908 = arith.constant 128 : index
        %get3A_909 = tpu.vector_load %arg6[%get3A_907, %get3A_908] {strides = array<i32>} : memref<64x256xf32, #tpu.memory_space<vmem>>, vector<16xf32>,
        tpu.vector_store_idx %arg8[%broadcast_in_dim3A_878, %add3A_69], %get3A_909 {add = true} : memref<64x256xf32, #tpu.memory_space<vmem>>[vector<16xi32>, vector<16xi32>], vector<16xf32>,
        %get3A_910 = arith.index_cast %add3A_882 : i32 to index
        %get3A_911 = arith.constant 144 : index
        %get3A_912 = tpu.vector_load %arg6[%get3A_910, %get3A_911] {strides = array<i32>} : memref<64x256xf32, #tpu.memory_space<vmem>>, vector<16xf32>,
        tpu.vector_store_idx %arg8[%broadcast_in_dim3A_878, %add3A_72], %get3A_912 {add = true} : memref<64x256xf32, #tpu.memory_space<vmem>>[vector<16xi32>, vector<16xi32>], vector<16xf32>,
        %get3A_913 = arith.index_cast %add3A_882 : i32 to index
        %get3A_914 = arith.constant 160 : index
        %get3A_915 = tpu.vector_load %arg6[%get3A_913, %get3A_914] {strides = array<i32>} : memref<64x256xf32, #tpu.memory_space<vmem>>, vector<16xf32>,
        tpu.vector_store_idx %arg8[%broadcast_in_dim3A_878, %add3A_75], %get3A_915 {add = true} : memref<64x256xf32, #tpu.memory_space<vmem>>[vector<16xi32>, vector<16xi32>], vector<16xf32>,
        %get3A_916 = arith.index_cast %add3A_882 : i32 to index
        %get3A_917 = arith.constant 176 : index
        %get3A_918 = tpu.vector_load %arg6[%get3A_916, %get3A_917] {strides = array<i32>} : memref<64x256xf32, #tpu.memory_space<vmem>>, vector<16xf32>,
        tpu.vector_store_idx %arg8[%broadcast_in_dim3A_878, %add3A_78], %get3A_918 {add = true} : memref<64x256xf32, #tpu.memory_space<vmem>>[vector<16xi32>, vector<16xi32>], vector<16xf32>,
        %get3A_919 = arith.index_cast %add3A_882 : i32 to index
        %get3A_920 = arith.constant 192 : index
        %get3A_921 = tpu.vector_load %arg6[%get3A_919, %get3A_920] {strides = array<i32>} : memref<64x256xf32, #tpu.memory_space<vmem>>, vector<16xf32>,
        tpu.vector_store_idx %arg8[%broadcast_in_dim3A_878, %add3A_81], %get3A_921 {add = true} : memref<64x256xf32, #tpu.memory_space<vmem>>[vector<16xi32>, vector<16xi32>], vector<16xf32>,
        %get3A_922 = arith.index_cast %add3A_882 : i32 to index
        %get3A_923 = arith.constant 208 : index
        %get3A_924 = tpu.vector_load %arg6[%get3A_922, %get3A_923] {strides = array<i32>} : memref<64x256xf32, #tpu.memory_space<vmem>>, vector<16xf32>,
        tpu.vector_store_idx %arg8[%broadcast_in_dim3A_878, %add3A_84], %get3A_924 {add = true} : memref<64x256xf32, #tpu.memory_space<vmem>>[vector<16xi32>, vector<16xi32>], vector<16xf32>,
        %get3A_925 = arith.index_cast %add3A_882 : i32 to index
        %get3A_926 = arith.constant 224 : index
        %get3A_927 = tpu.vector_load %arg6[%get3A_925, %get3A_926] {strides = array<i32>} : memref<64x256xf32, #tpu.memory_space<vmem>>, vector<16xf32>,
        tpu.vector_store_idx %arg8[%broadcast_in_dim3A_878, %add3A_87], %get3A_927 {add = true} : memref<64x256xf32, #tpu.memory_space<vmem>>[vector<16xi32>, vector<16xi32>], vector<16xf32>,
        %get3A_928 = arith.index_cast %add3A_882 : i32 to index
        %get3A_929 = arith.constant 240 : index
        %get3A_930 = tpu.vector_load %arg6[%get3A_928, %get3A_929] {strides = array<i32>} : memref<64x256xf32, #tpu.memory_space<vmem>>, vector<16xf32>,
        tpu.vector_store_idx %arg8[%broadcast_in_dim3A_878, %add3A_90], %get3A_930 {add = true} : memref<64x256xf32, #tpu.memory_space<vmem>>[vector<16xi32>, vector<16xi32>], vector<16xf32>,
        %slice3A_931 = vector.extract_strided_slice %get3A_163 {offsets = [14], sizes = [1], strides = [1]} : vector<16xi32> to vector<1xi32>
        %squeeze3A_932 = vector.extract %slice3A_931[0] : i32 from vector<1xi32>
        %broadcast_in_dim3A_933 = vector.broadcast %squeeze3A_932 : i32 to vector<16xi32>
        %mul3A_934 = arith.constant 16 : i32
        %mul3A_935 = arith.muli %scan3A_158, %mul3A_934 : i32
        %add3A_936 = arith.constant 14 : i32
        %add3A_937 = arith.addi %mul3A_935, %add3A_936 : i32
        %get3A_938 = arith.index_cast %add3A_937 : i32 to index
        %get3A_939 = arith.constant 0 : index
        %get3A_940 = tpu.vector_load %arg6[%get3A_938, %get3A_939] {strides = array<i32>} : memref<64x256xf32, #tpu.memory_space<vmem>>, vector<16xf32>,
        tpu.vector_store_idx %arg8[%broadcast_in_dim3A_933, %add3A_45], %get3A_940 {add = true} : memref<64x256xf32, #tpu.memory_space<vmem>>[vector<16xi32>, vector<16xi32>], vector<16xf32>,
        %get3A_941 = arith.index_cast %add3A_937 : i32 to index
        %get3A_942 = arith.constant 16 : index
        %get3A_943 = tpu.vector_load %arg6[%get3A_941, %get3A_942] {strides = array<i32>} : memref<64x256xf32, #tpu.memory_space<vmem>>, vector<16xf32>,
        tpu.vector_store_idx %arg8[%broadcast_in_dim3A_933, %add3A_48], %get3A_943 {add = true} : memref<64x256xf32, #tpu.memory_space<vmem>>[vector<16xi32>, vector<16xi32>], vector<16xf32>,
        %get3A_944 = arith.index_cast %add3A_937 : i32 to index
        %get3A_945 = arith.constant 32 : index
        %get3A_946 = tpu.vector_load %arg6[%get3A_944, %get3A_945] {strides = array<i32>} : memref<64x256xf32, #tpu.memory_space<vmem>>, vector<16xf32>,
        tpu.vector_store_idx %arg8[%broadcast_in_dim3A_933, %add3A_51], %get3A_946 {add = true} : memref<64x256xf32, #tpu.memory_space<vmem>>[vector<16xi32>, vector<16xi32>], vector<16xf32>,
        %get3A_947 = arith.index_cast %add3A_937 : i32 to index
        %get3A_948 = arith.constant 48 : index
        %get3A_949 = tpu.vector_load %arg6[%get3A_947, %get3A_948] {strides = array<i32>} : memref<64x256xf32, #tpu.memory_space<vmem>>, vector<16xf32>,
        tpu.vector_store_idx %arg8[%broadcast_in_dim3A_933, %add3A_54], %get3A_949 {add = true} : memref<64x256xf32, #tpu.memory_space<vmem>>[vector<16xi32>, vector<16xi32>], vector<16xf32>,
        %get3A_950 = arith.index_cast %add3A_937 : i32 to index
        %get3A_951 = arith.constant 64 : index
        %get3A_952 = tpu.vector_load %arg6[%get3A_950, %get3A_951] {strides = array<i32>} : memref<64x256xf32, #tpu.memory_space<vmem>>, vector<16xf32>,
        tpu.vector_store_idx %arg8[%broadcast_in_dim3A_933, %add3A_57], %get3A_952 {add = true} : memref<64x256xf32, #tpu.memory_space<vmem>>[vector<16xi32>, vector<16xi32>], vector<16xf32>,
        %get3A_953 = arith.index_cast %add3A_937 : i32 to index
        %get3A_954 = arith.constant 80 : index
        %get3A_955 = tpu.vector_load %arg6[%get3A_953, %get3A_954] {strides = array<i32>} : memref<64x256xf32, #tpu.memory_space<vmem>>, vector<16xf32>,
        tpu.vector_store_idx %arg8[%broadcast_in_dim3A_933, %add3A_60], %get3A_955 {add = true} : memref<64x256xf32, #tpu.memory_space<vmem>>[vector<16xi32>, vector<16xi32>], vector<16xf32>,
        %get3A_956 = arith.index_cast %add3A_937 : i32 to index
        %get3A_957 = arith.constant 96 : index
        %get3A_958 = tpu.vector_load %arg6[%get3A_956, %get3A_957] {strides = array<i32>} : memref<64x256xf32, #tpu.memory_space<vmem>>, vector<16xf32>,
        tpu.vector_store_idx %arg8[%broadcast_in_dim3A_933, %add3A_63], %get3A_958 {add = true} : memref<64x256xf32, #tpu.memory_space<vmem>>[vector<16xi32>, vector<16xi32>], vector<16xf32>,
        %get3A_959 = arith.index_cast %add3A_937 : i32 to index
        %get3A_960 = arith.constant 112 : index
        %get3A_961 = tpu.vector_load %arg6[%get3A_959, %get3A_960] {strides = array<i32>} : memref<64x256xf32, #tpu.memory_space<vmem>>, vector<16xf32>,
        tpu.vector_store_idx %arg8[%broadcast_in_dim3A_933, %add3A_66], %get3A_961 {add = true} : memref<64x256xf32, #tpu.memory_space<vmem>>[vector<16xi32>, vector<16xi32>], vector<16xf32>,
        %get3A_962 = arith.index_cast %add3A_937 : i32 to index
        %get3A_963 = arith.constant 128 : index
        %get3A_964 = tpu.vector_load %arg6[%get3A_962, %get3A_963] {strides = array<i32>} : memref<64x256xf32, #tpu.memory_space<vmem>>, vector<16xf32>,
        tpu.vector_store_idx %arg8[%broadcast_in_dim3A_933, %add3A_69], %get3A_964 {add = true} : memref<64x256xf32, #tpu.memory_space<vmem>>[vector<16xi32>, vector<16xi32>], vector<16xf32>,
        %get3A_965 = arith.index_cast %add3A_937 : i32 to index
        %get3A_966 = arith.constant 144 : index
        %get3A_967 = tpu.vector_load %arg6[%get3A_965, %get3A_966] {strides = array<i32>} : memref<64x256xf32, #tpu.memory_space<vmem>>, vector<16xf32>,
        tpu.vector_store_idx %arg8[%broadcast_in_dim3A_933, %add3A_72], %get3A_967 {add = true} : memref<64x256xf32, #tpu.memory_space<vmem>>[vector<16xi32>, vector<16xi32>], vector<16xf32>,
        %get3A_968 = arith.index_cast %add3A_937 : i32 to index
        %get3A_969 = arith.constant 160 : index
        %get3A_970 = tpu.vector_load %arg6[%get3A_968, %get3A_969] {strides = array<i32>} : memref<64x256xf32, #tpu.memory_space<vmem>>, vector<16xf32>,
        tpu.vector_store_idx %arg8[%broadcast_in_dim3A_933, %add3A_75], %get3A_970 {add = true} : memref<64x256xf32, #tpu.memory_space<vmem>>[vector<16xi32>, vector<16xi32>], vector<16xf32>,
        %get3A_971 = arith.index_cast %add3A_937 : i32 to index
        %get3A_972 = arith.constant 176 : index
        %get3A_973 = tpu.vector_load %arg6[%get3A_971, %get3A_972] {strides = array<i32>} : memref<64x256xf32, #tpu.memory_space<vmem>>, vector<16xf32>,
        tpu.vector_store_idx %arg8[%broadcast_in_dim3A_933, %add3A_78], %get3A_973 {add = true} : memref<64x256xf32, #tpu.memory_space<vmem>>[vector<16xi32>, vector<16xi32>], vector<16xf32>,
        %get3A_974 = arith.index_cast %add3A_937 : i32 to index
        %get3A_975 = arith.constant 192 : index
        %get3A_976 = tpu.vector_load %arg6[%get3A_974, %get3A_975] {strides = array<i32>} : memref<64x256xf32, #tpu.memory_space<vmem>>, vector<16xf32>,
        tpu.vector_store_idx %arg8[%broadcast_in_dim3A_933, %add3A_81], %get3A_976 {add = true} : memref<64x256xf32, #tpu.memory_space<vmem>>[vector<16xi32>, vector<16xi32>], vector<16xf32>,
        %get3A_977 = arith.index_cast %add3A_937 : i32 to index
        %get3A_978 = arith.constant 208 : index
        %get3A_979 = tpu.vector_load %arg6[%get3A_977, %get3A_978] {strides = array<i32>} : memref<64x256xf32, #tpu.memory_space<vmem>>, vector<16xf32>,
        tpu.vector_store_idx %arg8[%broadcast_in_dim3A_933, %add3A_84], %get3A_979 {add = true} : memref<64x256xf32, #tpu.memory_space<vmem>>[vector<16xi32>, vector<16xi32>], vector<16xf32>,
        %get3A_980 = arith.index_cast %add3A_937 : i32 to index
        %get3A_981 = arith.constant 224 : index
        %get3A_982 = tpu.vector_load %arg6[%get3A_980, %get3A_981] {strides = array<i32>} : memref<64x256xf32, #tpu.memory_space<vmem>>, vector<16xf32>,
        tpu.vector_store_idx %arg8[%broadcast_in_dim3A_933, %add3A_87], %get3A_982 {add = true} : memref<64x256xf32, #tpu.memory_space<vmem>>[vector<16xi32>, vector<16xi32>], vector<16xf32>,
        %get3A_983 = arith.index_cast %add3A_937 : i32 to index
        %get3A_984 = arith.constant 240 : index
        %get3A_985 = tpu.vector_load %arg6[%get3A_983, %get3A_984] {strides = array<i32>} : memref<64x256xf32, #tpu.memory_space<vmem>>, vector<16xf32>,
        tpu.vector_store_idx %arg8[%broadcast_in_dim3A_933, %add3A_90], %get3A_985 {add = true} : memref<64x256xf32, #tpu.memory_space<vmem>>[vector<16xi32>, vector<16xi32>], vector<16xf32>,
        %slice3A_986 = vector.extract_strided_slice %get3A_163 {offsets = [15], sizes = [1], strides = [1]} : vector<16xi32> to vector<1xi32>
        %squeeze3A_987 = vector.extract %slice3A_986[0] : i32 from vector<1xi32>
        %broadcast_in_dim3A_988 = vector.broadcast %squeeze3A_987 : i32 to vector<16xi32>
        %mul3A_989 = arith.constant 16 : i32
        %mul3A_990 = arith.muli %scan3A_158, %mul3A_989 : i32
        %add3A_991 = arith.constant 15 : i32
        %add3A_992 = arith.addi %mul3A_990, %add3A_991 : i32
        %get3A_993 = arith.index_cast %add3A_992 : i32 to index
        %get3A_994 = arith.constant 0 : index
        %get3A_995 = tpu.vector_load %arg6[%get3A_993, %get3A_994] {strides = array<i32>} : memref<64x256xf32, #tpu.memory_space<vmem>>, vector<16xf32>,
        tpu.vector_store_idx %arg8[%broadcast_in_dim3A_988, %add3A_45], %get3A_995 {add = true} : memref<64x256xf32, #tpu.memory_space<vmem>>[vector<16xi32>, vector<16xi32>], vector<16xf32>,
        %get3A_996 = arith.index_cast %add3A_992 : i32 to index
        %get3A_997 = arith.constant 16 : index
        %get3A_998 = tpu.vector_load %arg6[%get3A_996, %get3A_997] {strides = array<i32>} : memref<64x256xf32, #tpu.memory_space<vmem>>, vector<16xf32>,
        tpu.vector_store_idx %arg8[%broadcast_in_dim3A_988, %add3A_48], %get3A_998 {add = true} : memref<64x256xf32, #tpu.memory_space<vmem>>[vector<16xi32>, vector<16xi32>], vector<16xf32>,
        %get3A_999 = arith.index_cast %add3A_992 : i32 to index
        %get3A_1000 = arith.constant 32 : index
        %get3A_1001 = tpu.vector_load %arg6[%get3A_999, %get3A_1000] {strides = array<i32>} : memref<64x256xf32, #tpu.memory_space<vmem>>, vector<16xf32>,
        tpu.vector_store_idx %arg8[%broadcast_in_dim3A_988, %add3A_51], %get3A_1001 {add = true} : memref<64x256xf32, #tpu.memory_space<vmem>>[vector<16xi32>, vector<16xi32>], vector<16xf32>,
        %get3A_1002 = arith.index_cast %add3A_992 : i32 to index
        %get3A_1003 = arith.constant 48 : index
        %get3A_1004 = tpu.vector_load %arg6[%get3A_1002, %get3A_1003] {strides = array<i32>} : memref<64x256xf32, #tpu.memory_space<vmem>>, vector<16xf32>,
        tpu.vector_store_idx %arg8[%broadcast_in_dim3A_988, %add3A_54], %get3A_1004 {add = true} : memref<64x256xf32, #tpu.memory_space<vmem>>[vector<16xi32>, vector<16xi32>], vector<16xf32>,
        %get3A_1005 = arith.index_cast %add3A_992 : i32 to index
        %get3A_1006 = arith.constant 64 : index
        %get3A_1007 = tpu.vector_load %arg6[%get3A_1005, %get3A_1006] {strides = array<i32>} : memref<64x256xf32, #tpu.memory_space<vmem>>, vector<16xf32>,
        tpu.vector_store_idx %arg8[%broadcast_in_dim3A_988, %add3A_57], %get3A_1007 {add = true} : memref<64x256xf32, #tpu.memory_space<vmem>>[vector<16xi32>, vector<16xi32>], vector<16xf32>,
        %get3A_1008 = arith.index_cast %add3A_992 : i32 to index
        %get3A_1009 = arith.constant 80 : index
        %get3A_1010 = tpu.vector_load %arg6[%get3A_1008, %get3A_1009] {strides = array<i32>} : memref<64x256xf32, #tpu.memory_space<vmem>>, vector<16xf32>,
        tpu.vector_store_idx %arg8[%broadcast_in_dim3A_988, %add3A_60], %get3A_1010 {add = true} : memref<64x256xf32, #tpu.memory_space<vmem>>[vector<16xi32>, vector<16xi32>], vector<16xf32>,
        %get3A_1011 = arith.index_cast %add3A_992 : i32 to index
        %get3A_1012 = arith.constant 96 : index
        %get3A_1013 = tpu.vector_load %arg6[%get3A_1011, %get3A_1012] {strides = array<i32>} : memref<64x256xf32, #tpu.memory_space<vmem>>, vector<16xf32>,
        tpu.vector_store_idx %arg8[%broadcast_in_dim3A_988, %add3A_63], %get3A_1013 {add = true} : memref<64x256xf32, #tpu.memory_space<vmem>>[vector<16xi32>, vector<16xi32>], vector<16xf32>,
        %get3A_1014 = arith.index_cast %add3A_992 : i32 to index
        %get3A_1015 = arith.constant 112 : index
        %get3A_1016 = tpu.vector_load %arg6[%get3A_1014, %get3A_1015] {strides = array<i32>} : memref<64x256xf32, #tpu.memory_space<vmem>>, vector<16xf32>,
        tpu.vector_store_idx %arg8[%broadcast_in_dim3A_988, %add3A_66], %get3A_1016 {add = true} : memref<64x256xf32, #tpu.memory_space<vmem>>[vector<16xi32>, vector<16xi32>], vector<16xf32>,
        %get3A_1017 = arith.index_cast %add3A_992 : i32 to index
        %get3A_1018 = arith.constant 128 : index
        %get3A_1019 = tpu.vector_load %arg6[%get3A_1017, %get3A_1018] {strides = array<i32>} : memref<64x256xf32, #tpu.memory_space<vmem>>, vector<16xf32>,
        tpu.vector_store_idx %arg8[%broadcast_in_dim3A_988, %add3A_69], %get3A_1019 {add = true} : memref<64x256xf32, #tpu.memory_space<vmem>>[vector<16xi32>, vector<16xi32>], vector<16xf32>,
        %get3A_1020 = arith.index_cast %add3A_992 : i32 to index
        %get3A_1021 = arith.constant 144 : index
        %get3A_1022 = tpu.vector_load %arg6[%get3A_1020, %get3A_1021] {strides = array<i32>} : memref<64x256xf32, #tpu.memory_space<vmem>>, vector<16xf32>,
        tpu.vector_store_idx %arg8[%broadcast_in_dim3A_988, %add3A_72], %get3A_1022 {add = true} : memref<64x256xf32, #tpu.memory_space<vmem>>[vector<16xi32>, vector<16xi32>], vector<16xf32>,
        %get3A_1023 = arith.index_cast %add3A_992 : i32 to index
        %get3A_1024 = arith.constant 160 : index
        %get3A_1025 = tpu.vector_load %arg6[%get3A_1023, %get3A_1024] {strides = array<i32>} : memref<64x256xf32, #tpu.memory_space<vmem>>, vector<16xf32>,
        tpu.vector_store_idx %arg8[%broadcast_in_dim3A_988, %add3A_75], %get3A_1025 {add = true} : memref<64x256xf32, #tpu.memory_space<vmem>>[vector<16xi32>, vector<16xi32>], vector<16xf32>,
        %get3A_1026 = arith.index_cast %add3A_992 : i32 to index
        %get3A_1027 = arith.constant 176 : index
        %get3A_1028 = tpu.vector_load %arg6[%get3A_1026, %get3A_1027] {strides = array<i32>} : memref<64x256xf32, #tpu.memory_space<vmem>>, vector<16xf32>,
        tpu.vector_store_idx %arg8[%broadcast_in_dim3A_988, %add3A_78], %get3A_1028 {add = true} : memref<64x256xf32, #tpu.memory_space<vmem>>[vector<16xi32>, vector<16xi32>], vector<16xf32>,
        %get3A_1029 = arith.index_cast %add3A_992 : i32 to index
        %get3A_1030 = arith.constant 192 : index
        %get3A_1031 = tpu.vector_load %arg6[%get3A_1029, %get3A_1030] {strides = array<i32>} : memref<64x256xf32, #tpu.memory_space<vmem>>, vector<16xf32>,
        tpu.vector_store_idx %arg8[%broadcast_in_dim3A_988, %add3A_81], %get3A_1031 {add = true} : memref<64x256xf32, #tpu.memory_space<vmem>>[vector<16xi32>, vector<16xi32>], vector<16xf32>,
        %get3A_1032 = arith.index_cast %add3A_992 : i32 to index
        %get3A_1033 = arith.constant 208 : index
        %get3A_1034 = tpu.vector_load %arg6[%get3A_1032, %get3A_1033] {strides = array<i32>} : memref<64x256xf32, #tpu.memory_space<vmem>>, vector<16xf32>,
        tpu.vector_store_idx %arg8[%broadcast_in_dim3A_988, %add3A_84], %get3A_1034 {add = true} : memref<64x256xf32, #tpu.memory_space<vmem>>[vector<16xi32>, vector<16xi32>], vector<16xf32>,
        %get3A_1035 = arith.index_cast %add3A_992 : i32 to index
        %get3A_1036 = arith.constant 224 : index
        %get3A_1037 = tpu.vector_load %arg6[%get3A_1035, %get3A_1036] {strides = array<i32>} : memref<64x256xf32, #tpu.memory_space<vmem>>, vector<16xf32>,
        tpu.vector_store_idx %arg8[%broadcast_in_dim3A_988, %add3A_87], %get3A_1037 {add = true} : memref<64x256xf32, #tpu.memory_space<vmem>>[vector<16xi32>, vector<16xi32>], vector<16xf32>,
        %get3A_1038 = arith.index_cast %add3A_992 : i32 to index
        %get3A_1039 = arith.constant 240 : index
        %get3A_1040 = tpu.vector_load %arg6[%get3A_1038, %get3A_1039] {strides = array<i32>} : memref<64x256xf32, #tpu.memory_space<vmem>>, vector<16xf32>,
        tpu.vector_store_idx %arg8[%broadcast_in_dim3A_988, %add3A_90], %get3A_1040 {add = true} : memref<64x256xf32, #tpu.memory_space<vmem>>[vector<16xi32>, vector<16xi32>], vector<16xf32>,
        %scan3A_1041 = arith.constant 0 : i32
        scf.yield %scan3A_1041 : i32
      }
      %scan3A_122 = arith.constant 4 : i32
      %mul3A_123 = arith.constant 2 : i32
      %mul3A_124 = arith.muli %mul3A_123, %scan3A_110 : i32
      %add3A_125 = arith.constant 2 : i32
      %add3A_126 = arith.addi %mul3A_124, %add3A_125 : i32
      %min3A = arith.constant 30 : i32
      %min3A_127 = arith.minsi %add3A_126, %min3A : i32
      %mul3A_128 = arith.constant 64 : i32
      %mul3A_129 = arith.muli %min3A_127, %mul3A_128 : i32
      %add3A_130 = arith.addi %mul3A_34, %mul3A_129 : i32
      %dma_start3A_131 = tpu.memref_slice %arg2[%add3A_130, %mul3A_32] : memref<32768x512xf32, #tpu.memory_space<hbm>> -> memref<64x256xf32, #tpu.memory_space<hbm>>
      %dma_start3A_132 = tpu.memref_slice %arg2[%add3A_130, %mul3A_32] : memref<32768x512xf32, #tpu.memory_space<hbm>> -> memref<64x256xf32, #tpu.memory_space<hbm>>
      tpu.enqueue_dma source(%dma_start3A_132 : memref<64x256xf32, #tpu.memory_space<hbm>>) target(%arg6 : memref<64x256xf32, #tpu.memory_space<vmem>>) target_semaphore(%arg9 : memref<!tpu.dma_semaphore, #tpu.memory_space<semaphore_mem>>)
      %dma_wait3A_133 = tpu.memref_slice %arg2[%mul3A_34, %mul3A_32] : memref<32768x512xf32, #tpu.memory_space<hbm>> -> memref<64x256xf32, #tpu.memory_space<hbm>>
      %dma_wait3A_134 = tpu.memref_slice %arg2[%mul3A_34, %mul3A_32] : memref<32768x512xf32, #tpu.memory_space<hbm>> -> memref<64x256xf32, #tpu.memory_space<hbm>>
      tpu.wait_dma2 semaphore(%arg10 : memref<!tpu.dma_semaphore, #tpu.memory_space<semaphore_mem>>) src(%dma_wait3A_134 : memref<64x256xf32, #tpu.memory_space<hbm>>) dst(%arg7 : memref<64x256xf32, #tpu.memory_space<vmem>>)
      %mul3A_135 = arith.constant 2 : i32
      %mul3A_136 = arith.muli %mul3A_135, %scan3A_110 : i32
      %add3A_137 = arith.constant 1 : i32
      %add3A_138 = arith.addi %mul3A_136, %add3A_137 : i32
      %scan3A_139 = arith.constant 0 : i32
      %scan3A_140 = arith.constant 0 : i32
      %scan3A_141 = arith.constant 4 : i32
      %scan3A_142 = arith.addi %scan3A_140, %scan3A_141 : i32
      %scan3A_143 = arith.constant 1 : i32
      %scan3A_144 = scf.for %scan3A_158 = %scan3A_140 to %scan3A_142 step %scan3A_143 iter_args(%scan3A_159 = %scan3A_139) -> (i32)  : i32 {
        %mul3A_160 = arith.constant 16 : i32
        %mul3A_161 = arith.muli %scan3A_158, %mul3A_160 : i32
        %get3A = arith.index_cast %add3A_138 : i32 to index
        %get3A_162 = arith.index_cast %mul3A_161 : i32 to index
        %get3A_163 = tpu.vector_load %arg5[%get3A, %get3A_162] {strides = array<i32>} : memref<32x64xi32, #tpu.memory_space<vmem>>, vector<16xi32>,
        %slice3A = vector.extract_strided_slice %get3A_163 {offsets = [0], sizes = [1], strides = [1]} : vector<16xi32> to vector<1xi32>
        %squeeze3A = vector.extract %slice3A[0] : i32 from vector<1xi32>
        %broadcast_in_dim3A = vector.broadcast %squeeze3A : i32 to vector<16xi32>
        %mul3A_164 = arith.constant 16 : i32
        %mul3A_165 = arith.muli %scan3A_158, %mul3A_164 : i32
        %add3A_166 = arith.constant 0 : i32
        %add3A_167 = arith.addi %mul3A_165, %add3A_166 : i32
        %get3A_168 = arith.index_cast %add3A_167 : i32 to index
        %get3A_169 = arith.constant 0 : index
        %get3A_170 = tpu.vector_load %arg7[%get3A_168, %get3A_169] {strides = array<i32>} : memref<64x256xf32, #tpu.memory_space<vmem>>, vector<16xf32>,
        tpu.vector_store_idx %arg8[%broadcast_in_dim3A, %add3A_45], %get3A_170 {add = true} : memref<64x256xf32, #tpu.memory_space<vmem>>[vector<16xi32>, vector<16xi32>], vector<16xf32>,
        %get3A_171 = arith.index_cast %add3A_167 : i32 to index
        %get3A_172 = arith.constant 16 : index
        %get3A_173 = tpu.vector_load %arg7[%get3A_171, %get3A_172] {strides = array<i32>} : memref<64x256xf32, #tpu.memory_space<vmem>>, vector<16xf32>,
        tpu.vector_store_idx %arg8[%broadcast_in_dim3A, %add3A_48], %get3A_173 {add = true} : memref<64x256xf32, #tpu.memory_space<vmem>>[vector<16xi32>, vector<16xi32>], vector<16xf32>,
        %get3A_174 = arith.index_cast %add3A_167 : i32 to index
        %get3A_175 = arith.constant 32 : index
        %get3A_176 = tpu.vector_load %arg7[%get3A_174, %get3A_175] {strides = array<i32>} : memref<64x256xf32, #tpu.memory_space<vmem>>, vector<16xf32>,
        tpu.vector_store_idx %arg8[%broadcast_in_dim3A, %add3A_51], %get3A_176 {add = true} : memref<64x256xf32, #tpu.memory_space<vmem>>[vector<16xi32>, vector<16xi32>], vector<16xf32>,
        %get3A_177 = arith.index_cast %add3A_167 : i32 to index
        %get3A_178 = arith.constant 48 : index
        %get3A_179 = tpu.vector_load %arg7[%get3A_177, %get3A_178] {strides = array<i32>} : memref<64x256xf32, #tpu.memory_space<vmem>>, vector<16xf32>,
        tpu.vector_store_idx %arg8[%broadcast_in_dim3A, %add3A_54], %get3A_179 {add = true} : memref<64x256xf32, #tpu.memory_space<vmem>>[vector<16xi32>, vector<16xi32>], vector<16xf32>,
        %get3A_180 = arith.index_cast %add3A_167 : i32 to index
        %get3A_181 = arith.constant 64 : index
        %get3A_182 = tpu.vector_load %arg7[%get3A_180, %get3A_181] {strides = array<i32>} : memref<64x256xf32, #tpu.memory_space<vmem>>, vector<16xf32>,
        tpu.vector_store_idx %arg8[%broadcast_in_dim3A, %add3A_57], %get3A_182 {add = true} : memref<64x256xf32, #tpu.memory_space<vmem>>[vector<16xi32>, vector<16xi32>], vector<16xf32>,
        %get3A_183 = arith.index_cast %add3A_167 : i32 to index
        %get3A_184 = arith.constant 80 : index
        %get3A_185 = tpu.vector_load %arg7[%get3A_183, %get3A_184] {strides = array<i32>} : memref<64x256xf32, #tpu.memory_space<vmem>>, vector<16xf32>,
        tpu.vector_store_idx %arg8[%broadcast_in_dim3A, %add3A_60], %get3A_185 {add = true} : memref<64x256xf32, #tpu.memory_space<vmem>>[vector<16xi32>, vector<16xi32>], vector<16xf32>,
        %get3A_186 = arith.index_cast %add3A_167 : i32 to index
        %get3A_187 = arith.constant 96 : index
        %get3A_188 = tpu.vector_load %arg7[%get3A_186, %get3A_187] {strides = array<i32>} : memref<64x256xf32, #tpu.memory_space<vmem>>, vector<16xf32>,
        tpu.vector_store_idx %arg8[%broadcast_in_dim3A, %add3A_63], %get3A_188 {add = true} : memref<64x256xf32, #tpu.memory_space<vmem>>[vector<16xi32>, vector<16xi32>], vector<16xf32>,
        %get3A_189 = arith.index_cast %add3A_167 : i32 to index
        %get3A_190 = arith.constant 112 : index
        %get3A_191 = tpu.vector_load %arg7[%get3A_189, %get3A_190] {strides = array<i32>} : memref<64x256xf32, #tpu.memory_space<vmem>>, vector<16xf32>,
        tpu.vector_store_idx %arg8[%broadcast_in_dim3A, %add3A_66], %get3A_191 {add = true} : memref<64x256xf32, #tpu.memory_space<vmem>>[vector<16xi32>, vector<16xi32>], vector<16xf32>,
        %get3A_192 = arith.index_cast %add3A_167 : i32 to index
        %get3A_193 = arith.constant 128 : index
        %get3A_194 = tpu.vector_load %arg7[%get3A_192, %get3A_193] {strides = array<i32>} : memref<64x256xf32, #tpu.memory_space<vmem>>, vector<16xf32>,
        tpu.vector_store_idx %arg8[%broadcast_in_dim3A, %add3A_69], %get3A_194 {add = true} : memref<64x256xf32, #tpu.memory_space<vmem>>[vector<16xi32>, vector<16xi32>], vector<16xf32>,
        %get3A_195 = arith.index_cast %add3A_167 : i32 to index
        %get3A_196 = arith.constant 144 : index
        %get3A_197 = tpu.vector_load %arg7[%get3A_195, %get3A_196] {strides = array<i32>} : memref<64x256xf32, #tpu.memory_space<vmem>>, vector<16xf32>,
        tpu.vector_store_idx %arg8[%broadcast_in_dim3A, %add3A_72], %get3A_197 {add = true} : memref<64x256xf32, #tpu.memory_space<vmem>>[vector<16xi32>, vector<16xi32>], vector<16xf32>,
        %get3A_198 = arith.index_cast %add3A_167 : i32 to index
        %get3A_199 = arith.constant 160 : index
        %get3A_200 = tpu.vector_load %arg7[%get3A_198, %get3A_199] {strides = array<i32>} : memref<64x256xf32, #tpu.memory_space<vmem>>, vector<16xf32>,
        tpu.vector_store_idx %arg8[%broadcast_in_dim3A, %add3A_75], %get3A_200 {add = true} : memref<64x256xf32, #tpu.memory_space<vmem>>[vector<16xi32>, vector<16xi32>], vector<16xf32>,
        %get3A_201 = arith.index_cast %add3A_167 : i32 to index
        %get3A_202 = arith.constant 176 : index
        %get3A_203 = tpu.vector_load %arg7[%get3A_201, %get3A_202] {strides = array<i32>} : memref<64x256xf32, #tpu.memory_space<vmem>>, vector<16xf32>,
        tpu.vector_store_idx %arg8[%broadcast_in_dim3A, %add3A_78], %get3A_203 {add = true} : memref<64x256xf32, #tpu.memory_space<vmem>>[vector<16xi32>, vector<16xi32>], vector<16xf32>,
        %get3A_204 = arith.index_cast %add3A_167 : i32 to index
        %get3A_205 = arith.constant 192 : index
        %get3A_206 = tpu.vector_load %arg7[%get3A_204, %get3A_205] {strides = array<i32>} : memref<64x256xf32, #tpu.memory_space<vmem>>, vector<16xf32>,
        tpu.vector_store_idx %arg8[%broadcast_in_dim3A, %add3A_81], %get3A_206 {add = true} : memref<64x256xf32, #tpu.memory_space<vmem>>[vector<16xi32>, vector<16xi32>], vector<16xf32>,
        %get3A_207 = arith.index_cast %add3A_167 : i32 to index
        %get3A_208 = arith.constant 208 : index
        %get3A_209 = tpu.vector_load %arg7[%get3A_207, %get3A_208] {strides = array<i32>} : memref<64x256xf32, #tpu.memory_space<vmem>>, vector<16xf32>,
        tpu.vector_store_idx %arg8[%broadcast_in_dim3A, %add3A_84], %get3A_209 {add = true} : memref<64x256xf32, #tpu.memory_space<vmem>>[vector<16xi32>, vector<16xi32>], vector<16xf32>,
        %get3A_210 = arith.index_cast %add3A_167 : i32 to index
        %get3A_211 = arith.constant 224 : index
        %get3A_212 = tpu.vector_load %arg7[%get3A_210, %get3A_211] {strides = array<i32>} : memref<64x256xf32, #tpu.memory_space<vmem>>, vector<16xf32>,
        tpu.vector_store_idx %arg8[%broadcast_in_dim3A, %add3A_87], %get3A_212 {add = true} : memref<64x256xf32, #tpu.memory_space<vmem>>[vector<16xi32>, vector<16xi32>], vector<16xf32>,
        %get3A_213 = arith.index_cast %add3A_167 : i32 to index
        %get3A_214 = arith.constant 240 : index
        %get3A_215 = tpu.vector_load %arg7[%get3A_213, %get3A_214] {strides = array<i32>} : memref<64x256xf32, #tpu.memory_space<vmem>>, vector<16xf32>,
        tpu.vector_store_idx %arg8[%broadcast_in_dim3A, %add3A_90], %get3A_215 {add = true} : memref<64x256xf32, #tpu.memory_space<vmem>>[vector<16xi32>, vector<16xi32>], vector<16xf32>,
        %slice3A_216 = vector.extract_strided_slice %get3A_163 {offsets = [1], sizes = [1], strides = [1]} : vector<16xi32> to vector<1xi32>
        %squeeze3A_217 = vector.extract %slice3A_216[0] : i32 from vector<1xi32>
        %broadcast_in_dim3A_218 = vector.broadcast %squeeze3A_217 : i32 to vector<16xi32>
        %mul3A_219 = arith.constant 16 : i32
        %mul3A_220 = arith.muli %scan3A_158, %mul3A_219 : i32
        %add3A_221 = arith.constant 1 : i32
        %add3A_222 = arith.addi %mul3A_220, %add3A_221 : i32
        %get3A_223 = arith.index_cast %add3A_222 : i32 to index
        %get3A_224 = arith.constant 0 : index
        %get3A_225 = tpu.vector_load %arg7[%get3A_223, %get3A_224] {strides = array<i32>} : memref<64x256xf32, #tpu.memory_space<vmem>>, vector<16xf32>,
        tpu.vector_store_idx %arg8[%broadcast_in_dim3A_218, %add3A_45], %get3A_225 {add = true} : memref<64x256xf32, #tpu.memory_space<vmem>>[vector<16xi32>, vector<16xi32>], vector<16xf32>,
        %get3A_226 = arith.index_cast %add3A_222 : i32 to index
        %get3A_227 = arith.constant 16 : index
        %get3A_228 = tpu.vector_load %arg7[%get3A_226, %get3A_227] {strides = array<i32>} : memref<64x256xf32, #tpu.memory_space<vmem>>, vector<16xf32>,
        tpu.vector_store_idx %arg8[%broadcast_in_dim3A_218, %add3A_48], %get3A_228 {add = true} : memref<64x256xf32, #tpu.memory_space<vmem>>[vector<16xi32>, vector<16xi32>], vector<16xf32>,
        %get3A_229 = arith.index_cast %add3A_222 : i32 to index
        %get3A_230 = arith.constant 32 : index
        %get3A_231 = tpu.vector_load %arg7[%get3A_229, %get3A_230] {strides = array<i32>} : memref<64x256xf32, #tpu.memory_space<vmem>>, vector<16xf32>,
        tpu.vector_store_idx %arg8[%broadcast_in_dim3A_218, %add3A_51], %get3A_231 {add = true} : memref<64x256xf32, #tpu.memory_space<vmem>>[vector<16xi32>, vector<16xi32>], vector<16xf32>,
        %get3A_232 = arith.index_cast %add3A_222 : i32 to index
        %get3A_233 = arith.constant 48 : index
        %get3A_234 = tpu.vector_load %arg7[%get3A_232, %get3A_233] {strides = array<i32>} : memref<64x256xf32, #tpu.memory_space<vmem>>, vector<16xf32>,
        tpu.vector_store_idx %arg8[%broadcast_in_dim3A_218, %add3A_54], %get3A_234 {add = true} : memref<64x256xf32, #tpu.memory_space<vmem>>[vector<16xi32>, vector<16xi32>], vector<16xf32>,
        %get3A_235 = arith.index_cast %add3A_222 : i32 to index
        %get3A_236 = arith.constant 64 : index
        %get3A_237 = tpu.vector_load %arg7[%get3A_235, %get3A_236] {strides = array<i32>} : memref<64x256xf32, #tpu.memory_space<vmem>>, vector<16xf32>,
        tpu.vector_store_idx %arg8[%broadcast_in_dim3A_218, %add3A_57], %get3A_237 {add = true} : memref<64x256xf32, #tpu.memory_space<vmem>>[vector<16xi32>, vector<16xi32>], vector<16xf32>,
        %get3A_238 = arith.index_cast %add3A_222 : i32 to index
        %get3A_239 = arith.constant 80 : index
        %get3A_240 = tpu.vector_load %arg7[%get3A_238, %get3A_239] {strides = array<i32>} : memref<64x256xf32, #tpu.memory_space<vmem>>, vector<16xf32>,
        tpu.vector_store_idx %arg8[%broadcast_in_dim3A_218, %add3A_60], %get3A_240 {add = true} : memref<64x256xf32, #tpu.memory_space<vmem>>[vector<16xi32>, vector<16xi32>], vector<16xf32>,
        %get3A_241 = arith.index_cast %add3A_222 : i32 to index
        %get3A_242 = arith.constant 96 : index
        %get3A_243 = tpu.vector_load %arg7[%get3A_241, %get3A_242] {strides = array<i32>} : memref<64x256xf32, #tpu.memory_space<vmem>>, vector<16xf32>,
        tpu.vector_store_idx %arg8[%broadcast_in_dim3A_218, %add3A_63], %get3A_243 {add = true} : memref<64x256xf32, #tpu.memory_space<vmem>>[vector<16xi32>, vector<16xi32>], vector<16xf32>,
        %get3A_244 = arith.index_cast %add3A_222 : i32 to index
        %get3A_245 = arith.constant 112 : index
        %get3A_246 = tpu.vector_load %arg7[%get3A_244, %get3A_245] {strides = array<i32>} : memref<64x256xf32, #tpu.memory_space<vmem>>, vector<16xf32>,
        tpu.vector_store_idx %arg8[%broadcast_in_dim3A_218, %add3A_66], %get3A_246 {add = true} : memref<64x256xf32, #tpu.memory_space<vmem>>[vector<16xi32>, vector<16xi32>], vector<16xf32>,
        %get3A_247 = arith.index_cast %add3A_222 : i32 to index
        %get3A_248 = arith.constant 128 : index
        %get3A_249 = tpu.vector_load %arg7[%get3A_247, %get3A_248] {strides = array<i32>} : memref<64x256xf32, #tpu.memory_space<vmem>>, vector<16xf32>,
        tpu.vector_store_idx %arg8[%broadcast_in_dim3A_218, %add3A_69], %get3A_249 {add = true} : memref<64x256xf32, #tpu.memory_space<vmem>>[vector<16xi32>, vector<16xi32>], vector<16xf32>,
        %get3A_250 = arith.index_cast %add3A_222 : i32 to index
        %get3A_251 = arith.constant 144 : index
        %get3A_252 = tpu.vector_load %arg7[%get3A_250, %get3A_251] {strides = array<i32>} : memref<64x256xf32, #tpu.memory_space<vmem>>, vector<16xf32>,
        tpu.vector_store_idx %arg8[%broadcast_in_dim3A_218, %add3A_72], %get3A_252 {add = true} : memref<64x256xf32, #tpu.memory_space<vmem>>[vector<16xi32>, vector<16xi32>], vector<16xf32>,
        %get3A_253 = arith.index_cast %add3A_222 : i32 to index
        %get3A_254 = arith.constant 160 : index
        %get3A_255 = tpu.vector_load %arg7[%get3A_253, %get3A_254] {strides = array<i32>} : memref<64x256xf32, #tpu.memory_space<vmem>>, vector<16xf32>,
        tpu.vector_store_idx %arg8[%broadcast_in_dim3A_218, %add3A_75], %get3A_255 {add = true} : memref<64x256xf32, #tpu.memory_space<vmem>>[vector<16xi32>, vector<16xi32>], vector<16xf32>,
        %get3A_256 = arith.index_cast %add3A_222 : i32 to index
        %get3A_257 = arith.constant 176 : index
        %get3A_258 = tpu.vector_load %arg7[%get3A_256, %get3A_257] {strides = array<i32>} : memref<64x256xf32, #tpu.memory_space<vmem>>, vector<16xf32>,
        tpu.vector_store_idx %arg8[%broadcast_in_dim3A_218, %add3A_78], %get3A_258 {add = true} : memref<64x256xf32, #tpu.memory_space<vmem>>[vector<16xi32>, vector<16xi32>], vector<16xf32>,
        %get3A_259 = arith.index_cast %add3A_222 : i32 to index
        %get3A_260 = arith.constant 192 : index
        %get3A_261 = tpu.vector_load %arg7[%get3A_259, %get3A_260] {strides = array<i32>} : memref<64x256xf32, #tpu.memory_space<vmem>>, vector<16xf32>,
        tpu.vector_store_idx %arg8[%broadcast_in_dim3A_218, %add3A_81], %get3A_261 {add = true} : memref<64x256xf32, #tpu.memory_space<vmem>>[vector<16xi32>, vector<16xi32>], vector<16xf32>,
        %get3A_262 = arith.index_cast %add3A_222 : i32 to index
        %get3A_263 = arith.constant 208 : index
        %get3A_264 = tpu.vector_load %arg7[%get3A_262, %get3A_263] {strides = array<i32>} : memref<64x256xf32, #tpu.memory_space<vmem>>, vector<16xf32>,
        tpu.vector_store_idx %arg8[%broadcast_in_dim3A_218, %add3A_84], %get3A_264 {add = true} : memref<64x256xf32, #tpu.memory_space<vmem>>[vector<16xi32>, vector<16xi32>], vector<16xf32>,
        %get3A_265 = arith.index_cast %add3A_222 : i32 to index
        %get3A_266 = arith.constant 224 : index
        %get3A_267 = tpu.vector_load %arg7[%get3A_265, %get3A_266] {strides = array<i32>} : memref<64x256xf32, #tpu.memory_space<vmem>>, vector<16xf32>,
        tpu.vector_store_idx %arg8[%broadcast_in_dim3A_218, %add3A_87], %get3A_267 {add = true} : memref<64x256xf32, #tpu.memory_space<vmem>>[vector<16xi32>, vector<16xi32>], vector<16xf32>,
        %get3A_268 = arith.index_cast %add3A_222 : i32 to index
        %get3A_269 = arith.constant 240 : index
        %get3A_270 = tpu.vector_load %arg7[%get3A_268, %get3A_269] {strides = array<i32>} : memref<64x256xf32, #tpu.memory_space<vmem>>, vector<16xf32>,
        tpu.vector_store_idx %arg8[%broadcast_in_dim3A_218, %add3A_90], %get3A_270 {add = true} : memref<64x256xf32, #tpu.memory_space<vmem>>[vector<16xi32>, vector<16xi32>], vector<16xf32>,
        %slice3A_271 = vector.extract_strided_slice %get3A_163 {offsets = [2], sizes = [1], strides = [1]} : vector<16xi32> to vector<1xi32>
        %squeeze3A_272 = vector.extract %slice3A_271[0] : i32 from vector<1xi32>
        %broadcast_in_dim3A_273 = vector.broadcast %squeeze3A_272 : i32 to vector<16xi32>
        %mul3A_274 = arith.constant 16 : i32
        %mul3A_275 = arith.muli %scan3A_158, %mul3A_274 : i32
        %add3A_276 = arith.constant 2 : i32
        %add3A_277 = arith.addi %mul3A_275, %add3A_276 : i32
        %get3A_278 = arith.index_cast %add3A_277 : i32 to index
        %get3A_279 = arith.constant 0 : index
        %get3A_280 = tpu.vector_load %arg7[%get3A_278, %get3A_279] {strides = array<i32>} : memref<64x256xf32, #tpu.memory_space<vmem>>, vector<16xf32>,
        tpu.vector_store_idx %arg8[%broadcast_in_dim3A_273, %add3A_45], %get3A_280 {add = true} : memref<64x256xf32, #tpu.memory_space<vmem>>[vector<16xi32>, vector<16xi32>], vector<16xf32>,
        %get3A_281 = arith.index_cast %add3A_277 : i32 to index
        %get3A_282 = arith.constant 16 : index
        %get3A_283 = tpu.vector_load %arg7[%get3A_281, %get3A_282] {strides = array<i32>} : memref<64x256xf32, #tpu.memory_space<vmem>>, vector<16xf32>,
        tpu.vector_store_idx %arg8[%broadcast_in_dim3A_273, %add3A_48], %get3A_283 {add = true} : memref<64x256xf32, #tpu.memory_space<vmem>>[vector<16xi32>, vector<16xi32>], vector<16xf32>,
        %get3A_284 = arith.index_cast %add3A_277 : i32 to index
        %get3A_285 = arith.constant 32 : index
        %get3A_286 = tpu.vector_load %arg7[%get3A_284, %get3A_285] {strides = array<i32>} : memref<64x256xf32, #tpu.memory_space<vmem>>, vector<16xf32>,
        tpu.vector_store_idx %arg8[%broadcast_in_dim3A_273, %add3A_51], %get3A_286 {add = true} : memref<64x256xf32, #tpu.memory_space<vmem>>[vector<16xi32>, vector<16xi32>], vector<16xf32>,
        %get3A_287 = arith.index_cast %add3A_277 : i32 to index
        %get3A_288 = arith.constant 48 : index
        %get3A_289 = tpu.vector_load %arg7[%get3A_287, %get3A_288] {strides = array<i32>} : memref<64x256xf32, #tpu.memory_space<vmem>>, vector<16xf32>,
        tpu.vector_store_idx %arg8[%broadcast_in_dim3A_273, %add3A_54], %get3A_289 {add = true} : memref<64x256xf32, #tpu.memory_space<vmem>>[vector<16xi32>, vector<16xi32>], vector<16xf32>,
        %get3A_290 = arith.index_cast %add3A_277 : i32 to index
        %get3A_291 = arith.constant 64 : index
        %get3A_292 = tpu.vector_load %arg7[%get3A_290, %get3A_291] {strides = array<i32>} : memref<64x256xf32, #tpu.memory_space<vmem>>, vector<16xf32>,
        tpu.vector_store_idx %arg8[%broadcast_in_dim3A_273, %add3A_57], %get3A_292 {add = true} : memref<64x256xf32, #tpu.memory_space<vmem>>[vector<16xi32>, vector<16xi32>], vector<16xf32>,
        %get3A_293 = arith.index_cast %add3A_277 : i32 to index
        %get3A_294 = arith.constant 80 : index
        %get3A_295 = tpu.vector_load %arg7[%get3A_293, %get3A_294] {strides = array<i32>} : memref<64x256xf32, #tpu.memory_space<vmem>>, vector<16xf32>,
        tpu.vector_store_idx %arg8[%broadcast_in_dim3A_273, %add3A_60], %get3A_295 {add = true} : memref<64x256xf32, #tpu.memory_space<vmem>>[vector<16xi32>, vector<16xi32>], vector<16xf32>,
        %get3A_296 = arith.index_cast %add3A_277 : i32 to index
        %get3A_297 = arith.constant 96 : index
        %get3A_298 = tpu.vector_load %arg7[%get3A_296, %get3A_297] {strides = array<i32>} : memref<64x256xf32, #tpu.memory_space<vmem>>, vector<16xf32>,
        tpu.vector_store_idx %arg8[%broadcast_in_dim3A_273, %add3A_63], %get3A_298 {add = true} : memref<64x256xf32, #tpu.memory_space<vmem>>[vector<16xi32>, vector<16xi32>], vector<16xf32>,
        %get3A_299 = arith.index_cast %add3A_277 : i32 to index
        %get3A_300 = arith.constant 112 : index
        %get3A_301 = tpu.vector_load %arg7[%get3A_299, %get3A_300] {strides = array<i32>} : memref<64x256xf32, #tpu.memory_space<vmem>>, vector<16xf32>,
        tpu.vector_store_idx %arg8[%broadcast_in_dim3A_273, %add3A_66], %get3A_301 {add = true} : memref<64x256xf32, #tpu.memory_space<vmem>>[vector<16xi32>, vector<16xi32>], vector<16xf32>,
        %get3A_302 = arith.index_cast %add3A_277 : i32 to index
        %get3A_303 = arith.constant 128 : index
        %get3A_304 = tpu.vector_load %arg7[%get3A_302, %get3A_303] {strides = array<i32>} : memref<64x256xf32, #tpu.memory_space<vmem>>, vector<16xf32>,
        tpu.vector_store_idx %arg8[%broadcast_in_dim3A_273, %add3A_69], %get3A_304 {add = true} : memref<64x256xf32, #tpu.memory_space<vmem>>[vector<16xi32>, vector<16xi32>], vector<16xf32>,
        %get3A_305 = arith.index_cast %add3A_277 : i32 to index
        %get3A_306 = arith.constant 144 : index
        %get3A_307 = tpu.vector_load %arg7[%get3A_305, %get3A_306] {strides = array<i32>} : memref<64x256xf32, #tpu.memory_space<vmem>>, vector<16xf32>,
        tpu.vector_store_idx %arg8[%broadcast_in_dim3A_273, %add3A_72], %get3A_307 {add = true} : memref<64x256xf32, #tpu.memory_space<vmem>>[vector<16xi32>, vector<16xi32>], vector<16xf32>,
        %get3A_308 = arith.index_cast %add3A_277 : i32 to index
        %get3A_309 = arith.constant 160 : index
        %get3A_310 = tpu.vector_load %arg7[%get3A_308, %get3A_309] {strides = array<i32>} : memref<64x256xf32, #tpu.memory_space<vmem>>, vector<16xf32>,
        tpu.vector_store_idx %arg8[%broadcast_in_dim3A_273, %add3A_75], %get3A_310 {add = true} : memref<64x256xf32, #tpu.memory_space<vmem>>[vector<16xi32>, vector<16xi32>], vector<16xf32>,
        %get3A_311 = arith.index_cast %add3A_277 : i32 to index
        %get3A_312 = arith.constant 176 : index
        %get3A_313 = tpu.vector_load %arg7[%get3A_311, %get3A_312] {strides = array<i32>} : memref<64x256xf32, #tpu.memory_space<vmem>>, vector<16xf32>,
        tpu.vector_store_idx %arg8[%broadcast_in_dim3A_273, %add3A_78], %get3A_313 {add = true} : memref<64x256xf32, #tpu.memory_space<vmem>>[vector<16xi32>, vector<16xi32>], vector<16xf32>,
        %get3A_314 = arith.index_cast %add3A_277 : i32 to index
        %get3A_315 = arith.constant 192 : index
        %get3A_316 = tpu.vector_load %arg7[%get3A_314, %get3A_315] {strides = array<i32>} : memref<64x256xf32, #tpu.memory_space<vmem>>, vector<16xf32>,
        tpu.vector_store_idx %arg8[%broadcast_in_dim3A_273, %add3A_81], %get3A_316 {add = true} : memref<64x256xf32, #tpu.memory_space<vmem>>[vector<16xi32>, vector<16xi32>], vector<16xf32>,
        %get3A_317 = arith.index_cast %add3A_277 : i32 to index
        %get3A_318 = arith.constant 208 : index
        %get3A_319 = tpu.vector_load %arg7[%get3A_317, %get3A_318] {strides = array<i32>} : memref<64x256xf32, #tpu.memory_space<vmem>>, vector<16xf32>,
        tpu.vector_store_idx %arg8[%broadcast_in_dim3A_273, %add3A_84], %get3A_319 {add = true} : memref<64x256xf32, #tpu.memory_space<vmem>>[vector<16xi32>, vector<16xi32>], vector<16xf32>,
        %get3A_320 = arith.index_cast %add3A_277 : i32 to index
        %get3A_321 = arith.constant 224 : index
        %get3A_322 = tpu.vector_load %arg7[%get3A_320, %get3A_321] {strides = array<i32>} : memref<64x256xf32, #tpu.memory_space<vmem>>, vector<16xf32>,
        tpu.vector_store_idx %arg8[%broadcast_in_dim3A_273, %add3A_87], %get3A_322 {add = true} : memref<64x256xf32, #tpu.memory_space<vmem>>[vector<16xi32>, vector<16xi32>], vector<16xf32>,
        %get3A_323 = arith.index_cast %add3A_277 : i32 to index
        %get3A_324 = arith.constant 240 : index
        %get3A_325 = tpu.vector_load %arg7[%get3A_323, %get3A_324] {strides = array<i32>} : memref<64x256xf32, #tpu.memory_space<vmem>>, vector<16xf32>,
        tpu.vector_store_idx %arg8[%broadcast_in_dim3A_273, %add3A_90], %get3A_325 {add = true} : memref<64x256xf32, #tpu.memory_space<vmem>>[vector<16xi32>, vector<16xi32>], vector<16xf32>,
        %slice3A_326 = vector.extract_strided_slice %get3A_163 {offsets = [3], sizes = [1], strides = [1]} : vector<16xi32> to vector<1xi32>
        %squeeze3A_327 = vector.extract %slice3A_326[0] : i32 from vector<1xi32>
        %broadcast_in_dim3A_328 = vector.broadcast %squeeze3A_327 : i32 to vector<16xi32>
        %mul3A_329 = arith.constant 16 : i32
        %mul3A_330 = arith.muli %scan3A_158, %mul3A_329 : i32
        %add3A_331 = arith.constant 3 : i32
        %add3A_332 = arith.addi %mul3A_330, %add3A_331 : i32
        %get3A_333 = arith.index_cast %add3A_332 : i32 to index
        %get3A_334 = arith.constant 0 : index
        %get3A_335 = tpu.vector_load %arg7[%get3A_333, %get3A_334] {strides = array<i32>} : memref<64x256xf32, #tpu.memory_space<vmem>>, vector<16xf32>,
        tpu.vector_store_idx %arg8[%broadcast_in_dim3A_328, %add3A_45], %get3A_335 {add = true} : memref<64x256xf32, #tpu.memory_space<vmem>>[vector<16xi32>, vector<16xi32>], vector<16xf32>,
        %get3A_336 = arith.index_cast %add3A_332 : i32 to index
        %get3A_337 = arith.constant 16 : index
        %get3A_338 = tpu.vector_load %arg7[%get3A_336, %get3A_337] {strides = array<i32>} : memref<64x256xf32, #tpu.memory_space<vmem>>, vector<16xf32>,
        tpu.vector_store_idx %arg8[%broadcast_in_dim3A_328, %add3A_48], %get3A_338 {add = true} : memref<64x256xf32, #tpu.memory_space<vmem>>[vector<16xi32>, vector<16xi32>], vector<16xf32>,
        %get3A_339 = arith.index_cast %add3A_332 : i32 to index
        %get3A_340 = arith.constant 32 : index
        %get3A_341 = tpu.vector_load %arg7[%get3A_339, %get3A_340] {strides = array<i32>} : memref<64x256xf32, #tpu.memory_space<vmem>>, vector<16xf32>,
        tpu.vector_store_idx %arg8[%broadcast_in_dim3A_328, %add3A_51], %get3A_341 {add = true} : memref<64x256xf32, #tpu.memory_space<vmem>>[vector<16xi32>, vector<16xi32>], vector<16xf32>,
        %get3A_342 = arith.index_cast %add3A_332 : i32 to index
        %get3A_343 = arith.constant 48 : index
        %get3A_344 = tpu.vector_load %arg7[%get3A_342, %get3A_343] {strides = array<i32>} : memref<64x256xf32, #tpu.memory_space<vmem>>, vector<16xf32>,
        tpu.vector_store_idx %arg8[%broadcast_in_dim3A_328, %add3A_54], %get3A_344 {add = true} : memref<64x256xf32, #tpu.memory_space<vmem>>[vector<16xi32>, vector<16xi32>], vector<16xf32>,
        %get3A_345 = arith.index_cast %add3A_332 : i32 to index
        %get3A_346 = arith.constant 64 : index
        %get3A_347 = tpu.vector_load %arg7[%get3A_345, %get3A_346] {strides = array<i32>} : memref<64x256xf32, #tpu.memory_space<vmem>>, vector<16xf32>,
        tpu.vector_store_idx %arg8[%broadcast_in_dim3A_328, %add3A_57], %get3A_347 {add = true} : memref<64x256xf32, #tpu.memory_space<vmem>>[vector<16xi32>, vector<16xi32>], vector<16xf32>,
        %get3A_348 = arith.index_cast %add3A_332 : i32 to index
        %get3A_349 = arith.constant 80 : index
        %get3A_350 = tpu.vector_load %arg7[%get3A_348, %get3A_349] {strides = array<i32>} : memref<64x256xf32, #tpu.memory_space<vmem>>, vector<16xf32>,
        tpu.vector_store_idx %arg8[%broadcast_in_dim3A_328, %add3A_60], %get3A_350 {add = true} : memref<64x256xf32, #tpu.memory_space<vmem>>[vector<16xi32>, vector<16xi32>], vector<16xf32>,
        %get3A_351 = arith.index_cast %add3A_332 : i32 to index
        %get3A_352 = arith.constant 96 : index
        %get3A_353 = tpu.vector_load %arg7[%get3A_351, %get3A_352] {strides = array<i32>} : memref<64x256xf32, #tpu.memory_space<vmem>>, vector<16xf32>,
        tpu.vector_store_idx %arg8[%broadcast_in_dim3A_328, %add3A_63], %get3A_353 {add = true} : memref<64x256xf32, #tpu.memory_space<vmem>>[vector<16xi32>, vector<16xi32>], vector<16xf32>,
        %get3A_354 = arith.index_cast %add3A_332 : i32 to index
        %get3A_355 = arith.constant 112 : index
        %get3A_356 = tpu.vector_load %arg7[%get3A_354, %get3A_355] {strides = array<i32>} : memref<64x256xf32, #tpu.memory_space<vmem>>, vector<16xf32>,
        tpu.vector_store_idx %arg8[%broadcast_in_dim3A_328, %add3A_66], %get3A_356 {add = true} : memref<64x256xf32, #tpu.memory_space<vmem>>[vector<16xi32>, vector<16xi32>], vector<16xf32>,
        %get3A_357 = arith.index_cast %add3A_332 : i32 to index
        %get3A_358 = arith.constant 128 : index
        %get3A_359 = tpu.vector_load %arg7[%get3A_357, %get3A_358] {strides = array<i32>} : memref<64x256xf32, #tpu.memory_space<vmem>>, vector<16xf32>,
        tpu.vector_store_idx %arg8[%broadcast_in_dim3A_328, %add3A_69], %get3A_359 {add = true} : memref<64x256xf32, #tpu.memory_space<vmem>>[vector<16xi32>, vector<16xi32>], vector<16xf32>,
        %get3A_360 = arith.index_cast %add3A_332 : i32 to index
        %get3A_361 = arith.constant 144 : index
        %get3A_362 = tpu.vector_load %arg7[%get3A_360, %get3A_361] {strides = array<i32>} : memref<64x256xf32, #tpu.memory_space<vmem>>, vector<16xf32>,
        tpu.vector_store_idx %arg8[%broadcast_in_dim3A_328, %add3A_72], %get3A_362 {add = true} : memref<64x256xf32, #tpu.memory_space<vmem>>[vector<16xi32>, vector<16xi32>], vector<16xf32>,
        %get3A_363 = arith.index_cast %add3A_332 : i32 to index
        %get3A_364 = arith.constant 160 : index
        %get3A_365 = tpu.vector_load %arg7[%get3A_363, %get3A_364] {strides = array<i32>} : memref<64x256xf32, #tpu.memory_space<vmem>>, vector<16xf32>,
        tpu.vector_store_idx %arg8[%broadcast_in_dim3A_328, %add3A_75], %get3A_365 {add = true} : memref<64x256xf32, #tpu.memory_space<vmem>>[vector<16xi32>, vector<16xi32>], vector<16xf32>,
        %get3A_366 = arith.index_cast %add3A_332 : i32 to index
        %get3A_367 = arith.constant 176 : index
        %get3A_368 = tpu.vector_load %arg7[%get3A_366, %get3A_367] {strides = array<i32>} : memref<64x256xf32, #tpu.memory_space<vmem>>, vector<16xf32>,
        tpu.vector_store_idx %arg8[%broadcast_in_dim3A_328, %add3A_78], %get3A_368 {add = true} : memref<64x256xf32, #tpu.memory_space<vmem>>[vector<16xi32>, vector<16xi32>], vector<16xf32>,
        %get3A_369 = arith.index_cast %add3A_332 : i32 to index
        %get3A_370 = arith.constant 192 : index
        %get3A_371 = tpu.vector_load %arg7[%get3A_369, %get3A_370] {strides = array<i32>} : memref<64x256xf32, #tpu.memory_space<vmem>>, vector<16xf32>,
        tpu.vector_store_idx %arg8[%broadcast_in_dim3A_328, %add3A_81], %get3A_371 {add = true} : memref<64x256xf32, #tpu.memory_space<vmem>>[vector<16xi32>, vector<16xi32>], vector<16xf32>,
        %get3A_372 = arith.index_cast %add3A_332 : i32 to index
        %get3A_373 = arith.constant 208 : index
        %get3A_374 = tpu.vector_load %arg7[%get3A_372, %get3A_373] {strides = array<i32>} : memref<64x256xf32, #tpu.memory_space<vmem>>, vector<16xf32>,
        tpu.vector_store_idx %arg8[%broadcast_in_dim3A_328, %add3A_84], %get3A_374 {add = true} : memref<64x256xf32, #tpu.memory_space<vmem>>[vector<16xi32>, vector<16xi32>], vector<16xf32>,
        %get3A_375 = arith.index_cast %add3A_332 : i32 to index
        %get3A_376 = arith.constant 224 : index
        %get3A_377 = tpu.vector_load %arg7[%get3A_375, %get3A_376] {strides = array<i32>} : memref<64x256xf32, #tpu.memory_space<vmem>>, vector<16xf32>,
        tpu.vector_store_idx %arg8[%broadcast_in_dim3A_328, %add3A_87], %get3A_377 {add = true} : memref<64x256xf32, #tpu.memory_space<vmem>>[vector<16xi32>, vector<16xi32>], vector<16xf32>,
        %get3A_378 = arith.index_cast %add3A_332 : i32 to index
        %get3A_379 = arith.constant 240 : index
        %get3A_380 = tpu.vector_load %arg7[%get3A_378, %get3A_379] {strides = array<i32>} : memref<64x256xf32, #tpu.memory_space<vmem>>, vector<16xf32>,
        tpu.vector_store_idx %arg8[%broadcast_in_dim3A_328, %add3A_90], %get3A_380 {add = true} : memref<64x256xf32, #tpu.memory_space<vmem>>[vector<16xi32>, vector<16xi32>], vector<16xf32>,
        %slice3A_381 = vector.extract_strided_slice %get3A_163 {offsets = [4], sizes = [1], strides = [1]} : vector<16xi32> to vector<1xi32>
        %squeeze3A_382 = vector.extract %slice3A_381[0] : i32 from vector<1xi32>
        %broadcast_in_dim3A_383 = vector.broadcast %squeeze3A_382 : i32 to vector<16xi32>
        %mul3A_384 = arith.constant 16 : i32
        %mul3A_385 = arith.muli %scan3A_158, %mul3A_384 : i32
        %add3A_386 = arith.constant 4 : i32
        %add3A_387 = arith.addi %mul3A_385, %add3A_386 : i32
        %get3A_388 = arith.index_cast %add3A_387 : i32 to index
        %get3A_389 = arith.constant 0 : index
        %get3A_390 = tpu.vector_load %arg7[%get3A_388, %get3A_389] {strides = array<i32>} : memref<64x256xf32, #tpu.memory_space<vmem>>, vector<16xf32>,
        tpu.vector_store_idx %arg8[%broadcast_in_dim3A_383, %add3A_45], %get3A_390 {add = true} : memref<64x256xf32, #tpu.memory_space<vmem>>[vector<16xi32>, vector<16xi32>], vector<16xf32>,
        %get3A_391 = arith.index_cast %add3A_387 : i32 to index
        %get3A_392 = arith.constant 16 : index
        %get3A_393 = tpu.vector_load %arg7[%get3A_391, %get3A_392] {strides = array<i32>} : memref<64x256xf32, #tpu.memory_space<vmem>>, vector<16xf32>,
        tpu.vector_store_idx %arg8[%broadcast_in_dim3A_383, %add3A_48], %get3A_393 {add = true} : memref<64x256xf32, #tpu.memory_space<vmem>>[vector<16xi32>, vector<16xi32>], vector<16xf32>,
        %get3A_394 = arith.index_cast %add3A_387 : i32 to index
        %get3A_395 = arith.constant 32 : index
        %get3A_396 = tpu.vector_load %arg7[%get3A_394, %get3A_395] {strides = array<i32>} : memref<64x256xf32, #tpu.memory_space<vmem>>, vector<16xf32>,
        tpu.vector_store_idx %arg8[%broadcast_in_dim3A_383, %add3A_51], %get3A_396 {add = true} : memref<64x256xf32, #tpu.memory_space<vmem>>[vector<16xi32>, vector<16xi32>], vector<16xf32>,
        %get3A_397 = arith.index_cast %add3A_387 : i32 to index
        %get3A_398 = arith.constant 48 : index
        %get3A_399 = tpu.vector_load %arg7[%get3A_397, %get3A_398] {strides = array<i32>} : memref<64x256xf32, #tpu.memory_space<vmem>>, vector<16xf32>,
        tpu.vector_store_idx %arg8[%broadcast_in_dim3A_383, %add3A_54], %get3A_399 {add = true} : memref<64x256xf32, #tpu.memory_space<vmem>>[vector<16xi32>, vector<16xi32>], vector<16xf32>,
        %get3A_400 = arith.index_cast %add3A_387 : i32 to index
        %get3A_401 = arith.constant 64 : index
        %get3A_402 = tpu.vector_load %arg7[%get3A_400, %get3A_401] {strides = array<i32>} : memref<64x256xf32, #tpu.memory_space<vmem>>, vector<16xf32>,
        tpu.vector_store_idx %arg8[%broadcast_in_dim3A_383, %add3A_57], %get3A_402 {add = true} : memref<64x256xf32, #tpu.memory_space<vmem>>[vector<16xi32>, vector<16xi32>], vector<16xf32>,
        %get3A_403 = arith.index_cast %add3A_387 : i32 to index
        %get3A_404 = arith.constant 80 : index
        %get3A_405 = tpu.vector_load %arg7[%get3A_403, %get3A_404] {strides = array<i32>} : memref<64x256xf32, #tpu.memory_space<vmem>>, vector<16xf32>,
        tpu.vector_store_idx %arg8[%broadcast_in_dim3A_383, %add3A_60], %get3A_405 {add = true} : memref<64x256xf32, #tpu.memory_space<vmem>>[vector<16xi32>, vector<16xi32>], vector<16xf32>,
        %get3A_406 = arith.index_cast %add3A_387 : i32 to index
        %get3A_407 = arith.constant 96 : index
        %get3A_408 = tpu.vector_load %arg7[%get3A_406, %get3A_407] {strides = array<i32>} : memref<64x256xf32, #tpu.memory_space<vmem>>, vector<16xf32>,
        tpu.vector_store_idx %arg8[%broadcast_in_dim3A_383, %add3A_63], %get3A_408 {add = true} : memref<64x256xf32, #tpu.memory_space<vmem>>[vector<16xi32>, vector<16xi32>], vector<16xf32>,
        %get3A_409 = arith.index_cast %add3A_387 : i32 to index
        %get3A_410 = arith.constant 112 : index
        %get3A_411 = tpu.vector_load %arg7[%get3A_409, %get3A_410] {strides = array<i32>} : memref<64x256xf32, #tpu.memory_space<vmem>>, vector<16xf32>,
        tpu.vector_store_idx %arg8[%broadcast_in_dim3A_383, %add3A_66], %get3A_411 {add = true} : memref<64x256xf32, #tpu.memory_space<vmem>>[vector<16xi32>, vector<16xi32>], vector<16xf32>,
        %get3A_412 = arith.index_cast %add3A_387 : i32 to index
        %get3A_413 = arith.constant 128 : index
        %get3A_414 = tpu.vector_load %arg7[%get3A_412, %get3A_413] {strides = array<i32>} : memref<64x256xf32, #tpu.memory_space<vmem>>, vector<16xf32>,
        tpu.vector_store_idx %arg8[%broadcast_in_dim3A_383, %add3A_69], %get3A_414 {add = true} : memref<64x256xf32, #tpu.memory_space<vmem>>[vector<16xi32>, vector<16xi32>], vector<16xf32>,
        %get3A_415 = arith.index_cast %add3A_387 : i32 to index
        %get3A_416 = arith.constant 144 : index
        %get3A_417 = tpu.vector_load %arg7[%get3A_415, %get3A_416] {strides = array<i32>} : memref<64x256xf32, #tpu.memory_space<vmem>>, vector<16xf32>,
        tpu.vector_store_idx %arg8[%broadcast_in_dim3A_383, %add3A_72], %get3A_417 {add = true} : memref<64x256xf32, #tpu.memory_space<vmem>>[vector<16xi32>, vector<16xi32>], vector<16xf32>,
        %get3A_418 = arith.index_cast %add3A_387 : i32 to index
        %get3A_419 = arith.constant 160 : index
        %get3A_420 = tpu.vector_load %arg7[%get3A_418, %get3A_419] {strides = array<i32>} : memref<64x256xf32, #tpu.memory_space<vmem>>, vector<16xf32>,
        tpu.vector_store_idx %arg8[%broadcast_in_dim3A_383, %add3A_75], %get3A_420 {add = true} : memref<64x256xf32, #tpu.memory_space<vmem>>[vector<16xi32>, vector<16xi32>], vector<16xf32>,
        %get3A_421 = arith.index_cast %add3A_387 : i32 to index
        %get3A_422 = arith.constant 176 : index
        %get3A_423 = tpu.vector_load %arg7[%get3A_421, %get3A_422] {strides = array<i32>} : memref<64x256xf32, #tpu.memory_space<vmem>>, vector<16xf32>,
        tpu.vector_store_idx %arg8[%broadcast_in_dim3A_383, %add3A_78], %get3A_423 {add = true} : memref<64x256xf32, #tpu.memory_space<vmem>>[vector<16xi32>, vector<16xi32>], vector<16xf32>,
        %get3A_424 = arith.index_cast %add3A_387 : i32 to index
        %get3A_425 = arith.constant 192 : index
        %get3A_426 = tpu.vector_load %arg7[%get3A_424, %get3A_425] {strides = array<i32>} : memref<64x256xf32, #tpu.memory_space<vmem>>, vector<16xf32>,
        tpu.vector_store_idx %arg8[%broadcast_in_dim3A_383, %add3A_81], %get3A_426 {add = true} : memref<64x256xf32, #tpu.memory_space<vmem>>[vector<16xi32>, vector<16xi32>], vector<16xf32>,
        %get3A_427 = arith.index_cast %add3A_387 : i32 to index
        %get3A_428 = arith.constant 208 : index
        %get3A_429 = tpu.vector_load %arg7[%get3A_427, %get3A_428] {strides = array<i32>} : memref<64x256xf32, #tpu.memory_space<vmem>>, vector<16xf32>,
        tpu.vector_store_idx %arg8[%broadcast_in_dim3A_383, %add3A_84], %get3A_429 {add = true} : memref<64x256xf32, #tpu.memory_space<vmem>>[vector<16xi32>, vector<16xi32>], vector<16xf32>,
        %get3A_430 = arith.index_cast %add3A_387 : i32 to index
        %get3A_431 = arith.constant 224 : index
        %get3A_432 = tpu.vector_load %arg7[%get3A_430, %get3A_431] {strides = array<i32>} : memref<64x256xf32, #tpu.memory_space<vmem>>, vector<16xf32>,
        tpu.vector_store_idx %arg8[%broadcast_in_dim3A_383, %add3A_87], %get3A_432 {add = true} : memref<64x256xf32, #tpu.memory_space<vmem>>[vector<16xi32>, vector<16xi32>], vector<16xf32>,
        %get3A_433 = arith.index_cast %add3A_387 : i32 to index
        %get3A_434 = arith.constant 240 : index
        %get3A_435 = tpu.vector_load %arg7[%get3A_433, %get3A_434] {strides = array<i32>} : memref<64x256xf32, #tpu.memory_space<vmem>>, vector<16xf32>,
        tpu.vector_store_idx %arg8[%broadcast_in_dim3A_383, %add3A_90], %get3A_435 {add = true} : memref<64x256xf32, #tpu.memory_space<vmem>>[vector<16xi32>, vector<16xi32>], vector<16xf32>,
        %slice3A_436 = vector.extract_strided_slice %get3A_163 {offsets = [5], sizes = [1], strides = [1]} : vector<16xi32> to vector<1xi32>
        %squeeze3A_437 = vector.extract %slice3A_436[0] : i32 from vector<1xi32>
        %broadcast_in_dim3A_438 = vector.broadcast %squeeze3A_437 : i32 to vector<16xi32>
        %mul3A_439 = arith.constant 16 : i32
        %mul3A_440 = arith.muli %scan3A_158, %mul3A_439 : i32
        %add3A_441 = arith.constant 5 : i32
        %add3A_442 = arith.addi %mul3A_440, %add3A_441 : i32
        %get3A_443 = arith.index_cast %add3A_442 : i32 to index
        %get3A_444 = arith.constant 0 : index
        %get3A_445 = tpu.vector_load %arg7[%get3A_443, %get3A_444] {strides = array<i32>} : memref<64x256xf32, #tpu.memory_space<vmem>>, vector<16xf32>,
        tpu.vector_store_idx %arg8[%broadcast_in_dim3A_438, %add3A_45], %get3A_445 {add = true} : memref<64x256xf32, #tpu.memory_space<vmem>>[vector<16xi32>, vector<16xi32>], vector<16xf32>,
        %get3A_446 = arith.index_cast %add3A_442 : i32 to index
        %get3A_447 = arith.constant 16 : index
        %get3A_448 = tpu.vector_load %arg7[%get3A_446, %get3A_447] {strides = array<i32>} : memref<64x256xf32, #tpu.memory_space<vmem>>, vector<16xf32>,
        tpu.vector_store_idx %arg8[%broadcast_in_dim3A_438, %add3A_48], %get3A_448 {add = true} : memref<64x256xf32, #tpu.memory_space<vmem>>[vector<16xi32>, vector<16xi32>], vector<16xf32>,
        %get3A_449 = arith.index_cast %add3A_442 : i32 to index
        %get3A_450 = arith.constant 32 : index
        %get3A_451 = tpu.vector_load %arg7[%get3A_449, %get3A_450] {strides = array<i32>} : memref<64x256xf32, #tpu.memory_space<vmem>>, vector<16xf32>,
        tpu.vector_store_idx %arg8[%broadcast_in_dim3A_438, %add3A_51], %get3A_451 {add = true} : memref<64x256xf32, #tpu.memory_space<vmem>>[vector<16xi32>, vector<16xi32>], vector<16xf32>,
        %get3A_452 = arith.index_cast %add3A_442 : i32 to index
        %get3A_453 = arith.constant 48 : index
        %get3A_454 = tpu.vector_load %arg7[%get3A_452, %get3A_453] {strides = array<i32>} : memref<64x256xf32, #tpu.memory_space<vmem>>, vector<16xf32>,
        tpu.vector_store_idx %arg8[%broadcast_in_dim3A_438, %add3A_54], %get3A_454 {add = true} : memref<64x256xf32, #tpu.memory_space<vmem>>[vector<16xi32>, vector<16xi32>], vector<16xf32>,
        %get3A_455 = arith.index_cast %add3A_442 : i32 to index
        %get3A_456 = arith.constant 64 : index
        %get3A_457 = tpu.vector_load %arg7[%get3A_455, %get3A_456] {strides = array<i32>} : memref<64x256xf32, #tpu.memory_space<vmem>>, vector<16xf32>,
        tpu.vector_store_idx %arg8[%broadcast_in_dim3A_438, %add3A_57], %get3A_457 {add = true} : memref<64x256xf32, #tpu.memory_space<vmem>>[vector<16xi32>, vector<16xi32>], vector<16xf32>,
        %get3A_458 = arith.index_cast %add3A_442 : i32 to index
        %get3A_459 = arith.constant 80 : index
        %get3A_460 = tpu.vector_load %arg7[%get3A_458, %get3A_459] {strides = array<i32>} : memref<64x256xf32, #tpu.memory_space<vmem>>, vector<16xf32>,
        tpu.vector_store_idx %arg8[%broadcast_in_dim3A_438, %add3A_60], %get3A_460 {add = true} : memref<64x256xf32, #tpu.memory_space<vmem>>[vector<16xi32>, vector<16xi32>], vector<16xf32>,
        %get3A_461 = arith.index_cast %add3A_442 : i32 to index
        %get3A_462 = arith.constant 96 : index
        %get3A_463 = tpu.vector_load %arg7[%get3A_461, %get3A_462] {strides = array<i32>} : memref<64x256xf32, #tpu.memory_space<vmem>>, vector<16xf32>,
        tpu.vector_store_idx %arg8[%broadcast_in_dim3A_438, %add3A_63], %get3A_463 {add = true} : memref<64x256xf32, #tpu.memory_space<vmem>>[vector<16xi32>, vector<16xi32>], vector<16xf32>,
        %get3A_464 = arith.index_cast %add3A_442 : i32 to index
        %get3A_465 = arith.constant 112 : index
        %get3A_466 = tpu.vector_load %arg7[%get3A_464, %get3A_465] {strides = array<i32>} : memref<64x256xf32, #tpu.memory_space<vmem>>, vector<16xf32>,
        tpu.vector_store_idx %arg8[%broadcast_in_dim3A_438, %add3A_66], %get3A_466 {add = true} : memref<64x256xf32, #tpu.memory_space<vmem>>[vector<16xi32>, vector<16xi32>], vector<16xf32>,
        %get3A_467 = arith.index_cast %add3A_442 : i32 to index
        %get3A_468 = arith.constant 128 : index
        %get3A_469 = tpu.vector_load %arg7[%get3A_467, %get3A_468] {strides = array<i32>} : memref<64x256xf32, #tpu.memory_space<vmem>>, vector<16xf32>,
        tpu.vector_store_idx %arg8[%broadcast_in_dim3A_438, %add3A_69], %get3A_469 {add = true} : memref<64x256xf32, #tpu.memory_space<vmem>>[vector<16xi32>, vector<16xi32>], vector<16xf32>,
        %get3A_470 = arith.index_cast %add3A_442 : i32 to index
        %get3A_471 = arith.constant 144 : index
        %get3A_472 = tpu.vector_load %arg7[%get3A_470, %get3A_471] {strides = array<i32>} : memref<64x256xf32, #tpu.memory_space<vmem>>, vector<16xf32>,
        tpu.vector_store_idx %arg8[%broadcast_in_dim3A_438, %add3A_72], %get3A_472 {add = true} : memref<64x256xf32, #tpu.memory_space<vmem>>[vector<16xi32>, vector<16xi32>], vector<16xf32>,
        %get3A_473 = arith.index_cast %add3A_442 : i32 to index
        %get3A_474 = arith.constant 160 : index
        %get3A_475 = tpu.vector_load %arg7[%get3A_473, %get3A_474] {strides = array<i32>} : memref<64x256xf32, #tpu.memory_space<vmem>>, vector<16xf32>,
        tpu.vector_store_idx %arg8[%broadcast_in_dim3A_438, %add3A_75], %get3A_475 {add = true} : memref<64x256xf32, #tpu.memory_space<vmem>>[vector<16xi32>, vector<16xi32>], vector<16xf32>,
        %get3A_476 = arith.index_cast %add3A_442 : i32 to index
        %get3A_477 = arith.constant 176 : index
        %get3A_478 = tpu.vector_load %arg7[%get3A_476, %get3A_477] {strides = array<i32>} : memref<64x256xf32, #tpu.memory_space<vmem>>, vector<16xf32>,
        tpu.vector_store_idx %arg8[%broadcast_in_dim3A_438, %add3A_78], %get3A_478 {add = true} : memref<64x256xf32, #tpu.memory_space<vmem>>[vector<16xi32>, vector<16xi32>], vector<16xf32>,
        %get3A_479 = arith.index_cast %add3A_442 : i32 to index
        %get3A_480 = arith.constant 192 : index
        %get3A_481 = tpu.vector_load %arg7[%get3A_479, %get3A_480] {strides = array<i32>} : memref<64x256xf32, #tpu.memory_space<vmem>>, vector<16xf32>,
        tpu.vector_store_idx %arg8[%broadcast_in_dim3A_438, %add3A_81], %get3A_481 {add = true} : memref<64x256xf32, #tpu.memory_space<vmem>>[vector<16xi32>, vector<16xi32>], vector<16xf32>,
        %get3A_482 = arith.index_cast %add3A_442 : i32 to index
        %get3A_483 = arith.constant 208 : index
        %get3A_484 = tpu.vector_load %arg7[%get3A_482, %get3A_483] {strides = array<i32>} : memref<64x256xf32, #tpu.memory_space<vmem>>, vector<16xf32>,
        tpu.vector_store_idx %arg8[%broadcast_in_dim3A_438, %add3A_84], %get3A_484 {add = true} : memref<64x256xf32, #tpu.memory_space<vmem>>[vector<16xi32>, vector<16xi32>], vector<16xf32>,
        %get3A_485 = arith.index_cast %add3A_442 : i32 to index
        %get3A_486 = arith.constant 224 : index
        %get3A_487 = tpu.vector_load %arg7[%get3A_485, %get3A_486] {strides = array<i32>} : memref<64x256xf32, #tpu.memory_space<vmem>>, vector<16xf32>,
        tpu.vector_store_idx %arg8[%broadcast_in_dim3A_438, %add3A_87], %get3A_487 {add = true} : memref<64x256xf32, #tpu.memory_space<vmem>>[vector<16xi32>, vector<16xi32>], vector<16xf32>,
        %get3A_488 = arith.index_cast %add3A_442 : i32 to index
        %get3A_489 = arith.constant 240 : index
        %get3A_490 = tpu.vector_load %arg7[%get3A_488, %get3A_489] {strides = array<i32>} : memref<64x256xf32, #tpu.memory_space<vmem>>, vector<16xf32>,
        tpu.vector_store_idx %arg8[%broadcast_in_dim3A_438, %add3A_90], %get3A_490 {add = true} : memref<64x256xf32, #tpu.memory_space<vmem>>[vector<16xi32>, vector<16xi32>], vector<16xf32>,
        %slice3A_491 = vector.extract_strided_slice %get3A_163 {offsets = [6], sizes = [1], strides = [1]} : vector<16xi32> to vector<1xi32>
        %squeeze3A_492 = vector.extract %slice3A_491[0] : i32 from vector<1xi32>
        %broadcast_in_dim3A_493 = vector.broadcast %squeeze3A_492 : i32 to vector<16xi32>
        %mul3A_494 = arith.constant 16 : i32
        %mul3A_495 = arith.muli %scan3A_158, %mul3A_494 : i32
        %add3A_496 = arith.constant 6 : i32
        %add3A_497 = arith.addi %mul3A_495, %add3A_496 : i32
        %get3A_498 = arith.index_cast %add3A_497 : i32 to index
        %get3A_499 = arith.constant 0 : index
        %get3A_500 = tpu.vector_load %arg7[%get3A_498, %get3A_499] {strides = array<i32>} : memref<64x256xf32, #tpu.memory_space<vmem>>, vector<16xf32>,
        tpu.vector_store_idx %arg8[%broadcast_in_dim3A_493, %add3A_45], %get3A_500 {add = true} : memref<64x256xf32, #tpu.memory_space<vmem>>[vector<16xi32>, vector<16xi32>], vector<16xf32>,
        %get3A_501 = arith.index_cast %add3A_497 : i32 to index
        %get3A_502 = arith.constant 16 : index
        %get3A_503 = tpu.vector_load %arg7[%get3A_501, %get3A_502] {strides = array<i32>} : memref<64x256xf32, #tpu.memory_space<vmem>>, vector<16xf32>,
        tpu.vector_store_idx %arg8[%broadcast_in_dim3A_493, %add3A_48], %get3A_503 {add = true} : memref<64x256xf32, #tpu.memory_space<vmem>>[vector<16xi32>, vector<16xi32>], vector<16xf32>,
        %get3A_504 = arith.index_cast %add3A_497 : i32 to index
        %get3A_505 = arith.constant 32 : index
        %get3A_506 = tpu.vector_load %arg7[%get3A_504, %get3A_505] {strides = array<i32>} : memref<64x256xf32, #tpu.memory_space<vmem>>, vector<16xf32>,
        tpu.vector_store_idx %arg8[%broadcast_in_dim3A_493, %add3A_51], %get3A_506 {add = true} : memref<64x256xf32, #tpu.memory_space<vmem>>[vector<16xi32>, vector<16xi32>], vector<16xf32>,
        %get3A_507 = arith.index_cast %add3A_497 : i32 to index
        %get3A_508 = arith.constant 48 : index
        %get3A_509 = tpu.vector_load %arg7[%get3A_507, %get3A_508] {strides = array<i32>} : memref<64x256xf32, #tpu.memory_space<vmem>>, vector<16xf32>,
        tpu.vector_store_idx %arg8[%broadcast_in_dim3A_493, %add3A_54], %get3A_509 {add = true} : memref<64x256xf32, #tpu.memory_space<vmem>>[vector<16xi32>, vector<16xi32>], vector<16xf32>,
        %get3A_510 = arith.index_cast %add3A_497 : i32 to index
        %get3A_511 = arith.constant 64 : index
        %get3A_512 = tpu.vector_load %arg7[%get3A_510, %get3A_511] {strides = array<i32>} : memref<64x256xf32, #tpu.memory_space<vmem>>, vector<16xf32>,
        tpu.vector_store_idx %arg8[%broadcast_in_dim3A_493, %add3A_57], %get3A_512 {add = true} : memref<64x256xf32, #tpu.memory_space<vmem>>[vector<16xi32>, vector<16xi32>], vector<16xf32>,
        %get3A_513 = arith.index_cast %add3A_497 : i32 to index
        %get3A_514 = arith.constant 80 : index
        %get3A_515 = tpu.vector_load %arg7[%get3A_513, %get3A_514] {strides = array<i32>} : memref<64x256xf32, #tpu.memory_space<vmem>>, vector<16xf32>,
        tpu.vector_store_idx %arg8[%broadcast_in_dim3A_493, %add3A_60], %get3A_515 {add = true} : memref<64x256xf32, #tpu.memory_space<vmem>>[vector<16xi32>, vector<16xi32>], vector<16xf32>,
        %get3A_516 = arith.index_cast %add3A_497 : i32 to index
        %get3A_517 = arith.constant 96 : index
        %get3A_518 = tpu.vector_load %arg7[%get3A_516, %get3A_517] {strides = array<i32>} : memref<64x256xf32, #tpu.memory_space<vmem>>, vector<16xf32>,
        tpu.vector_store_idx %arg8[%broadcast_in_dim3A_493, %add3A_63], %get3A_518 {add = true} : memref<64x256xf32, #tpu.memory_space<vmem>>[vector<16xi32>, vector<16xi32>], vector<16xf32>,
        %get3A_519 = arith.index_cast %add3A_497 : i32 to index
        %get3A_520 = arith.constant 112 : index
        %get3A_521 = tpu.vector_load %arg7[%get3A_519, %get3A_520] {strides = array<i32>} : memref<64x256xf32, #tpu.memory_space<vmem>>, vector<16xf32>,
        tpu.vector_store_idx %arg8[%broadcast_in_dim3A_493, %add3A_66], %get3A_521 {add = true} : memref<64x256xf32, #tpu.memory_space<vmem>>[vector<16xi32>, vector<16xi32>], vector<16xf32>,
        %get3A_522 = arith.index_cast %add3A_497 : i32 to index
        %get3A_523 = arith.constant 128 : index
        %get3A_524 = tpu.vector_load %arg7[%get3A_522, %get3A_523] {strides = array<i32>} : memref<64x256xf32, #tpu.memory_space<vmem>>, vector<16xf32>,
        tpu.vector_store_idx %arg8[%broadcast_in_dim3A_493, %add3A_69], %get3A_524 {add = true} : memref<64x256xf32, #tpu.memory_space<vmem>>[vector<16xi32>, vector<16xi32>], vector<16xf32>,
        %get3A_525 = arith.index_cast %add3A_497 : i32 to index
        %get3A_526 = arith.constant 144 : index
        %get3A_527 = tpu.vector_load %arg7[%get3A_525, %get3A_526] {strides = array<i32>} : memref<64x256xf32, #tpu.memory_space<vmem>>, vector<16xf32>,
        tpu.vector_store_idx %arg8[%broadcast_in_dim3A_493, %add3A_72], %get3A_527 {add = true} : memref<64x256xf32, #tpu.memory_space<vmem>>[vector<16xi32>, vector<16xi32>], vector<16xf32>,
        %get3A_528 = arith.index_cast %add3A_497 : i32 to index
        %get3A_529 = arith.constant 160 : index
        %get3A_530 = tpu.vector_load %arg7[%get3A_528, %get3A_529] {strides = array<i32>} : memref<64x256xf32, #tpu.memory_space<vmem>>, vector<16xf32>,
        tpu.vector_store_idx %arg8[%broadcast_in_dim3A_493, %add3A_75], %get3A_530 {add = true} : memref<64x256xf32, #tpu.memory_space<vmem>>[vector<16xi32>, vector<16xi32>], vector<16xf32>,
        %get3A_531 = arith.index_cast %add3A_497 : i32 to index
        %get3A_532 = arith.constant 176 : index
        %get3A_533 = tpu.vector_load %arg7[%get3A_531, %get3A_532] {strides = array<i32>} : memref<64x256xf32, #tpu.memory_space<vmem>>, vector<16xf32>,
        tpu.vector_store_idx %arg8[%broadcast_in_dim3A_493, %add3A_78], %get3A_533 {add = true} : memref<64x256xf32, #tpu.memory_space<vmem>>[vector<16xi32>, vector<16xi32>], vector<16xf32>,
        %get3A_534 = arith.index_cast %add3A_497 : i32 to index
        %get3A_535 = arith.constant 192 : index
        %get3A_536 = tpu.vector_load %arg7[%get3A_534, %get3A_535] {strides = array<i32>} : memref<64x256xf32, #tpu.memory_space<vmem>>, vector<16xf32>,
        tpu.vector_store_idx %arg8[%broadcast_in_dim3A_493, %add3A_81], %get3A_536 {add = true} : memref<64x256xf32, #tpu.memory_space<vmem>>[vector<16xi32>, vector<16xi32>], vector<16xf32>,
        %get3A_537 = arith.index_cast %add3A_497 : i32 to index
        %get3A_538 = arith.constant 208 : index
        %get3A_539 = tpu.vector_load %arg7[%get3A_537, %get3A_538] {strides = array<i32>} : memref<64x256xf32, #tpu.memory_space<vmem>>, vector<16xf32>,
        tpu.vector_store_idx %arg8[%broadcast_in_dim3A_493, %add3A_84], %get3A_539 {add = true} : memref<64x256xf32, #tpu.memory_space<vmem>>[vector<16xi32>, vector<16xi32>], vector<16xf32>,
        %get3A_540 = arith.index_cast %add3A_497 : i32 to index
        %get3A_541 = arith.constant 224 : index
        %get3A_542 = tpu.vector_load %arg7[%get3A_540, %get3A_541] {strides = array<i32>} : memref<64x256xf32, #tpu.memory_space<vmem>>, vector<16xf32>,
        tpu.vector_store_idx %arg8[%broadcast_in_dim3A_493, %add3A_87], %get3A_542 {add = true} : memref<64x256xf32, #tpu.memory_space<vmem>>[vector<16xi32>, vector<16xi32>], vector<16xf32>,
        %get3A_543 = arith.index_cast %add3A_497 : i32 to index
        %get3A_544 = arith.constant 240 : index
        %get3A_545 = tpu.vector_load %arg7[%get3A_543, %get3A_544] {strides = array<i32>} : memref<64x256xf32, #tpu.memory_space<vmem>>, vector<16xf32>,
        tpu.vector_store_idx %arg8[%broadcast_in_dim3A_493, %add3A_90], %get3A_545 {add = true} : memref<64x256xf32, #tpu.memory_space<vmem>>[vector<16xi32>, vector<16xi32>], vector<16xf32>,
        %slice3A_546 = vector.extract_strided_slice %get3A_163 {offsets = [7], sizes = [1], strides = [1]} : vector<16xi32> to vector<1xi32>
        %squeeze3A_547 = vector.extract %slice3A_546[0] : i32 from vector<1xi32>
        %broadcast_in_dim3A_548 = vector.broadcast %squeeze3A_547 : i32 to vector<16xi32>
        %mul3A_549 = arith.constant 16 : i32
        %mul3A_550 = arith.muli %scan3A_158, %mul3A_549 : i32
        %add3A_551 = arith.constant 7 : i32
        %add3A_552 = arith.addi %mul3A_550, %add3A_551 : i32
        %get3A_553 = arith.index_cast %add3A_552 : i32 to index
        %get3A_554 = arith.constant 0 : index
        %get3A_555 = tpu.vector_load %arg7[%get3A_553, %get3A_554] {strides = array<i32>} : memref<64x256xf32, #tpu.memory_space<vmem>>, vector<16xf32>,
        tpu.vector_store_idx %arg8[%broadcast_in_dim3A_548, %add3A_45], %get3A_555 {add = true} : memref<64x256xf32, #tpu.memory_space<vmem>>[vector<16xi32>, vector<16xi32>], vector<16xf32>,
        %get3A_556 = arith.index_cast %add3A_552 : i32 to index
        %get3A_557 = arith.constant 16 : index
        %get3A_558 = tpu.vector_load %arg7[%get3A_556, %get3A_557] {strides = array<i32>} : memref<64x256xf32, #tpu.memory_space<vmem>>, vector<16xf32>,
        tpu.vector_store_idx %arg8[%broadcast_in_dim3A_548, %add3A_48], %get3A_558 {add = true} : memref<64x256xf32, #tpu.memory_space<vmem>>[vector<16xi32>, vector<16xi32>], vector<16xf32>,
        %get3A_559 = arith.index_cast %add3A_552 : i32 to index
        %get3A_560 = arith.constant 32 : index
        %get3A_561 = tpu.vector_load %arg7[%get3A_559, %get3A_560] {strides = array<i32>} : memref<64x256xf32, #tpu.memory_space<vmem>>, vector<16xf32>,
        tpu.vector_store_idx %arg8[%broadcast_in_dim3A_548, %add3A_51], %get3A_561 {add = true} : memref<64x256xf32, #tpu.memory_space<vmem>>[vector<16xi32>, vector<16xi32>], vector<16xf32>,
        %get3A_562 = arith.index_cast %add3A_552 : i32 to index
        %get3A_563 = arith.constant 48 : index
        %get3A_564 = tpu.vector_load %arg7[%get3A_562, %get3A_563] {strides = array<i32>} : memref<64x256xf32, #tpu.memory_space<vmem>>, vector<16xf32>,
        tpu.vector_store_idx %arg8[%broadcast_in_dim3A_548, %add3A_54], %get3A_564 {add = true} : memref<64x256xf32, #tpu.memory_space<vmem>>[vector<16xi32>, vector<16xi32>], vector<16xf32>,
        %get3A_565 = arith.index_cast %add3A_552 : i32 to index
        %get3A_566 = arith.constant 64 : index
        %get3A_567 = tpu.vector_load %arg7[%get3A_565, %get3A_566] {strides = array<i32>} : memref<64x256xf32, #tpu.memory_space<vmem>>, vector<16xf32>,
        tpu.vector_store_idx %arg8[%broadcast_in_dim3A_548, %add3A_57], %get3A_567 {add = true} : memref<64x256xf32, #tpu.memory_space<vmem>>[vector<16xi32>, vector<16xi32>], vector<16xf32>,
        %get3A_568 = arith.index_cast %add3A_552 : i32 to index
        %get3A_569 = arith.constant 80 : index
        %get3A_570 = tpu.vector_load %arg7[%get3A_568, %get3A_569] {strides = array<i32>} : memref<64x256xf32, #tpu.memory_space<vmem>>, vector<16xf32>,
        tpu.vector_store_idx %arg8[%broadcast_in_dim3A_548, %add3A_60], %get3A_570 {add = true} : memref<64x256xf32, #tpu.memory_space<vmem>>[vector<16xi32>, vector<16xi32>], vector<16xf32>,
        %get3A_571 = arith.index_cast %add3A_552 : i32 to index
        %get3A_572 = arith.constant 96 : index
        %get3A_573 = tpu.vector_load %arg7[%get3A_571, %get3A_572] {strides = array<i32>} : memref<64x256xf32, #tpu.memory_space<vmem>>, vector<16xf32>,
        tpu.vector_store_idx %arg8[%broadcast_in_dim3A_548, %add3A_63], %get3A_573 {add = true} : memref<64x256xf32, #tpu.memory_space<vmem>>[vector<16xi32>, vector<16xi32>], vector<16xf32>,
        %get3A_574 = arith.index_cast %add3A_552 : i32 to index
        %get3A_575 = arith.constant 112 : index
        %get3A_576 = tpu.vector_load %arg7[%get3A_574, %get3A_575] {strides = array<i32>} : memref<64x256xf32, #tpu.memory_space<vmem>>, vector<16xf32>,
        tpu.vector_store_idx %arg8[%broadcast_in_dim3A_548, %add3A_66], %get3A_576 {add = true} : memref<64x256xf32, #tpu.memory_space<vmem>>[vector<16xi32>, vector<16xi32>], vector<16xf32>,
        %get3A_577 = arith.index_cast %add3A_552 : i32 to index
        %get3A_578 = arith.constant 128 : index
        %get3A_579 = tpu.vector_load %arg7[%get3A_577, %get3A_578] {strides = array<i32>} : memref<64x256xf32, #tpu.memory_space<vmem>>, vector<16xf32>,
        tpu.vector_store_idx %arg8[%broadcast_in_dim3A_548, %add3A_69], %get3A_579 {add = true} : memref<64x256xf32, #tpu.memory_space<vmem>>[vector<16xi32>, vector<16xi32>], vector<16xf32>,
        %get3A_580 = arith.index_cast %add3A_552 : i32 to index
        %get3A_581 = arith.constant 144 : index
        %get3A_582 = tpu.vector_load %arg7[%get3A_580, %get3A_581] {strides = array<i32>} : memref<64x256xf32, #tpu.memory_space<vmem>>, vector<16xf32>,
        tpu.vector_store_idx %arg8[%broadcast_in_dim3A_548, %add3A_72], %get3A_582 {add = true} : memref<64x256xf32, #tpu.memory_space<vmem>>[vector<16xi32>, vector<16xi32>], vector<16xf32>,
        %get3A_583 = arith.index_cast %add3A_552 : i32 to index
        %get3A_584 = arith.constant 160 : index
        %get3A_585 = tpu.vector_load %arg7[%get3A_583, %get3A_584] {strides = array<i32>} : memref<64x256xf32, #tpu.memory_space<vmem>>, vector<16xf32>,
        tpu.vector_store_idx %arg8[%broadcast_in_dim3A_548, %add3A_75], %get3A_585 {add = true} : memref<64x256xf32, #tpu.memory_space<vmem>>[vector<16xi32>, vector<16xi32>], vector<16xf32>,
        %get3A_586 = arith.index_cast %add3A_552 : i32 to index
        %get3A_587 = arith.constant 176 : index
        %get3A_588 = tpu.vector_load %arg7[%get3A_586, %get3A_587] {strides = array<i32>} : memref<64x256xf32, #tpu.memory_space<vmem>>, vector<16xf32>,
        tpu.vector_store_idx %arg8[%broadcast_in_dim3A_548, %add3A_78], %get3A_588 {add = true} : memref<64x256xf32, #tpu.memory_space<vmem>>[vector<16xi32>, vector<16xi32>], vector<16xf32>,
        %get3A_589 = arith.index_cast %add3A_552 : i32 to index
        %get3A_590 = arith.constant 192 : index
        %get3A_591 = tpu.vector_load %arg7[%get3A_589, %get3A_590] {strides = array<i32>} : memref<64x256xf32, #tpu.memory_space<vmem>>, vector<16xf32>,
        tpu.vector_store_idx %arg8[%broadcast_in_dim3A_548, %add3A_81], %get3A_591 {add = true} : memref<64x256xf32, #tpu.memory_space<vmem>>[vector<16xi32>, vector<16xi32>], vector<16xf32>,
        %get3A_592 = arith.index_cast %add3A_552 : i32 to index
        %get3A_593 = arith.constant 208 : index
        %get3A_594 = tpu.vector_load %arg7[%get3A_592, %get3A_593] {strides = array<i32>} : memref<64x256xf32, #tpu.memory_space<vmem>>, vector<16xf32>,
        tpu.vector_store_idx %arg8[%broadcast_in_dim3A_548, %add3A_84], %get3A_594 {add = true} : memref<64x256xf32, #tpu.memory_space<vmem>>[vector<16xi32>, vector<16xi32>], vector<16xf32>,
        %get3A_595 = arith.index_cast %add3A_552 : i32 to index
        %get3A_596 = arith.constant 224 : index
        %get3A_597 = tpu.vector_load %arg7[%get3A_595, %get3A_596] {strides = array<i32>} : memref<64x256xf32, #tpu.memory_space<vmem>>, vector<16xf32>,
        tpu.vector_store_idx %arg8[%broadcast_in_dim3A_548, %add3A_87], %get3A_597 {add = true} : memref<64x256xf32, #tpu.memory_space<vmem>>[vector<16xi32>, vector<16xi32>], vector<16xf32>,
        %get3A_598 = arith.index_cast %add3A_552 : i32 to index
        %get3A_599 = arith.constant 240 : index
        %get3A_600 = tpu.vector_load %arg7[%get3A_598, %get3A_599] {strides = array<i32>} : memref<64x256xf32, #tpu.memory_space<vmem>>, vector<16xf32>,
        tpu.vector_store_idx %arg8[%broadcast_in_dim3A_548, %add3A_90], %get3A_600 {add = true} : memref<64x256xf32, #tpu.memory_space<vmem>>[vector<16xi32>, vector<16xi32>], vector<16xf32>,
        %slice3A_601 = vector.extract_strided_slice %get3A_163 {offsets = [8], sizes = [1], strides = [1]} : vector<16xi32> to vector<1xi32>
        %squeeze3A_602 = vector.extract %slice3A_601[0] : i32 from vector<1xi32>
        %broadcast_in_dim3A_603 = vector.broadcast %squeeze3A_602 : i32 to vector<16xi32>
        %mul3A_604 = arith.constant 16 : i32
        %mul3A_605 = arith.muli %scan3A_158, %mul3A_604 : i32
        %add3A_606 = arith.constant 8 : i32
        %add3A_607 = arith.addi %mul3A_605, %add3A_606 : i32
        %get3A_608 = arith.index_cast %add3A_607 : i32 to index
        %get3A_609 = arith.constant 0 : index
        %get3A_610 = tpu.vector_load %arg7[%get3A_608, %get3A_609] {strides = array<i32>} : memref<64x256xf32, #tpu.memory_space<vmem>>, vector<16xf32>,
        tpu.vector_store_idx %arg8[%broadcast_in_dim3A_603, %add3A_45], %get3A_610 {add = true} : memref<64x256xf32, #tpu.memory_space<vmem>>[vector<16xi32>, vector<16xi32>], vector<16xf32>,
        %get3A_611 = arith.index_cast %add3A_607 : i32 to index
        %get3A_612 = arith.constant 16 : index
        %get3A_613 = tpu.vector_load %arg7[%get3A_611, %get3A_612] {strides = array<i32>} : memref<64x256xf32, #tpu.memory_space<vmem>>, vector<16xf32>,
        tpu.vector_store_idx %arg8[%broadcast_in_dim3A_603, %add3A_48], %get3A_613 {add = true} : memref<64x256xf32, #tpu.memory_space<vmem>>[vector<16xi32>, vector<16xi32>], vector<16xf32>,
        %get3A_614 = arith.index_cast %add3A_607 : i32 to index
        %get3A_615 = arith.constant 32 : index
        %get3A_616 = tpu.vector_load %arg7[%get3A_614, %get3A_615] {strides = array<i32>} : memref<64x256xf32, #tpu.memory_space<vmem>>, vector<16xf32>,
        tpu.vector_store_idx %arg8[%broadcast_in_dim3A_603, %add3A_51], %get3A_616 {add = true} : memref<64x256xf32, #tpu.memory_space<vmem>>[vector<16xi32>, vector<16xi32>], vector<16xf32>,
        %get3A_617 = arith.index_cast %add3A_607 : i32 to index
        %get3A_618 = arith.constant 48 : index
        %get3A_619 = tpu.vector_load %arg7[%get3A_617, %get3A_618] {strides = array<i32>} : memref<64x256xf32, #tpu.memory_space<vmem>>, vector<16xf32>,
        tpu.vector_store_idx %arg8[%broadcast_in_dim3A_603, %add3A_54], %get3A_619 {add = true} : memref<64x256xf32, #tpu.memory_space<vmem>>[vector<16xi32>, vector<16xi32>], vector<16xf32>,
        %get3A_620 = arith.index_cast %add3A_607 : i32 to index
        %get3A_621 = arith.constant 64 : index
        %get3A_622 = tpu.vector_load %arg7[%get3A_620, %get3A_621] {strides = array<i32>} : memref<64x256xf32, #tpu.memory_space<vmem>>, vector<16xf32>,
        tpu.vector_store_idx %arg8[%broadcast_in_dim3A_603, %add3A_57], %get3A_622 {add = true} : memref<64x256xf32, #tpu.memory_space<vmem>>[vector<16xi32>, vector<16xi32>], vector<16xf32>,
        %get3A_623 = arith.index_cast %add3A_607 : i32 to index
        %get3A_624 = arith.constant 80 : index
        %get3A_625 = tpu.vector_load %arg7[%get3A_623, %get3A_624] {strides = array<i32>} : memref<64x256xf32, #tpu.memory_space<vmem>>, vector<16xf32>,
        tpu.vector_store_idx %arg8[%broadcast_in_dim3A_603, %add3A_60], %get3A_625 {add = true} : memref<64x256xf32, #tpu.memory_space<vmem>>[vector<16xi32>, vector<16xi32>], vector<16xf32>,
        %get3A_626 = arith.index_cast %add3A_607 : i32 to index
        %get3A_627 = arith.constant 96 : index
        %get3A_628 = tpu.vector_load %arg7[%get3A_626, %get3A_627] {strides = array<i32>} : memref<64x256xf32, #tpu.memory_space<vmem>>, vector<16xf32>,
        tpu.vector_store_idx %arg8[%broadcast_in_dim3A_603, %add3A_63], %get3A_628 {add = true} : memref<64x256xf32, #tpu.memory_space<vmem>>[vector<16xi32>, vector<16xi32>], vector<16xf32>,
        %get3A_629 = arith.index_cast %add3A_607 : i32 to index
        %get3A_630 = arith.constant 112 : index
        %get3A_631 = tpu.vector_load %arg7[%get3A_629, %get3A_630] {strides = array<i32>} : memref<64x256xf32, #tpu.memory_space<vmem>>, vector<16xf32>,
        tpu.vector_store_idx %arg8[%broadcast_in_dim3A_603, %add3A_66], %get3A_631 {add = true} : memref<64x256xf32, #tpu.memory_space<vmem>>[vector<16xi32>, vector<16xi32>], vector<16xf32>,
        %get3A_632 = arith.index_cast %add3A_607 : i32 to index
        %get3A_633 = arith.constant 128 : index
        %get3A_634 = tpu.vector_load %arg7[%get3A_632, %get3A_633] {strides = array<i32>} : memref<64x256xf32, #tpu.memory_space<vmem>>, vector<16xf32>,
        tpu.vector_store_idx %arg8[%broadcast_in_dim3A_603, %add3A_69], %get3A_634 {add = true} : memref<64x256xf32, #tpu.memory_space<vmem>>[vector<16xi32>, vector<16xi32>], vector<16xf32>,
        %get3A_635 = arith.index_cast %add3A_607 : i32 to index
        %get3A_636 = arith.constant 144 : index
        %get3A_637 = tpu.vector_load %arg7[%get3A_635, %get3A_636] {strides = array<i32>} : memref<64x256xf32, #tpu.memory_space<vmem>>, vector<16xf32>,
        tpu.vector_store_idx %arg8[%broadcast_in_dim3A_603, %add3A_72], %get3A_637 {add = true} : memref<64x256xf32, #tpu.memory_space<vmem>>[vector<16xi32>, vector<16xi32>], vector<16xf32>,
        %get3A_638 = arith.index_cast %add3A_607 : i32 to index
        %get3A_639 = arith.constant 160 : index
        %get3A_640 = tpu.vector_load %arg7[%get3A_638, %get3A_639] {strides = array<i32>} : memref<64x256xf32, #tpu.memory_space<vmem>>, vector<16xf32>,
        tpu.vector_store_idx %arg8[%broadcast_in_dim3A_603, %add3A_75], %get3A_640 {add = true} : memref<64x256xf32, #tpu.memory_space<vmem>>[vector<16xi32>, vector<16xi32>], vector<16xf32>,
        %get3A_641 = arith.index_cast %add3A_607 : i32 to index
        %get3A_642 = arith.constant 176 : index
        %get3A_643 = tpu.vector_load %arg7[%get3A_641, %get3A_642] {strides = array<i32>} : memref<64x256xf32, #tpu.memory_space<vmem>>, vector<16xf32>,
        tpu.vector_store_idx %arg8[%broadcast_in_dim3A_603, %add3A_78], %get3A_643 {add = true} : memref<64x256xf32, #tpu.memory_space<vmem>>[vector<16xi32>, vector<16xi32>], vector<16xf32>,
        %get3A_644 = arith.index_cast %add3A_607 : i32 to index
        %get3A_645 = arith.constant 192 : index
        %get3A_646 = tpu.vector_load %arg7[%get3A_644, %get3A_645] {strides = array<i32>} : memref<64x256xf32, #tpu.memory_space<vmem>>, vector<16xf32>,
        tpu.vector_store_idx %arg8[%broadcast_in_dim3A_603, %add3A_81], %get3A_646 {add = true} : memref<64x256xf32, #tpu.memory_space<vmem>>[vector<16xi32>, vector<16xi32>], vector<16xf32>,
        %get3A_647 = arith.index_cast %add3A_607 : i32 to index
        %get3A_648 = arith.constant 208 : index
        %get3A_649 = tpu.vector_load %arg7[%get3A_647, %get3A_648] {strides = array<i32>} : memref<64x256xf32, #tpu.memory_space<vmem>>, vector<16xf32>,
        tpu.vector_store_idx %arg8[%broadcast_in_dim3A_603, %add3A_84], %get3A_649 {add = true} : memref<64x256xf32, #tpu.memory_space<vmem>>[vector<16xi32>, vector<16xi32>], vector<16xf32>,
        %get3A_650 = arith.index_cast %add3A_607 : i32 to index
        %get3A_651 = arith.constant 224 : index
        %get3A_652 = tpu.vector_load %arg7[%get3A_650, %get3A_651] {strides = array<i32>} : memref<64x256xf32, #tpu.memory_space<vmem>>, vector<16xf32>,
        tpu.vector_store_idx %arg8[%broadcast_in_dim3A_603, %add3A_87], %get3A_652 {add = true} : memref<64x256xf32, #tpu.memory_space<vmem>>[vector<16xi32>, vector<16xi32>], vector<16xf32>,
        %get3A_653 = arith.index_cast %add3A_607 : i32 to index
        %get3A_654 = arith.constant 240 : index
        %get3A_655 = tpu.vector_load %arg7[%get3A_653, %get3A_654] {strides = array<i32>} : memref<64x256xf32, #tpu.memory_space<vmem>>, vector<16xf32>,
        tpu.vector_store_idx %arg8[%broadcast_in_dim3A_603, %add3A_90], %get3A_655 {add = true} : memref<64x256xf32, #tpu.memory_space<vmem>>[vector<16xi32>, vector<16xi32>], vector<16xf32>,
        %slice3A_656 = vector.extract_strided_slice %get3A_163 {offsets = [9], sizes = [1], strides = [1]} : vector<16xi32> to vector<1xi32>
        %squeeze3A_657 = vector.extract %slice3A_656[0] : i32 from vector<1xi32>
        %broadcast_in_dim3A_658 = vector.broadcast %squeeze3A_657 : i32 to vector<16xi32>
        %mul3A_659 = arith.constant 16 : i32
        %mul3A_660 = arith.muli %scan3A_158, %mul3A_659 : i32
        %add3A_661 = arith.constant 9 : i32
        %add3A_662 = arith.addi %mul3A_660, %add3A_661 : i32
        %get3A_663 = arith.index_cast %add3A_662 : i32 to index
        %get3A_664 = arith.constant 0 : index
        %get3A_665 = tpu.vector_load %arg7[%get3A_663, %get3A_664] {strides = array<i32>} : memref<64x256xf32, #tpu.memory_space<vmem>>, vector<16xf32>,
        tpu.vector_store_idx %arg8[%broadcast_in_dim3A_658, %add3A_45], %get3A_665 {add = true} : memref<64x256xf32, #tpu.memory_space<vmem>>[vector<16xi32>, vector<16xi32>], vector<16xf32>,
        %get3A_666 = arith.index_cast %add3A_662 : i32 to index
        %get3A_667 = arith.constant 16 : index
        %get3A_668 = tpu.vector_load %arg7[%get3A_666, %get3A_667] {strides = array<i32>} : memref<64x256xf32, #tpu.memory_space<vmem>>, vector<16xf32>,
        tpu.vector_store_idx %arg8[%broadcast_in_dim3A_658, %add3A_48], %get3A_668 {add = true} : memref<64x256xf32, #tpu.memory_space<vmem>>[vector<16xi32>, vector<16xi32>], vector<16xf32>,
        %get3A_669 = arith.index_cast %add3A_662 : i32 to index
        %get3A_670 = arith.constant 32 : index
        %get3A_671 = tpu.vector_load %arg7[%get3A_669, %get3A_670] {strides = array<i32>} : memref<64x256xf32, #tpu.memory_space<vmem>>, vector<16xf32>,
        tpu.vector_store_idx %arg8[%broadcast_in_dim3A_658, %add3A_51], %get3A_671 {add = true} : memref<64x256xf32, #tpu.memory_space<vmem>>[vector<16xi32>, vector<16xi32>], vector<16xf32>,
        %get3A_672 = arith.index_cast %add3A_662 : i32 to index
        %get3A_673 = arith.constant 48 : index
        %get3A_674 = tpu.vector_load %arg7[%get3A_672, %get3A_673] {strides = array<i32>} : memref<64x256xf32, #tpu.memory_space<vmem>>, vector<16xf32>,
        tpu.vector_store_idx %arg8[%broadcast_in_dim3A_658, %add3A_54], %get3A_674 {add = true} : memref<64x256xf32, #tpu.memory_space<vmem>>[vector<16xi32>, vector<16xi32>], vector<16xf32>,
        %get3A_675 = arith.index_cast %add3A_662 : i32 to index
        %get3A_676 = arith.constant 64 : index
        %get3A_677 = tpu.vector_load %arg7[%get3A_675, %get3A_676] {strides = array<i32>} : memref<64x256xf32, #tpu.memory_space<vmem>>, vector<16xf32>,
        tpu.vector_store_idx %arg8[%broadcast_in_dim3A_658, %add3A_57], %get3A_677 {add = true} : memref<64x256xf32, #tpu.memory_space<vmem>>[vector<16xi32>, vector<16xi32>], vector<16xf32>,
        %get3A_678 = arith.index_cast %add3A_662 : i32 to index
        %get3A_679 = arith.constant 80 : index
        %get3A_680 = tpu.vector_load %arg7[%get3A_678, %get3A_679] {strides = array<i32>} : memref<64x256xf32, #tpu.memory_space<vmem>>, vector<16xf32>,
        tpu.vector_store_idx %arg8[%broadcast_in_dim3A_658, %add3A_60], %get3A_680 {add = true} : memref<64x256xf32, #tpu.memory_space<vmem>>[vector<16xi32>, vector<16xi32>], vector<16xf32>,
        %get3A_681 = arith.index_cast %add3A_662 : i32 to index
        %get3A_682 = arith.constant 96 : index
        %get3A_683 = tpu.vector_load %arg7[%get3A_681, %get3A_682] {strides = array<i32>} : memref<64x256xf32, #tpu.memory_space<vmem>>, vector<16xf32>,
        tpu.vector_store_idx %arg8[%broadcast_in_dim3A_658, %add3A_63], %get3A_683 {add = true} : memref<64x256xf32, #tpu.memory_space<vmem>>[vector<16xi32>, vector<16xi32>], vector<16xf32>,
        %get3A_684 = arith.index_cast %add3A_662 : i32 to index
        %get3A_685 = arith.constant 112 : index
        %get3A_686 = tpu.vector_load %arg7[%get3A_684, %get3A_685] {strides = array<i32>} : memref<64x256xf32, #tpu.memory_space<vmem>>, vector<16xf32>,
        tpu.vector_store_idx %arg8[%broadcast_in_dim3A_658, %add3A_66], %get3A_686 {add = true} : memref<64x256xf32, #tpu.memory_space<vmem>>[vector<16xi32>, vector<16xi32>], vector<16xf32>,
        %get3A_687 = arith.index_cast %add3A_662 : i32 to index
        %get3A_688 = arith.constant 128 : index
        %get3A_689 = tpu.vector_load %arg7[%get3A_687, %get3A_688] {strides = array<i32>} : memref<64x256xf32, #tpu.memory_space<vmem>>, vector<16xf32>,
        tpu.vector_store_idx %arg8[%broadcast_in_dim3A_658, %add3A_69], %get3A_689 {add = true} : memref<64x256xf32, #tpu.memory_space<vmem>>[vector<16xi32>, vector<16xi32>], vector<16xf32>,
        %get3A_690 = arith.index_cast %add3A_662 : i32 to index
        %get3A_691 = arith.constant 144 : index
        %get3A_692 = tpu.vector_load %arg7[%get3A_690, %get3A_691] {strides = array<i32>} : memref<64x256xf32, #tpu.memory_space<vmem>>, vector<16xf32>,
        tpu.vector_store_idx %arg8[%broadcast_in_dim3A_658, %add3A_72], %get3A_692 {add = true} : memref<64x256xf32, #tpu.memory_space<vmem>>[vector<16xi32>, vector<16xi32>], vector<16xf32>,
        %get3A_693 = arith.index_cast %add3A_662 : i32 to index
        %get3A_694 = arith.constant 160 : index
        %get3A_695 = tpu.vector_load %arg7[%get3A_693, %get3A_694] {strides = array<i32>} : memref<64x256xf32, #tpu.memory_space<vmem>>, vector<16xf32>,
        tpu.vector_store_idx %arg8[%broadcast_in_dim3A_658, %add3A_75], %get3A_695 {add = true} : memref<64x256xf32, #tpu.memory_space<vmem>>[vector<16xi32>, vector<16xi32>], vector<16xf32>,
        %get3A_696 = arith.index_cast %add3A_662 : i32 to index
        %get3A_697 = arith.constant 176 : index
        %get3A_698 = tpu.vector_load %arg7[%get3A_696, %get3A_697] {strides = array<i32>} : memref<64x256xf32, #tpu.memory_space<vmem>>, vector<16xf32>,
        tpu.vector_store_idx %arg8[%broadcast_in_dim3A_658, %add3A_78], %get3A_698 {add = true} : memref<64x256xf32, #tpu.memory_space<vmem>>[vector<16xi32>, vector<16xi32>], vector<16xf32>,
        %get3A_699 = arith.index_cast %add3A_662 : i32 to index
        %get3A_700 = arith.constant 192 : index
        %get3A_701 = tpu.vector_load %arg7[%get3A_699, %get3A_700] {strides = array<i32>} : memref<64x256xf32, #tpu.memory_space<vmem>>, vector<16xf32>,
        tpu.vector_store_idx %arg8[%broadcast_in_dim3A_658, %add3A_81], %get3A_701 {add = true} : memref<64x256xf32, #tpu.memory_space<vmem>>[vector<16xi32>, vector<16xi32>], vector<16xf32>,
        %get3A_702 = arith.index_cast %add3A_662 : i32 to index
        %get3A_703 = arith.constant 208 : index
        %get3A_704 = tpu.vector_load %arg7[%get3A_702, %get3A_703] {strides = array<i32>} : memref<64x256xf32, #tpu.memory_space<vmem>>, vector<16xf32>,
        tpu.vector_store_idx %arg8[%broadcast_in_dim3A_658, %add3A_84], %get3A_704 {add = true} : memref<64x256xf32, #tpu.memory_space<vmem>>[vector<16xi32>, vector<16xi32>], vector<16xf32>,
        %get3A_705 = arith.index_cast %add3A_662 : i32 to index
        %get3A_706 = arith.constant 224 : index
        %get3A_707 = tpu.vector_load %arg7[%get3A_705, %get3A_706] {strides = array<i32>} : memref<64x256xf32, #tpu.memory_space<vmem>>, vector<16xf32>,
        tpu.vector_store_idx %arg8[%broadcast_in_dim3A_658, %add3A_87], %get3A_707 {add = true} : memref<64x256xf32, #tpu.memory_space<vmem>>[vector<16xi32>, vector<16xi32>], vector<16xf32>,
        %get3A_708 = arith.index_cast %add3A_662 : i32 to index
        %get3A_709 = arith.constant 240 : index
        %get3A_710 = tpu.vector_load %arg7[%get3A_708, %get3A_709] {strides = array<i32>} : memref<64x256xf32, #tpu.memory_space<vmem>>, vector<16xf32>,
        tpu.vector_store_idx %arg8[%broadcast_in_dim3A_658, %add3A_90], %get3A_710 {add = true} : memref<64x256xf32, #tpu.memory_space<vmem>>[vector<16xi32>, vector<16xi32>], vector<16xf32>,
        %slice3A_711 = vector.extract_strided_slice %get3A_163 {offsets = [10], sizes = [1], strides = [1]} : vector<16xi32> to vector<1xi32>
        %squeeze3A_712 = vector.extract %slice3A_711[0] : i32 from vector<1xi32>
        %broadcast_in_dim3A_713 = vector.broadcast %squeeze3A_712 : i32 to vector<16xi32>
        %mul3A_714 = arith.constant 16 : i32
        %mul3A_715 = arith.muli %scan3A_158, %mul3A_714 : i32
        %add3A_716 = arith.constant 10 : i32
        %add3A_717 = arith.addi %mul3A_715, %add3A_716 : i32
        %get3A_718 = arith.index_cast %add3A_717 : i32 to index
        %get3A_719 = arith.constant 0 : index
        %get3A_720 = tpu.vector_load %arg7[%get3A_718, %get3A_719] {strides = array<i32>} : memref<64x256xf32, #tpu.memory_space<vmem>>, vector<16xf32>,
        tpu.vector_store_idx %arg8[%broadcast_in_dim3A_713, %add3A_45], %get3A_720 {add = true} : memref<64x256xf32, #tpu.memory_space<vmem>>[vector<16xi32>, vector<16xi32>], vector<16xf32>,
        %get3A_721 = arith.index_cast %add3A_717 : i32 to index
        %get3A_722 = arith.constant 16 : index
        %get3A_723 = tpu.vector_load %arg7[%get3A_721, %get3A_722] {strides = array<i32>} : memref<64x256xf32, #tpu.memory_space<vmem>>, vector<16xf32>,
        tpu.vector_store_idx %arg8[%broadcast_in_dim3A_713, %add3A_48], %get3A_723 {add = true} : memref<64x256xf32, #tpu.memory_space<vmem>>[vector<16xi32>, vector<16xi32>], vector<16xf32>,
        %get3A_724 = arith.index_cast %add3A_717 : i32 to index
        %get3A_725 = arith.constant 32 : index
        %get3A_726 = tpu.vector_load %arg7[%get3A_724, %get3A_725] {strides = array<i32>} : memref<64x256xf32, #tpu.memory_space<vmem>>, vector<16xf32>,
        tpu.vector_store_idx %arg8[%broadcast_in_dim3A_713, %add3A_51], %get3A_726 {add = true} : memref<64x256xf32, #tpu.memory_space<vmem>>[vector<16xi32>, vector<16xi32>], vector<16xf32>,
        %get3A_727 = arith.index_cast %add3A_717 : i32 to index
        %get3A_728 = arith.constant 48 : index
        %get3A_729 = tpu.vector_load %arg7[%get3A_727, %get3A_728] {strides = array<i32>} : memref<64x256xf32, #tpu.memory_space<vmem>>, vector<16xf32>,
        tpu.vector_store_idx %arg8[%broadcast_in_dim3A_713, %add3A_54], %get3A_729 {add = true} : memref<64x256xf32, #tpu.memory_space<vmem>>[vector<16xi32>, vector<16xi32>], vector<16xf32>,
        %get3A_730 = arith.index_cast %add3A_717 : i32 to index
        %get3A_731 = arith.constant 64 : index
        %get3A_732 = tpu.vector_load %arg7[%get3A_730, %get3A_731] {strides = array<i32>} : memref<64x256xf32, #tpu.memory_space<vmem>>, vector<16xf32>,
        tpu.vector_store_idx %arg8[%broadcast_in_dim3A_713, %add3A_57], %get3A_732 {add = true} : memref<64x256xf32, #tpu.memory_space<vmem>>[vector<16xi32>, vector<16xi32>], vector<16xf32>,
        %get3A_733 = arith.index_cast %add3A_717 : i32 to index
        %get3A_734 = arith.constant 80 : index
        %get3A_735 = tpu.vector_load %arg7[%get3A_733, %get3A_734] {strides = array<i32>} : memref<64x256xf32, #tpu.memory_space<vmem>>, vector<16xf32>,
        tpu.vector_store_idx %arg8[%broadcast_in_dim3A_713, %add3A_60], %get3A_735 {add = true} : memref<64x256xf32, #tpu.memory_space<vmem>>[vector<16xi32>, vector<16xi32>], vector<16xf32>,
        %get3A_736 = arith.index_cast %add3A_717 : i32 to index
        %get3A_737 = arith.constant 96 : index
        %get3A_738 = tpu.vector_load %arg7[%get3A_736, %get3A_737] {strides = array<i32>} : memref<64x256xf32, #tpu.memory_space<vmem>>, vector<16xf32>,
        tpu.vector_store_idx %arg8[%broadcast_in_dim3A_713, %add3A_63], %get3A_738 {add = true} : memref<64x256xf32, #tpu.memory_space<vmem>>[vector<16xi32>, vector<16xi32>], vector<16xf32>,
        %get3A_739 = arith.index_cast %add3A_717 : i32 to index
        %get3A_740 = arith.constant 112 : index
        %get3A_741 = tpu.vector_load %arg7[%get3A_739, %get3A_740] {strides = array<i32>} : memref<64x256xf32, #tpu.memory_space<vmem>>, vector<16xf32>,
        tpu.vector_store_idx %arg8[%broadcast_in_dim3A_713, %add3A_66], %get3A_741 {add = true} : memref<64x256xf32, #tpu.memory_space<vmem>>[vector<16xi32>, vector<16xi32>], vector<16xf32>,
        %get3A_742 = arith.index_cast %add3A_717 : i32 to index
        %get3A_743 = arith.constant 128 : index
        %get3A_744 = tpu.vector_load %arg7[%get3A_742, %get3A_743] {strides = array<i32>} : memref<64x256xf32, #tpu.memory_space<vmem>>, vector<16xf32>,
        tpu.vector_store_idx %arg8[%broadcast_in_dim3A_713, %add3A_69], %get3A_744 {add = true} : memref<64x256xf32, #tpu.memory_space<vmem>>[vector<16xi32>, vector<16xi32>], vector<16xf32>,
        %get3A_745 = arith.index_cast %add3A_717 : i32 to index
        %get3A_746 = arith.constant 144 : index
        %get3A_747 = tpu.vector_load %arg7[%get3A_745, %get3A_746] {strides = array<i32>} : memref<64x256xf32, #tpu.memory_space<vmem>>, vector<16xf32>,
        tpu.vector_store_idx %arg8[%broadcast_in_dim3A_713, %add3A_72], %get3A_747 {add = true} : memref<64x256xf32, #tpu.memory_space<vmem>>[vector<16xi32>, vector<16xi32>], vector<16xf32>,
        %get3A_748 = arith.index_cast %add3A_717 : i32 to index
        %get3A_749 = arith.constant 160 : index
        %get3A_750 = tpu.vector_load %arg7[%get3A_748, %get3A_749] {strides = array<i32>} : memref<64x256xf32, #tpu.memory_space<vmem>>, vector<16xf32>,
        tpu.vector_store_idx %arg8[%broadcast_in_dim3A_713, %add3A_75], %get3A_750 {add = true} : memref<64x256xf32, #tpu.memory_space<vmem>>[vector<16xi32>, vector<16xi32>], vector<16xf32>,
        %get3A_751 = arith.index_cast %add3A_717 : i32 to index
        %get3A_752 = arith.constant 176 : index
        %get3A_753 = tpu.vector_load %arg7[%get3A_751, %get3A_752] {strides = array<i32>} : memref<64x256xf32, #tpu.memory_space<vmem>>, vector<16xf32>,
        tpu.vector_store_idx %arg8[%broadcast_in_dim3A_713, %add3A_78], %get3A_753 {add = true} : memref<64x256xf32, #tpu.memory_space<vmem>>[vector<16xi32>, vector<16xi32>], vector<16xf32>,
        %get3A_754 = arith.index_cast %add3A_717 : i32 to index
        %get3A_755 = arith.constant 192 : index
        %get3A_756 = tpu.vector_load %arg7[%get3A_754, %get3A_755] {strides = array<i32>} : memref<64x256xf32, #tpu.memory_space<vmem>>, vector<16xf32>,
        tpu.vector_store_idx %arg8[%broadcast_in_dim3A_713, %add3A_81], %get3A_756 {add = true} : memref<64x256xf32, #tpu.memory_space<vmem>>[vector<16xi32>, vector<16xi32>], vector<16xf32>,
        %get3A_757 = arith.index_cast %add3A_717 : i32 to index
        %get3A_758 = arith.constant 208 : index
        %get3A_759 = tpu.vector_load %arg7[%get3A_757, %get3A_758] {strides = array<i32>} : memref<64x256xf32, #tpu.memory_space<vmem>>, vector<16xf32>,
        tpu.vector_store_idx %arg8[%broadcast_in_dim3A_713, %add3A_84], %get3A_759 {add = true} : memref<64x256xf32, #tpu.memory_space<vmem>>[vector<16xi32>, vector<16xi32>], vector<16xf32>,
        %get3A_760 = arith.index_cast %add3A_717 : i32 to index
        %get3A_761 = arith.constant 224 : index
        %get3A_762 = tpu.vector_load %arg7[%get3A_760, %get3A_761] {strides = array<i32>} : memref<64x256xf32, #tpu.memory_space<vmem>>, vector<16xf32>,
        tpu.vector_store_idx %arg8[%broadcast_in_dim3A_713, %add3A_87], %get3A_762 {add = true} : memref<64x256xf32, #tpu.memory_space<vmem>>[vector<16xi32>, vector<16xi32>], vector<16xf32>,
        %get3A_763 = arith.index_cast %add3A_717 : i32 to index
        %get3A_764 = arith.constant 240 : index
        %get3A_765 = tpu.vector_load %arg7[%get3A_763, %get3A_764] {strides = array<i32>} : memref<64x256xf32, #tpu.memory_space<vmem>>, vector<16xf32>,
        tpu.vector_store_idx %arg8[%broadcast_in_dim3A_713, %add3A_90], %get3A_765 {add = true} : memref<64x256xf32, #tpu.memory_space<vmem>>[vector<16xi32>, vector<16xi32>], vector<16xf32>,
        %slice3A_766 = vector.extract_strided_slice %get3A_163 {offsets = [11], sizes = [1], strides = [1]} : vector<16xi32> to vector<1xi32>
        %squeeze3A_767 = vector.extract %slice3A_766[0] : i32 from vector<1xi32>
        %broadcast_in_dim3A_768 = vector.broadcast %squeeze3A_767 : i32 to vector<16xi32>
        %mul3A_769 = arith.constant 16 : i32
        %mul3A_770 = arith.muli %scan3A_158, %mul3A_769 : i32
        %add3A_771 = arith.constant 11 : i32
        %add3A_772 = arith.addi %mul3A_770, %add3A_771 : i32
        %get3A_773 = arith.index_cast %add3A_772 : i32 to index
        %get3A_774 = arith.constant 0 : index
        %get3A_775 = tpu.vector_load %arg7[%get3A_773, %get3A_774] {strides = array<i32>} : memref<64x256xf32, #tpu.memory_space<vmem>>, vector<16xf32>,
        tpu.vector_store_idx %arg8[%broadcast_in_dim3A_768, %add3A_45], %get3A_775 {add = true} : memref<64x256xf32, #tpu.memory_space<vmem>>[vector<16xi32>, vector<16xi32>], vector<16xf32>,
        %get3A_776 = arith.index_cast %add3A_772 : i32 to index
        %get3A_777 = arith.constant 16 : index
        %get3A_778 = tpu.vector_load %arg7[%get3A_776, %get3A_777] {strides = array<i32>} : memref<64x256xf32, #tpu.memory_space<vmem>>, vector<16xf32>,
        tpu.vector_store_idx %arg8[%broadcast_in_dim3A_768, %add3A_48], %get3A_778 {add = true} : memref<64x256xf32, #tpu.memory_space<vmem>>[vector<16xi32>, vector<16xi32>], vector<16xf32>,
        %get3A_779 = arith.index_cast %add3A_772 : i32 to index
        %get3A_780 = arith.constant 32 : index
        %get3A_781 = tpu.vector_load %arg7[%get3A_779, %get3A_780] {strides = array<i32>} : memref<64x256xf32, #tpu.memory_space<vmem>>, vector<16xf32>,
        tpu.vector_store_idx %arg8[%broadcast_in_dim3A_768, %add3A_51], %get3A_781 {add = true} : memref<64x256xf32, #tpu.memory_space<vmem>>[vector<16xi32>, vector<16xi32>], vector<16xf32>,
        %get3A_782 = arith.index_cast %add3A_772 : i32 to index
        %get3A_783 = arith.constant 48 : index
        %get3A_784 = tpu.vector_load %arg7[%get3A_782, %get3A_783] {strides = array<i32>} : memref<64x256xf32, #tpu.memory_space<vmem>>, vector<16xf32>,
        tpu.vector_store_idx %arg8[%broadcast_in_dim3A_768, %add3A_54], %get3A_784 {add = true} : memref<64x256xf32, #tpu.memory_space<vmem>>[vector<16xi32>, vector<16xi32>], vector<16xf32>,
        %get3A_785 = arith.index_cast %add3A_772 : i32 to index
        %get3A_786 = arith.constant 64 : index
        %get3A_787 = tpu.vector_load %arg7[%get3A_785, %get3A_786] {strides = array<i32>} : memref<64x256xf32, #tpu.memory_space<vmem>>, vector<16xf32>,
        tpu.vector_store_idx %arg8[%broadcast_in_dim3A_768, %add3A_57], %get3A_787 {add = true} : memref<64x256xf32, #tpu.memory_space<vmem>>[vector<16xi32>, vector<16xi32>], vector<16xf32>,
        %get3A_788 = arith.index_cast %add3A_772 : i32 to index
        %get3A_789 = arith.constant 80 : index
        %get3A_790 = tpu.vector_load %arg7[%get3A_788, %get3A_789] {strides = array<i32>} : memref<64x256xf32, #tpu.memory_space<vmem>>, vector<16xf32>,
        tpu.vector_store_idx %arg8[%broadcast_in_dim3A_768, %add3A_60], %get3A_790 {add = true} : memref<64x256xf32, #tpu.memory_space<vmem>>[vector<16xi32>, vector<16xi32>], vector<16xf32>,
        %get3A_791 = arith.index_cast %add3A_772 : i32 to index
        %get3A_792 = arith.constant 96 : index
        %get3A_793 = tpu.vector_load %arg7[%get3A_791, %get3A_792] {strides = array<i32>} : memref<64x256xf32, #tpu.memory_space<vmem>>, vector<16xf32>,
        tpu.vector_store_idx %arg8[%broadcast_in_dim3A_768, %add3A_63], %get3A_793 {add = true} : memref<64x256xf32, #tpu.memory_space<vmem>>[vector<16xi32>, vector<16xi32>], vector<16xf32>,
        %get3A_794 = arith.index_cast %add3A_772 : i32 to index
        %get3A_795 = arith.constant 112 : index
        %get3A_796 = tpu.vector_load %arg7[%get3A_794, %get3A_795] {strides = array<i32>} : memref<64x256xf32, #tpu.memory_space<vmem>>, vector<16xf32>,
        tpu.vector_store_idx %arg8[%broadcast_in_dim3A_768, %add3A_66], %get3A_796 {add = true} : memref<64x256xf32, #tpu.memory_space<vmem>>[vector<16xi32>, vector<16xi32>], vector<16xf32>,
        %get3A_797 = arith.index_cast %add3A_772 : i32 to index
        %get3A_798 = arith.constant 128 : index
        %get3A_799 = tpu.vector_load %arg7[%get3A_797, %get3A_798] {strides = array<i32>} : memref<64x256xf32, #tpu.memory_space<vmem>>, vector<16xf32>,
        tpu.vector_store_idx %arg8[%broadcast_in_dim3A_768, %add3A_69], %get3A_799 {add = true} : memref<64x256xf32, #tpu.memory_space<vmem>>[vector<16xi32>, vector<16xi32>], vector<16xf32>,
        %get3A_800 = arith.index_cast %add3A_772 : i32 to index
        %get3A_801 = arith.constant 144 : index
        %get3A_802 = tpu.vector_load %arg7[%get3A_800, %get3A_801] {strides = array<i32>} : memref<64x256xf32, #tpu.memory_space<vmem>>, vector<16xf32>,
        tpu.vector_store_idx %arg8[%broadcast_in_dim3A_768, %add3A_72], %get3A_802 {add = true} : memref<64x256xf32, #tpu.memory_space<vmem>>[vector<16xi32>, vector<16xi32>], vector<16xf32>,
        %get3A_803 = arith.index_cast %add3A_772 : i32 to index
        %get3A_804 = arith.constant 160 : index
        %get3A_805 = tpu.vector_load %arg7[%get3A_803, %get3A_804] {strides = array<i32>} : memref<64x256xf32, #tpu.memory_space<vmem>>, vector<16xf32>,
        tpu.vector_store_idx %arg8[%broadcast_in_dim3A_768, %add3A_75], %get3A_805 {add = true} : memref<64x256xf32, #tpu.memory_space<vmem>>[vector<16xi32>, vector<16xi32>], vector<16xf32>,
        %get3A_806 = arith.index_cast %add3A_772 : i32 to index
        %get3A_807 = arith.constant 176 : index
        %get3A_808 = tpu.vector_load %arg7[%get3A_806, %get3A_807] {strides = array<i32>} : memref<64x256xf32, #tpu.memory_space<vmem>>, vector<16xf32>,
        tpu.vector_store_idx %arg8[%broadcast_in_dim3A_768, %add3A_78], %get3A_808 {add = true} : memref<64x256xf32, #tpu.memory_space<vmem>>[vector<16xi32>, vector<16xi32>], vector<16xf32>,
        %get3A_809 = arith.index_cast %add3A_772 : i32 to index
        %get3A_810 = arith.constant 192 : index
        %get3A_811 = tpu.vector_load %arg7[%get3A_809, %get3A_810] {strides = array<i32>} : memref<64x256xf32, #tpu.memory_space<vmem>>, vector<16xf32>,
        tpu.vector_store_idx %arg8[%broadcast_in_dim3A_768, %add3A_81], %get3A_811 {add = true} : memref<64x256xf32, #tpu.memory_space<vmem>>[vector<16xi32>, vector<16xi32>], vector<16xf32>,
        %get3A_812 = arith.index_cast %add3A_772 : i32 to index
        %get3A_813 = arith.constant 208 : index
        %get3A_814 = tpu.vector_load %arg7[%get3A_812, %get3A_813] {strides = array<i32>} : memref<64x256xf32, #tpu.memory_space<vmem>>, vector<16xf32>,
        tpu.vector_store_idx %arg8[%broadcast_in_dim3A_768, %add3A_84], %get3A_814 {add = true} : memref<64x256xf32, #tpu.memory_space<vmem>>[vector<16xi32>, vector<16xi32>], vector<16xf32>,
        %get3A_815 = arith.index_cast %add3A_772 : i32 to index
        %get3A_816 = arith.constant 224 : index
        %get3A_817 = tpu.vector_load %arg7[%get3A_815, %get3A_816] {strides = array<i32>} : memref<64x256xf32, #tpu.memory_space<vmem>>, vector<16xf32>,
        tpu.vector_store_idx %arg8[%broadcast_in_dim3A_768, %add3A_87], %get3A_817 {add = true} : memref<64x256xf32, #tpu.memory_space<vmem>>[vector<16xi32>, vector<16xi32>], vector<16xf32>,
        %get3A_818 = arith.index_cast %add3A_772 : i32 to index
        %get3A_819 = arith.constant 240 : index
        %get3A_820 = tpu.vector_load %arg7[%get3A_818, %get3A_819] {strides = array<i32>} : memref<64x256xf32, #tpu.memory_space<vmem>>, vector<16xf32>,
        tpu.vector_store_idx %arg8[%broadcast_in_dim3A_768, %add3A_90], %get3A_820 {add = true} : memref<64x256xf32, #tpu.memory_space<vmem>>[vector<16xi32>, vector<16xi32>], vector<16xf32>,
        %slice3A_821 = vector.extract_strided_slice %get3A_163 {offsets = [12], sizes = [1], strides = [1]} : vector<16xi32> to vector<1xi32>
        %squeeze3A_822 = vector.extract %slice3A_821[0] : i32 from vector<1xi32>
        %broadcast_in_dim3A_823 = vector.broadcast %squeeze3A_822 : i32 to vector<16xi32>
        %mul3A_824 = arith.constant 16 : i32
        %mul3A_825 = arith.muli %scan3A_158, %mul3A_824 : i32
        %add3A_826 = arith.constant 12 : i32
        %add3A_827 = arith.addi %mul3A_825, %add3A_826 : i32
        %get3A_828 = arith.index_cast %add3A_827 : i32 to index
        %get3A_829 = arith.constant 0 : index
        %get3A_830 = tpu.vector_load %arg7[%get3A_828, %get3A_829] {strides = array<i32>} : memref<64x256xf32, #tpu.memory_space<vmem>>, vector<16xf32>,
        tpu.vector_store_idx %arg8[%broadcast_in_dim3A_823, %add3A_45], %get3A_830 {add = true} : memref<64x256xf32, #tpu.memory_space<vmem>>[vector<16xi32>, vector<16xi32>], vector<16xf32>,
        %get3A_831 = arith.index_cast %add3A_827 : i32 to index
        %get3A_832 = arith.constant 16 : index
        %get3A_833 = tpu.vector_load %arg7[%get3A_831, %get3A_832] {strides = array<i32>} : memref<64x256xf32, #tpu.memory_space<vmem>>, vector<16xf32>,
        tpu.vector_store_idx %arg8[%broadcast_in_dim3A_823, %add3A_48], %get3A_833 {add = true} : memref<64x256xf32, #tpu.memory_space<vmem>>[vector<16xi32>, vector<16xi32>], vector<16xf32>,
        %get3A_834 = arith.index_cast %add3A_827 : i32 to index
        %get3A_835 = arith.constant 32 : index
        %get3A_836 = tpu.vector_load %arg7[%get3A_834, %get3A_835] {strides = array<i32>} : memref<64x256xf32, #tpu.memory_space<vmem>>, vector<16xf32>,
        tpu.vector_store_idx %arg8[%broadcast_in_dim3A_823, %add3A_51], %get3A_836 {add = true} : memref<64x256xf32, #tpu.memory_space<vmem>>[vector<16xi32>, vector<16xi32>], vector<16xf32>,
        %get3A_837 = arith.index_cast %add3A_827 : i32 to index
        %get3A_838 = arith.constant 48 : index
        %get3A_839 = tpu.vector_load %arg7[%get3A_837, %get3A_838] {strides = array<i32>} : memref<64x256xf32, #tpu.memory_space<vmem>>, vector<16xf32>,
        tpu.vector_store_idx %arg8[%broadcast_in_dim3A_823, %add3A_54], %get3A_839 {add = true} : memref<64x256xf32, #tpu.memory_space<vmem>>[vector<16xi32>, vector<16xi32>], vector<16xf32>,
        %get3A_840 = arith.index_cast %add3A_827 : i32 to index
        %get3A_841 = arith.constant 64 : index
        %get3A_842 = tpu.vector_load %arg7[%get3A_840, %get3A_841] {strides = array<i32>} : memref<64x256xf32, #tpu.memory_space<vmem>>, vector<16xf32>,
        tpu.vector_store_idx %arg8[%broadcast_in_dim3A_823, %add3A_57], %get3A_842 {add = true} : memref<64x256xf32, #tpu.memory_space<vmem>>[vector<16xi32>, vector<16xi32>], vector<16xf32>,
        %get3A_843 = arith.index_cast %add3A_827 : i32 to index
        %get3A_844 = arith.constant 80 : index
        %get3A_845 = tpu.vector_load %arg7[%get3A_843, %get3A_844] {strides = array<i32>} : memref<64x256xf32, #tpu.memory_space<vmem>>, vector<16xf32>,
        tpu.vector_store_idx %arg8[%broadcast_in_dim3A_823, %add3A_60], %get3A_845 {add = true} : memref<64x256xf32, #tpu.memory_space<vmem>>[vector<16xi32>, vector<16xi32>], vector<16xf32>,
        %get3A_846 = arith.index_cast %add3A_827 : i32 to index
        %get3A_847 = arith.constant 96 : index
        %get3A_848 = tpu.vector_load %arg7[%get3A_846, %get3A_847] {strides = array<i32>} : memref<64x256xf32, #tpu.memory_space<vmem>>, vector<16xf32>,
        tpu.vector_store_idx %arg8[%broadcast_in_dim3A_823, %add3A_63], %get3A_848 {add = true} : memref<64x256xf32, #tpu.memory_space<vmem>>[vector<16xi32>, vector<16xi32>], vector<16xf32>,
        %get3A_849 = arith.index_cast %add3A_827 : i32 to index
        %get3A_850 = arith.constant 112 : index
        %get3A_851 = tpu.vector_load %arg7[%get3A_849, %get3A_850] {strides = array<i32>} : memref<64x256xf32, #tpu.memory_space<vmem>>, vector<16xf32>,
        tpu.vector_store_idx %arg8[%broadcast_in_dim3A_823, %add3A_66], %get3A_851 {add = true} : memref<64x256xf32, #tpu.memory_space<vmem>>[vector<16xi32>, vector<16xi32>], vector<16xf32>,
        %get3A_852 = arith.index_cast %add3A_827 : i32 to index
        %get3A_853 = arith.constant 128 : index
        %get3A_854 = tpu.vector_load %arg7[%get3A_852, %get3A_853] {strides = array<i32>} : memref<64x256xf32, #tpu.memory_space<vmem>>, vector<16xf32>,
        tpu.vector_store_idx %arg8[%broadcast_in_dim3A_823, %add3A_69], %get3A_854 {add = true} : memref<64x256xf32, #tpu.memory_space<vmem>>[vector<16xi32>, vector<16xi32>], vector<16xf32>,
        %get3A_855 = arith.index_cast %add3A_827 : i32 to index
        %get3A_856 = arith.constant 144 : index
        %get3A_857 = tpu.vector_load %arg7[%get3A_855, %get3A_856] {strides = array<i32>} : memref<64x256xf32, #tpu.memory_space<vmem>>, vector<16xf32>,
        tpu.vector_store_idx %arg8[%broadcast_in_dim3A_823, %add3A_72], %get3A_857 {add = true} : memref<64x256xf32, #tpu.memory_space<vmem>>[vector<16xi32>, vector<16xi32>], vector<16xf32>,
        %get3A_858 = arith.index_cast %add3A_827 : i32 to index
        %get3A_859 = arith.constant 160 : index
        %get3A_860 = tpu.vector_load %arg7[%get3A_858, %get3A_859] {strides = array<i32>} : memref<64x256xf32, #tpu.memory_space<vmem>>, vector<16xf32>,
        tpu.vector_store_idx %arg8[%broadcast_in_dim3A_823, %add3A_75], %get3A_860 {add = true} : memref<64x256xf32, #tpu.memory_space<vmem>>[vector<16xi32>, vector<16xi32>], vector<16xf32>,
        %get3A_861 = arith.index_cast %add3A_827 : i32 to index
        %get3A_862 = arith.constant 176 : index
        %get3A_863 = tpu.vector_load %arg7[%get3A_861, %get3A_862] {strides = array<i32>} : memref<64x256xf32, #tpu.memory_space<vmem>>, vector<16xf32>,
        tpu.vector_store_idx %arg8[%broadcast_in_dim3A_823, %add3A_78], %get3A_863 {add = true} : memref<64x256xf32, #tpu.memory_space<vmem>>[vector<16xi32>, vector<16xi32>], vector<16xf32>,
        %get3A_864 = arith.index_cast %add3A_827 : i32 to index
        %get3A_865 = arith.constant 192 : index
        %get3A_866 = tpu.vector_load %arg7[%get3A_864, %get3A_865] {strides = array<i32>} : memref<64x256xf32, #tpu.memory_space<vmem>>, vector<16xf32>,
        tpu.vector_store_idx %arg8[%broadcast_in_dim3A_823, %add3A_81], %get3A_866 {add = true} : memref<64x256xf32, #tpu.memory_space<vmem>>[vector<16xi32>, vector<16xi32>], vector<16xf32>,
        %get3A_867 = arith.index_cast %add3A_827 : i32 to index
        %get3A_868 = arith.constant 208 : index
        %get3A_869 = tpu.vector_load %arg7[%get3A_867, %get3A_868] {strides = array<i32>} : memref<64x256xf32, #tpu.memory_space<vmem>>, vector<16xf32>,
        tpu.vector_store_idx %arg8[%broadcast_in_dim3A_823, %add3A_84], %get3A_869 {add = true} : memref<64x256xf32, #tpu.memory_space<vmem>>[vector<16xi32>, vector<16xi32>], vector<16xf32>,
        %get3A_870 = arith.index_cast %add3A_827 : i32 to index
        %get3A_871 = arith.constant 224 : index
        %get3A_872 = tpu.vector_load %arg7[%get3A_870, %get3A_871] {strides = array<i32>} : memref<64x256xf32, #tpu.memory_space<vmem>>, vector<16xf32>,
        tpu.vector_store_idx %arg8[%broadcast_in_dim3A_823, %add3A_87], %get3A_872 {add = true} : memref<64x256xf32, #tpu.memory_space<vmem>>[vector<16xi32>, vector<16xi32>], vector<16xf32>,
        %get3A_873 = arith.index_cast %add3A_827 : i32 to index
        %get3A_874 = arith.constant 240 : index
        %get3A_875 = tpu.vector_load %arg7[%get3A_873, %get3A_874] {strides = array<i32>} : memref<64x256xf32, #tpu.memory_space<vmem>>, vector<16xf32>,
        tpu.vector_store_idx %arg8[%broadcast_in_dim3A_823, %add3A_90], %get3A_875 {add = true} : memref<64x256xf32, #tpu.memory_space<vmem>>[vector<16xi32>, vector<16xi32>], vector<16xf32>,
        %slice3A_876 = vector.extract_strided_slice %get3A_163 {offsets = [13], sizes = [1], strides = [1]} : vector<16xi32> to vector<1xi32>
        %squeeze3A_877 = vector.extract %slice3A_876[0] : i32 from vector<1xi32>
        %broadcast_in_dim3A_878 = vector.broadcast %squeeze3A_877 : i32 to vector<16xi32>
        %mul3A_879 = arith.constant 16 : i32
        %mul3A_880 = arith.muli %scan3A_158, %mul3A_879 : i32
        %add3A_881 = arith.constant 13 : i32
        %add3A_882 = arith.addi %mul3A_880, %add3A_881 : i32
        %get3A_883 = arith.index_cast %add3A_882 : i32 to index
        %get3A_884 = arith.constant 0 : index
        %get3A_885 = tpu.vector_load %arg7[%get3A_883, %get3A_884] {strides = array<i32>} : memref<64x256xf32, #tpu.memory_space<vmem>>, vector<16xf32>,
        tpu.vector_store_idx %arg8[%broadcast_in_dim3A_878, %add3A_45], %get3A_885 {add = true} : memref<64x256xf32, #tpu.memory_space<vmem>>[vector<16xi32>, vector<16xi32>], vector<16xf32>,
        %get3A_886 = arith.index_cast %add3A_882 : i32 to index
        %get3A_887 = arith.constant 16 : index
        %get3A_888 = tpu.vector_load %arg7[%get3A_886, %get3A_887] {strides = array<i32>} : memref<64x256xf32, #tpu.memory_space<vmem>>, vector<16xf32>,
        tpu.vector_store_idx %arg8[%broadcast_in_dim3A_878, %add3A_48], %get3A_888 {add = true} : memref<64x256xf32, #tpu.memory_space<vmem>>[vector<16xi32>, vector<16xi32>], vector<16xf32>,
        %get3A_889 = arith.index_cast %add3A_882 : i32 to index
        %get3A_890 = arith.constant 32 : index
        %get3A_891 = tpu.vector_load %arg7[%get3A_889, %get3A_890] {strides = array<i32>} : memref<64x256xf32, #tpu.memory_space<vmem>>, vector<16xf32>,
        tpu.vector_store_idx %arg8[%broadcast_in_dim3A_878, %add3A_51], %get3A_891 {add = true} : memref<64x256xf32, #tpu.memory_space<vmem>>[vector<16xi32>, vector<16xi32>], vector<16xf32>,
        %get3A_892 = arith.index_cast %add3A_882 : i32 to index
        %get3A_893 = arith.constant 48 : index
        %get3A_894 = tpu.vector_load %arg7[%get3A_892, %get3A_893] {strides = array<i32>} : memref<64x256xf32, #tpu.memory_space<vmem>>, vector<16xf32>,
        tpu.vector_store_idx %arg8[%broadcast_in_dim3A_878, %add3A_54], %get3A_894 {add = true} : memref<64x256xf32, #tpu.memory_space<vmem>>[vector<16xi32>, vector<16xi32>], vector<16xf32>,
        %get3A_895 = arith.index_cast %add3A_882 : i32 to index
        %get3A_896 = arith.constant 64 : index
        %get3A_897 = tpu.vector_load %arg7[%get3A_895, %get3A_896] {strides = array<i32>} : memref<64x256xf32, #tpu.memory_space<vmem>>, vector<16xf32>,
        tpu.vector_store_idx %arg8[%broadcast_in_dim3A_878, %add3A_57], %get3A_897 {add = true} : memref<64x256xf32, #tpu.memory_space<vmem>>[vector<16xi32>, vector<16xi32>], vector<16xf32>,
        %get3A_898 = arith.index_cast %add3A_882 : i32 to index
        %get3A_899 = arith.constant 80 : index
        %get3A_900 = tpu.vector_load %arg7[%get3A_898, %get3A_899] {strides = array<i32>} : memref<64x256xf32, #tpu.memory_space<vmem>>, vector<16xf32>,
        tpu.vector_store_idx %arg8[%broadcast_in_dim3A_878, %add3A_60], %get3A_900 {add = true} : memref<64x256xf32, #tpu.memory_space<vmem>>[vector<16xi32>, vector<16xi32>], vector<16xf32>,
        %get3A_901 = arith.index_cast %add3A_882 : i32 to index
        %get3A_902 = arith.constant 96 : index
        %get3A_903 = tpu.vector_load %arg7[%get3A_901, %get3A_902] {strides = array<i32>} : memref<64x256xf32, #tpu.memory_space<vmem>>, vector<16xf32>,
        tpu.vector_store_idx %arg8[%broadcast_in_dim3A_878, %add3A_63], %get3A_903 {add = true} : memref<64x256xf32, #tpu.memory_space<vmem>>[vector<16xi32>, vector<16xi32>], vector<16xf32>,
        %get3A_904 = arith.index_cast %add3A_882 : i32 to index
        %get3A_905 = arith.constant 112 : index
        %get3A_906 = tpu.vector_load %arg7[%get3A_904, %get3A_905] {strides = array<i32>} : memref<64x256xf32, #tpu.memory_space<vmem>>, vector<16xf32>,
        tpu.vector_store_idx %arg8[%broadcast_in_dim3A_878, %add3A_66], %get3A_906 {add = true} : memref<64x256xf32, #tpu.memory_space<vmem>>[vector<16xi32>, vector<16xi32>], vector<16xf32>,
        %get3A_907 = arith.index_cast %add3A_882 : i32 to index
        %get3A_908 = arith.constant 128 : index
        %get3A_909 = tpu.vector_load %arg7[%get3A_907, %get3A_908] {strides = array<i32>} : memref<64x256xf32, #tpu.memory_space<vmem>>, vector<16xf32>,
        tpu.vector_store_idx %arg8[%broadcast_in_dim3A_878, %add3A_69], %get3A_909 {add = true} : memref<64x256xf32, #tpu.memory_space<vmem>>[vector<16xi32>, vector<16xi32>], vector<16xf32>,
        %get3A_910 = arith.index_cast %add3A_882 : i32 to index
        %get3A_911 = arith.constant 144 : index
        %get3A_912 = tpu.vector_load %arg7[%get3A_910, %get3A_911] {strides = array<i32>} : memref<64x256xf32, #tpu.memory_space<vmem>>, vector<16xf32>,
        tpu.vector_store_idx %arg8[%broadcast_in_dim3A_878, %add3A_72], %get3A_912 {add = true} : memref<64x256xf32, #tpu.memory_space<vmem>>[vector<16xi32>, vector<16xi32>], vector<16xf32>,
        %get3A_913 = arith.index_cast %add3A_882 : i32 to index
        %get3A_914 = arith.constant 160 : index
        %get3A_915 = tpu.vector_load %arg7[%get3A_913, %get3A_914] {strides = array<i32>} : memref<64x256xf32, #tpu.memory_space<vmem>>, vector<16xf32>,
        tpu.vector_store_idx %arg8[%broadcast_in_dim3A_878, %add3A_75], %get3A_915 {add = true} : memref<64x256xf32, #tpu.memory_space<vmem>>[vector<16xi32>, vector<16xi32>], vector<16xf32>,
        %get3A_916 = arith.index_cast %add3A_882 : i32 to index
        %get3A_917 = arith.constant 176 : index
        %get3A_918 = tpu.vector_load %arg7[%get3A_916, %get3A_917] {strides = array<i32>} : memref<64x256xf32, #tpu.memory_space<vmem>>, vector<16xf32>,
        tpu.vector_store_idx %arg8[%broadcast_in_dim3A_878, %add3A_78], %get3A_918 {add = true} : memref<64x256xf32, #tpu.memory_space<vmem>>[vector<16xi32>, vector<16xi32>], vector<16xf32>,
        %get3A_919 = arith.index_cast %add3A_882 : i32 to index
        %get3A_920 = arith.constant 192 : index
        %get3A_921 = tpu.vector_load %arg7[%get3A_919, %get3A_920] {strides = array<i32>} : memref<64x256xf32, #tpu.memory_space<vmem>>, vector<16xf32>,
        tpu.vector_store_idx %arg8[%broadcast_in_dim3A_878, %add3A_81], %get3A_921 {add = true} : memref<64x256xf32, #tpu.memory_space<vmem>>[vector<16xi32>, vector<16xi32>], vector<16xf32>,
        %get3A_922 = arith.index_cast %add3A_882 : i32 to index
        %get3A_923 = arith.constant 208 : index
        %get3A_924 = tpu.vector_load %arg7[%get3A_922, %get3A_923] {strides = array<i32>} : memref<64x256xf32, #tpu.memory_space<vmem>>, vector<16xf32>,
        tpu.vector_store_idx %arg8[%broadcast_in_dim3A_878, %add3A_84], %get3A_924 {add = true} : memref<64x256xf32, #tpu.memory_space<vmem>>[vector<16xi32>, vector<16xi32>], vector<16xf32>,
        %get3A_925 = arith.index_cast %add3A_882 : i32 to index
        %get3A_926 = arith.constant 224 : index
        %get3A_927 = tpu.vector_load %arg7[%get3A_925, %get3A_926] {strides = array<i32>} : memref<64x256xf32, #tpu.memory_space<vmem>>, vector<16xf32>,
        tpu.vector_store_idx %arg8[%broadcast_in_dim3A_878, %add3A_87], %get3A_927 {add = true} : memref<64x256xf32, #tpu.memory_space<vmem>>[vector<16xi32>, vector<16xi32>], vector<16xf32>,
        %get3A_928 = arith.index_cast %add3A_882 : i32 to index
        %get3A_929 = arith.constant 240 : index
        %get3A_930 = tpu.vector_load %arg7[%get3A_928, %get3A_929] {strides = array<i32>} : memref<64x256xf32, #tpu.memory_space<vmem>>, vector<16xf32>,
        tpu.vector_store_idx %arg8[%broadcast_in_dim3A_878, %add3A_90], %get3A_930 {add = true} : memref<64x256xf32, #tpu.memory_space<vmem>>[vector<16xi32>, vector<16xi32>], vector<16xf32>,
        %slice3A_931 = vector.extract_strided_slice %get3A_163 {offsets = [14], sizes = [1], strides = [1]} : vector<16xi32> to vector<1xi32>
        %squeeze3A_932 = vector.extract %slice3A_931[0] : i32 from vector<1xi32>
        %broadcast_in_dim3A_933 = vector.broadcast %squeeze3A_932 : i32 to vector<16xi32>
        %mul3A_934 = arith.constant 16 : i32
        %mul3A_935 = arith.muli %scan3A_158, %mul3A_934 : i32
        %add3A_936 = arith.constant 14 : i32
        %add3A_937 = arith.addi %mul3A_935, %add3A_936 : i32
        %get3A_938 = arith.index_cast %add3A_937 : i32 to index
        %get3A_939 = arith.constant 0 : index
        %get3A_940 = tpu.vector_load %arg7[%get3A_938, %get3A_939] {strides = array<i32>} : memref<64x256xf32, #tpu.memory_space<vmem>>, vector<16xf32>,
        tpu.vector_store_idx %arg8[%broadcast_in_dim3A_933, %add3A_45], %get3A_940 {add = true} : memref<64x256xf32, #tpu.memory_space<vmem>>[vector<16xi32>, vector<16xi32>], vector<16xf32>,
        %get3A_941 = arith.index_cast %add3A_937 : i32 to index
        %get3A_942 = arith.constant 16 : index
        %get3A_943 = tpu.vector_load %arg7[%get3A_941, %get3A_942] {strides = array<i32>} : memref<64x256xf32, #tpu.memory_space<vmem>>, vector<16xf32>,
        tpu.vector_store_idx %arg8[%broadcast_in_dim3A_933, %add3A_48], %get3A_943 {add = true} : memref<64x256xf32, #tpu.memory_space<vmem>>[vector<16xi32>, vector<16xi32>], vector<16xf32>,
        %get3A_944 = arith.index_cast %add3A_937 : i32 to index
        %get3A_945 = arith.constant 32 : index
        %get3A_946 = tpu.vector_load %arg7[%get3A_944, %get3A_945] {strides = array<i32>} : memref<64x256xf32, #tpu.memory_space<vmem>>, vector<16xf32>,
        tpu.vector_store_idx %arg8[%broadcast_in_dim3A_933, %add3A_51], %get3A_946 {add = true} : memref<64x256xf32, #tpu.memory_space<vmem>>[vector<16xi32>, vector<16xi32>], vector<16xf32>,
        %get3A_947 = arith.index_cast %add3A_937 : i32 to index
        %get3A_948 = arith.constant 48 : index
        %get3A_949 = tpu.vector_load %arg7[%get3A_947, %get3A_948] {strides = array<i32>} : memref<64x256xf32, #tpu.memory_space<vmem>>, vector<16xf32>,
        tpu.vector_store_idx %arg8[%broadcast_in_dim3A_933, %add3A_54], %get3A_949 {add = true} : memref<64x256xf32, #tpu.memory_space<vmem>>[vector<16xi32>, vector<16xi32>], vector<16xf32>,
        %get3A_950 = arith.index_cast %add3A_937 : i32 to index
        %get3A_951 = arith.constant 64 : index
        %get3A_952 = tpu.vector_load %arg7[%get3A_950, %get3A_951] {strides = array<i32>} : memref<64x256xf32, #tpu.memory_space<vmem>>, vector<16xf32>,
        tpu.vector_store_idx %arg8[%broadcast_in_dim3A_933, %add3A_57], %get3A_952 {add = true} : memref<64x256xf32, #tpu.memory_space<vmem>>[vector<16xi32>, vector<16xi32>], vector<16xf32>,
        %get3A_953 = arith.index_cast %add3A_937 : i32 to index
        %get3A_954 = arith.constant 80 : index
        %get3A_955 = tpu.vector_load %arg7[%get3A_953, %get3A_954] {strides = array<i32>} : memref<64x256xf32, #tpu.memory_space<vmem>>, vector<16xf32>,
        tpu.vector_store_idx %arg8[%broadcast_in_dim3A_933, %add3A_60], %get3A_955 {add = true} : memref<64x256xf32, #tpu.memory_space<vmem>>[vector<16xi32>, vector<16xi32>], vector<16xf32>,
        %get3A_956 = arith.index_cast %add3A_937 : i32 to index
        %get3A_957 = arith.constant 96 : index
        %get3A_958 = tpu.vector_load %arg7[%get3A_956, %get3A_957] {strides = array<i32>} : memref<64x256xf32, #tpu.memory_space<vmem>>, vector<16xf32>,
        tpu.vector_store_idx %arg8[%broadcast_in_dim3A_933, %add3A_63], %get3A_958 {add = true} : memref<64x256xf32, #tpu.memory_space<vmem>>[vector<16xi32>, vector<16xi32>], vector<16xf32>,
        %get3A_959 = arith.index_cast %add3A_937 : i32 to index
        %get3A_960 = arith.constant 112 : index
        %get3A_961 = tpu.vector_load %arg7[%get3A_959, %get3A_960] {strides = array<i32>} : memref<64x256xf32, #tpu.memory_space<vmem>>, vector<16xf32>,
        tpu.vector_store_idx %arg8[%broadcast_in_dim3A_933, %add3A_66], %get3A_961 {add = true} : memref<64x256xf32, #tpu.memory_space<vmem>>[vector<16xi32>, vector<16xi32>], vector<16xf32>,
        %get3A_962 = arith.index_cast %add3A_937 : i32 to index
        %get3A_963 = arith.constant 128 : index
        %get3A_964 = tpu.vector_load %arg7[%get3A_962, %get3A_963] {strides = array<i32>} : memref<64x256xf32, #tpu.memory_space<vmem>>, vector<16xf32>,
        tpu.vector_store_idx %arg8[%broadcast_in_dim3A_933, %add3A_69], %get3A_964 {add = true} : memref<64x256xf32, #tpu.memory_space<vmem>>[vector<16xi32>, vector<16xi32>], vector<16xf32>,
        %get3A_965 = arith.index_cast %add3A_937 : i32 to index
        %get3A_966 = arith.constant 144 : index
        %get3A_967 = tpu.vector_load %arg7[%get3A_965, %get3A_966] {strides = array<i32>} : memref<64x256xf32, #tpu.memory_space<vmem>>, vector<16xf32>,
        tpu.vector_store_idx %arg8[%broadcast_in_dim3A_933, %add3A_72], %get3A_967 {add = true} : memref<64x256xf32, #tpu.memory_space<vmem>>[vector<16xi32>, vector<16xi32>], vector<16xf32>,
        %get3A_968 = arith.index_cast %add3A_937 : i32 to index
        %get3A_969 = arith.constant 160 : index
        %get3A_970 = tpu.vector_load %arg7[%get3A_968, %get3A_969] {strides = array<i32>} : memref<64x256xf32, #tpu.memory_space<vmem>>, vector<16xf32>,
        tpu.vector_store_idx %arg8[%broadcast_in_dim3A_933, %add3A_75], %get3A_970 {add = true} : memref<64x256xf32, #tpu.memory_space<vmem>>[vector<16xi32>, vector<16xi32>], vector<16xf32>,
        %get3A_971 = arith.index_cast %add3A_937 : i32 to index
        %get3A_972 = arith.constant 176 : index
        %get3A_973 = tpu.vector_load %arg7[%get3A_971, %get3A_972] {strides = array<i32>} : memref<64x256xf32, #tpu.memory_space<vmem>>, vector<16xf32>,
        tpu.vector_store_idx %arg8[%broadcast_in_dim3A_933, %add3A_78], %get3A_973 {add = true} : memref<64x256xf32, #tpu.memory_space<vmem>>[vector<16xi32>, vector<16xi32>], vector<16xf32>,
        %get3A_974 = arith.index_cast %add3A_937 : i32 to index
        %get3A_975 = arith.constant 192 : index
        %get3A_976 = tpu.vector_load %arg7[%get3A_974, %get3A_975] {strides = array<i32>} : memref<64x256xf32, #tpu.memory_space<vmem>>, vector<16xf32>,
        tpu.vector_store_idx %arg8[%broadcast_in_dim3A_933, %add3A_81], %get3A_976 {add = true} : memref<64x256xf32, #tpu.memory_space<vmem>>[vector<16xi32>, vector<16xi32>], vector<16xf32>,
        %get3A_977 = arith.index_cast %add3A_937 : i32 to index
        %get3A_978 = arith.constant 208 : index
        %get3A_979 = tpu.vector_load %arg7[%get3A_977, %get3A_978] {strides = array<i32>} : memref<64x256xf32, #tpu.memory_space<vmem>>, vector<16xf32>,
        tpu.vector_store_idx %arg8[%broadcast_in_dim3A_933, %add3A_84], %get3A_979 {add = true} : memref<64x256xf32, #tpu.memory_space<vmem>>[vector<16xi32>, vector<16xi32>], vector<16xf32>,
        %get3A_980 = arith.index_cast %add3A_937 : i32 to index
        %get3A_981 = arith.constant 224 : index
        %get3A_982 = tpu.vector_load %arg7[%get3A_980, %get3A_981] {strides = array<i32>} : memref<64x256xf32, #tpu.memory_space<vmem>>, vector<16xf32>,
        tpu.vector_store_idx %arg8[%broadcast_in_dim3A_933, %add3A_87], %get3A_982 {add = true} : memref<64x256xf32, #tpu.memory_space<vmem>>[vector<16xi32>, vector<16xi32>], vector<16xf32>,
        %get3A_983 = arith.index_cast %add3A_937 : i32 to index
        %get3A_984 = arith.constant 240 : index
        %get3A_985 = tpu.vector_load %arg7[%get3A_983, %get3A_984] {strides = array<i32>} : memref<64x256xf32, #tpu.memory_space<vmem>>, vector<16xf32>,
        tpu.vector_store_idx %arg8[%broadcast_in_dim3A_933, %add3A_90], %get3A_985 {add = true} : memref<64x256xf32, #tpu.memory_space<vmem>>[vector<16xi32>, vector<16xi32>], vector<16xf32>,
        %slice3A_986 = vector.extract_strided_slice %get3A_163 {offsets = [15], sizes = [1], strides = [1]} : vector<16xi32> to vector<1xi32>
        %squeeze3A_987 = vector.extract %slice3A_986[0] : i32 from vector<1xi32>
        %broadcast_in_dim3A_988 = vector.broadcast %squeeze3A_987 : i32 to vector<16xi32>
        %mul3A_989 = arith.constant 16 : i32
        %mul3A_990 = arith.muli %scan3A_158, %mul3A_989 : i32
        %add3A_991 = arith.constant 15 : i32
        %add3A_992 = arith.addi %mul3A_990, %add3A_991 : i32
        %get3A_993 = arith.index_cast %add3A_992 : i32 to index
        %get3A_994 = arith.constant 0 : index
        %get3A_995 = tpu.vector_load %arg7[%get3A_993, %get3A_994] {strides = array<i32>} : memref<64x256xf32, #tpu.memory_space<vmem>>, vector<16xf32>,
        tpu.vector_store_idx %arg8[%broadcast_in_dim3A_988, %add3A_45], %get3A_995 {add = true} : memref<64x256xf32, #tpu.memory_space<vmem>>[vector<16xi32>, vector<16xi32>], vector<16xf32>,
        %get3A_996 = arith.index_cast %add3A_992 : i32 to index
        %get3A_997 = arith.constant 16 : index
        %get3A_998 = tpu.vector_load %arg7[%get3A_996, %get3A_997] {strides = array<i32>} : memref<64x256xf32, #tpu.memory_space<vmem>>, vector<16xf32>,
        tpu.vector_store_idx %arg8[%broadcast_in_dim3A_988, %add3A_48], %get3A_998 {add = true} : memref<64x256xf32, #tpu.memory_space<vmem>>[vector<16xi32>, vector<16xi32>], vector<16xf32>,
        %get3A_999 = arith.index_cast %add3A_992 : i32 to index
        %get3A_1000 = arith.constant 32 : index
        %get3A_1001 = tpu.vector_load %arg7[%get3A_999, %get3A_1000] {strides = array<i32>} : memref<64x256xf32, #tpu.memory_space<vmem>>, vector<16xf32>,
        tpu.vector_store_idx %arg8[%broadcast_in_dim3A_988, %add3A_51], %get3A_1001 {add = true} : memref<64x256xf32, #tpu.memory_space<vmem>>[vector<16xi32>, vector<16xi32>], vector<16xf32>,
        %get3A_1002 = arith.index_cast %add3A_992 : i32 to index
        %get3A_1003 = arith.constant 48 : index
        %get3A_1004 = tpu.vector_load %arg7[%get3A_1002, %get3A_1003] {strides = array<i32>} : memref<64x256xf32, #tpu.memory_space<vmem>>, vector<16xf32>,
        tpu.vector_store_idx %arg8[%broadcast_in_dim3A_988, %add3A_54], %get3A_1004 {add = true} : memref<64x256xf32, #tpu.memory_space<vmem>>[vector<16xi32>, vector<16xi32>], vector<16xf32>,
        %get3A_1005 = arith.index_cast %add3A_992 : i32 to index
        %get3A_1006 = arith.constant 64 : index
        %get3A_1007 = tpu.vector_load %arg7[%get3A_1005, %get3A_1006] {strides = array<i32>} : memref<64x256xf32, #tpu.memory_space<vmem>>, vector<16xf32>,
        tpu.vector_store_idx %arg8[%broadcast_in_dim3A_988, %add3A_57], %get3A_1007 {add = true} : memref<64x256xf32, #tpu.memory_space<vmem>>[vector<16xi32>, vector<16xi32>], vector<16xf32>,
        %get3A_1008 = arith.index_cast %add3A_992 : i32 to index
        %get3A_1009 = arith.constant 80 : index
        %get3A_1010 = tpu.vector_load %arg7[%get3A_1008, %get3A_1009] {strides = array<i32>} : memref<64x256xf32, #tpu.memory_space<vmem>>, vector<16xf32>,
        tpu.vector_store_idx %arg8[%broadcast_in_dim3A_988, %add3A_60], %get3A_1010 {add = true} : memref<64x256xf32, #tpu.memory_space<vmem>>[vector<16xi32>, vector<16xi32>], vector<16xf32>,
        %get3A_1011 = arith.index_cast %add3A_992 : i32 to index
        %get3A_1012 = arith.constant 96 : index
        %get3A_1013 = tpu.vector_load %arg7[%get3A_1011, %get3A_1012] {strides = array<i32>} : memref<64x256xf32, #tpu.memory_space<vmem>>, vector<16xf32>,
        tpu.vector_store_idx %arg8[%broadcast_in_dim3A_988, %add3A_63], %get3A_1013 {add = true} : memref<64x256xf32, #tpu.memory_space<vmem>>[vector<16xi32>, vector<16xi32>], vector<16xf32>,
        %get3A_1014 = arith.index_cast %add3A_992 : i32 to index
        %get3A_1015 = arith.constant 112 : index
        %get3A_1016 = tpu.vector_load %arg7[%get3A_1014, %get3A_1015] {strides = array<i32>} : memref<64x256xf32, #tpu.memory_space<vmem>>, vector<16xf32>,
        tpu.vector_store_idx %arg8[%broadcast_in_dim3A_988, %add3A_66], %get3A_1016 {add = true} : memref<64x256xf32, #tpu.memory_space<vmem>>[vector<16xi32>, vector<16xi32>], vector<16xf32>,
        %get3A_1017 = arith.index_cast %add3A_992 : i32 to index
        %get3A_1018 = arith.constant 128 : index
        %get3A_1019 = tpu.vector_load %arg7[%get3A_1017, %get3A_1018] {strides = array<i32>} : memref<64x256xf32, #tpu.memory_space<vmem>>, vector<16xf32>,
        tpu.vector_store_idx %arg8[%broadcast_in_dim3A_988, %add3A_69], %get3A_1019 {add = true} : memref<64x256xf32, #tpu.memory_space<vmem>>[vector<16xi32>, vector<16xi32>], vector<16xf32>,
        %get3A_1020 = arith.index_cast %add3A_992 : i32 to index
        %get3A_1021 = arith.constant 144 : index
        %get3A_1022 = tpu.vector_load %arg7[%get3A_1020, %get3A_1021] {strides = array<i32>} : memref<64x256xf32, #tpu.memory_space<vmem>>, vector<16xf32>,
        tpu.vector_store_idx %arg8[%broadcast_in_dim3A_988, %add3A_72], %get3A_1022 {add = true} : memref<64x256xf32, #tpu.memory_space<vmem>>[vector<16xi32>, vector<16xi32>], vector<16xf32>,
        %get3A_1023 = arith.index_cast %add3A_992 : i32 to index
        %get3A_1024 = arith.constant 160 : index
        %get3A_1025 = tpu.vector_load %arg7[%get3A_1023, %get3A_1024] {strides = array<i32>} : memref<64x256xf32, #tpu.memory_space<vmem>>, vector<16xf32>,
        tpu.vector_store_idx %arg8[%broadcast_in_dim3A_988, %add3A_75], %get3A_1025 {add = true} : memref<64x256xf32, #tpu.memory_space<vmem>>[vector<16xi32>, vector<16xi32>], vector<16xf32>,
        %get3A_1026 = arith.index_cast %add3A_992 : i32 to index
        %get3A_1027 = arith.constant 176 : index
        %get3A_1028 = tpu.vector_load %arg7[%get3A_1026, %get3A_1027] {strides = array<i32>} : memref<64x256xf32, #tpu.memory_space<vmem>>, vector<16xf32>,
        tpu.vector_store_idx %arg8[%broadcast_in_dim3A_988, %add3A_78], %get3A_1028 {add = true} : memref<64x256xf32, #tpu.memory_space<vmem>>[vector<16xi32>, vector<16xi32>], vector<16xf32>,
        %get3A_1029 = arith.index_cast %add3A_992 : i32 to index
        %get3A_1030 = arith.constant 192 : index
        %get3A_1031 = tpu.vector_load %arg7[%get3A_1029, %get3A_1030] {strides = array<i32>} : memref<64x256xf32, #tpu.memory_space<vmem>>, vector<16xf32>,
        tpu.vector_store_idx %arg8[%broadcast_in_dim3A_988, %add3A_81], %get3A_1031 {add = true} : memref<64x256xf32, #tpu.memory_space<vmem>>[vector<16xi32>, vector<16xi32>], vector<16xf32>,
        %get3A_1032 = arith.index_cast %add3A_992 : i32 to index
        %get3A_1033 = arith.constant 208 : index
        %get3A_1034 = tpu.vector_load %arg7[%get3A_1032, %get3A_1033] {strides = array<i32>} : memref<64x256xf32, #tpu.memory_space<vmem>>, vector<16xf32>,
        tpu.vector_store_idx %arg8[%broadcast_in_dim3A_988, %add3A_84], %get3A_1034 {add = true} : memref<64x256xf32, #tpu.memory_space<vmem>>[vector<16xi32>, vector<16xi32>], vector<16xf32>,
        %get3A_1035 = arith.index_cast %add3A_992 : i32 to index
        %get3A_1036 = arith.constant 224 : index
        %get3A_1037 = tpu.vector_load %arg7[%get3A_1035, %get3A_1036] {strides = array<i32>} : memref<64x256xf32, #tpu.memory_space<vmem>>, vector<16xf32>,
        tpu.vector_store_idx %arg8[%broadcast_in_dim3A_988, %add3A_87], %get3A_1037 {add = true} : memref<64x256xf32, #tpu.memory_space<vmem>>[vector<16xi32>, vector<16xi32>], vector<16xf32>,
        %get3A_1038 = arith.index_cast %add3A_992 : i32 to index
        %get3A_1039 = arith.constant 240 : index
        %get3A_1040 = tpu.vector_load %arg7[%get3A_1038, %get3A_1039] {strides = array<i32>} : memref<64x256xf32, #tpu.memory_space<vmem>>, vector<16xf32>,
        tpu.vector_store_idx %arg8[%broadcast_in_dim3A_988, %add3A_90], %get3A_1040 {add = true} : memref<64x256xf32, #tpu.memory_space<vmem>>[vector<16xi32>, vector<16xi32>], vector<16xf32>,
        %scan3A_1041 = arith.constant 0 : i32
        scf.yield %scan3A_1041 : i32
      }
      %scan3A_145 = arith.constant 4 : i32
      %mul3A_146 = arith.constant 2 : i32
      %mul3A_147 = arith.muli %mul3A_146, %scan3A_110 : i32
      %add3A_148 = arith.constant 3 : i32
      %add3A_149 = arith.addi %mul3A_147, %add3A_148 : i32
      %min3A_150 = arith.constant 31 : i32
      %min3A_151 = arith.minsi %add3A_149, %min3A_150 : i32
      %mul3A_152 = arith.constant 64 : i32
      %mul3A_153 = arith.muli %min3A_151, %mul3A_152 : i32
      %add3A_154 = arith.addi %mul3A_34, %mul3A_153 : i32
      %dma_start3A_155 = tpu.memref_slice %arg2[%add3A_154, %mul3A_32] : memref<32768x512xf32, #tpu.memory_space<hbm>> -> memref<64x256xf32, #tpu.memory_space<hbm>>
      %dma_start3A_156 = tpu.memref_slice %arg2[%add3A_154, %mul3A_32] : memref<32768x512xf32, #tpu.memory_space<hbm>> -> memref<64x256xf32, #tpu.memory_space<hbm>>
      tpu.enqueue_dma source(%dma_start3A_156 : memref<64x256xf32, #tpu.memory_space<hbm>>) target(%arg7 : memref<64x256xf32, #tpu.memory_space<vmem>>) target_semaphore(%arg10 : memref<!tpu.dma_semaphore, #tpu.memory_space<semaphore_mem>>)
      %scan3A_157 = arith.constant 0 : i32
      scf.yield %scan3A_157 : i32
    }
    %scan3A_104 = arith.constant 16 : i32
    %dma_wait3A = tpu.memref_slice %arg2[%mul3A_34, %mul3A_32] : memref<32768x512xf32, #tpu.memory_space<hbm>> -> memref<64x256xf32, #tpu.memory_space<hbm>>
    %dma_wait3A_105 = tpu.memref_slice %arg2[%mul3A_34, %mul3A_32] : memref<32768x512xf32, #tpu.memory_space<hbm>> -> memref<64x256xf32, #tpu.memory_space<hbm>>
    tpu.wait_dma2 semaphore(%arg9 : memref<!tpu.dma_semaphore, #tpu.memory_space<semaphore_mem>>) src(%dma_wait3A_105 : memref<64x256xf32, #tpu.memory_space<hbm>>) dst(%arg6 : memref<64x256xf32, #tpu.memory_space<vmem>>)
    %dma_wait3A_106 = tpu.memref_slice %arg2[%mul3A_34, %mul3A_32] : memref<32768x512xf32, #tpu.memory_space<hbm>> -> memref<64x256xf32, #tpu.memory_space<hbm>>
    %dma_wait3A_107 = tpu.memref_slice %arg2[%mul3A_34, %mul3A_32] : memref<32768x512xf32, #tpu.memory_space<hbm>> -> memref<64x256xf32, #tpu.memory_space<hbm>>
    tpu.wait_dma2 semaphore(%arg10 : memref<!tpu.dma_semaphore, #tpu.memory_space<semaphore_mem>>) src(%dma_wait3A_107 : memref<64x256xf32, #tpu.memory_space<hbm>>) dst(%arg7 : memref<64x256xf32, #tpu.memory_space<vmem>>)
    %mul3A_108 = arith.constant 64 : i32
    %mul3A_109 = arith.muli %select_n3A, %mul3A_108 : i32
    "tpu.region"() ({
      %run_scoped3A = tpu.sem_alloc : memref<!tpu.dma_semaphore, #tpu.memory_space<semaphore_mem>>
      %dma_start3A_110 = tpu.memref_slice %arg4[%mul3A_109, %mul3A_32] : memref<1024x512xf32, #tpu.memory_space<hbm>> -> memref<64x256xf32, #tpu.memory_space<hbm>>
      %dma_start3A_111 = tpu.memref_slice %arg4[%mul3A_109, %mul3A_32] : memref<1024x512xf32, #tpu.memory_space<hbm>> -> memref<64x256xf32, #tpu.memory_space<hbm>>
      tpu.enqueue_dma source(%arg8 : memref<64x256xf32, #tpu.memory_space<vmem>>) target(%dma_start3A_111 : memref<64x256xf32, #tpu.memory_space<hbm>>) target_semaphore(%run_scoped3A : memref<!tpu.dma_semaphore, #tpu.memory_space<semaphore_mem>>)
      %dma_wait3A_112 = tpu.memref_slice %arg4[%mul3A_109, %mul3A_32] : memref<1024x512xf32, #tpu.memory_space<hbm>> -> memref<64x256xf32, #tpu.memory_space<hbm>>
      %dma_wait3A_113 = tpu.memref_slice %arg4[%mul3A_109, %mul3A_32] : memref<1024x512xf32, #tpu.memory_space<hbm>> -> memref<64x256xf32, #tpu.memory_space<hbm>>
      tpu.wait_dma2 semaphore(%run_scoped3A : memref<!tpu.dma_semaphore, #tpu.memory_space<semaphore_mem>>) src(%arg8 : memref<64x256xf32, #tpu.memory_space<vmem>>) dst(%dma_wait3A_113 : memref<64x256xf32, #tpu.memory_space<hbm>>)
      tpu.yield
    }) : () -> ()
    return
  }
}

module attributes {stable_mosaic.version = 14 : i64} {
  func.func @_tc_body(%arg0: i32, %arg1: i32, %arg2: memref<1x1x2048xi32, #tpu.memory_space<vmem>>, %arg3: memref<1x2048x512xf32, #tpu.memory_space<vmem>>, %arg4: memref<1x1x2048xi32, #tpu.memory_space<vmem>>, %arg5: memref<1x64x512xf32, #tpu.memory_space<vmem>>, %arg6: memref<1x64x2048xf32, #tpu.memory_space<vmem>>, %arg7: memref<1x1x2048xi32, #tpu.memory_space<vmem>>, %arg8: memref<1x128xf32, #tpu.memory_space<vmem>>, %arg9: memref<1x128xf32, #tpu.memory_space<vmem>>, %arg10: memref<64x512xf32, #tpu.memory_space<vmem>>, %arg11: memref<64x1xf32, #tpu.memory_space<vmem>>) attributes {dimension_semantics = [#tpu.dimension_semantics<arbitrary>, #tpu.dimension_semantics<arbitrary>], iteration_bounds = array<i64: 16, 1>, scalar_prefetch = 0 : i64, scratch_operands = 2 : i64, tpu.core_type = #tpu.core_type<tc>, window_params = [{transform_indices = @transform_0, window_bounds = array<i64: 1, 1, 2048>}, {transform_indices = @transform_1, window_bounds = array<i64: 1, 2048, 512>}, {transform_indices = @transform_2, window_bounds = array<i64: 1, 1, 2048>}, {transform_indices = @transform_3, window_bounds = array<i64: 1, 64, 512>}, {transform_indices = @transform_4, window_bounds = array<i64: 1, 64, 2048>}, {transform_indices = @transform_5, window_bounds = array<i64: 1, 1, 2048>}, {pipeline_mode = #tpu.pipeline_mode<synchronous>, transform_indices = @transform_6, window_bounds = array<i64: 1, 128>}, {pipeline_mode = #tpu.pipeline_mode<synchronous>, transform_indices = @transform_7, window_bounds = array<i64: 1, 128>}]} {
    %eq3A = arith.constant 0 : i32
    %eq3A_0 = arith.cmpi eq, %arg1, %eq3A : i32
    %convert_element_type3A = arith.extui %eq3A_0 : i1 to i32
    %cond3A = arith.constant 0 : i32
    %cond3A_1 = arith.cmpi ne, %convert_element_type3A, %cond3A : i32
    scf.if %cond3A_1 {
      %get3A_102 = arith.constant 0 : index
      %get3A_103 = arith.constant 0 : index
      %get3A_104 = arith.constant 0 : index
      %get3A_105 = vector.load %arg2[%get3A_102, %get3A_103, %get3A_104] : memref<1x1x2048xi32, #tpu.memory_space<vmem>>, vector<1x1x2048xi32>
      %get3A_106 = vector.shape_cast %get3A_105 : vector<1x1x2048xi32> to vector<2048xi32>
      %iota3A_107 = tpu.iota {dimensions = array<i32: 0>} : vector<64x2048xi32>
      %broadcast_in_dim3A_108 = vector.shape_cast %get3A_106 : vector<2048xi32> to vector<1x2048xi32>
      %eq3A_109 = vector.broadcast %broadcast_in_dim3A_108 : vector<1x2048xi32> to vector<64x2048xi32>
      %eq3A_110 = arith.cmpi eq, %iota3A_107, %eq3A_109 : vector<64x2048xi32>
      %convert_element_type3A_111 = arith.extui %eq3A_110 : vector<64x2048xi1> to vector<64x2048xi32>
      %convert_element_type3A_112 = arith.sitofp %convert_element_type3A_111 : vector<64x2048xi32> to vector<64x2048xf32>
      %reduce_sum3A_113 = arith.constant dense<0.000000e+00> : vector<64xf32>
      %reduce_sum3A_114 = vector.multi_reduction <add>, %convert_element_type3A_112, %reduce_sum3A_113 [1] : vector<64x2048xf32> to vector<64xf32>
      %broadcast_in_dim3A_115 = vector.shape_cast %reduce_sum3A_114 : vector<64xf32> to vector<64x1xf32>
      %get3A_116 = arith.constant 0 : index
      %get3A_117 = arith.constant 0 : index
      %get3A_118 = arith.constant 0 : index
      %get3A_119 = vector.load %arg5[%get3A_116, %get3A_117, %get3A_118] : memref<1x64x512xf32, #tpu.memory_space<vmem>>, vector<1x64x512xf32>
      %get3A_120 = vector.shape_cast %get3A_119 : vector<1x64x512xf32> to vector<64x512xf32>
      %max3A = arith.constant 1.000000e+00 : f32
      %max3A_121 = vector.broadcast %max3A : f32 to vector<64x1xf32>
      %max3A_122 = arith.maximumf %broadcast_in_dim3A_115, %max3A_121 : vector<64x1xf32>
      %div3A = vector.broadcast %max3A_122 : vector<64x1xf32> to vector<64x512xf32>
      %div3A_123 = arith.divf %get3A_120, %div3A : vector<64x512xf32>
      %swap3A_124 = arith.constant 0 : index
      %swap3A_125 = arith.constant 0 : index
      %swap3A_126 = vector.load %arg10[%swap3A_124, %swap3A_125] : memref<64x512xf32, #tpu.memory_space<vmem>>, vector<64x512xf32>
      tpu.vector_store %arg10[%swap3A_124, %swap3A_125], %div3A_123 {strides = array<i32>} : memref<64x512xf32, #tpu.memory_space<vmem>>, vector<64x512xf32>,
      %mul3A_127 = arith.mulf %div3A_123, %div3A_123 : vector<64x512xf32>
      %reduce_sum3A_128 = arith.constant dense<0.000000e+00> : vector<64xf32>
      %reduce_sum3A_129 = vector.multi_reduction <add>, %mul3A_127, %reduce_sum3A_128 [1] : vector<64x512xf32> to vector<64xf32>
      %broadcast_in_dim3A_130 = vector.shape_cast %reduce_sum3A_129 : vector<64xf32> to vector<64x1xf32>
      %swap3A_131 = arith.constant 0 : index
      %swap3A_132 = arith.constant 0 : index
      %swap3A_133 = vector.load %arg11[%swap3A_131, %swap3A_132] : memref<64x1xf32, #tpu.memory_space<vmem>>, vector<64x1xf32>
      tpu.vector_store %arg11[%swap3A_131, %swap3A_132], %broadcast_in_dim3A_130 {strides = array<i32>} : memref<64x1xf32, #tpu.memory_space<vmem>>, vector<64x1xf32>,
    } else {
    }
    %get3A = arith.constant 0 : index
    %get3A_2 = arith.constant 0 : index
    %get3A_3 = arith.constant 0 : index
    %get3A_4 = vector.load %arg3[%get3A, %get3A_2, %get3A_3] : memref<1x2048x512xf32, #tpu.memory_space<vmem>>, vector<1x2048x512xf32>
    %get3A_5 = vector.shape_cast %get3A_4 : vector<1x2048x512xf32> to vector<2048x512xf32>
    %mul3A = arith.mulf %get3A_5, %get3A_5 : vector<2048x512xf32>
    %reduce_sum3A = arith.constant dense<0.000000e+00> : vector<2048xf32>
    %reduce_sum3A_6 = vector.multi_reduction <add>, %mul3A, %reduce_sum3A [1] : vector<2048x512xf32> to vector<2048xf32>
    %get3A_7 = arith.constant 0 : index
    %get3A_8 = arith.constant 0 : index
    %get3A_9 = vector.load %arg10[%get3A_7, %get3A_8] : memref<64x512xf32, #tpu.memory_space<vmem>>, vector<64x512xf32>
    %dot_general3A = arith.constant dense<0.000000e+00> : vector<64x2048xf32>
    %dot_general3A_10 = tpu.matmul %get3A_9, %get3A_5, %dot_general3A {dimension_numbers = #tpu.dot_dimension_numbers<[1], [1], [0], [0], [0, 0, 1, 0], [], []>, transpose_lhs_hint = false} : vector<64x512xf32>, vector<2048x512xf32>, vector<64x2048xf32> -> vector<64x2048xf32>
    %get3A_11 = arith.constant 0 : index
    %get3A_12 = arith.constant 0 : index
    %get3A_13 = vector.load %arg11[%get3A_11, %get3A_12] : memref<64x1xf32, #tpu.memory_space<vmem>>, vector<64x1xf32>
    %broadcast_in_dim3A = vector.shape_cast %reduce_sum3A_6 : vector<2048xf32> to vector<1x2048xf32>
    %add3A = vector.broadcast %get3A_13 : vector<64x1xf32> to vector<64x2048xf32>
    %add3A_14 = vector.broadcast %broadcast_in_dim3A : vector<1x2048xf32> to vector<64x2048xf32>
    %add3A_15 = arith.addf %add3A, %add3A_14 : vector<64x2048xf32>
    %mul3A_16 = arith.constant 2.000000e+00 : f32
    %mul3A_17 = vector.broadcast %mul3A_16 : f32 to vector<64x2048xf32>
    %mul3A_18 = arith.mulf %mul3A_17, %dot_general3A_10 : vector<64x2048xf32>
    %sub3A = arith.subf %add3A_15, %mul3A_18 : vector<64x2048xf32>
    %swap3A = arith.constant 0 : index
    %swap3A_19 = arith.constant 0 : index
    %swap3A_20 = arith.constant 0 : index
    %swap3A_21 = vector.load %arg6[%swap3A, %swap3A_19, %swap3A_20] : memref<1x64x2048xf32, #tpu.memory_space<vmem>>, vector<1x64x2048xf32>
    %swap3A_22 = vector.shape_cast %swap3A_21 : vector<1x64x2048xf32> to vector<64x2048xf32>
    %swap3A_23 = vector.shape_cast %sub3A : vector<64x2048xf32> to vector<1x64x2048xf32>
    tpu.vector_store %arg6[%swap3A, %swap3A_19, %swap3A_20], %swap3A_23 {strides = array<i32>} : memref<1x64x2048xf32, #tpu.memory_space<vmem>>, vector<1x64x2048xf32>,
    %neg3A = arith.constant 0.000000e+00 : f32
    %neg3A_24 = vector.broadcast %neg3A : f32 to vector<64x2048xf32>
    %neg3A_25 = arith.subf %neg3A_24, %sub3A : vector<64x2048xf32>
    %reduce_max3A = arith.constant dense<0xFF800000> : vector<2048xf32>
    %reduce_max3A_26 = vector.multi_reduction <maximumf>, %neg3A_25, %reduce_max3A [0] : vector<64x2048xf32> to vector<2048xf32>
    %broadcast_in_dim3A_27 = vector.shape_cast %reduce_max3A_26 : vector<2048xf32> to vector<1x2048xf32>
    %sub3A_28 = vector.broadcast %broadcast_in_dim3A_27 : vector<1x2048xf32> to vector<64x2048xf32>
    %sub3A_29 = arith.subf %neg3A_25, %sub3A_28 : vector<64x2048xf32>
    %exp3A = math.exp %sub3A_29 : vector<64x2048xf32>
    %reduce_sum3A_30 = arith.constant dense<0.000000e+00> : vector<2048xf32>
    %reduce_sum3A_31 = vector.multi_reduction <add>, %exp3A, %reduce_sum3A_30 [0] : vector<64x2048xf32> to vector<2048xf32>
    %broadcast_in_dim3A_32 = vector.shape_cast %reduce_sum3A_31 : vector<2048xf32> to vector<1x2048xf32>
    %log3A = math.log %broadcast_in_dim3A_32 : vector<1x2048xf32>
    %add3A_33 = arith.addf %broadcast_in_dim3A_27, %log3A : vector<1x2048xf32>
    %get3A_34 = arith.constant 0 : index
    %get3A_35 = arith.constant 0 : index
    %get3A_36 = arith.constant 0 : index
    %get3A_37 = vector.load %arg4[%get3A_34, %get3A_35, %get3A_36] : memref<1x1x2048xi32, #tpu.memory_space<vmem>>, vector<1x1x2048xi32>
    %get3A_38 = vector.shape_cast %get3A_37 : vector<1x1x2048xi32> to vector<2048xi32>
    %iota3A = tpu.iota {dimensions = array<i32: 0>} : vector<64x2048xi32>
    %broadcast_in_dim3A_39 = vector.shape_cast %get3A_38 : vector<2048xi32> to vector<1x2048xi32>
    %eq3A_40 = vector.broadcast %broadcast_in_dim3A_39 : vector<1x2048xi32> to vector<64x2048xi32>
    %eq3A_41 = arith.cmpi eq, %iota3A, %eq3A_40 : vector<64x2048xi32>
    %jit3A = arith.constant 0.000000e+00 : f32
    %broadcast_in_dim3A_42 = vector.broadcast %jit3A : f32 to vector<64x2048xf32>
    %select_n3A = arith.select %eq3A_41, %neg3A_25, %broadcast_in_dim3A_42 : vector<64x2048xi1>, vector<64x2048xf32>
    %reduce_sum3A_43 = arith.constant dense<0.000000e+00> : vector<2048xf32>
    %reduce_sum3A_44 = vector.multi_reduction <add>, %select_n3A, %reduce_sum3A_43 [0] : vector<64x2048xf32> to vector<2048xf32>
    %broadcast_in_dim3A_45 = vector.shape_cast %reduce_sum3A_44 : vector<2048xf32> to vector<1x2048xf32>
    %sub3A_46 = arith.subf %add3A_33, %broadcast_in_dim3A_45 : vector<1x2048xf32>
    %reduce_sum3A_47 = vector.shape_cast %sub3A_46 : vector<1x2048xf32> to vector<1x1x2048xf32>
    %reduce_sum3A_48 = arith.constant dense<0.000000e+00> : vector<1xf32>
    %reduce_sum3A_49 = vector.multi_reduction <add>, %reduce_sum3A_47, %reduce_sum3A_48 [1, 2] : vector<1x1x2048xf32> to vector<1xf32>
    %reduce_sum3A_50 = vector.shape_cast %reduce_sum3A_49 : vector<1xf32> to vector<1x1x1xf32>
    %reduce_sum3A_51 = vector.extract %reduce_sum3A_50[0, 0, 0] : f32 from vector<1x1x1xf32>
    %reduce_min3A = arith.constant dense<0x7F800000> : vector<2048xf32>
    %reduce_min3A_52 = vector.multi_reduction <minimumf>, %sub3A, %reduce_min3A [0] : vector<64x2048xf32> to vector<2048xf32>
    %broadcast_in_dim3A_53 = vector.shape_cast %reduce_min3A_52 : vector<2048xf32> to vector<1x2048xf32>
    %eq3A_54 = vector.broadcast %broadcast_in_dim3A_53 : vector<1x2048xf32> to vector<64x2048xf32>
    %eq3A_55 = arith.cmpf oeq, %sub3A, %eq3A_54 : vector<64x2048xf32>
    %jit3A_56 = arith.constant 64 : i32
    %broadcast_in_dim3A_57 = vector.broadcast %jit3A_56 : i32 to vector<64x2048xi32>
    %select_n3A_58 = arith.select %eq3A_55, %iota3A, %broadcast_in_dim3A_57 : vector<64x2048xi1>, vector<64x2048xi32>
    %reduce_min3A_59 = arith.constant dense<2147483647> : vector<2048xi32>
    %reduce_min3A_60 = vector.multi_reduction <minsi>, %select_n3A_58, %reduce_min3A_59 [0] : vector<64x2048xi32> to vector<2048xi32>
    %swap3A_61 = arith.constant 0 : index
    %swap3A_62 = arith.constant 0 : index
    %swap3A_63 = arith.constant 0 : index
    %swap3A_64 = vector.load %arg7[%swap3A_61, %swap3A_62, %swap3A_63] : memref<1x1x2048xi32, #tpu.memory_space<vmem>>, vector<1x1x2048xi32>
    %swap3A_65 = vector.shape_cast %swap3A_64 : vector<1x1x2048xi32> to vector<2048xi32>
    %swap3A_66 = vector.shape_cast %reduce_min3A_60 : vector<2048xi32> to vector<1x1x2048xi32>
    tpu.vector_store %arg7[%swap3A_61, %swap3A_62, %swap3A_63], %swap3A_66 {strides = array<i32>} : memref<1x1x2048xi32, #tpu.memory_space<vmem>>, vector<1x1x2048xi32>,
    %eq3A_67 = arith.cmpi eq, %reduce_min3A_60, %get3A_38 : vector<2048xi32>
    %convert_element_type3A_68 = arith.extui %eq3A_67 : vector<2048xi1> to vector<2048xi32>
    %convert_element_type3A_69 = arith.sitofp %convert_element_type3A_68 : vector<2048xi32> to vector<2048xf32>
    %reduce_sum3A_70 = vector.shape_cast %convert_element_type3A_69 : vector<2048xf32> to vector<1x2048xf32>
    %reduce_sum3A_71 = arith.constant dense<0.000000e+00> : vector<1xf32>
    %reduce_sum3A_72 = vector.multi_reduction <add>, %reduce_sum3A_70, %reduce_sum3A_71 [1] : vector<1x2048xf32> to vector<1xf32>
    %reduce_sum3A_73 = vector.shape_cast %reduce_sum3A_72 : vector<1xf32> to vector<1x1xf32>
    %reduce_sum3A_74 = vector.extract %reduce_sum3A_73[0, 0] : f32 from vector<1x1xf32>
    %eq3A_75 = arith.constant 0 : i32
    %eq3A_76 = arith.cmpi eq, %arg0, %eq3A_75 : i32
    %eq3A_77 = arith.constant 0 : i32
    %eq3A_78 = arith.cmpi eq, %arg1, %eq3A_77 : i32
    %and3A = arith.andi %eq3A_76, %eq3A_78 : i1
    %convert_element_type3A_79 = arith.extui %and3A : i1 to i32
    %cond3A_80 = arith.constant 0 : i32
    %cond3A_81 = arith.cmpi ne, %convert_element_type3A_79, %cond3A_80 : i32
    scf.if %cond3A_81 {
      %broadcast_in_dim3A_102 = arith.constant 0.000000e+00 : f32
      %broadcast_in_dim3A_103 = vector.broadcast %broadcast_in_dim3A_102 : f32 to vector<1x128xf32>
      %swap3A_104 = arith.constant 0 : index
      %swap3A_105 = arith.constant 0 : index
      %swap3A_106 = vector.load %arg8[%swap3A_104, %swap3A_105] : memref<1x128xf32, #tpu.memory_space<vmem>>, vector<1x128xf32>
      tpu.vector_store %arg8[%swap3A_104, %swap3A_105], %broadcast_in_dim3A_103 {strides = array<i32>} : memref<1x128xf32, #tpu.memory_space<vmem>>, vector<1x128xf32>,
      %broadcast_in_dim3A_107 = arith.constant 0.000000e+00 : f32
      %broadcast_in_dim3A_108 = vector.broadcast %broadcast_in_dim3A_107 : f32 to vector<1x128xf32>
      %swap3A_109 = arith.constant 0 : index
      %swap3A_110 = arith.constant 0 : index
      %swap3A_111 = vector.load %arg9[%swap3A_109, %swap3A_110] : memref<1x128xf32, #tpu.memory_space<vmem>>, vector<1x128xf32>
      tpu.vector_store %arg9[%swap3A_109, %swap3A_110], %broadcast_in_dim3A_108 {strides = array<i32>} : memref<1x128xf32, #tpu.memory_space<vmem>>, vector<1x128xf32>,
    } else {
    }
    %get3A_82 = arith.constant 0 : index
    %get3A_83 = arith.constant 0 : index
    %get3A_84 = vector.load %arg8[%get3A_82, %get3A_83] : memref<1x128xf32, #tpu.memory_space<vmem>>, vector<1x128xf32>
    %mul3A_85 = arith.constant 3.05175781E-5 : f32
    %mul3A_86 = arith.mulf %reduce_sum3A_51, %mul3A_85 : f32
    %broadcast_in_dim3A_87 = vector.broadcast %mul3A_86 : f32 to vector<1x128xf32>
    %add3A_88 = arith.addf %get3A_84, %broadcast_in_dim3A_87 : vector<1x128xf32>
    %swap3A_89 = arith.constant 0 : index
    %swap3A_90 = arith.constant 0 : index
    %swap3A_91 = vector.load %arg8[%swap3A_89, %swap3A_90] : memref<1x128xf32, #tpu.memory_space<vmem>>, vector<1x128xf32>
    tpu.vector_store %arg8[%swap3A_89, %swap3A_90], %add3A_88 {strides = array<i32>} : memref<1x128xf32, #tpu.memory_space<vmem>>, vector<1x128xf32>,
    %get3A_92 = arith.constant 0 : index
    %get3A_93 = arith.constant 0 : index
    %get3A_94 = vector.load %arg9[%get3A_92, %get3A_93] : memref<1x128xf32, #tpu.memory_space<vmem>>, vector<1x128xf32>
    %mul3A_95 = arith.constant 3.05175781E-5 : f32
    %mul3A_96 = arith.mulf %reduce_sum3A_74, %mul3A_95 : f32
    %broadcast_in_dim3A_97 = vector.broadcast %mul3A_96 : f32 to vector<1x128xf32>
    %add3A_98 = arith.addf %get3A_94, %broadcast_in_dim3A_97 : vector<1x128xf32>
    %swap3A_99 = arith.constant 0 : index
    %swap3A_100 = arith.constant 0 : index
    %swap3A_101 = vector.load %arg9[%swap3A_99, %swap3A_100] : memref<1x128xf32, #tpu.memory_space<vmem>>, vector<1x128xf32>
    tpu.vector_store %arg9[%swap3A_99, %swap3A_100], %add3A_98 {strides = array<i32>} : memref<1x128xf32, #tpu.memory_space<vmem>>, vector<1x128xf32>,
    return
  }
  func.func @transform_0(%arg0: i32, %arg1: i32) -> (i32, i32, i32) {
    %c0_i32 = arith.constant 0 : i32
    %c0_i32_0 = arith.constant 0 : i32
    %c0_i32_1 = arith.constant 0 : i32
    return %arg0, %c0_i32, %c0_i32_0 : i32, i32, i32
  }
  func.func @transform_1(%arg0: i32, %arg1: i32) -> (i32, i32, i32) {
    %c0_i32 = arith.constant 0 : i32
    %c0_i32_0 = arith.constant 0 : i32
    return %arg0, %arg1, %c0_i32 : i32, i32, i32
  }
  func.func @transform_2(%arg0: i32, %arg1: i32) -> (i32, i32, i32) {
    %mul3A = arith.constant 1 : i32
    %mul3A_0 = arith.muli %arg0, %mul3A : i32
    %add3A = arith.addi %mul3A_0, %arg1 : i32
    %c0_i32 = arith.constant 0 : i32
    %c0_i32_1 = arith.constant 0 : i32
    %c0_i32_2 = arith.constant 0 : i32
    return %add3A, %c0_i32, %c0_i32_1 : i32, i32, i32
  }
  func.func @transform_3(%arg0: i32, %arg1: i32) -> (i32, i32, i32) {
    %c0_i32 = arith.constant 0 : i32
    %c0_i32_0 = arith.constant 0 : i32
    %c0_i32_1 = arith.constant 0 : i32
    return %arg0, %c0_i32, %c0_i32_0 : i32, i32, i32
  }
  func.func @transform_4(%arg0: i32, %arg1: i32) -> (i32, i32, i32) {
    %c0_i32 = arith.constant 0 : i32
    %c0_i32_0 = arith.constant 0 : i32
    return %arg0, %c0_i32, %arg1 : i32, i32, i32
  }
  func.func @transform_5(%arg0: i32, %arg1: i32) -> (i32, i32, i32) {
    %mul3A = arith.constant 1 : i32
    %mul3A_0 = arith.muli %arg0, %mul3A : i32
    %add3A = arith.addi %mul3A_0, %arg1 : i32
    %c0_i32 = arith.constant 0 : i32
    %c0_i32_1 = arith.constant 0 : i32
    %c0_i32_2 = arith.constant 0 : i32
    return %add3A, %c0_i32, %c0_i32_1 : i32, i32, i32
  }
  func.func @transform_6(%arg0: i32, %arg1: i32) -> (i32, i32) {
    %c0_i32 = arith.constant 0 : i32
    %c0_i32_0 = arith.constant 0 : i32
    %c0_i32_1 = arith.constant 0 : i32
    return %c0_i32, %c0_i32_0 : i32, i32
  }
  func.func @transform_7(%arg0: i32, %arg1: i32) -> (i32, i32) {
    %c0_i32 = arith.constant 0 : i32
    %c0_i32_0 = arith.constant 0 : i32
    %c0_i32_1 = arith.constant 0 : i32
    return %c0_i32, %c0_i32_0 : i32, i32
  }
}

</mosaic_0001>

<sc_bundles>
// kernel: kernel.4.cloned.1.call-start
scs
__scs_entry_jumppad:
0x0: {  	(pc) =	sbr.rel $0x88, $3  }
0x1: {  	(tag) =	ssettag $0x0;
	lr =	simm.s32 $0x1  }
0x2: {  	[smem:$0x3F9D] =	sst lr;
	_ =	strace $0xD0000000  }
0x3: {  	_ = 	snop  }
0x4: {  	_ = 	snop  }
0x5: {  	_ = 	snop  }
0x6: {  	_ = 	snop  }
0x7: {  	_ = 	snop  }
__scs_overlays_trampoline_lowered:
0x8: {  	[smem:$0x3FAC] =	sst s0  }
0x9: {  	[smem:$0x3FAD] =	sst s1  }
0xa: {  	[smem:$0x3FAE] =	sst s2  }
0xb: {  	[smem:$0x3FAF] =	sst s3  }
0xc: {  	[smem:$0x3FB0] =	sst s4  }
0xd: {  	[smem:$0x3FB1] =	sst s5  }
0xe: {  	[smem:$0x3FB2] =	sst s6  }
0xf: {  	[smem:$0x3FB3] =	sst s7  }
0x10: {  	[smem:$0x3FB4] =	sst s8  }
0x11: {  	[smem:$0x3FB5] =	sst s9;
	s0 =	simm.s32 @!p0 $0x0  }
0x12: {  	s1 =	sld [smem:$0x3F9B];
	s0 =	simm.s32 @p0 $0x1  }
0x13: {  	[smem:$0x3FB6] =	sst s0;
	s0 =	simm.s32 @!p1 $0x0  }
0x14: {  	s2 =	sld [smem:$0x3F9A];
	s0 =	simm.s32 @p1 $0x1  }
0x15: {  	[smem:$0x3FB7] =	sst s0;
	s0 =	simm.s32 @!p2 $0x0  }
0x16: {  	s3 =	sld [smem:$0x3FDB];
	s0 =	simm.s32 @p2 $0x1  }
0x17: {  	s4 =	simm.s32 $0x1BF5;
	[smem:$0x3FB9] =	sst s0  }
0x18: {  	s0 =	sld [smem:$0x3F9C];
	_ =	swait.ge [sflag:s4], $0x0  }
0x19: {  	s7 =	sld [smem:$0x3F9D]  }
0x1a: {  	s8 =	sadd.s32 $0xFFFFE003, lr  }
0x1b: {  	s9 =	sadd.s32 $0xFFFFFEF7, lr;
	s5 =	simm.s32 $0xFFFFFFFF;
	p2 =	slt.u32 s8, $0xFFFFF086  }
0x1c: {  	p1 =	slt.u32 s9, $0xF7A;
	s5 =	simm.s32 @!p2 $0x0  }
0x1d: {  	s5 =	simm.s32 @p1 $0x1;
	p0 =	seq.s32 s7, s2  }
0x1e: {  	s7 =	smul.u32 @!p0 $0xF7A, s2;
	p2 =	seq.s32 @!p0 s5, $0x0  }
0x1f: {  	s9 =	smul.u32 $0xF7A, s1;
	s8 =	simm.s32 @!p0 $0x1BF5;
	p2 =	por !p2, p0  }
0x20: {  	[sflag:s8] =	ssyncset.s32 @!p0 $0xFFFFF086;
	s6 =	sadd.s32 @!p0 s3, s7;
	s7 =	simm.s32 @!p0 $0x108  }
0x21: {  	s3 =	sadd.s32 s3, s9;
	s6 =	sadd.s32 @!p0 $0x88, s6;
	s7 =	simm.s32 @p2 $0x1082  }
0x22: {  	[simem:s7], [sflag:s8] =	dma.local @!p0 [hbm:s6], $0xF7A  }
0x23: {  	s9 =	sor.u32 $0xD0000000, s2;
	s6 =	simm.s32 $0x108;
	_ =	swait.ge @!p0 [sflag:s8], $0x0  }
0x24: {  	s3 =	sadd.s32 $0x88, s3;
	s6 =	simm.s32 @!p1 $0x1082;
	[sflag:s4] =	ssyncset.s32 $0xFFFFF086  }
0x25: {  	[simem:s6], [sflag:s4] =	dma.local [hbm:s3], $0xF7A  }
0x26: {  	[smem:$0x3F9D] =	sst s1;
	(tag) =	ssettag s2;
	_ =	strace s9  }
0x27: {  	s1 =	sld [smem:$0x3FAD]  }
0x28: {  	s2 =	sld [smem:$0x3FAE]  }
0x29: {  	s4 =	sld [smem:$0x3FB0]  }
0x2a: {  	p0 =	seq.s32 s5, $0x0;
	s5 =	sld [smem:$0x3FB1]  }
0x2b: {  	s6 =	sld [smem:$0x3FB2]  }
0x2c: {  	s7 =	sld [smem:$0x3FB3]  }
0x2d: {  	s3 =	simm.s32 $0x108;
	s8 =	sld [smem:$0x3FB4]  }
0x2e: {  	s3 =	simm.s32 @!p0 $0x1082;
	s9 =	sld [smem:$0x3FB5]  }
0x2f: {  	lr =	sadd.s32 s0, s3;
	s0 =	sld [smem:$0x3FAC]  }
0x30: {  	s3 =	sld [smem:$0x3FAF]  }
0x31: {  	[smem:$0x3FB8] =	sst s10  }
0x32: {  	s10 =	sld [smem:$0x3FB6];
	_ =	sdelay $0x3  }
0x33: {  	p0 =	seq.s32 s10, $0x1;
	s10 =	sld [smem:$0x3FB8];
	_ =	sdelay $0x3  }
0x34: {  	[smem:$0x3FB8] =	sst s10  }
0x35: {  	s10 =	sld [smem:$0x3FB7];
	_ =	sdelay $0x3  }
0x36: {  	p1 =	seq.s32 s10, $0x1;
	s10 =	sld [smem:$0x3FB8];
	_ =	sdelay $0x3  }
0x37: {  	[smem:$0x3FB8] =	sst s10  }
0x38: {  	s10 =	sld [smem:$0x3FB9]  }
0x39: {  	_ = 	snop;
	(pc) =	sbr.ind lr, $3  }
0x3a: {  	_ = 	snop  }
0x3b: {  	_ = 	snop  }
0x3c: {  	p2 =	seq.s32 s10, $0x1;
	s10 =	sld [smem:$0x3FB8]  }
0x3d: {  	_ =	shalt  }
0x3e: {  	_ =	shalt  }
0x3f: {  	_ =	shalt  }
0x40: {  	_ =	shalt  }
0x41: {  	_ =	shalt  }
0x42: {  	_ =	shalt  }
0x43: {  	_ =	shalt  }
0x44: {  	_ =	shalt  }
0x45: {  	_ =	shalt  }
0x46: {  	_ =	shalt  }
0x47: {  	_ =	shalt  }
0x48: {  	_ =	shalt  }
0x49: {  	_ =	shalt  }
0x4a: {  	_ =	shalt  }
0x4b: {  	_ =	shalt  }
0x4c: {  	_ =	shalt  }
0x4d: {  	_ =	shalt  }
0x4e: {  	_ =	shalt  }
0x4f: {  	_ =	shalt  }
0x50: {  	_ =	shalt  }
0x51: {  	_ =	shalt  }
0x52: {  	_ =	shalt  }
0x53: {  	_ =	shalt  }
0x54: {  	_ =	shalt  }
0x55: {  	_ =	shalt  }
0x56: {  	_ =	shalt  }
0x57: {  	_ =	shalt  }
0x58: {  	_ =	shalt  }
0x59: {  	_ =	shalt  }
0x5a: {  	_ =	shalt  }
0x5b: {  	_ =	shalt  }
0x5c: {  	_ =	shalt  }
0x5d: {  	_ =	shalt  }
0x5e: {  	_ =	shalt  }
0x5f: {  	_ =	shalt  }
0x60: {  	_ =	shalt  }
0x61: {  	_ =	shalt  }
0x62: {  	_ =	shalt  }
0x63: {  	_ =	shalt  }
0x64: {  	_ =	shalt  }
0x65: {  	_ =	shalt  }
0x66: {  	_ =	shalt  }
0x67: {  	_ =	shalt  }
0x68: {  	_ =	shalt  }
0x69: {  	_ =	shalt  }
0x6a: {  	_ =	shalt  }
0x6b: {  	_ =	shalt  }
0x6c: {  	_ =	shalt  }
0x6d: {  	_ =	shalt  }
0x6e: {  	_ =	shalt  }
0x6f: {  	_ =	shalt  }
0x70: {  	_ =	shalt  }
0x71: {  	_ =	shalt  }
0x72: {  	_ =	shalt  }
0x73: {  	_ =	shalt  }
0x74: {  	_ =	shalt  }
0x75: {  	_ =	shalt  }
0x76: {  	_ =	shalt  }
0x77: {  	_ =	shalt  }
0x78: {  	_ =	shalt  }
0x79: {  	_ =	shalt  }
0x7a: {  	_ =	shalt  }
0x7b: {  	_ =	shalt  }
0x7c: {  	_ =	shalt  }
0x7d: {  	_ =	shalt  }
0x7e: {  	_ =	shalt  }
0x7f: {  	_ =	shalt  }
0x80: {  	_ =	shalt  }
0x81: {  	_ =	shalt  }
0x82: {  	_ =	shalt  }
0x83: {  	_ =	shalt  }
0x84: {  	_ =	shalt  }
0x85: {  	_ =	shalt  }
0x86: {  	_ =	shalt  }
0x87: {  	_ =	shalt  }
.Lfunc_end0:
.L_simem_size_0:
called_computation_lowered:
.L_overlay_start_0:
0x88: {  	s2 =	sld [smem:$0x3FD9]  }
0x89: {  	s3 =	sld [smem:$0x3FFE];
	_ =	sdelay $0x1  }
0x8a: {  	s1 =	srdreg.scid  }
0x8b: {  	s0 =	sand.u32 $0x1, s1  }
0x8c: {  	s14 =	sshll.u32 s0, $0xA;
	s2 =	sadd.s32 s3, s2  }
0x8d: {  	s2 =	sadd.s32 s2, s14  }
0x8e: {  	[smem:$0x3FC4] =	sst s2  }
0x8f: {  	_ = 	snop  }
0x90: {  	s2 =	sld [smem:$0x3FD0];
	_ =	sdelay $0x2  }
0x91: {  	s4 =	simm.s32 $0xA;
	s5 =	simm.s32 $0x10;
	s15 =	sld [smem:$0x3FC9]  }
0x92: {  	[smem:s5], [sflag:s4] =	dma.local [hbm:s2], $0x1  }
0x93: {  	_ =	swait.eq [sflag:s4], $0x1  }
0x94: {  	[sflag:s4] =	ssyncset.done $0x0  }
0x95: {  	[sflag:s4] =	ssyncadd.s32 $0xFFFFFFFF  }
0x96: {  	s16 =	sld [smem:$0x13];
	(tm) =	ssettm $0x1  }
0x97: {  	s17 =	sld [smem:$0x3FFB];
	_ =	sdelay $0x3  }
0x98: {  	_ =	strace s17  }
0x99: {  	s4 =	sld [smem:$0x3FFC];
	_ =	sdelay $0x3  }
0x9a: {  	_ =	strace s4  }
0x9b: {  	s4 =	sld [smem:$0x3FFD];
	_ =	sdelay $0x3  }
0x9c: {  	_ =	strace s4  }
0x9d: {  	_ =	strace $0x8FFFFFFF  }
0x9e: {  	s18 =	sld [smem:$0x3FDB];
	_ =	sdelay $0x1  }
0x9f: {  	s19 =	simm.s32 $_scs_section_size  }
0xa0: {  	s6 =	simm.s32 $_size__tile_overlayer_lowered;
	s7 =	simm.s32 $_tile_overlayer_lowered  }
0xa1: {  	s22 =	simm.s32 $0x1BFF;
	s21 =	sshll.u32 s7, $0x1;
	s4 =	sadd.s32 s19, s18  }
0xa2: {  	s8 =	simm.s32 $0x0;
	s20 =	sshll.u32 s6, $0x1;
	s6 =	sadd.s32 s21, s4  }
0xa3: {  	[timem:s8], [sflag:s22] =	dma.local [hbm:s6], s20  }
0xa4: {  	_ =	swait.ge [sflag:s22], s20  }
0xa5: {  	s5 =	ssub.s32 $0x0, s20;
	[sflag:s22] =	ssyncset.done $0x0  }
0xa6: {  	[sflag:s22] =	ssyncadd.s32 s5;
	_ =	sdelay $0x1  }
0xa7: {  	s23 =	simm.s32 $0x1B8B  }
0xa8: {  	_ =	swait.ge [sflag:s23], $0x1  }
0xa9: {  	[sflag:s23] =	ssyncset.done $0x0  }
0xaa: {  	s25 =	simm.s32 $0x1B8E;
	s24 =	sld [smem:$0x3FFE];
	[sflag:s23] =	ssyncadd.s32 $0xFFFFFFFF  }
0xab: {  	s26 =	simm.s32 $execute0_lowered;
	[smem:$0x3FD2] =	sst s25  }
0xac: {  	s6 =	sshll.u32 s26, $0x1;
	_ =	strace $0x80000046;
	[dreg:$0x1] =	wrdreg $0xFFFFFFFF  }
0xad: {  	s28 =	simm.s32 $_size_execute0_lowered;
	s4 =	sadd.s32 s4, s6;
	[dreg:$0x0] =	wrdreg $0x0  }
0xae: {  	s6 =	sshll.u32 s28, $0x1;
	[dreg:$0x2] =	wrdreg s4  }
0xaf: {  	[dreg:$0x3] =	wrdreg s6  }
0xb0: {  	[dreg:$0x4] =	wrdreg $0xC0  }
0xb1: {  	_ =	task [dreg:s8], $0x5FFFF  }
0xb2: {  	[dreg:$0x1] =	wrdreg $0xFFFFFFFF  }
0xb3: {  	[dreg:$0x0] =	wrdreg $0x60  }
0xb4: {  	[dreg:$0x2] =	wrdreg s15  }
0xb5: {  	[dreg:$0x3] =	wrdreg s24  }
0xb6: {  	[dreg:$0x4] =	wrdreg s16  }
0xb7: {  	[dreg:$0x5] =	wrdreg $0x9  }
0xb8: {  	_ =	task.clear_ibuf [dreg:s8], $0x6FFFF;
	_ =	strace $0x90000046  }
0xb9: {  	s29 =	simm.s32 $0x9;
	_ =	strace $0x80000048  }
0xba: {  	_ =	swait.ge [sflag:s29], $0x1  }
0xbb: {  	[sflag:s29] =	ssyncadd.s32 $0xFFFFFFFF  }
0xbc: {  	_ =	strace $0x90000048  }
0xbd: {  	_ =	sfence  }
0xbe: {  	s30 =	sld [smem:$0x0];
	_ =	sdelay $0x2  }
0xbf: {  	s31 =	sshll.u32 s1, $0xD;
	s1 =	sshrl.u32 s1, $0x2  }
0xc0: {  	s3 =	sand.u32 $0x4000, s31;
	s1 =	sadd.s32 s1, s30  }
0xc1: {  	s0 =	sor.u32 s3, s0;
	s1 =	sshll.u32 s1, $0x11  }
0xc2: {  	s0 =	sor.u32 s1, s0  }
0xc3: {  	s0 =	sadd.s32 $0x8F2B, s0  }
0xc4: {  	[sflag:s0] =	ssyncadd.remote.s32 $0x1  }
0xc5: {  	_ =	sfence.sel $0xFFFF  }
0xc6: {  	[dreg:$0x0] =	wrdreg $0xFFFFFFFF;
	(pc) =	sbr.abs _section_cstart, $3  }
0xc7: {  	[dreg:$0x1] =	wrdreg $0xFFFFFFFF  }
0xc8: {  	_ =	task.clear_ibuf [dreg:s8], $0x2FFFF;
	_ =	strace $0x9FFFFFFF  }
0xc9: {  	(tm) =	ssettm $0x7FFFFFFF  }
tec
execute0_lowered:
.L_overlay_start_1:
0x0: {  	(tag) =	ssettag $0x1  }
0x1: {  	s1 =	rddreg [dreg:$0x0]  }
0x2: {  	s6 =	rddreg [dreg:$0x1]  }
0x3: {  	s0 =	srdreg.scid;
	s10 =	rddreg [dreg:$0x2];
	s3 =	simm.s32 $0x0  }
0x4: {  	s7 =	simm.s32 $0x1;
	s14 =	simm.s32 $0x1000;
	s15 =	simm.s32 $0x5000  }
0x5: {  	s16 =	simm.s32 $0x9000;
	s17 =	simm.s32 $0x2;
	s5 =	sand.u32 $0x1, s0  }
0x6: {  	s18 =	simm.s32 $0x0;
	s0 =	stileid.u32;
	s2 =	sshll.u32 s5, $0x4  }
0x7: {  	[smem:$0x7FF] =	sst s3;
	s25 =	sand.u32 $0x1, s0;
	s4 =	sor.u32 s0, s2  }
0x8: {  	s26 =	sshll.u32 s0, $0xB;
	p1 =	seq.s32 s25, $0x1;
	p0 =	seq.s32 s4, $0x0  }
0x9: {  	s5 =	ssub.s32 $0x2, s5;
	s2 =	rddreg [dreg:$0x3];
	p0 =	por !p0, !p1  }
0xa: {  	_ =	strace $0x80000047;
	s28 =	sshrl.u32 s5, $0x1;
	p0 =	por !p0, !p0  }
0xb: {  	s8 =	sshrl.u32 s4, $0x1;
	s4 =	simm.s32 $0x1;
	s7 =	simm.s32 @!p0 $0x0  }
0xc: {  	s13 =	ssub.s32 s5, s28;
	s7 =	ssub.s32 s8, s7;
	s8 =	sand.u32 $0x800, s26  }
0xd: {  	v0 =	vimm.f32 $0.0e+00;
	v1 =	vlaneseq.u32;
	s9 =	sshll.u32 s7, $0x9;
	s11 =	sshll.u32 s7, $0x14;
	s29 =	sshll.u32 s7, $0xF  }
0xe: {  	v2 =	vor.u32 $0x10, v1;
	v3 =	vor.u32 $0x20, v1;
	v4 =	vor.u32 $0x30, v1;
	s9 =	sand.u32 $0x1FFFFE00, s9;
	s11 =	sor.u32 s8, s11;
	s30 =	sor.u32 s8, s29  }
0xf: {  	v5 =	vor.u32 $0x40, v1;
	v6 =	vor.u32 $0x50, v1;
	v7 =	vor.u32 $0x60, v1;
	s6 =	sadd.s32 s9, s6;
	s12 =	sshrl.u32 s11, $0x3;
	s8 =	sor.u32 $0x10000, s11  }
0x10: {  	v8 =	vor.u32 $0x70, v1;
	v9 =	vor.u32 $0x400, v1;
	v10 =	vor.u32 $0x410, v1;
	s9 =	sor.u32 $0x18000, s11;
	s31 =	sshrl.u32 s30, $0x3;
	s11 =	smax.u32 s13, $0x1  }
0x11: {  	v11 =	vor.u32 $0x420, v1;
	v12 =	vor.u32 $0x430, v1;
	v13 =	vor.u32 $0x440, v1;
	s13 =	simm.s32 $0x800;
	s5 =	sadd.s32 s1, s12;
	s6 =	sadd.s32 $0xC00, s6  }
0x12: {  	v14 =	vor.u32 $0x450, v1;
	v15 =	vor.u32 $0x460, v1;
	v16 =	vor.u32 $0x470, v1;
	s10 =	sadd.s32 s10, s31;
	s12 =	simm.s32 $0x3;
	s7 =	sadd.s32 $0x1000, s5  }
.LBB2_1:
0x13: {  	s19 =	sand.u32 $0x3800, s3;
	s20 =	sand.u32 $0x380, s3  }
0x14: {  	s19 =	sor.u32 s20, s19  }
0x15: {  	[tilespmem:s19+$0x9470] =	vst v0  }
0x16: {  	[tilespmem:s19+$0x9000] =	vst v0  }
0x17: {  	[tilespmem:s19+$0x9010] =	vst v0  }
0x18: {  	[tilespmem:s19+$0x9020] =	vst v0  }
0x19: {  	[tilespmem:s19+$0x9030] =	vst v0  }
0x1a: {  	[tilespmem:s19+$0x9040] =	vst v0  }
0x1b: {  	[tilespmem:s19+$0x9050] =	vst v0  }
0x1c: {  	[tilespmem:s19+$0x9060] =	vst v0  }
0x1d: {  	[tilespmem:s19+$0x9070] =	vst v0  }
0x1e: {  	[tilespmem:s19+$0x9400] =	vst v0  }
0x1f: {  	[tilespmem:s19+$0x9410] =	vst v0  }
0x20: {  	[tilespmem:s19+$0x9420] =	vst v0  }
0x21: {  	[tilespmem:s19+$0x9430] =	vst v0  }
0x22: {  	s21 =	simm.s32 $0x100;
	s20 =	simm.s32 $0x80;
	[tilespmem:s19+$0x9440] =	vst v0  }
0x23: {  	s22 =	sand.u32 $0x3800, s21;
	s21 =	simm.s32 $0x200;
	s23 =	sand.u32 $0x380, s20;
	[tilespmem:s19+$0x9450] =	vst v0  }
.LBB2_2:
0x24: {  	p0 =	sne.s32 s21, $0x3F00;
	[tilespmem:s19+$0x9460] =	vst v0;
	s19 =	sor.u32 s23, s22  }
0x25: {  	[tilespmem:s19+$0x9470] =	vst v0  }
0x26: {  	[tilespmem:s19+$0x9000] =	vst v0  }
0x27: {  	[tilespmem:s19+$0x9010] =	vst v0  }
0x28: {  	[tilespmem:s19+$0x9020] =	vst v0  }
0x29: {  	[tilespmem:s19+$0x9030] =	vst v0  }
0x2a: {  	[tilespmem:s19+$0x9040] =	vst v0  }
0x2b: {  	[tilespmem:s19+$0x9050] =	vst v0  }
0x2c: {  	[tilespmem:s19+$0x9060] =	vst v0  }
0x2d: {  	[tilespmem:s19+$0x9070] =	vst v0  }
0x2e: {  	[tilespmem:s19+$0x9400] =	vst v0  }
.Ltmp0:
0x2f: {  	[tilespmem:s19+$0x9410] =	vst v0;
	(pc) =	sbr.rel @p0 .LBB2_2-.Ltmp0, $4  }
0x30: {  	[tilespmem:s19+$0x9420] =	vst v0  }
0x31: {  	[tilespmem:s19+$0x9430] =	vst v0  }
0x32: {  	s20 =	sadd.s32 $0x80, s20;
	[tilespmem:s19+$0x9440] =	vst v0  }
0x33: {  	s22 =	sand.u32 $0x3800, s21;
	s21 =	sadd.s32 $0x100, s21;
	s23 =	sand.u32 $0x380, s20;
	[tilespmem:s19+$0x9450] =	vst v0  }
0x34: {  	s20 =	sor.u32 s23, s22;
	[tilespmem:s19+$0x9460] =	vst v0  }
0x35: {  	[tilespmem:s20+$0x9470] =	vst v0  }
0x36: {  	[tilespmem:s20+$0x9000] =	vst v0  }
0x37: {  	[tilespmem:s20+$0x9010] =	vst v0  }
0x38: {  	[tilespmem:s20+$0x9020] =	vst v0  }
0x39: {  	[tilespmem:s20+$0x9030] =	vst v0  }
0x3a: {  	[tilespmem:s20+$0x9040] =	vst v0  }
0x3b: {  	[tilespmem:s20+$0x9050] =	vst v0  }
0x3c: {  	[tilespmem:s20+$0x9060] =	vst v0  }
0x3d: {  	[tilespmem:s20+$0x9070] =	vst v0  }
0x3e: {  	[tilespmem:s20+$0x9400] =	vst v0  }
0x3f: {  	[tilespmem:s20+$0x9410] =	vst v0  }
0x40: {  	[tilespmem:s20+$0x9420] =	vst v0  }
0x41: {  	[tilespmem:s20+$0x9430] =	vst v0  }
0x42: {  	[tilespmem:s20+$0x9440] =	vst v0  }
0x43: {  	[tilespmem:s20+$0x9450] =	vst v0  }
0x44: {  	s19 =	simm.s32 $0x0;
	[tilespmem:s20+$0x9460] =	vst v0  }
0x45: {  	[tilespmem:s19], [sflag:$0x3] =	stream.linear.gather [hbm4b:s6+s19], $0x1000, $0x38;
	[tilespmem:$0xD000] =	vst v63  }
0x46: {  	_ =	swait.ge [sflag:s12], $0x1000  }
0x47: {  	[sflag:s12] =	ssyncset.done $0x0  }
0x48: {  	[sflag:s12] =	ssyncadd.s32 $0xFFFFF000  }
0x49: {  	[tilespmem:s14], [sflag:$0x1] =	stream.strided.gather [hbm4b:s5+s13], $0x4000, s14, s13, $0x38;
	[tilespmem:$0xD000] =	vst v63  }
0x4a: {  	_ = 	snop  }
0x4b: {  	[tilespmem:s15], [sflag:$0x2] =	stream.strided.gather [hbm4b:s7+s13], $0x4000, s14, s13, $0x38;
	[tilespmem:$0xD000] =	vst v63  }
.LBB2_4:
0x4c: {  	s20 =	sshll.u32 s19, $0x8  }
0x4d: {  	s20 =	sand.u32 $0x3FFFFF00, s20  }
0x4e: {  	_ =	swait.ge [sflag:s4], $0x4000;
	v17 =	vmov s20  }
0x4f: {  	[sflag:s4] =	ssyncset.done $0x0  }
0x50: {  	s21 =	simm.s32 $0x0;
	[sflag:s4] =	ssyncadd.s32 $0xFFFFC000  }
.LBB2_5:
0x51: {  	s22 =	sshll.u32 s21, $0x4  }
0x52: {  	s22 =	sand.u32 $0x3FFFFFF0, s22  }
0x53: {  	v18 =	vld.idx.msk [tilespmem:v17+s22+$0x0 ss:$0x1], $0xffff;
	_ =	sdelay $0x4  }
0x54: {  	v19 =	vbroadcast v18, $0x0;
	_ =	sdelay $0x1  }
0x55: {  	v20 =	vshll.u32 v19, $0x8;
	v19 =	vshll.u32 v19, $0x7  }
0x56: {  	s31 =	sshll.u32 s21, $0xC;
	v20 =	vand.u32 $0xFFFFF800, v20;
	v19 =	vand.u32 $0x380, v19  }
0x57: {  	s22 =	sand.u32 $0x3FFFF000, s31;
	v19 =	vor.u32 v19, v20  }
0x58: {  	v50 =	vld [tilespmem:s22+$0x1000];
	v21 =	vor.u32 v1, v19;
	_ =	sdelay $0x4  }
0x59: {  	[tilespmem:v21+s16+$0x0] =	vst.idx.add.f32.msk $0xffff, v50  }
0x5a: {  	v51 =	vor.u32 v2, v19;
	v20 =	vld [tilespmem:s22+$0x1010];
	_ =	sdelay $0x4  }
0x5b: {  	[tilespmem:v51+s16+$0x0] =	vst.idx.add.f32.msk $0xffff, v20  }
0x5c: {  	v52 =	vor.u32 v3, v19;
	v20 =	vld [tilespmem:s22+$0x1020];
	_ =	sdelay $0x4  }
0x5d: {  	[tilespmem:v52+s16+$0x0] =	vst.idx.add.f32.msk $0xffff, v20  }
0x5e: {  	v53 =	vor.u32 v4, v19;
	v20 =	vld [tilespmem:s22+$0x1030];
	_ =	sdelay $0x4  }
0x5f: {  	[tilespmem:v53+s16+$0x0] =	vst.idx.add.f32.msk $0xffff, v20  }
0x60: {  	v54 =	vor.u32 v5, v19;
	v20 =	vld [tilespmem:s22+$0x1040];
	_ =	sdelay $0x4  }
0x61: {  	[tilespmem:v54+s16+$0x0] =	vst.idx.add.f32.msk $0xffff, v20  }
0x62: {  	v55 =	vor.u32 v6, v19;
	v20 =	vld [tilespmem:s22+$0x1050];
	_ =	sdelay $0x4  }
0x63: {  	[tilespmem:v55+s16+$0x0] =	vst.idx.add.f32.msk $0xffff, v20  }
0x64: {  	v56 =	vor.u32 v7, v19;
	v20 =	vld [tilespmem:s22+$0x1060];
	_ =	sdelay $0x4  }
0x65: {  	[tilespmem:v56+s16+$0x0] =	vst.idx.add.f32.msk $0xffff, v20  }
0x66: {  	v57 =	vor.u32 v8, v19;
	v20 =	vld [tilespmem:s22+$0x1070];
	_ =	sdelay $0x4  }
0x67: {  	[tilespmem:v57+s16+$0x0] =	vst.idx.add.f32.msk $0xffff, v20  }
0x68: {  	v58 =	vor.u32 v9, v19;
	v20 =	vld [tilespmem:s22+$0x1400];
	_ =	sdelay $0x4  }
0x69: {  	[tilespmem:v58+s16+$0x0] =	vst.idx.add.f32.msk $0xffff, v20  }
0x6a: {  	v59 =	vor.u32 v10, v19;
	v20 =	vld [tilespmem:s22+$0x1410];
	_ =	sdelay $0x4  }
0x6b: {  	[tilespmem:v59+s16+$0x0] =	vst.idx.add.f32.msk $0xffff, v20  }
0x6c: {  	v60 =	vor.u32 v11, v19;
	v20 =	vld [tilespmem:s22+$0x1420];
	_ =	sdelay $0x4  }
0x6d: {  	[tilespmem:v60+s16+$0x0] =	vst.idx.add.f32.msk $0xffff, v20  }
0x6e: {  	v61 =	vor.u32 v12, v19;
	v20 =	vld [tilespmem:s22+$0x1430];
	_ =	sdelay $0x4  }
0x6f: {  	[tilespmem:v61+s16+$0x0] =	vst.idx.add.f32.msk $0xffff, v20  }
0x70: {  	v62 =	vor.u32 v13, v19;
	v20 =	vld [tilespmem:s22+$0x1440];
	_ =	sdelay $0x4  }
0x71: {  	[tilespmem:v62+s16+$0x0] =	vst.idx.add.f32.msk $0xffff, v20  }
0x72: {  	v63 =	vor.u32 v14, v19;
	v20 =	vld [tilespmem:s22+$0x1450];
	_ =	sdelay $0x4  }
0x73: {  	[tilespmem:v63+s16+$0x0] =	vst.idx.add.f32.msk $0xffff, v20  }
0x74: {  	v24 =	vor.u32 v15, v19;
	v20 =	vld [tilespmem:s22+$0x1460];
	_ =	sdelay $0x4  }
0x75: {  	[tilespmem:v24+s16+$0x0] =	vst.idx.add.f32.msk $0xffff, v20  }
0x76: {  	v19 =	vor.u32 v16, v19;
	v20 =	vld [tilespmem:s22+$0x1470]  }
0x77: {  	v25 =	vbroadcast v18, $0x1;
	_ =	sdelay $0x1  }
0x78: {  	v22 =	vshll.u32 v25, $0x8;
	v21 =	vshll.u32 v25, $0x7  }
0x79: {  	v22 =	vand.u32 $0xFFFFF800, v22;
	v21 =	vand.u32 $0x380, v21  }
0x7a: {  	[tilespmem:v19+s16+$0x0] =	vst.idx.add.f32.msk $0xffff, v20;
	v19 =	vor.u32 v21, v22  }
0x7b: {  	v20 =	vld [tilespmem:s22+$0x1080];
	v21 =	vor.u32 v1, v19;
	_ =	sdelay $0x4  }
0x7c: {  	[tilespmem:v21+s16+$0x0] =	vst.idx.add.f32.msk $0xffff, v20  }
0x7d: {  	v26 =	vor.u32 v2, v19;
	v20 =	vld [tilespmem:s22+$0x1090];
	_ =	sdelay $0x4  }
0x7e: {  	[tilespmem:v26+s16+$0x0] =	vst.idx.add.f32.msk $0xffff, v20  }
0x7f: {  	v27 =	vor.u32 v3, v19;
	v20 =	vld [tilespmem:s22+$0x10A0];
	_ =	sdelay $0x4  }
0x80: {  	[tilespmem:v27+s16+$0x0] =	vst.idx.add.f32.msk $0xffff, v20  }
0x81: {  	v28 =	vor.u32 v4, v19;
	v20 =	vld [tilespmem:s22+$0x10B0];
	_ =	sdelay $0x4  }
0x82: {  	[tilespmem:v28+s16+$0x0] =	vst.idx.add.f32.msk $0xffff, v20  }
0x83: {  	v29 =	vor.u32 v5, v19;
	v20 =	vld [tilespmem:s22+$0x10C0];
	_ =	sdelay $0x4  }
0x84: {  	[tilespmem:v29+s16+$0x0] =	vst.idx.add.f32.msk $0xffff, v20  }
0x85: {  	v30 =	vor.u32 v6, v19;
	v20 =	vld [tilespmem:s22+$0x10D0];
	_ =	sdelay $0x4  }
0x86: {  	[tilespmem:v30+s16+$0x0] =	vst.idx.add.f32.msk $0xffff, v20  }
0x87: {  	v31 =	vor.u32 v7, v19;
	v20 =	vld [tilespmem:s22+$0x10E0];
	_ =	sdelay $0x4  }
0x88: {  	[tilespmem:v31+s16+$0x0] =	vst.idx.add.f32.msk $0xffff, v20  }
0x89: {  	v32 =	vor.u32 v8, v19;
	v20 =	vld [tilespmem:s22+$0x10F0];
	_ =	sdelay $0x4  }
0x8a: {  	[tilespmem:v32+s16+$0x0] =	vst.idx.add.f32.msk $0xffff, v20  }
0x8b: {  	v33 =	vor.u32 v9, v19;
	v20 =	vld [tilespmem:s22+$0x1480];
	_ =	sdelay $0x4  }
0x8c: {  	[tilespmem:v33+s16+$0x0] =	vst.idx.add.f32.msk $0xffff, v20  }
0x8d: {  	v34 =	vor.u32 v10, v19;
	v20 =	vld [tilespmem:s22+$0x1490];
	_ =	sdelay $0x4  }
0x8e: {  	[tilespmem:v34+s16+$0x0] =	vst.idx.add.f32.msk $0xffff, v20  }
0x8f: {  	v35 =	vor.u32 v11, v19;
	v20 =	vld [tilespmem:s22+$0x14A0];
	_ =	sdelay $0x4  }
0x90: {  	[tilespmem:v35+s16+$0x0] =	vst.idx.add.f32.msk $0xffff, v20  }
0x91: {  	v36 =	vor.u32 v12, v19;
	v20 =	vld [tilespmem:s22+$0x14B0];
	_ =	sdelay $0x4  }
0x92: {  	[tilespmem:v36+s16+$0x0] =	vst.idx.add.f32.msk $0xffff, v20  }
0x93: {  	v37 =	vor.u32 v13, v19;
	v20 =	vld [tilespmem:s22+$0x14C0];
	_ =	sdelay $0x4  }
0x94: {  	[tilespmem:v37+s16+$0x0] =	vst.idx.add.f32.msk $0xffff, v20  }
0x95: {  	v38 =	vor.u32 v14, v19;
	v20 =	vld [tilespmem:s22+$0x14D0];
	_ =	sdelay $0x4  }
0x96: {  	[tilespmem:v38+s16+$0x0] =	vst.idx.add.f32.msk $0xffff, v20  }
0x97: {  	v39 =	vor.u32 v15, v19;
	v20 =	vld [tilespmem:s22+$0x14E0];
	_ =	sdelay $0x4  }
0x98: {  	[tilespmem:v39+s16+$0x0] =	vst.idx.add.f32.msk $0xffff, v20  }
0x99: {  	v19 =	vor.u32 v16, v19;
	v20 =	vld [tilespmem:s22+$0x14F0]  }
0x9a: {  	v40 =	vbroadcast v18, $0x2;
	_ =	sdelay $0x1  }
0x9b: {  	v41 =	vshll.u32 v40, $0x8;
	v21 =	vshll.u32 v40, $0x7  }
0x9c: {  	v22 =	vand.u32 $0xFFFFF800, v41;
	v21 =	vand.u32 $0x380, v21  }
0x9d: {  	[tilespmem:v19+s16+$0x0] =	vst.idx.add.f32.msk $0xffff, v20;
	v19 =	vor.u32 v21, v22  }
0x9e: {  	v20 =	vld [tilespmem:s22+$0x1100];
	v21 =	vor.u32 v1, v19;
	_ =	sdelay $0x4  }
0x9f: {  	[tilespmem:v21+s16+$0x0] =	vst.idx.add.f32.msk $0xffff, v20  }
0xa0: {  	v42 =	vor.u32 v2, v19;
	v20 =	vld [tilespmem:s22+$0x1110];
	_ =	sdelay $0x4  }
0xa1: {  	[tilespmem:v42+s16+$0x0] =	vst.idx.add.f32.msk $0xffff, v20  }
0xa2: {  	v43 =	vor.u32 v3, v19;
	v20 =	vld [tilespmem:s22+$0x1120];
	_ =	sdelay $0x4  }
0xa3: {  	[tilespmem:v43+s16+$0x0] =	vst.idx.add.f32.msk $0xffff, v20  }
0xa4: {  	v44 =	vor.u32 v4, v19;
	v20 =	vld [tilespmem:s22+$0x1130];
	_ =	sdelay $0x4  }
0xa5: {  	[tilespmem:v44+s16+$0x0] =	vst.idx.add.f32.msk $0xffff, v20  }
0xa6: {  	v45 =	vor.u32 v5, v19;
	v20 =	vld [tilespmem:s22+$0x1140];
	_ =	sdelay $0x4  }
0xa7: {  	[tilespmem:v45+s16+$0x0] =	vst.idx.add.f32.msk $0xffff, v20  }
0xa8: {  	v46 =	vor.u32 v6, v19;
	v20 =	vld [tilespmem:s22+$0x1150];
	_ =	sdelay $0x4  }
0xa9: {  	[tilespmem:v46+s16+$0x0] =	vst.idx.add.f32.msk $0xffff, v20  }
0xaa: {  	v47 =	vor.u32 v7, v19;
	v20 =	vld [tilespmem:s22+$0x1160];
	_ =	sdelay $0x4  }
0xab: {  	[tilespmem:v47+s16+$0x0] =	vst.idx.add.f32.msk $0xffff, v20  }
0xac: {  	v48 =	vor.u32 v8, v19;
	v20 =	vld [tilespmem:s22+$0x1170];
	_ =	sdelay $0x4  }
0xad: {  	[tilespmem:v48+s16+$0x0] =	vst.idx.add.f32.msk $0xffff, v20  }
0xae: {  	v49 =	vor.u32 v9, v19;
	v20 =	vld [tilespmem:s22+$0x1500];
	_ =	sdelay $0x4  }
0xaf: {  	[tilespmem:v49+s16+$0x0] =	vst.idx.add.f32.msk $0xffff, v20  }
0xb0: {  	v50 =	vor.u32 v10, v19;
	v20 =	vld [tilespmem:s22+$0x1510];
	_ =	sdelay $0x4  }
0xb1: {  	[tilespmem:v50+s16+$0x0] =	vst.idx.add.f32.msk $0xffff, v20  }
0xb2: {  	v51 =	vor.u32 v11, v19;
	v20 =	vld [tilespmem:s22+$0x1520];
	_ =	sdelay $0x4  }
0xb3: {  	[tilespmem:v51+s16+$0x0] =	vst.idx.add.f32.msk $0xffff, v20  }
0xb4: {  	v52 =	vor.u32 v12, v19;
	v20 =	vld [tilespmem:s22+$0x1530];
	_ =	sdelay $0x4  }
0xb5: {  	[tilespmem:v52+s16+$0x0] =	vst.idx.add.f32.msk $0xffff, v20  }
0xb6: {  	v53 =	vor.u32 v13, v19;
	v20 =	vld [tilespmem:s22+$0x1540];
	_ =	sdelay $0x4  }
0xb7: {  	[tilespmem:v53+s16+$0x0] =	vst.idx.add.f32.msk $0xffff, v20  }
0xb8: {  	v54 =	vor.u32 v14, v19;
	v20 =	vld [tilespmem:s22+$0x1550];
	_ =	sdelay $0x4  }
0xb9: {  	[tilespmem:v54+s16+$0x0] =	vst.idx.add.f32.msk $0xffff, v20  }
0xba: {  	v55 =	vor.u32 v15, v19;
	v20 =	vld [tilespmem:s22+$0x1560];
	_ =	sdelay $0x4  }
0xbb: {  	[tilespmem:v55+s16+$0x0] =	vst.idx.add.f32.msk $0xffff, v20  }
0xbc: {  	v19 =	vor.u32 v16, v19;
	v20 =	vld [tilespmem:s22+$0x1570]  }
0xbd: {  	v56 =	vbroadcast v18, $0x3;
	_ =	sdelay $0x1  }
0xbe: {  	v57 =	vshll.u32 v56, $0x8;
	v21 =	vshll.u32 v56, $0x7  }
0xbf: {  	v22 =	vand.u32 $0xFFFFF800, v57;
	v21 =	vand.u32 $0x380, v21  }
0xc0: {  	[tilespmem:v19+s16+$0x0] =	vst.idx.add.f32.msk $0xffff, v20;
	v19 =	vor.u32 v21, v22  }
0xc1: {  	v20 =	vld [tilespmem:s22+$0x1180];
	v21 =	vor.u32 v1, v19;
	_ =	sdelay $0x4  }
0xc2: {  	[tilespmem:v21+s16+$0x0] =	vst.idx.add.f32.msk $0xffff, v20  }
0xc3: {  	v58 =	vor.u32 v2, v19;
	v20 =	vld [tilespmem:s22+$0x1190];
	_ =	sdelay $0x4  }
0xc4: {  	[tilespmem:v58+s16+$0x0] =	vst.idx.add.f32.msk $0xffff, v20  }
0xc5: {  	v59 =	vor.u32 v3, v19;
	v20 =	vld [tilespmem:s22+$0x11A0];
	_ =	sdelay $0x4  }
0xc6: {  	[tilespmem:v59+s16+$0x0] =	vst.idx.add.f32.msk $0xffff, v20  }
0xc7: {  	v60 =	vor.u32 v4, v19;
	v20 =	vld [tilespmem:s22+$0x11B0];
	_ =	sdelay $0x4  }
0xc8: {  	[tilespmem:v60+s16+$0x0] =	vst.idx.add.f32.msk $0xffff, v20  }
0xc9: {  	v61 =	vor.u32 v5, v19;
	v20 =	vld [tilespmem:s22+$0x11C0];
	_ =	sdelay $0x4  }
0xca: {  	[tilespmem:v61+s16+$0x0] =	vst.idx.add.f32.msk $0xffff, v20  }
0xcb: {  	v62 =	vor.u32 v6, v19;
	v20 =	vld [tilespmem:s22+$0x11D0];
	_ =	sdelay $0x4  }
0xcc: {  	[tilespmem:v62+s16+$0x0] =	vst.idx.add.f32.msk $0xffff, v20  }
0xcd: {  	v63 =	vor.u32 v7, v19;
	v20 =	vld [tilespmem:s22+$0x11E0];
	_ =	sdelay $0x4  }
0xce: {  	[tilespmem:v63+s16+$0x0] =	vst.idx.add.f32.msk $0xffff, v20  }
0xcf: {  	v24 =	vor.u32 v8, v19;
	v20 =	vld [tilespmem:s22+$0x11F0];
	_ =	sdelay $0x4  }
0xd0: {  	[tilespmem:v24+s16+$0x0] =	vst.idx.add.f32.msk $0xffff, v20  }
0xd1: {  	v25 =	vor.u32 v9, v19;
	v20 =	vld [tilespmem:s22+$0x1580];
	_ =	sdelay $0x4  }
0xd2: {  	[tilespmem:v25+s16+$0x0] =	vst.idx.add.f32.msk $0xffff, v20  }
0xd3: {  	v26 =	vor.u32 v10, v19;
	v20 =	vld [tilespmem:s22+$0x1590];
	_ =	sdelay $0x4  }
0xd4: {  	[tilespmem:v26+s16+$0x0] =	vst.idx.add.f32.msk $0xffff, v20  }
0xd5: {  	v27 =	vor.u32 v11, v19;
	v20 =	vld [tilespmem:s22+$0x15A0];
	_ =	sdelay $0x4  }
0xd6: {  	[tilespmem:v27+s16+$0x0] =	vst.idx.add.f32.msk $0xffff, v20  }
0xd7: {  	v28 =	vor.u32 v12, v19;
	v20 =	vld [tilespmem:s22+$0x15B0];
	_ =	sdelay $0x4  }
0xd8: {  	[tilespmem:v28+s16+$0x0] =	vst.idx.add.f32.msk $0xffff, v20  }
0xd9: {  	v29 =	vor.u32 v13, v19;
	v20 =	vld [tilespmem:s22+$0x15C0];
	_ =	sdelay $0x4  }
0xda: {  	[tilespmem:v29+s16+$0x0] =	vst.idx.add.f32.msk $0xffff, v20  }
0xdb: {  	v30 =	vor.u32 v14, v19;
	v20 =	vld [tilespmem:s22+$0x15D0];
	_ =	sdelay $0x4  }
0xdc: {  	[tilespmem:v30+s16+$0x0] =	vst.idx.add.f32.msk $0xffff, v20  }
0xdd: {  	v31 =	vor.u32 v15, v19;
	v20 =	vld [tilespmem:s22+$0x15E0];
	_ =	sdelay $0x4  }
0xde: {  	[tilespmem:v31+s16+$0x0] =	vst.idx.add.f32.msk $0xffff, v20  }
0xdf: {  	v19 =	vor.u32 v16, v19;
	v20 =	vld [tilespmem:s22+$0x15F0]  }
0xe0: {  	v32 =	vbroadcast v18, $0x4;
	_ =	sdelay $0x1  }
0xe1: {  	v33 =	vshll.u32 v32, $0x8;
	v21 =	vshll.u32 v32, $0x7  }
0xe2: {  	v22 =	vand.u32 $0xFFFFF800, v33;
	v21 =	vand.u32 $0x380, v21  }
0xe3: {  	[tilespmem:v19+s16+$0x0] =	vst.idx.add.f32.msk $0xffff, v20;
	v19 =	vor.u32 v21, v22  }
0xe4: {  	v20 =	vld [tilespmem:s22+$0x1200];
	v21 =	vor.u32 v1, v19;
	_ =	sdelay $0x4  }
0xe5: {  	[tilespmem:v21+s16+$0x0] =	vst.idx.add.f32.msk $0xffff, v20  }
0xe6: {  	v34 =	vor.u32 v2, v19;
	v20 =	vld [tilespmem:s22+$0x1210];
	_ =	sdelay $0x4  }
0xe7: {  	[tilespmem:v34+s16+$0x0] =	vst.idx.add.f32.msk $0xffff, v20  }
0xe8: {  	v35 =	vor.u32 v3, v19;
	v20 =	vld [tilespmem:s22+$0x1220];
	_ =	sdelay $0x4  }
0xe9: {  	[tilespmem:v35+s16+$0x0] =	vst.idx.add.f32.msk $0xffff, v20  }
0xea: {  	v36 =	vor.u32 v4, v19;
	v20 =	vld [tilespmem:s22+$0x1230];
	_ =	sdelay $0x4  }
0xeb: {  	[tilespmem:v36+s16+$0x0] =	vst.idx.add.f32.msk $0xffff, v20  }
0xec: {  	v37 =	vor.u32 v5, v19;
	v20 =	vld [tilespmem:s22+$0x1240];
	_ =	sdelay $0x4  }
0xed: {  	[tilespmem:v37+s16+$0x0] =	vst.idx.add.f32.msk $0xffff, v20  }
0xee: {  	v38 =	vor.u32 v6, v19;
	v20 =	vld [tilespmem:s22+$0x1250];
	_ =	sdelay $0x4  }
0xef: {  	[tilespmem:v38+s16+$0x0] =	vst.idx.add.f32.msk $0xffff, v20  }
0xf0: {  	v39 =	vor.u32 v7, v19;
	v20 =	vld [tilespmem:s22+$0x1260];
	_ =	sdelay $0x4  }
0xf1: {  	[tilespmem:v39+s16+$0x0] =	vst.idx.add.f32.msk $0xffff, v20  }
0xf2: {  	v40 =	vor.u32 v8, v19;
	v20 =	vld [tilespmem:s22+$0x1270];
	_ =	sdelay $0x4  }
0xf3: {  	[tilespmem:v40+s16+$0x0] =	vst.idx.add.f32.msk $0xffff, v20  }
0xf4: {  	v41 =	vor.u32 v9, v19;
	v20 =	vld [tilespmem:s22+$0x1600];
	_ =	sdelay $0x4  }
0xf5: {  	[tilespmem:v41+s16+$0x0] =	vst.idx.add.f32.msk $0xffff, v20  }
0xf6: {  	v42 =	vor.u32 v10, v19;
	v20 =	vld [tilespmem:s22+$0x1610];
	_ =	sdelay $0x4  }
0xf7: {  	[tilespmem:v42+s16+$0x0] =	vst.idx.add.f32.msk $0xffff, v20  }
0xf8: {  	v43 =	vor.u32 v11, v19;
	v20 =	vld [tilespmem:s22+$0x1620];
	_ =	sdelay $0x4  }
0xf9: {  	[tilespmem:v43+s16+$0x0] =	vst.idx.add.f32.msk $0xffff, v20  }
0xfa: {  	v44 =	vor.u32 v12, v19;
	v20 =	vld [tilespmem:s22+$0x1630];
	_ =	sdelay $0x4  }
0xfb: {  	[tilespmem:v44+s16+$0x0] =	vst.idx.add.f32.msk $0xffff, v20  }
0xfc: {  	v45 =	vor.u32 v13, v19;
	v20 =	vld [tilespmem:s22+$0x1640];
	_ =	sdelay $0x4  }
0xfd: {  	[tilespmem:v45+s16+$0x0] =	vst.idx.add.f32.msk $0xffff, v20  }
0xfe: {  	v46 =	vor.u32 v14, v19;
	v20 =	vld [tilespmem:s22+$0x1650];
	_ =	sdelay $0x4  }
0xff: {  	[tilespmem:v46+s16+$0x0] =	vst.idx.add.f32.msk $0xffff, v20  }
0x100: {  	v47 =	vor.u32 v15, v19;
	v20 =	vld [tilespmem:s22+$0x1660];
	_ =	sdelay $0x4  }
0x101: {  	[tilespmem:v47+s16+$0x0] =	vst.idx.add.f32.msk $0xffff, v20  }
0x102: {  	v19 =	vor.u32 v16, v19;
	v20 =	vld [tilespmem:s22+$0x1670]  }
0x103: {  	v48 =	vbroadcast v18, $0x5;
	_ =	sdelay $0x1  }
0x104: {  	v49 =	vshll.u32 v48, $0x8;
	v21 =	vshll.u32 v48, $0x7  }
0x105: {  	v22 =	vand.u32 $0xFFFFF800, v49;
	v21 =	vand.u32 $0x380, v21  }
0x106: {  	[tilespmem:v19+s16+$0x0] =	vst.idx.add.f32.msk $0xffff, v20;
	v19 =	vor.u32 v21, v22  }
0x107: {  	v20 =	vld [tilespmem:s22+$0x1280];
	v21 =	vor.u32 v1, v19;
	_ =	sdelay $0x4  }
0x108: {  	[tilespmem:v21+s16+$0x0] =	vst.idx.add.f32.msk $0xffff, v20  }
0x109: {  	v50 =	vor.u32 v2, v19;
	v20 =	vld [tilespmem:s22+$0x1290];
	_ =	sdelay $0x4  }
0x10a: {  	[tilespmem:v50+s16+$0x0] =	vst.idx.add.f32.msk $0xffff, v20  }
0x10b: {  	v51 =	vor.u32 v3, v19;
	v20 =	vld [tilespmem:s22+$0x12A0];
	_ =	sdelay $0x4  }
0x10c: {  	[tilespmem:v51+s16+$0x0] =	vst.idx.add.f32.msk $0xffff, v20  }
0x10d: {  	v52 =	vor.u32 v4, v19;
	v20 =	vld [tilespmem:s22+$0x12B0];
	_ =	sdelay $0x4  }
0x10e: {  	[tilespmem:v52+s16+$0x0] =	vst.idx.add.f32.msk $0xffff, v20  }
0x10f: {  	v53 =	vor.u32 v5, v19;
	v20 =	vld [tilespmem:s22+$0x12C0];
	_ =	sdelay $0x4  }
0x110: {  	[tilespmem:v53+s16+$0x0] =	vst.idx.add.f32.msk $0xffff, v20  }
0x111: {  	v54 =	vor.u32 v6, v19;
	v20 =	vld [tilespmem:s22+$0x12D0];
	_ =	sdelay $0x4  }
0x112: {  	[tilespmem:v54+s16+$0x0] =	vst.idx.add.f32.msk $0xffff, v20  }
0x113: {  	v55 =	vor.u32 v7, v19;
	v20 =	vld [tilespmem:s22+$0x12E0];
	_ =	sdelay $0x4  }
0x114: {  	[tilespmem:v55+s16+$0x0] =	vst.idx.add.f32.msk $0xffff, v20  }
0x115: {  	v56 =	vor.u32 v8, v19;
	v20 =	vld [tilespmem:s22+$0x12F0];
	_ =	sdelay $0x4  }
0x116: {  	[tilespmem:v56+s16+$0x0] =	vst.idx.add.f32.msk $0xffff, v20  }
0x117: {  	v57 =	vor.u32 v9, v19;
	v20 =	vld [tilespmem:s22+$0x1680];
	_ =	sdelay $0x4  }
0x118: {  	[tilespmem:v57+s16+$0x0] =	vst.idx.add.f32.msk $0xffff, v20  }
0x119: {  	v58 =	vor.u32 v10, v19;
	v20 =	vld [tilespmem:s22+$0x1690];
	_ =	sdelay $0x4  }
0x11a: {  	[tilespmem:v58+s16+$0x0] =	vst.idx.add.f32.msk $0xffff, v20  }
0x11b: {  	v59 =	vor.u32 v11, v19;
	v20 =	vld [tilespmem:s22+$0x16A0];
	_ =	sdelay $0x4  }
0x11c: {  	[tilespmem:v59+s16+$0x0] =	vst.idx.add.f32.msk $0xffff, v20  }
0x11d: {  	v60 =	vor.u32 v12, v19;
	v20 =	vld [tilespmem:s22+$0x16B0];
	_ =	sdelay $0x4  }
0x11e: {  	[tilespmem:v60+s16+$0x0] =	vst.idx.add.f32.msk $0xffff, v20  }
0x11f: {  	v61 =	vor.u32 v13, v19;
	v20 =	vld [tilespmem:s22+$0x16C0];
	_ =	sdelay $0x4  }
0x120: {  	[tilespmem:v61+s16+$0x0] =	vst.idx.add.f32.msk $0xffff, v20  }
0x121: {  	v62 =	vor.u32 v14, v19;
	v20 =	vld [tilespmem:s22+$0x16D0];
	_ =	sdelay $0x4  }
0x122: {  	[tilespmem:v62+s16+$0x0] =	vst.idx.add.f32.msk $0xffff, v20  }
0x123: {  	v63 =	vor.u32 v15, v19;
	v20 =	vld [tilespmem:s22+$0x16E0];
	_ =	sdelay $0x4  }
0x124: {  	[tilespmem:v63+s16+$0x0] =	vst.idx.add.f32.msk $0xffff, v20  }
0x125: {  	v19 =	vor.u32 v16, v19;
	v20 =	vld [tilespmem:s22+$0x16F0]  }
0x126: {  	v24 =	vbroadcast v18, $0x6;
	_ =	sdelay $0x1  }
0x127: {  	v25 =	vshll.u32 v24, $0x8;
	v21 =	vshll.u32 v24, $0x7  }
0x128: {  	v22 =	vand.u32 $0xFFFFF800, v25;
	v21 =	vand.u32 $0x380, v21  }
0x129: {  	[tilespmem:v19+s16+$0x0] =	vst.idx.add.f32.msk $0xffff, v20;
	v19 =	vor.u32 v21, v22  }
0x12a: {  	v20 =	vld [tilespmem:s22+$0x1300];
	v21 =	vor.u32 v1, v19;
	_ =	sdelay $0x4  }
0x12b: {  	[tilespmem:v21+s16+$0x0] =	vst.idx.add.f32.msk $0xffff, v20  }
0x12c: {  	v26 =	vor.u32 v2, v19;
	v20 =	vld [tilespmem:s22+$0x1310];
	_ =	sdelay $0x4  }
0x12d: {  	[tilespmem:v26+s16+$0x0] =	vst.idx.add.f32.msk $0xffff, v20  }
0x12e: {  	v27 =	vor.u32 v3, v19;
	v20 =	vld [tilespmem:s22+$0x1320];
	_ =	sdelay $0x4  }
0x12f: {  	[tilespmem:v27+s16+$0x0] =	vst.idx.add.f32.msk $0xffff, v20  }
0x130: {  	v28 =	vor.u32 v4, v19;
	v20 =	vld [tilespmem:s22+$0x1330];
	_ =	sdelay $0x4  }
0x131: {  	[tilespmem:v28+s16+$0x0] =	vst.idx.add.f32.msk $0xffff, v20  }
0x132: {  	v29 =	vor.u32 v5, v19;
	v20 =	vld [tilespmem:s22+$0x1340];
	_ =	sdelay $0x4  }
0x133: {  	[tilespmem:v29+s16+$0x0] =	vst.idx.add.f32.msk $0xffff, v20  }
0x134: {  	v30 =	vor.u32 v6, v19;
	v20 =	vld [tilespmem:s22+$0x1350];
	_ =	sdelay $0x4  }
0x135: {  	[tilespmem:v30+s16+$0x0] =	vst.idx.add.f32.msk $0xffff, v20  }
0x136: {  	v31 =	vor.u32 v7, v19;
	v20 =	vld [tilespmem:s22+$0x1360];
	_ =	sdelay $0x4  }
0x137: {  	[tilespmem:v31+s16+$0x0] =	vst.idx.add.f32.msk $0xffff, v20  }
0x138: {  	v32 =	vor.u32 v8, v19;
	v20 =	vld [tilespmem:s22+$0x1370];
	_ =	sdelay $0x4  }
0x139: {  	[tilespmem:v32+s16+$0x0] =	vst.idx.add.f32.msk $0xffff, v20  }
0x13a: {  	v33 =	vor.u32 v9, v19;
	v20 =	vld [tilespmem:s22+$0x1700];
	_ =	sdelay $0x4  }
0x13b: {  	[tilespmem:v33+s16+$0x0] =	vst.idx.add.f32.msk $0xffff, v20  }
0x13c: {  	v34 =	vor.u32 v10, v19;
	v20 =	vld [tilespmem:s22+$0x1710];
	_ =	sdelay $0x4  }
0x13d: {  	[tilespmem:v34+s16+$0x0] =	vst.idx.add.f32.msk $0xffff, v20  }
0x13e: {  	v35 =	vor.u32 v11, v19;
	v20 =	vld [tilespmem:s22+$0x1720];
	_ =	sdelay $0x4  }
0x13f: {  	[tilespmem:v35+s16+$0x0] =	vst.idx.add.f32.msk $0xffff, v20  }
0x140: {  	v36 =	vor.u32 v12, v19;
	v20 =	vld [tilespmem:s22+$0x1730];
	_ =	sdelay $0x4  }
0x141: {  	[tilespmem:v36+s16+$0x0] =	vst.idx.add.f32.msk $0xffff, v20  }
0x142: {  	v37 =	vor.u32 v13, v19;
	v20 =	vld [tilespmem:s22+$0x1740];
	_ =	sdelay $0x4  }
0x143: {  	[tilespmem:v37+s16+$0x0] =	vst.idx.add.f32.msk $0xffff, v20  }
0x144: {  	v38 =	vor.u32 v14, v19;
	v20 =	vld [tilespmem:s22+$0x1750];
	_ =	sdelay $0x4  }
0x145: {  	[tilespmem:v38+s16+$0x0] =	vst.idx.add.f32.msk $0xffff, v20  }
0x146: {  	v39 =	vor.u32 v15, v19;
	v20 =	vld [tilespmem:s22+$0x1760];
	_ =	sdelay $0x4  }
0x147: {  	[tilespmem:v39+s16+$0x0] =	vst.idx.add.f32.msk $0xffff, v20  }
0x148: {  	v19 =	vor.u32 v16, v19;
	v20 =	vld [tilespmem:s22+$0x1770]  }
0x149: {  	v40 =	vbroadcast v18, $0x7;
	_ =	sdelay $0x1  }
0x14a: {  	v41 =	vshll.u32 v40, $0x8;
	v21 =	vshll.u32 v40, $0x7  }
0x14b: {  	v22 =	vand.u32 $0xFFFFF800, v41;
	v21 =	vand.u32 $0x380, v21  }
0x14c: {  	[tilespmem:v19+s16+$0x0] =	vst.idx.add.f32.msk $0xffff, v20;
	v19 =	vor.u32 v21, v22  }
0x14d: {  	v20 =	vld [tilespmem:s22+$0x1380];
	v21 =	vor.u32 v1, v19;
	_ =	sdelay $0x4  }
0x14e: {  	[tilespmem:v21+s16+$0x0] =	vst.idx.add.f32.msk $0xffff, v20  }
0x14f: {  	v42 =	vor.u32 v2, v19;
	v20 =	vld [tilespmem:s22+$0x1390];
	_ =	sdelay $0x4  }
0x150: {  	[tilespmem:v42+s16+$0x0] =	vst.idx.add.f32.msk $0xffff, v20  }
0x151: {  	v43 =	vor.u32 v3, v19;
	v20 =	vld [tilespmem:s22+$0x13A0];
	_ =	sdelay $0x4  }
0x152: {  	[tilespmem:v43+s16+$0x0] =	vst.idx.add.f32.msk $0xffff, v20  }
0x153: {  	v44 =	vor.u32 v4, v19;
	v20 =	vld [tilespmem:s22+$0x13B0];
	_ =	sdelay $0x4  }
0x154: {  	[tilespmem:v44+s16+$0x0] =	vst.idx.add.f32.msk $0xffff, v20  }
0x155: {  	v45 =	vor.u32 v5, v19;
	v20 =	vld [tilespmem:s22+$0x13C0];
	_ =	sdelay $0x4  }
0x156: {  	[tilespmem:v45+s16+$0x0] =	vst.idx.add.f32.msk $0xffff, v20  }
0x157: {  	v46 =	vor.u32 v6, v19;
	v20 =	vld [tilespmem:s22+$0x13D0];
	_ =	sdelay $0x4  }
0x158: {  	[tilespmem:v46+s16+$0x0] =	vst.idx.add.f32.msk $0xffff, v20  }
0x159: {  	v47 =	vor.u32 v7, v19;
	v20 =	vld [tilespmem:s22+$0x13E0];
	_ =	sdelay $0x4  }
0x15a: {  	[tilespmem:v47+s16+$0x0] =	vst.idx.add.f32.msk $0xffff, v20  }
0x15b: {  	v48 =	vor.u32 v8, v19;
	v20 =	vld [tilespmem:s22+$0x13F0];
	_ =	sdelay $0x4  }
0x15c: {  	[tilespmem:v48+s16+$0x0] =	vst.idx.add.f32.msk $0xffff, v20  }
0x15d: {  	v49 =	vor.u32 v9, v19;
	v20 =	vld [tilespmem:s22+$0x1780];
	_ =	sdelay $0x4  }
0x15e: {  	[tilespmem:v49+s16+$0x0] =	vst.idx.add.f32.msk $0xffff, v20  }
0x15f: {  	v50 =	vor.u32 v10, v19;
	v20 =	vld [tilespmem:s22+$0x1790];
	_ =	sdelay $0x4  }
0x160: {  	[tilespmem:v50+s16+$0x0] =	vst.idx.add.f32.msk $0xffff, v20  }
0x161: {  	v51 =	vor.u32 v11, v19;
	v20 =	vld [tilespmem:s22+$0x17A0];
	_ =	sdelay $0x4  }
0x162: {  	[tilespmem:v51+s16+$0x0] =	vst.idx.add.f32.msk $0xffff, v20  }
0x163: {  	v52 =	vor.u32 v12, v19;
	v20 =	vld [tilespmem:s22+$0x17B0];
	_ =	sdelay $0x4  }
0x164: {  	[tilespmem:v52+s16+$0x0] =	vst.idx.add.f32.msk $0xffff, v20  }
0x165: {  	v53 =	vor.u32 v13, v19;
	v20 =	vld [tilespmem:s22+$0x17C0];
	_ =	sdelay $0x4  }
0x166: {  	[tilespmem:v53+s16+$0x0] =	vst.idx.add.f32.msk $0xffff, v20  }
0x167: {  	v54 =	vor.u32 v14, v19;
	v20 =	vld [tilespmem:s22+$0x17D0];
	_ =	sdelay $0x4  }
0x168: {  	[tilespmem:v54+s16+$0x0] =	vst.idx.add.f32.msk $0xffff, v20  }
0x169: {  	v55 =	vor.u32 v15, v19;
	v20 =	vld [tilespmem:s22+$0x17E0];
	_ =	sdelay $0x4  }
0x16a: {  	[tilespmem:v55+s16+$0x0] =	vst.idx.add.f32.msk $0xffff, v20  }
0x16b: {  	v19 =	vor.u32 v16, v19;
	v20 =	vld [tilespmem:s22+$0x17F0]  }
0x16c: {  	v56 =	vbroadcast v18, $0x8;
	_ =	sdelay $0x1  }
0x16d: {  	v57 =	vshll.u32 v56, $0x8;
	v21 =	vshll.u32 v56, $0x7  }
0x16e: {  	v22 =	vand.u32 $0xFFFFF800, v57;
	v21 =	vand.u32 $0x380, v21  }
0x16f: {  	[tilespmem:v19+s16+$0x0] =	vst.idx.add.f32.msk $0xffff, v20;
	v19 =	vor.u32 v21, v22  }
0x170: {  	v20 =	vld [tilespmem:s22+$0x1800];
	v21 =	vor.u32 v1, v19;
	_ =	sdelay $0x4  }
0x171: {  	[tilespmem:v21+s16+$0x0] =	vst.idx.add.f32.msk $0xffff, v20  }
0x172: {  	v58 =	vor.u32 v2, v19;
	v20 =	vld [tilespmem:s22+$0x1810];
	_ =	sdelay $0x4  }
0x173: {  	[tilespmem:v58+s16+$0x0] =	vst.idx.add.f32.msk $0xffff, v20  }
0x174: {  	v59 =	vor.u32 v3, v19;
	v20 =	vld [tilespmem:s22+$0x1820];
	_ =	sdelay $0x4  }
0x175: {  	[tilespmem:v59+s16+$0x0] =	vst.idx.add.f32.msk $0xffff, v20  }
0x176: {  	v60 =	vor.u32 v4, v19;
	v20 =	vld [tilespmem:s22+$0x1830];
	_ =	sdelay $0x4  }
0x177: {  	[tilespmem:v60+s16+$0x0] =	vst.idx.add.f32.msk $0xffff, v20  }
0x178: {  	v61 =	vor.u32 v5, v19;
	v20 =	vld [tilespmem:s22+$0x1840];
	_ =	sdelay $0x4  }
0x179: {  	[tilespmem:v61+s16+$0x0] =	vst.idx.add.f32.msk $0xffff, v20  }
0x17a: {  	v62 =	vor.u32 v6, v19;
	v20 =	vld [tilespmem:s22+$0x1850];
	_ =	sdelay $0x4  }
0x17b: {  	[tilespmem:v62+s16+$0x0] =	vst.idx.add.f32.msk $0xffff, v20  }
0x17c: {  	v63 =	vor.u32 v7, v19;
	v20 =	vld [tilespmem:s22+$0x1860];
	_ =	sdelay $0x4  }
0x17d: {  	[tilespmem:v63+s16+$0x0] =	vst.idx.add.f32.msk $0xffff, v20  }
0x17e: {  	v24 =	vor.u32 v8, v19;
	v20 =	vld [tilespmem:s22+$0x1870];
	_ =	sdelay $0x4  }
0x17f: {  	[tilespmem:v24+s16+$0x0] =	vst.idx.add.f32.msk $0xffff, v20  }
0x180: {  	v25 =	vor.u32 v9, v19;
	v20 =	vld [tilespmem:s22+$0x1C00];
	_ =	sdelay $0x4  }
0x181: {  	[tilespmem:v25+s16+$0x0] =	vst.idx.add.f32.msk $0xffff, v20  }
0x182: {  	v26 =	vor.u32 v10, v19;
	v20 =	vld [tilespmem:s22+$0x1C10];
	_ =	sdelay $0x4  }
0x183: {  	[tilespmem:v26+s16+$0x0] =	vst.idx.add.f32.msk $0xffff, v20  }
0x184: {  	v27 =	vor.u32 v11, v19;
	v20 =	vld [tilespmem:s22+$0x1C20];
	_ =	sdelay $0x4  }
0x185: {  	[tilespmem:v27+s16+$0x0] =	vst.idx.add.f32.msk $0xffff, v20  }
0x186: {  	v28 =	vor.u32 v12, v19;
	v20 =	vld [tilespmem:s22+$0x1C30];
	_ =	sdelay $0x4  }
0x187: {  	[tilespmem:v28+s16+$0x0] =	vst.idx.add.f32.msk $0xffff, v20  }
0x188: {  	v29 =	vor.u32 v13, v19;
	v20 =	vld [tilespmem:s22+$0x1C40];
	_ =	sdelay $0x4  }
0x189: {  	[tilespmem:v29+s16+$0x0] =	vst.idx.add.f32.msk $0xffff, v20  }
0x18a: {  	v30 =	vor.u32 v14, v19;
	v20 =	vld [tilespmem:s22+$0x1C50];
	_ =	sdelay $0x4  }
0x18b: {  	[tilespmem:v30+s16+$0x0] =	vst.idx.add.f32.msk $0xffff, v20  }
0x18c: {  	v31 =	vor.u32 v15, v19;
	v20 =	vld [tilespmem:s22+$0x1C60];
	_ =	sdelay $0x4  }
0x18d: {  	[tilespmem:v31+s16+$0x0] =	vst.idx.add.f32.msk $0xffff, v20  }
0x18e: {  	v19 =	vor.u32 v16, v19;
	v20 =	vld [tilespmem:s22+$0x1C70]  }
0x18f: {  	v32 =	vbroadcast v18, $0x9;
	_ =	sdelay $0x1  }
0x190: {  	v33 =	vshll.u32 v32, $0x8;
	v21 =	vshll.u32 v32, $0x7  }
0x191: {  	v22 =	vand.u32 $0xFFFFF800, v33;
	v21 =	vand.u32 $0x380, v21  }
0x192: {  	[tilespmem:v19+s16+$0x0] =	vst.idx.add.f32.msk $0xffff, v20;
	v19 =	vor.u32 v21, v22  }
0x193: {  	v20 =	vld [tilespmem:s22+$0x1880];
	v21 =	vor.u32 v1, v19;
	_ =	sdelay $0x4  }
0x194: {  	[tilespmem:v21+s16+$0x0] =	vst.idx.add.f32.msk $0xffff, v20  }
0x195: {  	v34 =	vor.u32 v2, v19;
	v20 =	vld [tilespmem:s22+$0x1890];
	_ =	sdelay $0x4  }
0x196: {  	[tilespmem:v34+s16+$0x0] =	vst.idx.add.f32.msk $0xffff, v20  }
0x197: {  	v35 =	vor.u32 v3, v19;
	v20 =	vld [tilespmem:s22+$0x18A0];
	_ =	sdelay $0x4  }
0x198: {  	[tilespmem:v35+s16+$0x0] =	vst.idx.add.f32.msk $0xffff, v20  }
0x199: {  	v36 =	vor.u32 v4, v19;
	v20 =	vld [tilespmem:s22+$0x18B0];
	_ =	sdelay $0x4  }
0x19a: {  	[tilespmem:v36+s16+$0x0] =	vst.idx.add.f32.msk $0xffff, v20  }
0x19b: {  	v37 =	vor.u32 v5, v19;
	v20 =	vld [tilespmem:s22+$0x18C0];
	_ =	sdelay $0x4  }
0x19c: {  	[tilespmem:v37+s16+$0x0] =	vst.idx.add.f32.msk $0xffff, v20  }
0x19d: {  	v38 =	vor.u32 v6, v19;
	v20 =	vld [tilespmem:s22+$0x18D0];
	_ =	sdelay $0x4  }
0x19e: {  	[tilespmem:v38+s16+$0x0] =	vst.idx.add.f32.msk $0xffff, v20  }
0x19f: {  	v39 =	vor.u32 v7, v19;
	v20 =	vld [tilespmem:s22+$0x18E0];
	_ =	sdelay $0x4  }
0x1a0: {  	[tilespmem:v39+s16+$0x0] =	vst.idx.add.f32.msk $0xffff, v20  }
0x1a1: {  	v40 =	vor.u32 v8, v19;
	v20 =	vld [tilespmem:s22+$0x18F0];
	_ =	sdelay $0x4  }
0x1a2: {  	[tilespmem:v40+s16+$0x0] =	vst.idx.add.f32.msk $0xffff, v20  }
0x1a3: {  	v41 =	vor.u32 v9, v19;
	v20 =	vld [tilespmem:s22+$0x1C80];
	_ =	sdelay $0x4  }
0x1a4: {  	[tilespmem:v41+s16+$0x0] =	vst.idx.add.f32.msk $0xffff, v20  }
0x1a5: {  	v42 =	vor.u32 v10, v19;
	v20 =	vld [tilespmem:s22+$0x1C90];
	_ =	sdelay $0x4  }
0x1a6: {  	[tilespmem:v42+s16+$0x0] =	vst.idx.add.f32.msk $0xffff, v20  }
0x1a7: {  	v43 =	vor.u32 v11, v19;
	v20 =	vld [tilespmem:s22+$0x1CA0];
	_ =	sdelay $0x4  }
0x1a8: {  	[tilespmem:v43+s16+$0x0] =	vst.idx.add.f32.msk $0xffff, v20  }
0x1a9: {  	v44 =	vor.u32 v12, v19;
	v20 =	vld [tilespmem:s22+$0x1CB0];
	_ =	sdelay $0x4  }
0x1aa: {  	[tilespmem:v44+s16+$0x0] =	vst.idx.add.f32.msk $0xffff, v20  }
0x1ab: {  	v45 =	vor.u32 v13, v19;
	v20 =	vld [tilespmem:s22+$0x1CC0];
	_ =	sdelay $0x4  }
0x1ac: {  	[tilespmem:v45+s16+$0x0] =	vst.idx.add.f32.msk $0xffff, v20  }
0x1ad: {  	v46 =	vor.u32 v14, v19;
	v20 =	vld [tilespmem:s22+$0x1CD0];
	_ =	sdelay $0x4  }
0x1ae: {  	[tilespmem:v46+s16+$0x0] =	vst.idx.add.f32.msk $0xffff, v20  }
0x1af: {  	v47 =	vor.u32 v15, v19;
	v20 =	vld [tilespmem:s22+$0x1CE0];
	_ =	sdelay $0x4  }
0x1b0: {  	[tilespmem:v47+s16+$0x0] =	vst.idx.add.f32.msk $0xffff, v20  }
0x1b1: {  	v19 =	vor.u32 v16, v19;
	v20 =	vld [tilespmem:s22+$0x1CF0]  }
0x1b2: {  	v48 =	vbroadcast v18, $0xA;
	_ =	sdelay $0x1  }
0x1b3: {  	v49 =	vshll.u32 v48, $0x8;
	v21 =	vshll.u32 v48, $0x7  }
0x1b4: {  	v22 =	vand.u32 $0xFFFFF800, v49;
	v21 =	vand.u32 $0x380, v21  }
0x1b5: {  	[tilespmem:v19+s16+$0x0] =	vst.idx.add.f32.msk $0xffff, v20;
	v19 =	vor.u32 v21, v22  }
0x1b6: {  	v20 =	vld [tilespmem:s22+$0x1900];
	v21 =	vor.u32 v1, v19;
	_ =	sdelay $0x4  }
0x1b7: {  	[tilespmem:v21+s16+$0x0] =	vst.idx.add.f32.msk $0xffff, v20  }
0x1b8: {  	v50 =	vor.u32 v2, v19;
	v20 =	vld [tilespmem:s22+$0x1910];
	_ =	sdelay $0x4  }
0x1b9: {  	[tilespmem:v50+s16+$0x0] =	vst.idx.add.f32.msk $0xffff, v20  }
0x1ba: {  	v51 =	vor.u32 v3, v19;
	v20 =	vld [tilespmem:s22+$0x1920];
	_ =	sdelay $0x4  }
0x1bb: {  	[tilespmem:v51+s16+$0x0] =	vst.idx.add.f32.msk $0xffff, v20  }
0x1bc: {  	v52 =	vor.u32 v4, v19;
	v20 =	vld [tilespmem:s22+$0x1930];
	_ =	sdelay $0x4  }
0x1bd: {  	[tilespmem:v52+s16+$0x0] =	vst.idx.add.f32.msk $0xffff, v20  }
0x1be: {  	v53 =	vor.u32 v5, v19;
	v20 =	vld [tilespmem:s22+$0x1940];
	_ =	sdelay $0x4  }
0x1bf: {  	[tilespmem:v53+s16+$0x0] =	vst.idx.add.f32.msk $0xffff, v20  }
0x1c0: {  	v54 =	vor.u32 v6, v19;
	v20 =	vld [tilespmem:s22+$0x1950];
	_ =	sdelay $0x4  }
0x1c1: {  	[tilespmem:v54+s16+$0x0] =	vst.idx.add.f32.msk $0xffff, v20  }
0x1c2: {  	v55 =	vor.u32 v7, v19;
	v20 =	vld [tilespmem:s22+$0x1960];
	_ =	sdelay $0x4  }
0x1c3: {  	[tilespmem:v55+s16+$0x0] =	vst.idx.add.f32.msk $0xffff, v20  }
0x1c4: {  	v56 =	vor.u32 v8, v19;
	v20 =	vld [tilespmem:s22+$0x1970];
	_ =	sdelay $0x4  }
0x1c5: {  	[tilespmem:v56+s16+$0x0] =	vst.idx.add.f32.msk $0xffff, v20  }
0x1c6: {  	v57 =	vor.u32 v9, v19;
	v20 =	vld [tilespmem:s22+$0x1D00];
	_ =	sdelay $0x4  }
0x1c7: {  	[tilespmem:v57+s16+$0x0] =	vst.idx.add.f32.msk $0xffff, v20  }
0x1c8: {  	v58 =	vor.u32 v10, v19;
	v20 =	vld [tilespmem:s22+$0x1D10];
	_ =	sdelay $0x4  }
0x1c9: {  	[tilespmem:v58+s16+$0x0] =	vst.idx.add.f32.msk $0xffff, v20  }
0x1ca: {  	v59 =	vor.u32 v11, v19;
	v20 =	vld [tilespmem:s22+$0x1D20];
	_ =	sdelay $0x4  }
0x1cb: {  	[tilespmem:v59+s16+$0x0] =	vst.idx.add.f32.msk $0xffff, v20  }
0x1cc: {  	v60 =	vor.u32 v12, v19;
	v20 =	vld [tilespmem:s22+$0x1D30];
	_ =	sdelay $0x4  }
0x1cd: {  	[tilespmem:v60+s16+$0x0] =	vst.idx.add.f32.msk $0xffff, v20  }
0x1ce: {  	v61 =	vor.u32 v13, v19;
	v20 =	vld [tilespmem:s22+$0x1D40];
	_ =	sdelay $0x4  }
0x1cf: {  	[tilespmem:v61+s16+$0x0] =	vst.idx.add.f32.msk $0xffff, v20  }
0x1d0: {  	v62 =	vor.u32 v14, v19;
	v20 =	vld [tilespmem:s22+$0x1D50];
	_ =	sdelay $0x4  }
0x1d1: {  	[tilespmem:v62+s16+$0x0] =	vst.idx.add.f32.msk $0xffff, v20  }
0x1d2: {  	v63 =	vor.u32 v15, v19;
	v20 =	vld [tilespmem:s22+$0x1D60];
	_ =	sdelay $0x4  }
0x1d3: {  	[tilespmem:v63+s16+$0x0] =	vst.idx.add.f32.msk $0xffff, v20  }
0x1d4: {  	v19 =	vor.u32 v16, v19;
	v20 =	vld [tilespmem:s22+$0x1D70]  }
0x1d5: {  	v24 =	vbroadcast v18, $0xB;
	_ =	sdelay $0x1  }
0x1d6: {  	v25 =	vshll.u32 v24, $0x8;
	v21 =	vshll.u32 v24, $0x7  }
0x1d7: {  	v22 =	vand.u32 $0xFFFFF800, v25;
	v21 =	vand.u32 $0x380, v21  }
0x1d8: {  	[tilespmem:v19+s16+$0x0] =	vst.idx.add.f32.msk $0xffff, v20;
	v19 =	vor.u32 v21, v22  }
0x1d9: {  	v20 =	vld [tilespmem:s22+$0x1980];
	v21 =	vor.u32 v1, v19;
	_ =	sdelay $0x4  }
0x1da: {  	[tilespmem:v21+s16+$0x0] =	vst.idx.add.f32.msk $0xffff, v20  }
0x1db: {  	v26 =	vor.u32 v2, v19;
	v20 =	vld [tilespmem:s22+$0x1990];
	_ =	sdelay $0x4  }
0x1dc: {  	[tilespmem:v26+s16+$0x0] =	vst.idx.add.f32.msk $0xffff, v20  }
0x1dd: {  	v27 =	vor.u32 v3, v19;
	v20 =	vld [tilespmem:s22+$0x19A0];
	_ =	sdelay $0x4  }
0x1de: {  	[tilespmem:v27+s16+$0x0] =	vst.idx.add.f32.msk $0xffff, v20  }
0x1df: {  	v28 =	vor.u32 v4, v19;
	v20 =	vld [tilespmem:s22+$0x19B0];
	_ =	sdelay $0x4  }
0x1e0: {  	[tilespmem:v28+s16+$0x0] =	vst.idx.add.f32.msk $0xffff, v20  }
0x1e1: {  	v29 =	vor.u32 v5, v19;
	v20 =	vld [tilespmem:s22+$0x19C0];
	_ =	sdelay $0x4  }
0x1e2: {  	[tilespmem:v29+s16+$0x0] =	vst.idx.add.f32.msk $0xffff, v20  }
0x1e3: {  	v30 =	vor.u32 v6, v19;
	v20 =	vld [tilespmem:s22+$0x19D0];
	_ =	sdelay $0x4  }
0x1e4: {  	[tilespmem:v30+s16+$0x0] =	vst.idx.add.f32.msk $0xffff, v20  }
0x1e5: {  	v31 =	vor.u32 v7, v19;
	v20 =	vld [tilespmem:s22+$0x19E0];
	_ =	sdelay $0x4  }
0x1e6: {  	[tilespmem:v31+s16+$0x0] =	vst.idx.add.f32.msk $0xffff, v20  }
0x1e7: {  	v32 =	vor.u32 v8, v19;
	v20 =	vld [tilespmem:s22+$0x19F0];
	_ =	sdelay $0x4  }
0x1e8: {  	[tilespmem:v32+s16+$0x0] =	vst.idx.add.f32.msk $0xffff, v20  }
0x1e9: {  	v33 =	vor.u32 v9, v19;
	v20 =	vld [tilespmem:s22+$0x1D80];
	_ =	sdelay $0x4  }
0x1ea: {  	[tilespmem:v33+s16+$0x0] =	vst.idx.add.f32.msk $0xffff, v20  }
0x1eb: {  	v34 =	vor.u32 v10, v19;
	v20 =	vld [tilespmem:s22+$0x1D90];
	_ =	sdelay $0x4  }
0x1ec: {  	[tilespmem:v34+s16+$0x0] =	vst.idx.add.f32.msk $0xffff, v20  }
0x1ed: {  	v35 =	vor.u32 v11, v19;
	v20 =	vld [tilespmem:s22+$0x1DA0];
	_ =	sdelay $0x4  }
0x1ee: {  	[tilespmem:v35+s16+$0x0] =	vst.idx.add.f32.msk $0xffff, v20  }
0x1ef: {  	v36 =	vor.u32 v12, v19;
	v20 =	vld [tilespmem:s22+$0x1DB0];
	_ =	sdelay $0x4  }
0x1f0: {  	[tilespmem:v36+s16+$0x0] =	vst.idx.add.f32.msk $0xffff, v20  }
0x1f1: {  	v37 =	vor.u32 v13, v19;
	v20 =	vld [tilespmem:s22+$0x1DC0];
	_ =	sdelay $0x4  }
0x1f2: {  	[tilespmem:v37+s16+$0x0] =	vst.idx.add.f32.msk $0xffff, v20  }
0x1f3: {  	v38 =	vor.u32 v14, v19;
	v20 =	vld [tilespmem:s22+$0x1DD0];
	_ =	sdelay $0x4  }
0x1f4: {  	[tilespmem:v38+s16+$0x0] =	vst.idx.add.f32.msk $0xffff, v20  }
0x1f5: {  	v39 =	vor.u32 v15, v19;
	v20 =	vld [tilespmem:s22+$0x1DE0];
	_ =	sdelay $0x4  }
0x1f6: {  	[tilespmem:v39+s16+$0x0] =	vst.idx.add.f32.msk $0xffff, v20  }
0x1f7: {  	v19 =	vor.u32 v16, v19;
	v20 =	vld [tilespmem:s22+$0x1DF0]  }
0x1f8: {  	v40 =	vbroadcast v18, $0xC;
	_ =	sdelay $0x1  }
0x1f9: {  	v41 =	vshll.u32 v40, $0x8;
	v21 =	vshll.u32 v40, $0x7  }
0x1fa: {  	v22 =	vand.u32 $0xFFFFF800, v41;
	v21 =	vand.u32 $0x380, v21  }
0x1fb: {  	[tilespmem:v19+s16+$0x0] =	vst.idx.add.f32.msk $0xffff, v20;
	v19 =	vor.u32 v21, v22  }
0x1fc: {  	v20 =	vld [tilespmem:s22+$0x1A00];
	v21 =	vor.u32 v1, v19;
	_ =	sdelay $0x4  }
0x1fd: {  	[tilespmem:v21+s16+$0x0] =	vst.idx.add.f32.msk $0xffff, v20  }
0x1fe: {  	v42 =	vor.u32 v2, v19;
	v20 =	vld [tilespmem:s22+$0x1A10];
	_ =	sdelay $0x4  }
0x1ff: {  	[tilespmem:v42+s16+$0x0] =	vst.idx.add.f32.msk $0xffff, v20  }
0x200: {  	v43 =	vor.u32 v3, v19;
	v20 =	vld [tilespmem:s22+$0x1A20];
	_ =	sdelay $0x4  }
0x201: {  	[tilespmem:v43+s16+$0x0] =	vst.idx.add.f32.msk $0xffff, v20  }
0x202: {  	v44 =	vor.u32 v4, v19;
	v20 =	vld [tilespmem:s22+$0x1A30];
	_ =	sdelay $0x4  }
0x203: {  	[tilespmem:v44+s16+$0x0] =	vst.idx.add.f32.msk $0xffff, v20  }
0x204: {  	v45 =	vor.u32 v5, v19;
	v20 =	vld [tilespmem:s22+$0x1A40];
	_ =	sdelay $0x4  }
0x205: {  	[tilespmem:v45+s16+$0x0] =	vst.idx.add.f32.msk $0xffff, v20  }
0x206: {  	v46 =	vor.u32 v6, v19;
	v20 =	vld [tilespmem:s22+$0x1A50];
	_ =	sdelay $0x4  }
0x207: {  	[tilespmem:v46+s16+$0x0] =	vst.idx.add.f32.msk $0xffff, v20  }
0x208: {  	v47 =	vor.u32 v7, v19;
	v20 =	vld [tilespmem:s22+$0x1A60];
	_ =	sdelay $0x4  }
0x209: {  	[tilespmem:v47+s16+$0x0] =	vst.idx.add.f32.msk $0xffff, v20  }
0x20a: {  	v48 =	vor.u32 v8, v19;
	v20 =	vld [tilespmem:s22+$0x1A70];
	_ =	sdelay $0x4  }
0x20b: {  	[tilespmem:v48+s16+$0x0] =	vst.idx.add.f32.msk $0xffff, v20  }
0x20c: {  	v49 =	vor.u32 v9, v19;
	v20 =	vld [tilespmem:s22+$0x1E00];
	_ =	sdelay $0x4  }
0x20d: {  	[tilespmem:v49+s16+$0x0] =	vst.idx.add.f32.msk $0xffff, v20  }
0x20e: {  	v50 =	vor.u32 v10, v19;
	v20 =	vld [tilespmem:s22+$0x1E10];
	_ =	sdelay $0x4  }
0x20f: {  	[tilespmem:v50+s16+$0x0] =	vst.idx.add.f32.msk $0xffff, v20  }
0x210: {  	v51 =	vor.u32 v11, v19;
	v20 =	vld [tilespmem:s22+$0x1E20];
	_ =	sdelay $0x4  }
0x211: {  	[tilespmem:v51+s16+$0x0] =	vst.idx.add.f32.msk $0xffff, v20  }
0x212: {  	v52 =	vor.u32 v12, v19;
	v20 =	vld [tilespmem:s22+$0x1E30];
	_ =	sdelay $0x4  }
0x213: {  	[tilespmem:v52+s16+$0x0] =	vst.idx.add.f32.msk $0xffff, v20  }
0x214: {  	v53 =	vor.u32 v13, v19;
	v20 =	vld [tilespmem:s22+$0x1E40];
	_ =	sdelay $0x4  }
0x215: {  	[tilespmem:v53+s16+$0x0] =	vst.idx.add.f32.msk $0xffff, v20  }
0x216: {  	v54 =	vor.u32 v14, v19;
	v20 =	vld [tilespmem:s22+$0x1E50];
	_ =	sdelay $0x4  }
0x217: {  	[tilespmem:v54+s16+$0x0] =	vst.idx.add.f32.msk $0xffff, v20  }
0x218: {  	v55 =	vor.u32 v15, v19;
	v20 =	vld [tilespmem:s22+$0x1E60];
	_ =	sdelay $0x4  }
0x219: {  	[tilespmem:v55+s16+$0x0] =	vst.idx.add.f32.msk $0xffff, v20  }
0x21a: {  	v19 =	vor.u32 v16, v19;
	v20 =	vld [tilespmem:s22+$0x1E70]  }
0x21b: {  	v56 =	vbroadcast v18, $0xD;
	_ =	sdelay $0x1  }
0x21c: {  	v57 =	vshll.u32 v56, $0x8;
	v21 =	vshll.u32 v56, $0x7  }
0x21d: {  	v22 =	vand.u32 $0xFFFFF800, v57;
	v21 =	vand.u32 $0x380, v21  }
0x21e: {  	[tilespmem:v19+s16+$0x0] =	vst.idx.add.f32.msk $0xffff, v20;
	v19 =	vor.u32 v21, v22  }
0x21f: {  	v20 =	vld [tilespmem:s22+$0x1A80];
	v21 =	vor.u32 v1, v19;
	_ =	sdelay $0x4  }
0x220: {  	[tilespmem:v21+s16+$0x0] =	vst.idx.add.f32.msk $0xffff, v20  }
0x221: {  	v58 =	vor.u32 v2, v19;
	v20 =	vld [tilespmem:s22+$0x1A90];
	_ =	sdelay $0x4  }
0x222: {  	[tilespmem:v58+s16+$0x0] =	vst.idx.add.f32.msk $0xffff, v20  }
0x223: {  	v59 =	vor.u32 v3, v19;
	v20 =	vld [tilespmem:s22+$0x1AA0];
	_ =	sdelay $0x4  }
0x224: {  	[tilespmem:v59+s16+$0x0] =	vst.idx.add.f32.msk $0xffff, v20  }
0x225: {  	v60 =	vor.u32 v4, v19;
	v20 =	vld [tilespmem:s22+$0x1AB0];
	_ =	sdelay $0x4  }
0x226: {  	[tilespmem:v60+s16+$0x0] =	vst.idx.add.f32.msk $0xffff, v20  }
0x227: {  	v61 =	vor.u32 v5, v19;
	v20 =	vld [tilespmem:s22+$0x1AC0];
	_ =	sdelay $0x4  }
0x228: {  	[tilespmem:v61+s16+$0x0] =	vst.idx.add.f32.msk $0xffff, v20  }
0x229: {  	v62 =	vor.u32 v6, v19;
	v20 =	vld [tilespmem:s22+$0x1AD0];
	_ =	sdelay $0x4  }
0x22a: {  	[tilespmem:v62+s16+$0x0] =	vst.idx.add.f32.msk $0xffff, v20  }
0x22b: {  	v63 =	vor.u32 v7, v19;
	v20 =	vld [tilespmem:s22+$0x1AE0];
	_ =	sdelay $0x4  }
0x22c: {  	[tilespmem:v63+s16+$0x0] =	vst.idx.add.f32.msk $0xffff, v20  }
0x22d: {  	v24 =	vor.u32 v8, v19;
	v20 =	vld [tilespmem:s22+$0x1AF0];
	_ =	sdelay $0x4  }
0x22e: {  	[tilespmem:v24+s16+$0x0] =	vst.idx.add.f32.msk $0xffff, v20  }
0x22f: {  	v25 =	vor.u32 v9, v19;
	v20 =	vld [tilespmem:s22+$0x1E80];
	_ =	sdelay $0x4  }
0x230: {  	[tilespmem:v25+s16+$0x0] =	vst.idx.add.f32.msk $0xffff, v20  }
0x231: {  	v26 =	vor.u32 v10, v19;
	v20 =	vld [tilespmem:s22+$0x1E90];
	_ =	sdelay $0x4  }
0x232: {  	[tilespmem:v26+s16+$0x0] =	vst.idx.add.f32.msk $0xffff, v20  }
0x233: {  	v27 =	vor.u32 v11, v19;
	v20 =	vld [tilespmem:s22+$0x1EA0];
	_ =	sdelay $0x4  }
0x234: {  	[tilespmem:v27+s16+$0x0] =	vst.idx.add.f32.msk $0xffff, v20  }
0x235: {  	v28 =	vor.u32 v12, v19;
	v20 =	vld [tilespmem:s22+$0x1EB0];
	_ =	sdelay $0x4  }
0x236: {  	[tilespmem:v28+s16+$0x0] =	vst.idx.add.f32.msk $0xffff, v20  }
0x237: {  	v29 =	vor.u32 v13, v19;
	v20 =	vld [tilespmem:s22+$0x1EC0];
	_ =	sdelay $0x4  }
0x238: {  	[tilespmem:v29+s16+$0x0] =	vst.idx.add.f32.msk $0xffff, v20  }
0x239: {  	v30 =	vor.u32 v14, v19;
	v20 =	vld [tilespmem:s22+$0x1ED0];
	_ =	sdelay $0x4  }
0x23a: {  	[tilespmem:v30+s16+$0x0] =	vst.idx.add.f32.msk $0xffff, v20  }
0x23b: {  	v31 =	vor.u32 v15, v19;
	v20 =	vld [tilespmem:s22+$0x1EE0];
	_ =	sdelay $0x4  }
0x23c: {  	[tilespmem:v31+s16+$0x0] =	vst.idx.add.f32.msk $0xffff, v20  }
0x23d: {  	v19 =	vor.u32 v16, v19;
	v20 =	vld [tilespmem:s22+$0x1EF0]  }
0x23e: {  	v32 =	vbroadcast v18, $0xE;
	_ =	sdelay $0x1  }
0x23f: {  	v33 =	vshll.u32 v32, $0x8;
	v21 =	vshll.u32 v32, $0x7  }
0x240: {  	v22 =	vand.u32 $0xFFFFF800, v33;
	v21 =	vand.u32 $0x380, v21  }
0x241: {  	[tilespmem:v19+s16+$0x0] =	vst.idx.add.f32.msk $0xffff, v20;
	v19 =	vor.u32 v21, v22  }
0x242: {  	v20 =	vld [tilespmem:s22+$0x1B00];
	v21 =	vor.u32 v1, v19;
	_ =	sdelay $0x4  }
0x243: {  	[tilespmem:v21+s16+$0x0] =	vst.idx.add.f32.msk $0xffff, v20  }
0x244: {  	v34 =	vor.u32 v2, v19;
	v20 =	vld [tilespmem:s22+$0x1B10];
	_ =	sdelay $0x4  }
0x245: {  	[tilespmem:v34+s16+$0x0] =	vst.idx.add.f32.msk $0xffff, v20  }
0x246: {  	v35 =	vor.u32 v3, v19;
	v20 =	vld [tilespmem:s22+$0x1B20];
	_ =	sdelay $0x4  }
0x247: {  	[tilespmem:v35+s16+$0x0] =	vst.idx.add.f32.msk $0xffff, v20  }
0x248: {  	v36 =	vor.u32 v4, v19;
	v20 =	vld [tilespmem:s22+$0x1B30];
	_ =	sdelay $0x4  }
0x249: {  	[tilespmem:v36+s16+$0x0] =	vst.idx.add.f32.msk $0xffff, v20  }
0x24a: {  	v37 =	vor.u32 v5, v19;
	v20 =	vld [tilespmem:s22+$0x1B40];
	_ =	sdelay $0x4  }
0x24b: {  	[tilespmem:v37+s16+$0x0] =	vst.idx.add.f32.msk $0xffff, v20  }
0x24c: {  	v38 =	vor.u32 v6, v19;
	v20 =	vld [tilespmem:s22+$0x1B50];
	_ =	sdelay $0x4  }
0x24d: {  	[tilespmem:v38+s16+$0x0] =	vst.idx.add.f32.msk $0xffff, v20  }
0x24e: {  	v39 =	vor.u32 v7, v19;
	v20 =	vld [tilespmem:s22+$0x1B60];
	_ =	sdelay $0x4  }
0x24f: {  	[tilespmem:v39+s16+$0x0] =	vst.idx.add.f32.msk $0xffff, v20  }
0x250: {  	v40 =	vor.u32 v8, v19;
	v20 =	vld [tilespmem:s22+$0x1B70];
	_ =	sdelay $0x4  }
0x251: {  	[tilespmem:v40+s16+$0x0] =	vst.idx.add.f32.msk $0xffff, v20  }
0x252: {  	v41 =	vor.u32 v9, v19;
	v20 =	vld [tilespmem:s22+$0x1F00];
	_ =	sdelay $0x4  }
0x253: {  	[tilespmem:v41+s16+$0x0] =	vst.idx.add.f32.msk $0xffff, v20  }
0x254: {  	v42 =	vor.u32 v10, v19;
	v20 =	vld [tilespmem:s22+$0x1F10];
	_ =	sdelay $0x4  }
0x255: {  	[tilespmem:v42+s16+$0x0] =	vst.idx.add.f32.msk $0xffff, v20  }
0x256: {  	v43 =	vor.u32 v11, v19;
	v20 =	vld [tilespmem:s22+$0x1F20];
	_ =	sdelay $0x4  }
0x257: {  	[tilespmem:v43+s16+$0x0] =	vst.idx.add.f32.msk $0xffff, v20  }
0x258: {  	v44 =	vor.u32 v12, v19;
	v20 =	vld [tilespmem:s22+$0x1F30];
	_ =	sdelay $0x4  }
0x259: {  	[tilespmem:v44+s16+$0x0] =	vst.idx.add.f32.msk $0xffff, v20  }
0x25a: {  	v45 =	vor.u32 v13, v19;
	v20 =	vld [tilespmem:s22+$0x1F40];
	_ =	sdelay $0x4  }
0x25b: {  	[tilespmem:v45+s16+$0x0] =	vst.idx.add.f32.msk $0xffff, v20  }
0x25c: {  	v46 =	vor.u32 v14, v19;
	v20 =	vld [tilespmem:s22+$0x1F50];
	_ =	sdelay $0x4  }
0x25d: {  	[tilespmem:v46+s16+$0x0] =	vst.idx.add.f32.msk $0xffff, v20  }
0x25e: {  	v47 =	vor.u32 v15, v19;
	v20 =	vld [tilespmem:s22+$0x1F60];
	_ =	sdelay $0x4  }
0x25f: {  	[tilespmem:v47+s16+$0x0] =	vst.idx.add.f32.msk $0xffff, v20  }
0x260: {  	v19 =	vor.u32 v16, v19;
	v20 =	vld [tilespmem:s22+$0x1F70]  }
0x261: {  	v18 =	vbroadcast v18, $0xF;
	_ =	sdelay $0x1  }
0x262: {  	v48 =	vshll.u32 v18, $0x8;
	v18 =	vshll.u32 v18, $0x7  }
0x263: {  	v18 =	vand.u32 $0x380, v18;
	v21 =	vand.u32 $0xFFFFF800, v48  }
0x264: {  	v18 =	vor.u32 v18, v21;
	[tilespmem:v19+s16+$0x0] =	vst.idx.add.f32.msk $0xffff, v20  }
0x265: {  	v49 =	vor.u32 v1, v18;
	v19 =	vld [tilespmem:s22+$0x1B80];
	_ =	sdelay $0x4  }
0x266: {  	[tilespmem:v49+s16+$0x0] =	vst.idx.add.f32.msk $0xffff, v19  }
0x267: {  	v50 =	vor.u32 v2, v18;
	v19 =	vld [tilespmem:s22+$0x1B90];
	_ =	sdelay $0x4  }
0x268: {  	[tilespmem:v50+s16+$0x0] =	vst.idx.add.f32.msk $0xffff, v19  }
0x269: {  	v51 =	vor.u32 v3, v18;
	v19 =	vld [tilespmem:s22+$0x1BA0];
	_ =	sdelay $0x4  }
0x26a: {  	[tilespmem:v51+s16+$0x0] =	vst.idx.add.f32.msk $0xffff, v19  }
0x26b: {  	v52 =	vor.u32 v4, v18;
	v19 =	vld [tilespmem:s22+$0x1BB0];
	_ =	sdelay $0x4  }
0x26c: {  	[tilespmem:v52+s16+$0x0] =	vst.idx.add.f32.msk $0xffff, v19  }
0x26d: {  	v53 =	vor.u32 v5, v18;
	v19 =	vld [tilespmem:s22+$0x1BC0];
	_ =	sdelay $0x4  }
0x26e: {  	[tilespmem:v53+s16+$0x0] =	vst.idx.add.f32.msk $0xffff, v19  }
0x26f: {  	v54 =	vor.u32 v6, v18;
	v19 =	vld [tilespmem:s22+$0x1BD0];
	_ =	sdelay $0x4  }
0x270: {  	[tilespmem:v54+s16+$0x0] =	vst.idx.add.f32.msk $0xffff, v19  }
0x271: {  	v55 =	vor.u32 v7, v18;
	v19 =	vld [tilespmem:s22+$0x1BE0];
	_ =	sdelay $0x4  }
0x272: {  	[tilespmem:v55+s16+$0x0] =	vst.idx.add.f32.msk $0xffff, v19  }
0x273: {  	v56 =	vor.u32 v8, v18;
	v19 =	vld [tilespmem:s22+$0x1BF0];
	_ =	sdelay $0x4  }
0x274: {  	[tilespmem:v56+s16+$0x0] =	vst.idx.add.f32.msk $0xffff, v19  }
0x275: {  	v57 =	vor.u32 v9, v18;
	v19 =	vld [tilespmem:s22+$0x1F80];
	_ =	sdelay $0x4  }
0x276: {  	[tilespmem:v57+s16+$0x0] =	vst.idx.add.f32.msk $0xffff, v19  }
0x277: {  	v58 =	vor.u32 v10, v18;
	v19 =	vld [tilespmem:s22+$0x1F90];
	_ =	sdelay $0x4  }
0x278: {  	[tilespmem:v58+s16+$0x0] =	vst.idx.add.f32.msk $0xffff, v19  }
0x279: {  	v59 =	vor.u32 v11, v18;
	v19 =	vld [tilespmem:s22+$0x1FA0];
	_ =	sdelay $0x4  }
0x27a: {  	[tilespmem:v59+s16+$0x0] =	vst.idx.add.f32.msk $0xffff, v19  }
0x27b: {  	v60 =	vor.u32 v12, v18;
	v19 =	vld [tilespmem:s22+$0x1FB0];
	_ =	sdelay $0x4  }
0x27c: {  	[tilespmem:v60+s16+$0x0] =	vst.idx.add.f32.msk $0xffff, v19  }
0x27d: {  	v61 =	vor.u32 v13, v18;
	v19 =	vld [tilespmem:s22+$0x1FC0];
	_ =	sdelay $0x4  }
0x27e: {  	[tilespmem:v61+s16+$0x0] =	vst.idx.add.f32.msk $0xffff, v19  }
0x27f: {  	v62 =	vor.u32 v14, v18;
	v19 =	vld [tilespmem:s22+$0x1FD0];
	_ =	sdelay $0x4  }
0x280: {  	[tilespmem:v62+s16+$0x0] =	vst.idx.add.f32.msk $0xffff, v19  }
0x281: {  	v63 =	vor.u32 v15, v18;
	v19 =	vld [tilespmem:s22+$0x1FE0];
	_ =	sdelay $0x4  }
0x282: {  	[tilespmem:v63+s16+$0x0] =	vst.idx.add.f32.msk $0xffff, v19  }
0x283: {  	p0 =	sne.s32 s21, $0x3;
	v18 =	vor.u32 v16, v18;
	v19 =	vld [tilespmem:s22+$0x1FF0]  }
.Ltmp1:
0x284: {  	_ = 	snop;
	(pc) =	sbr.rel @p0 .LBB2_5-.Ltmp1, $2  }
0x285: {  	_ =	sdelay $0x2  }
0x286: {  	s21 =	sadd.s32 $0x1, s21;
	[tilespmem:v18+s16+$0x0] =	vst.idx.add.f32.msk $0xffff, v19  }
0x287: {  	s21 =	sshll.u32 s19, $0x1  }
0x288: {  	s21 =	smin.u32 s21, $0x1C  }
0x289: {  	s21 =	sshll.u32 s21, $0xF  }
0x28a: {  	s22 =	sadd.s32 s21, s8  }
0x28b: {  	s22 =	sshrl.u32 s22, $0x3  }
0x28c: {  	s31 =	sadd.s32 $0x80, s20;
	s22 =	sadd.s32 s1, s22  }
0x28d: {  	[tilespmem:s14], [sflag:$0x1] =	stream.strided.gather [hbm4b:s22+s13], $0x4000, s14, s13, $0x38;
	[tilespmem:$0xD000] =	vst v63  }
0x28e: {  	v17 =	vmov s31;
	_ =	swait.ge [sflag:s17], $0x4000  }
0x28f: {  	[sflag:s17] =	ssyncset.done $0x0  }
0x290: {  	s20 =	simm.s32 $0x0;
	[sflag:s17] =	ssyncadd.s32 $0xFFFFC000  }
.LBB2_7:
0x291: {  	s22 =	sshll.u32 s20, $0x4  }
0x292: {  	s22 =	sand.u32 $0x3FFFFFF0, s22  }
0x293: {  	v18 =	vld.idx.msk [tilespmem:v17+s22+$0x0 ss:$0x1], $0xffff;
	_ =	sdelay $0x4  }
0x294: {  	v19 =	vbroadcast v18, $0x0;
	_ =	sdelay $0x1  }
0x295: {  	v20 =	vshll.u32 v19, $0x8;
	v19 =	vshll.u32 v19, $0x7  }
0x296: {  	s31 =	sshll.u32 s20, $0xC;
	v20 =	vand.u32 $0xFFFFF800, v20;
	v19 =	vand.u32 $0x380, v19  }
0x297: {  	s22 =	sand.u32 $0x3FFFF000, s31;
	v19 =	vor.u32 v19, v20  }
0x298: {  	v50 =	vld [tilespmem:s22+$0x5000];
	v21 =	vor.u32 v1, v19;
	_ =	sdelay $0x4  }
0x299: {  	[tilespmem:v21+s16+$0x0] =	vst.idx.add.f32.msk $0xffff, v50  }
0x29a: {  	v51 =	vor.u32 v2, v19;
	v20 =	vld [tilespmem:s22+$0x5010];
	_ =	sdelay $0x4  }
0x29b: {  	[tilespmem:v51+s16+$0x0] =	vst.idx.add.f32.msk $0xffff, v20  }
0x29c: {  	v52 =	vor.u32 v3, v19;
	v20 =	vld [tilespmem:s22+$0x5020];
	_ =	sdelay $0x4  }
0x29d: {  	[tilespmem:v52+s16+$0x0] =	vst.idx.add.f32.msk $0xffff, v20  }
0x29e: {  	v53 =	vor.u32 v4, v19;
	v20 =	vld [tilespmem:s22+$0x5030];
	_ =	sdelay $0x4  }
0x29f: {  	[tilespmem:v53+s16+$0x0] =	vst.idx.add.f32.msk $0xffff, v20  }
0x2a0: {  	v54 =	vor.u32 v5, v19;
	v20 =	vld [tilespmem:s22+$0x5040];
	_ =	sdelay $0x4  }
0x2a1: {  	[tilespmem:v54+s16+$0x0] =	vst.idx.add.f32.msk $0xffff, v20  }
0x2a2: {  	v55 =	vor.u32 v6, v19;
	v20 =	vld [tilespmem:s22+$0x5050];
	_ =	sdelay $0x4  }
0x2a3: {  	[tilespmem:v55+s16+$0x0] =	vst.idx.add.f32.msk $0xffff, v20  }
0x2a4: {  	v56 =	vor.u32 v7, v19;
	v20 =	vld [tilespmem:s22+$0x5060];
	_ =	sdelay $0x4  }
0x2a5: {  	[tilespmem:v56+s16+$0x0] =	vst.idx.add.f32.msk $0xffff, v20  }
0x2a6: {  	v57 =	vor.u32 v8, v19;
	v20 =	vld [tilespmem:s22+$0x5070];
	_ =	sdelay $0x4  }
0x2a7: {  	[tilespmem:v57+s16+$0x0] =	vst.idx.add.f32.msk $0xffff, v20  }
0x2a8: {  	v58 =	vor.u32 v9, v19;
	v20 =	vld [tilespmem:s22+$0x5400];
	_ =	sdelay $0x4  }
0x2a9: {  	[tilespmem:v58+s16+$0x0] =	vst.idx.add.f32.msk $0xffff, v20  }
0x2aa: {  	v59 =	vor.u32 v10, v19;
	v20 =	vld [tilespmem:s22+$0x5410];
	_ =	sdelay $0x4  }
0x2ab: {  	[tilespmem:v59+s16+$0x0] =	vst.idx.add.f32.msk $0xffff, v20  }
0x2ac: {  	v60 =	vor.u32 v11, v19;
	v20 =	vld [tilespmem:s22+$0x5420];
	_ =	sdelay $0x4  }
0x2ad: {  	[tilespmem:v60+s16+$0x0] =	vst.idx.add.f32.msk $0xffff, v20  }
0x2ae: {  	v61 =	vor.u32 v12, v19;
	v20 =	vld [tilespmem:s22+$0x5430];
	_ =	sdelay $0x4  }
0x2af: {  	[tilespmem:v61+s16+$0x0] =	vst.idx.add.f32.msk $0xffff, v20  }
0x2b0: {  	v62 =	vor.u32 v13, v19;
	v20 =	vld [tilespmem:s22+$0x5440];
	_ =	sdelay $0x4  }
0x2b1: {  	[tilespmem:v62+s16+$0x0] =	vst.idx.add.f32.msk $0xffff, v20  }
0x2b2: {  	v63 =	vor.u32 v14, v19;
	v20 =	vld [tilespmem:s22+$0x5450];
	_ =	sdelay $0x4  }
0x2b3: {  	[tilespmem:v63+s16+$0x0] =	vst.idx.add.f32.msk $0xffff, v20  }
0x2b4: {  	v24 =	vor.u32 v15, v19;
	v20 =	vld [tilespmem:s22+$0x5460];
	_ =	sdelay $0x4  }
0x2b5: {  	[tilespmem:v24+s16+$0x0] =	vst.idx.add.f32.msk $0xffff, v20  }
0x2b6: {  	v19 =	vor.u32 v16, v19;
	v20 =	vld [tilespmem:s22+$0x5470]  }
0x2b7: {  	v25 =	vbroadcast v18, $0x1;
	_ =	sdelay $0x1  }
0x2b8: {  	v22 =	vshll.u32 v25, $0x8;
	v21 =	vshll.u32 v25, $0x7  }
0x2b9: {  	v22 =	vand.u32 $0xFFFFF800, v22;
	v21 =	vand.u32 $0x380, v21  }
0x2ba: {  	[tilespmem:v19+s16+$0x0] =	vst.idx.add.f32.msk $0xffff, v20;
	v19 =	vor.u32 v21, v22  }
0x2bb: {  	v20 =	vld [tilespmem:s22+$0x5080];
	v21 =	vor.u32 v1, v19;
	_ =	sdelay $0x4  }
0x2bc: {  	[tilespmem:v21+s16+$0x0] =	vst.idx.add.f32.msk $0xffff, v20  }
0x2bd: {  	v26 =	vor.u32 v2, v19;
	v20 =	vld [tilespmem:s22+$0x5090];
	_ =	sdelay $0x4  }
0x2be: {  	[tilespmem:v26+s16+$0x0] =	vst.idx.add.f32.msk $0xffff, v20  }
0x2bf: {  	v27 =	vor.u32 v3, v19;
	v20 =	vld [tilespmem:s22+$0x50A0];
	_ =	sdelay $0x4  }
0x2c0: {  	[tilespmem:v27+s16+$0x0] =	vst.idx.add.f32.msk $0xffff, v20  }
0x2c1: {  	v28 =	vor.u32 v4, v19;
	v20 =	vld [tilespmem:s22+$0x50B0];
	_ =	sdelay $0x4  }
0x2c2: {  	[tilespmem:v28+s16+$0x0] =	vst.idx.add.f32.msk $0xffff, v20  }
0x2c3: {  	v29 =	vor.u32 v5, v19;
	v20 =	vld [tilespmem:s22+$0x50C0];
	_ =	sdelay $0x4  }
0x2c4: {  	[tilespmem:v29+s16+$0x0] =	vst.idx.add.f32.msk $0xffff, v20  }
0x2c5: {  	v30 =	vor.u32 v6, v19;
	v20 =	vld [tilespmem:s22+$0x50D0];
	_ =	sdelay $0x4  }
0x2c6: {  	[tilespmem:v30+s16+$0x0] =	vst.idx.add.f32.msk $0xffff, v20  }
0x2c7: {  	v31 =	vor.u32 v7, v19;
	v20 =	vld [tilespmem:s22+$0x50E0];
	_ =	sdelay $0x4  }
0x2c8: {  	[tilespmem:v31+s16+$0x0] =	vst.idx.add.f32.msk $0xffff, v20  }
0x2c9: {  	v32 =	vor.u32 v8, v19;
	v20 =	vld [tilespmem:s22+$0x50F0];
	_ =	sdelay $0x4  }
0x2ca: {  	[tilespmem:v32+s16+$0x0] =	vst.idx.add.f32.msk $0xffff, v20  }
0x2cb: {  	v33 =	vor.u32 v9, v19;
	v20 =	vld [tilespmem:s22+$0x5480];
	_ =	sdelay $0x4  }
0x2cc: {  	[tilespmem:v33+s16+$0x0] =	vst.idx.add.f32.msk $0xffff, v20  }
0x2cd: {  	v34 =	vor.u32 v10, v19;
	v20 =	vld [tilespmem:s22+$0x5490];
	_ =	sdelay $0x4  }
0x2ce: {  	[tilespmem:v34+s16+$0x0] =	vst.idx.add.f32.msk $0xffff, v20  }
0x2cf: {  	v35 =	vor.u32 v11, v19;
	v20 =	vld [tilespmem:s22+$0x54A0];
	_ =	sdelay $0x4  }
0x2d0: {  	[tilespmem:v35+s16+$0x0] =	vst.idx.add.f32.msk $0xffff, v20  }
0x2d1: {  	v36 =	vor.u32 v12, v19;
	v20 =	vld [tilespmem:s22+$0x54B0];
	_ =	sdelay $0x4  }
0x2d2: {  	[tilespmem:v36+s16+$0x0] =	vst.idx.add.f32.msk $0xffff, v20  }
0x2d3: {  	v37 =	vor.u32 v13, v19;
	v20 =	vld [tilespmem:s22+$0x54C0];
	_ =	sdelay $0x4  }
0x2d4: {  	[tilespmem:v37+s16+$0x0] =	vst.idx.add.f32.msk $0xffff, v20  }
0x2d5: {  	v38 =	vor.u32 v14, v19;
	v20 =	vld [tilespmem:s22+$0x54D0];
	_ =	sdelay $0x4  }
0x2d6: {  	[tilespmem:v38+s16+$0x0] =	vst.idx.add.f32.msk $0xffff, v20  }
0x2d7: {  	v39 =	vor.u32 v15, v19;
	v20 =	vld [tilespmem:s22+$0x54E0];
	_ =	sdelay $0x4  }
0x2d8: {  	[tilespmem:v39+s16+$0x0] =	vst.idx.add.f32.msk $0xffff, v20  }
0x2d9: {  	v19 =	vor.u32 v16, v19;
	v20 =	vld [tilespmem:s22+$0x54F0]  }
0x2da: {  	v40 =	vbroadcast v18, $0x2;
	_ =	sdelay $0x1  }
0x2db: {  	v41 =	vshll.u32 v40, $0x8;
	v21 =	vshll.u32 v40, $0x7  }
0x2dc: {  	v22 =	vand.u32 $0xFFFFF800, v41;
	v21 =	vand.u32 $0x380, v21  }
0x2dd: {  	[tilespmem:v19+s16+$0x0] =	vst.idx.add.f32.msk $0xffff, v20;
	v19 =	vor.u32 v21, v22  }
0x2de: {  	v20 =	vld [tilespmem:s22+$0x5100];
	v21 =	vor.u32 v1, v19;
	_ =	sdelay $0x4  }
0x2df: {  	[tilespmem:v21+s16+$0x0] =	vst.idx.add.f32.msk $0xffff, v20  }
0x2e0: {  	v42 =	vor.u32 v2, v19;
	v20 =	vld [tilespmem:s22+$0x5110];
	_ =	sdelay $0x4  }
0x2e1: {  	[tilespmem:v42+s16+$0x0] =	vst.idx.add.f32.msk $0xffff, v20  }
0x2e2: {  	v43 =	vor.u32 v3, v19;
	v20 =	vld [tilespmem:s22+$0x5120];
	_ =	sdelay $0x4  }
0x2e3: {  	[tilespmem:v43+s16+$0x0] =	vst.idx.add.f32.msk $0xffff, v20  }
0x2e4: {  	v44 =	vor.u32 v4, v19;
	v20 =	vld [tilespmem:s22+$0x5130];
	_ =	sdelay $0x4  }
0x2e5: {  	[tilespmem:v44+s16+$0x0] =	vst.idx.add.f32.msk $0xffff, v20  }
0x2e6: {  	v45 =	vor.u32 v5, v19;
	v20 =	vld [tilespmem:s22+$0x5140];
	_ =	sdelay $0x4  }
0x2e7: {  	[tilespmem:v45+s16+$0x0] =	vst.idx.add.f32.msk $0xffff, v20  }
0x2e8: {  	v46 =	vor.u32 v6, v19;
	v20 =	vld [tilespmem:s22+$0x5150];
	_ =	sdelay $0x4  }
0x2e9: {  	[tilespmem:v46+s16+$0x0] =	vst.idx.add.f32.msk $0xffff, v20  }
0x2ea: {  	v47 =	vor.u32 v7, v19;
	v20 =	vld [tilespmem:s22+$0x5160];
	_ =	sdelay $0x4  }
0x2eb: {  	[tilespmem:v47+s16+$0x0] =	vst.idx.add.f32.msk $0xffff, v20  }
0x2ec: {  	v48 =	vor.u32 v8, v19;
	v20 =	vld [tilespmem:s22+$0x5170];
	_ =	sdelay $0x4  }
0x2ed: {  	[tilespmem:v48+s16+$0x0] =	vst.idx.add.f32.msk $0xffff, v20  }
0x2ee: {  	v49 =	vor.u32 v9, v19;
	v20 =	vld [tilespmem:s22+$0x5500];
	_ =	sdelay $0x4  }
0x2ef: {  	[tilespmem:v49+s16+$0x0] =	vst.idx.add.f32.msk $0xffff, v20  }
0x2f0: {  	v50 =	vor.u32 v10, v19;
	v20 =	vld [tilespmem:s22+$0x5510];
	_ =	sdelay $0x4  }
0x2f1: {  	[tilespmem:v50+s16+$0x0] =	vst.idx.add.f32.msk $0xffff, v20  }
0x2f2: {  	v51 =	vor.u32 v11, v19;
	v20 =	vld [tilespmem:s22+$0x5520];
	_ =	sdelay $0x4  }
0x2f3: {  	[tilespmem:v51+s16+$0x0] =	vst.idx.add.f32.msk $0xffff, v20  }
0x2f4: {  	v52 =	vor.u32 v12, v19;
	v20 =	vld [tilespmem:s22+$0x5530];
	_ =	sdelay $0x4  }
0x2f5: {  	[tilespmem:v52+s16+$0x0] =	vst.idx.add.f32.msk $0xffff, v20  }
0x2f6: {  	v53 =	vor.u32 v13, v19;
	v20 =	vld [tilespmem:s22+$0x5540];
	_ =	sdelay $0x4  }
0x2f7: {  	[tilespmem:v53+s16+$0x0] =	vst.idx.add.f32.msk $0xffff, v20  }
0x2f8: {  	v54 =	vor.u32 v14, v19;
	v20 =	vld [tilespmem:s22+$0x5550];
	_ =	sdelay $0x4  }
0x2f9: {  	[tilespmem:v54+s16+$0x0] =	vst.idx.add.f32.msk $0xffff, v20  }
0x2fa: {  	v55 =	vor.u32 v15, v19;
	v20 =	vld [tilespmem:s22+$0x5560];
	_ =	sdelay $0x4  }
0x2fb: {  	[tilespmem:v55+s16+$0x0] =	vst.idx.add.f32.msk $0xffff, v20  }
0x2fc: {  	v19 =	vor.u32 v16, v19;
	v20 =	vld [tilespmem:s22+$0x5570]  }
0x2fd: {  	v56 =	vbroadcast v18, $0x3;
	_ =	sdelay $0x1  }
0x2fe: {  	v57 =	vshll.u32 v56, $0x8;
	v21 =	vshll.u32 v56, $0x7  }
0x2ff: {  	v22 =	vand.u32 $0xFFFFF800, v57;
	v21 =	vand.u32 $0x380, v21  }
0x300: {  	[tilespmem:v19+s16+$0x0] =	vst.idx.add.f32.msk $0xffff, v20;
	v19 =	vor.u32 v21, v22  }
0x301: {  	v20 =	vld [tilespmem:s22+$0x5180];
	v21 =	vor.u32 v1, v19;
	_ =	sdelay $0x4  }
0x302: {  	[tilespmem:v21+s16+$0x0] =	vst.idx.add.f32.msk $0xffff, v20  }
0x303: {  	v58 =	vor.u32 v2, v19;
	v20 =	vld [tilespmem:s22+$0x5190];
	_ =	sdelay $0x4  }
0x304: {  	[tilespmem:v58+s16+$0x0] =	vst.idx.add.f32.msk $0xffff, v20  }
0x305: {  	v59 =	vor.u32 v3, v19;
	v20 =	vld [tilespmem:s22+$0x51A0];
	_ =	sdelay $0x4  }
0x306: {  	[tilespmem:v59+s16+$0x0] =	vst.idx.add.f32.msk $0xffff, v20  }
0x307: {  	v60 =	vor.u32 v4, v19;
	v20 =	vld [tilespmem:s22+$0x51B0];
	_ =	sdelay $0x4  }
0x308: {  	[tilespmem:v60+s16+$0x0] =	vst.idx.add.f32.msk $0xffff, v20  }
0x309: {  	v61 =	vor.u32 v5, v19;
	v20 =	vld [tilespmem:s22+$0x51C0];
	_ =	sdelay $0x4  }
0x30a: {  	[tilespmem:v61+s16+$0x0] =	vst.idx.add.f32.msk $0xffff, v20  }
0x30b: {  	v62 =	vor.u32 v6, v19;
	v20 =	vld [tilespmem:s22+$0x51D0];
	_ =	sdelay $0x4  }
0x30c: {  	[tilespmem:v62+s16+$0x0] =	vst.idx.add.f32.msk $0xffff, v20  }
0x30d: {  	v63 =	vor.u32 v7, v19;
	v20 =	vld [tilespmem:s22+$0x51E0];
	_ =	sdelay $0x4  }
0x30e: {  	[tilespmem:v63+s16+$0x0] =	vst.idx.add.f32.msk $0xffff, v20  }
0x30f: {  	v24 =	vor.u32 v8, v19;
	v20 =	vld [tilespmem:s22+$0x51F0];
	_ =	sdelay $0x4  }
0x310: {  	[tilespmem:v24+s16+$0x0] =	vst.idx.add.f32.msk $0xffff, v20  }
0x311: {  	v25 =	vor.u32 v9, v19;
	v20 =	vld [tilespmem:s22+$0x5580];
	_ =	sdelay $0x4  }
0x312: {  	[tilespmem:v25+s16+$0x0] =	vst.idx.add.f32.msk $0xffff, v20  }
0x313: {  	v26 =	vor.u32 v10, v19;
	v20 =	vld [tilespmem:s22+$0x5590];
	_ =	sdelay $0x4  }
0x314: {  	[tilespmem:v26+s16+$0x0] =	vst.idx.add.f32.msk $0xffff, v20  }
0x315: {  	v27 =	vor.u32 v11, v19;
	v20 =	vld [tilespmem:s22+$0x55A0];
	_ =	sdelay $0x4  }
0x316: {  	[tilespmem:v27+s16+$0x0] =	vst.idx.add.f32.msk $0xffff, v20  }
0x317: {  	v28 =	vor.u32 v12, v19;
	v20 =	vld [tilespmem:s22+$0x55B0];
	_ =	sdelay $0x4  }
0x318: {  	[tilespmem:v28+s16+$0x0] =	vst.idx.add.f32.msk $0xffff, v20  }
0x319: {  	v29 =	vor.u32 v13, v19;
	v20 =	vld [tilespmem:s22+$0x55C0];
	_ =	sdelay $0x4  }
0x31a: {  	[tilespmem:v29+s16+$0x0] =	vst.idx.add.f32.msk $0xffff, v20  }
0x31b: {  	v30 =	vor.u32 v14, v19;
	v20 =	vld [tilespmem:s22+$0x55D0];
	_ =	sdelay $0x4  }
0x31c: {  	[tilespmem:v30+s16+$0x0] =	vst.idx.add.f32.msk $0xffff, v20  }
0x31d: {  	v31 =	vor.u32 v15, v19;
	v20 =	vld [tilespmem:s22+$0x55E0];
	_ =	sdelay $0x4  }
0x31e: {  	[tilespmem:v31+s16+$0x0] =	vst.idx.add.f32.msk $0xffff, v20  }
0x31f: {  	v19 =	vor.u32 v16, v19;
	v20 =	vld [tilespmem:s22+$0x55F0]  }
0x320: {  	v32 =	vbroadcast v18, $0x4;
	_ =	sdelay $0x1  }
0x321: {  	v33 =	vshll.u32 v32, $0x8;
	v21 =	vshll.u32 v32, $0x7  }
0x322: {  	v22 =	vand.u32 $0xFFFFF800, v33;
	v21 =	vand.u32 $0x380, v21  }
0x323: {  	[tilespmem:v19+s16+$0x0] =	vst.idx.add.f32.msk $0xffff, v20;
	v19 =	vor.u32 v21, v22  }
0x324: {  	v20 =	vld [tilespmem:s22+$0x5200];
	v21 =	vor.u32 v1, v19;
	_ =	sdelay $0x4  }
0x325: {  	[tilespmem:v21+s16+$0x0] =	vst.idx.add.f32.msk $0xffff, v20  }
0x326: {  	v34 =	vor.u32 v2, v19;
	v20 =	vld [tilespmem:s22+$0x5210];
	_ =	sdelay $0x4  }
0x327: {  	[tilespmem:v34+s16+$0x0] =	vst.idx.add.f32.msk $0xffff, v20  }
0x328: {  	v35 =	vor.u32 v3, v19;
	v20 =	vld [tilespmem:s22+$0x5220];
	_ =	sdelay $0x4  }
0x329: {  	[tilespmem:v35+s16+$0x0] =	vst.idx.add.f32.msk $0xffff, v20  }
0x32a: {  	v36 =	vor.u32 v4, v19;
	v20 =	vld [tilespmem:s22+$0x5230];
	_ =	sdelay $0x4  }
0x32b: {  	[tilespmem:v36+s16+$0x0] =	vst.idx.add.f32.msk $0xffff, v20  }
0x32c: {  	v37 =	vor.u32 v5, v19;
	v20 =	vld [tilespmem:s22+$0x5240];
	_ =	sdelay $0x4  }
0x32d: {  	[tilespmem:v37+s16+$0x0] =	vst.idx.add.f32.msk $0xffff, v20  }
0x32e: {  	v38 =	vor.u32 v6, v19;
	v20 =	vld [tilespmem:s22+$0x5250];
	_ =	sdelay $0x4  }
0x32f: {  	[tilespmem:v38+s16+$0x0] =	vst.idx.add.f32.msk $0xffff, v20  }
0x330: {  	v39 =	vor.u32 v7, v19;
	v20 =	vld [tilespmem:s22+$0x5260];
	_ =	sdelay $0x4  }
0x331: {  	[tilespmem:v39+s16+$0x0] =	vst.idx.add.f32.msk $0xffff, v20  }
0x332: {  	v40 =	vor.u32 v8, v19;
	v20 =	vld [tilespmem:s22+$0x5270];
	_ =	sdelay $0x4  }
0x333: {  	[tilespmem:v40+s16+$0x0] =	vst.idx.add.f32.msk $0xffff, v20  }
0x334: {  	v41 =	vor.u32 v9, v19;
	v20 =	vld [tilespmem:s22+$0x5600];
	_ =	sdelay $0x4  }
0x335: {  	[tilespmem:v41+s16+$0x0] =	vst.idx.add.f32.msk $0xffff, v20  }
0x336: {  	v42 =	vor.u32 v10, v19;
	v20 =	vld [tilespmem:s22+$0x5610];
	_ =	sdelay $0x4  }
0x337: {  	[tilespmem:v42+s16+$0x0] =	vst.idx.add.f32.msk $0xffff, v20  }
0x338: {  	v43 =	vor.u32 v11, v19;
	v20 =	vld [tilespmem:s22+$0x5620];
	_ =	sdelay $0x4  }
0x339: {  	[tilespmem:v43+s16+$0x0] =	vst.idx.add.f32.msk $0xffff, v20  }
0x33a: {  	v44 =	vor.u32 v12, v19;
	v20 =	vld [tilespmem:s22+$0x5630];
	_ =	sdelay $0x4  }
0x33b: {  	[tilespmem:v44+s16+$0x0] =	vst.idx.add.f32.msk $0xffff, v20  }
0x33c: {  	v45 =	vor.u32 v13, v19;
	v20 =	vld [tilespmem:s22+$0x5640];
	_ =	sdelay $0x4  }
0x33d: {  	[tilespmem:v45+s16+$0x0] =	vst.idx.add.f32.msk $0xffff, v20  }
0x33e: {  	v46 =	vor.u32 v14, v19;
	v20 =	vld [tilespmem:s22+$0x5650];
	_ =	sdelay $0x4  }
0x33f: {  	[tilespmem:v46+s16+$0x0] =	vst.idx.add.f32.msk $0xffff, v20  }
0x340: {  	v47 =	vor.u32 v15, v19;
	v20 =	vld [tilespmem:s22+$0x5660];
	_ =	sdelay $0x4  }
0x341: {  	[tilespmem:v47+s16+$0x0] =	vst.idx.add.f32.msk $0xffff, v20  }
0x342: {  	v19 =	vor.u32 v16, v19;
	v20 =	vld [tilespmem:s22+$0x5670]  }
0x343: {  	v48 =	vbroadcast v18, $0x5;
	_ =	sdelay $0x1  }
0x344: {  	v49 =	vshll.u32 v48, $0x8;
	v21 =	vshll.u32 v48, $0x7  }
0x345: {  	v22 =	vand.u32 $0xFFFFF800, v49;
	v21 =	vand.u32 $0x380, v21  }
0x346: {  	[tilespmem:v19+s16+$0x0] =	vst.idx.add.f32.msk $0xffff, v20;
	v19 =	vor.u32 v21, v22  }
0x347: {  	v20 =	vld [tilespmem:s22+$0x5280];
	v21 =	vor.u32 v1, v19;
	_ =	sdelay $0x4  }
0x348: {  	[tilespmem:v21+s16+$0x0] =	vst.idx.add.f32.msk $0xffff, v20  }
0x349: {  	v50 =	vor.u32 v2, v19;
	v20 =	vld [tilespmem:s22+$0x5290];
	_ =	sdelay $0x4  }
0x34a: {  	[tilespmem:v50+s16+$0x0] =	vst.idx.add.f32.msk $0xffff, v20  }
0x34b: {  	v51 =	vor.u32 v3, v19;
	v20 =	vld [tilespmem:s22+$0x52A0];
	_ =	sdelay $0x4  }
0x34c: {  	[tilespmem:v51+s16+$0x0] =	vst.idx.add.f32.msk $0xffff, v20  }
0x34d: {  	v52 =	vor.u32 v4, v19;
	v20 =	vld [tilespmem:s22+$0x52B0];
	_ =	sdelay $0x4  }
0x34e: {  	[tilespmem:v52+s16+$0x0] =	vst.idx.add.f32.msk $0xffff, v20  }
0x34f: {  	v53 =	vor.u32 v5, v19;
	v20 =	vld [tilespmem:s22+$0x52C0];
	_ =	sdelay $0x4  }
0x350: {  	[tilespmem:v53+s16+$0x0] =	vst.idx.add.f32.msk $0xffff, v20  }
0x351: {  	v54 =	vor.u32 v6, v19;
	v20 =	vld [tilespmem:s22+$0x52D0];
	_ =	sdelay $0x4  }
0x352: {  	[tilespmem:v54+s16+$0x0] =	vst.idx.add.f32.msk $0xffff, v20  }
0x353: {  	v55 =	vor.u32 v7, v19;
	v20 =	vld [tilespmem:s22+$0x52E0];
	_ =	sdelay $0x4  }
0x354: {  	[tilespmem:v55+s16+$0x0] =	vst.idx.add.f32.msk $0xffff, v20  }
0x355: {  	v56 =	vor.u32 v8, v19;
	v20 =	vld [tilespmem:s22+$0x52F0];
	_ =	sdelay $0x4  }
0x356: {  	[tilespmem:v56+s16+$0x0] =	vst.idx.add.f32.msk $0xffff, v20  }
0x357: {  	v57 =	vor.u32 v9, v19;
	v20 =	vld [tilespmem:s22+$0x5680];
	_ =	sdelay $0x4  }
0x358: {  	[tilespmem:v57+s16+$0x0] =	vst.idx.add.f32.msk $0xffff, v20  }
0x359: {  	v58 =	vor.u32 v10, v19;
	v20 =	vld [tilespmem:s22+$0x5690];
	_ =	sdelay $0x4  }
0x35a: {  	[tilespmem:v58+s16+$0x0] =	vst.idx.add.f32.msk $0xffff, v20  }
0x35b: {  	v59 =	vor.u32 v11, v19;
	v20 =	vld [tilespmem:s22+$0x56A0];
	_ =	sdelay $0x4  }
0x35c: {  	[tilespmem:v59+s16+$0x0] =	vst.idx.add.f32.msk $0xffff, v20  }
0x35d: {  	v60 =	vor.u32 v12, v19;
	v20 =	vld [tilespmem:s22+$0x56B0];
	_ =	sdelay $0x4  }
0x35e: {  	[tilespmem:v60+s16+$0x0] =	vst.idx.add.f32.msk $0xffff, v20  }
0x35f: {  	v61 =	vor.u32 v13, v19;
	v20 =	vld [tilespmem:s22+$0x56C0];
	_ =	sdelay $0x4  }
0x360: {  	[tilespmem:v61+s16+$0x0] =	vst.idx.add.f32.msk $0xffff, v20  }
0x361: {  	v62 =	vor.u32 v14, v19;
	v20 =	vld [tilespmem:s22+$0x56D0];
	_ =	sdelay $0x4  }
0x362: {  	[tilespmem:v62+s16+$0x0] =	vst.idx.add.f32.msk $0xffff, v20  }
0x363: {  	v63 =	vor.u32 v15, v19;
	v20 =	vld [tilespmem:s22+$0x56E0];
	_ =	sdelay $0x4  }
0x364: {  	[tilespmem:v63+s16+$0x0] =	vst.idx.add.f32.msk $0xffff, v20  }
0x365: {  	v19 =	vor.u32 v16, v19;
	v20 =	vld [tilespmem:s22+$0x56F0]  }
0x366: {  	v24 =	vbroadcast v18, $0x6;
	_ =	sdelay $0x1  }
0x367: {  	v25 =	vshll.u32 v24, $0x8;
	v21 =	vshll.u32 v24, $0x7  }
0x368: {  	v22 =	vand.u32 $0xFFFFF800, v25;
	v21 =	vand.u32 $0x380, v21  }
0x369: {  	[tilespmem:v19+s16+$0x0] =	vst.idx.add.f32.msk $0xffff, v20;
	v19 =	vor.u32 v21, v22  }
0x36a: {  	v20 =	vld [tilespmem:s22+$0x5300];
	v21 =	vor.u32 v1, v19;
	_ =	sdelay $0x4  }
0x36b: {  	[tilespmem:v21+s16+$0x0] =	vst.idx.add.f32.msk $0xffff, v20  }
0x36c: {  	v26 =	vor.u32 v2, v19;
	v20 =	vld [tilespmem:s22+$0x5310];
	_ =	sdelay $0x4  }
0x36d: {  	[tilespmem:v26+s16+$0x0] =	vst.idx.add.f32.msk $0xffff, v20  }
0x36e: {  	v27 =	vor.u32 v3, v19;
	v20 =	vld [tilespmem:s22+$0x5320];
	_ =	sdelay $0x4  }
0x36f: {  	[tilespmem:v27+s16+$0x0] =	vst.idx.add.f32.msk $0xffff, v20  }
0x370: {  	v28 =	vor.u32 v4, v19;
	v20 =	vld [tilespmem:s22+$0x5330];
	_ =	sdelay $0x4  }
0x371: {  	[tilespmem:v28+s16+$0x0] =	vst.idx.add.f32.msk $0xffff, v20  }
0x372: {  	v29 =	vor.u32 v5, v19;
	v20 =	vld [tilespmem:s22+$0x5340];
	_ =	sdelay $0x4  }
0x373: {  	[tilespmem:v29+s16+$0x0] =	vst.idx.add.f32.msk $0xffff, v20  }
0x374: {  	v30 =	vor.u32 v6, v19;
	v20 =	vld [tilespmem:s22+$0x5350];
	_ =	sdelay $0x4  }
0x375: {  	[tilespmem:v30+s16+$0x0] =	vst.idx.add.f32.msk $0xffff, v20  }
0x376: {  	v31 =	vor.u32 v7, v19;
	v20 =	vld [tilespmem:s22+$0x5360];
	_ =	sdelay $0x4  }
0x377: {  	[tilespmem:v31+s16+$0x0] =	vst.idx.add.f32.msk $0xffff, v20  }
0x378: {  	v32 =	vor.u32 v8, v19;
	v20 =	vld [tilespmem:s22+$0x5370];
	_ =	sdelay $0x4  }
0x379: {  	[tilespmem:v32+s16+$0x0] =	vst.idx.add.f32.msk $0xffff, v20  }
0x37a: {  	v33 =	vor.u32 v9, v19;
	v20 =	vld [tilespmem:s22+$0x5700];
	_ =	sdelay $0x4  }
0x37b: {  	[tilespmem:v33+s16+$0x0] =	vst.idx.add.f32.msk $0xffff, v20  }
0x37c: {  	v34 =	vor.u32 v10, v19;
	v20 =	vld [tilespmem:s22+$0x5710];
	_ =	sdelay $0x4  }
0x37d: {  	[tilespmem:v34+s16+$0x0] =	vst.idx.add.f32.msk $0xffff, v20  }
0x37e: {  	v35 =	vor.u32 v11, v19;
	v20 =	vld [tilespmem:s22+$0x5720];
	_ =	sdelay $0x4  }
0x37f: {  	[tilespmem:v35+s16+$0x0] =	vst.idx.add.f32.msk $0xffff, v20  }
0x380: {  	v36 =	vor.u32 v12, v19;
	v20 =	vld [tilespmem:s22+$0x5730];
	_ =	sdelay $0x4  }
0x381: {  	[tilespmem:v36+s16+$0x0] =	vst.idx.add.f32.msk $0xffff, v20  }
0x382: {  	v37 =	vor.u32 v13, v19;
	v20 =	vld [tilespmem:s22+$0x5740];
	_ =	sdelay $0x4  }
0x383: {  	[tilespmem:v37+s16+$0x0] =	vst.idx.add.f32.msk $0xffff, v20  }
0x384: {  	v38 =	vor.u32 v14, v19;
	v20 =	vld [tilespmem:s22+$0x5750];
	_ =	sdelay $0x4  }
0x385: {  	[tilespmem:v38+s16+$0x0] =	vst.idx.add.f32.msk $0xffff, v20  }
0x386: {  	v39 =	vor.u32 v15, v19;
	v20 =	vld [tilespmem:s22+$0x5760];
	_ =	sdelay $0x4  }
0x387: {  	[tilespmem:v39+s16+$0x0] =	vst.idx.add.f32.msk $0xffff, v20  }
0x388: {  	v19 =	vor.u32 v16, v19;
	v20 =	vld [tilespmem:s22+$0x5770]  }
0x389: {  	v40 =	vbroadcast v18, $0x7;
	_ =	sdelay $0x1  }
0x38a: {  	v41 =	vshll.u32 v40, $0x8;
	v21 =	vshll.u32 v40, $0x7  }
0x38b: {  	v22 =	vand.u32 $0xFFFFF800, v41;
	v21 =	vand.u32 $0x380, v21  }
0x38c: {  	[tilespmem:v19+s16+$0x0] =	vst.idx.add.f32.msk $0xffff, v20;
	v19 =	vor.u32 v21, v22  }
0x38d: {  	v20 =	vld [tilespmem:s22+$0x5380];
	v21 =	vor.u32 v1, v19;
	_ =	sdelay $0x4  }
0x38e: {  	[tilespmem:v21+s16+$0x0] =	vst.idx.add.f32.msk $0xffff, v20  }
0x38f: {  	v42 =	vor.u32 v2, v19;
	v20 =	vld [tilespmem:s22+$0x5390];
	_ =	sdelay $0x4  }
0x390: {  	[tilespmem:v42+s16+$0x0] =	vst.idx.add.f32.msk $0xffff, v20  }
0x391: {  	v43 =	vor.u32 v3, v19;
	v20 =	vld [tilespmem:s22+$0x53A0];
	_ =	sdelay $0x4  }
0x392: {  	[tilespmem:v43+s16+$0x0] =	vst.idx.add.f32.msk $0xffff, v20  }
0x393: {  	v44 =	vor.u32 v4, v19;
	v20 =	vld [tilespmem:s22+$0x53B0];
	_ =	sdelay $0x4  }
0x394: {  	[tilespmem:v44+s16+$0x0] =	vst.idx.add.f32.msk $0xffff, v20  }
0x395: {  	v45 =	vor.u32 v5, v19;
	v20 =	vld [tilespmem:s22+$0x53C0];
	_ =	sdelay $0x4  }
0x396: {  	[tilespmem:v45+s16+$0x0] =	vst.idx.add.f32.msk $0xffff, v20  }
0x397: {  	v46 =	vor.u32 v6, v19;
	v20 =	vld [tilespmem:s22+$0x53D0];
	_ =	sdelay $0x4  }
0x398: {  	[tilespmem:v46+s16+$0x0] =	vst.idx.add.f32.msk $0xffff, v20  }
0x399: {  	v47 =	vor.u32 v7, v19;
	v20 =	vld [tilespmem:s22+$0x53E0];
	_ =	sdelay $0x4  }
0x39a: {  	[tilespmem:v47+s16+$0x0] =	vst.idx.add.f32.msk $0xffff, v20  }
0x39b: {  	v48 =	vor.u32 v8, v19;
	v20 =	vld [tilespmem:s22+$0x53F0];
	_ =	sdelay $0x4  }
0x39c: {  	[tilespmem:v48+s16+$0x0] =	vst.idx.add.f32.msk $0xffff, v20  }
0x39d: {  	v49 =	vor.u32 v9, v19;
	v20 =	vld [tilespmem:s22+$0x5780];
	_ =	sdelay $0x4  }
0x39e: {  	[tilespmem:v49+s16+$0x0] =	vst.idx.add.f32.msk $0xffff, v20  }
0x39f: {  	v50 =	vor.u32 v10, v19;
	v20 =	vld [tilespmem:s22+$0x5790];
	_ =	sdelay $0x4  }
0x3a0: {  	[tilespmem:v50+s16+$0x0] =	vst.idx.add.f32.msk $0xffff, v20  }
0x3a1: {  	v51 =	vor.u32 v11, v19;
	v20 =	vld [tilespmem:s22+$0x57A0];
	_ =	sdelay $0x4  }
0x3a2: {  	[tilespmem:v51+s16+$0x0] =	vst.idx.add.f32.msk $0xffff, v20  }
0x3a3: {  	v52 =	vor.u32 v12, v19;
	v20 =	vld [tilespmem:s22+$0x57B0];
	_ =	sdelay $0x4  }
0x3a4: {  	[tilespmem:v52+s16+$0x0] =	vst.idx.add.f32.msk $0xffff, v20  }
0x3a5: {  	v53 =	vor.u32 v13, v19;
	v20 =	vld [tilespmem:s22+$0x57C0];
	_ =	sdelay $0x4  }
0x3a6: {  	[tilespmem:v53+s16+$0x0] =	vst.idx.add.f32.msk $0xffff, v20  }
0x3a7: {  	v54 =	vor.u32 v14, v19;
	v20 =	vld [tilespmem:s22+$0x57D0];
	_ =	sdelay $0x4  }
0x3a8: {  	[tilespmem:v54+s16+$0x0] =	vst.idx.add.f32.msk $0xffff, v20  }
0x3a9: {  	v55 =	vor.u32 v15, v19;
	v20 =	vld [tilespmem:s22+$0x57E0];
	_ =	sdelay $0x4  }
0x3aa: {  	[tilespmem:v55+s16+$0x0] =	vst.idx.add.f32.msk $0xffff, v20  }
0x3ab: {  	v19 =	vor.u32 v16, v19;
	v20 =	vld [tilespmem:s22+$0x57F0]  }
0x3ac: {  	v56 =	vbroadcast v18, $0x8;
	_ =	sdelay $0x1  }
0x3ad: {  	v57 =	vshll.u32 v56, $0x8;
	v21 =	vshll.u32 v56, $0x7  }
0x3ae: {  	v22 =	vand.u32 $0xFFFFF800, v57;
	v21 =	vand.u32 $0x380, v21  }
0x3af: {  	[tilespmem:v19+s16+$0x0] =	vst.idx.add.f32.msk $0xffff, v20;
	v19 =	vor.u32 v21, v22  }
0x3b0: {  	v20 =	vld [tilespmem:s22+$0x5800];
	v21 =	vor.u32 v1, v19;
	_ =	sdelay $0x4  }
0x3b1: {  	[tilespmem:v21+s16+$0x0] =	vst.idx.add.f32.msk $0xffff, v20  }
0x3b2: {  	v58 =	vor.u32 v2, v19;
	v20 =	vld [tilespmem:s22+$0x5810];
	_ =	sdelay $0x4  }
0x3b3: {  	[tilespmem:v58+s16+$0x0] =	vst.idx.add.f32.msk $0xffff, v20  }
0x3b4: {  	v59 =	vor.u32 v3, v19;
	v20 =	vld [tilespmem:s22+$0x5820];
	_ =	sdelay $0x4  }
0x3b5: {  	[tilespmem:v59+s16+$0x0] =	vst.idx.add.f32.msk $0xffff, v20  }
0x3b6: {  	v60 =	vor.u32 v4, v19;
	v20 =	vld [tilespmem:s22+$0x5830];
	_ =	sdelay $0x4  }
0x3b7: {  	[tilespmem:v60+s16+$0x0] =	vst.idx.add.f32.msk $0xffff, v20  }
0x3b8: {  	v61 =	vor.u32 v5, v19;
	v20 =	vld [tilespmem:s22+$0x5840];
	_ =	sdelay $0x4  }
0x3b9: {  	[tilespmem:v61+s16+$0x0] =	vst.idx.add.f32.msk $0xffff, v20  }
0x3ba: {  	v62 =	vor.u32 v6, v19;
	v20 =	vld [tilespmem:s22+$0x5850];
	_ =	sdelay $0x4  }
0x3bb: {  	[tilespmem:v62+s16+$0x0] =	vst.idx.add.f32.msk $0xffff, v20  }
0x3bc: {  	v63 =	vor.u32 v7, v19;
	v20 =	vld [tilespmem:s22+$0x5860];
	_ =	sdelay $0x4  }
0x3bd: {  	[tilespmem:v63+s16+$0x0] =	vst.idx.add.f32.msk $0xffff, v20  }
0x3be: {  	v24 =	vor.u32 v8, v19;
	v20 =	vld [tilespmem:s22+$0x5870];
	_ =	sdelay $0x4  }
0x3bf: {  	[tilespmem:v24+s16+$0x0] =	vst.idx.add.f32.msk $0xffff, v20  }
0x3c0: {  	v25 =	vor.u32 v9, v19;
	v20 =	vld [tilespmem:s22+$0x5C00];
	_ =	sdelay $0x4  }
0x3c1: {  	[tilespmem:v25+s16+$0x0] =	vst.idx.add.f32.msk $0xffff, v20  }
0x3c2: {  	v26 =	vor.u32 v10, v19;
	v20 =	vld [tilespmem:s22+$0x5C10];
	_ =	sdelay $0x4  }
0x3c3: {  	[tilespmem:v26+s16+$0x0] =	vst.idx.add.f32.msk $0xffff, v20  }
0x3c4: {  	v27 =	vor.u32 v11, v19;
	v20 =	vld [tilespmem:s22+$0x5C20];
	_ =	sdelay $0x4  }
0x3c5: {  	[tilespmem:v27+s16+$0x0] =	vst.idx.add.f32.msk $0xffff, v20  }
0x3c6: {  	v28 =	vor.u32 v12, v19;
	v20 =	vld [tilespmem:s22+$0x5C30];
	_ =	sdelay $0x4  }
0x3c7: {  	[tilespmem:v28+s16+$0x0] =	vst.idx.add.f32.msk $0xffff, v20  }
0x3c8: {  	v29 =	vor.u32 v13, v19;
	v20 =	vld [tilespmem:s22+$0x5C40];
	_ =	sdelay $0x4  }
0x3c9: {  	[tilespmem:v29+s16+$0x0] =	vst.idx.add.f32.msk $0xffff, v20  }
0x3ca: {  	v30 =	vor.u32 v14, v19;
	v20 =	vld [tilespmem:s22+$0x5C50];
	_ =	sdelay $0x4  }
0x3cb: {  	[tilespmem:v30+s16+$0x0] =	vst.idx.add.f32.msk $0xffff, v20  }
0x3cc: {  	v31 =	vor.u32 v15, v19;
	v20 =	vld [tilespmem:s22+$0x5C60];
	_ =	sdelay $0x4  }
0x3cd: {  	[tilespmem:v31+s16+$0x0] =	vst.idx.add.f32.msk $0xffff, v20  }
0x3ce: {  	v19 =	vor.u32 v16, v19;
	v20 =	vld [tilespmem:s22+$0x5C70]  }
0x3cf: {  	v32 =	vbroadcast v18, $0x9;
	_ =	sdelay $0x1  }
0x3d0: {  	v33 =	vshll.u32 v32, $0x8;
	v21 =	vshll.u32 v32, $0x7  }
0x3d1: {  	v22 =	vand.u32 $0xFFFFF800, v33;
	v21 =	vand.u32 $0x380, v21  }
0x3d2: {  	[tilespmem:v19+s16+$0x0] =	vst.idx.add.f32.msk $0xffff, v20;
	v19 =	vor.u32 v21, v22  }
0x3d3: {  	v20 =	vld [tilespmem:s22+$0x5880];
	v21 =	vor.u32 v1, v19;
	_ =	sdelay $0x4  }
0x3d4: {  	[tilespmem:v21+s16+$0x0] =	vst.idx.add.f32.msk $0xffff, v20  }
0x3d5: {  	v34 =	vor.u32 v2, v19;
	v20 =	vld [tilespmem:s22+$0x5890];
	_ =	sdelay $0x4  }
0x3d6: {  	[tilespmem:v34+s16+$0x0] =	vst.idx.add.f32.msk $0xffff, v20  }
0x3d7: {  	v35 =	vor.u32 v3, v19;
	v20 =	vld [tilespmem:s22+$0x58A0];
	_ =	sdelay $0x4  }
0x3d8: {  	[tilespmem:v35+s16+$0x0] =	vst.idx.add.f32.msk $0xffff, v20  }
0x3d9: {  	v36 =	vor.u32 v4, v19;
	v20 =	vld [tilespmem:s22+$0x58B0];
	_ =	sdelay $0x4  }
0x3da: {  	[tilespmem:v36+s16+$0x0] =	vst.idx.add.f32.msk $0xffff, v20  }
0x3db: {  	v37 =	vor.u32 v5, v19;
	v20 =	vld [tilespmem:s22+$0x58C0];
	_ =	sdelay $0x4  }
0x3dc: {  	[tilespmem:v37+s16+$0x0] =	vst.idx.add.f32.msk $0xffff, v20  }
0x3dd: {  	v38 =	vor.u32 v6, v19;
	v20 =	vld [tilespmem:s22+$0x58D0];
	_ =	sdelay $0x4  }
0x3de: {  	[tilespmem:v38+s16+$0x0] =	vst.idx.add.f32.msk $0xffff, v20  }
0x3df: {  	v39 =	vor.u32 v7, v19;
	v20 =	vld [tilespmem:s22+$0x58E0];
	_ =	sdelay $0x4  }
0x3e0: {  	[tilespmem:v39+s16+$0x0] =	vst.idx.add.f32.msk $0xffff, v20  }
0x3e1: {  	v40 =	vor.u32 v8, v19;
	v20 =	vld [tilespmem:s22+$0x58F0];
	_ =	sdelay $0x4  }
0x3e2: {  	[tilespmem:v40+s16+$0x0] =	vst.idx.add.f32.msk $0xffff, v20  }
0x3e3: {  	v41 =	vor.u32 v9, v19;
	v20 =	vld [tilespmem:s22+$0x5C80];
	_ =	sdelay $0x4  }
0x3e4: {  	[tilespmem:v41+s16+$0x0] =	vst.idx.add.f32.msk $0xffff, v20  }
0x3e5: {  	v42 =	vor.u32 v10, v19;
	v20 =	vld [tilespmem:s22+$0x5C90];
	_ =	sdelay $0x4  }
0x3e6: {  	[tilespmem:v42+s16+$0x0] =	vst.idx.add.f32.msk $0xffff, v20  }
0x3e7: {  	v43 =	vor.u32 v11, v19;
	v20 =	vld [tilespmem:s22+$0x5CA0];
	_ =	sdelay $0x4  }
0x3e8: {  	[tilespmem:v43+s16+$0x0] =	vst.idx.add.f32.msk $0xffff, v20  }
0x3e9: {  	v44 =	vor.u32 v12, v19;
	v20 =	vld [tilespmem:s22+$0x5CB0];
	_ =	sdelay $0x4  }
0x3ea: {  	[tilespmem:v44+s16+$0x0] =	vst.idx.add.f32.msk $0xffff, v20  }
0x3eb: {  	v45 =	vor.u32 v13, v19;
	v20 =	vld [tilespmem:s22+$0x5CC0];
	_ =	sdelay $0x4  }
0x3ec: {  	[tilespmem:v45+s16+$0x0] =	vst.idx.add.f32.msk $0xffff, v20  }
0x3ed: {  	v46 =	vor.u32 v14, v19;
	v20 =	vld [tilespmem:s22+$0x5CD0];
	_ =	sdelay $0x4  }
0x3ee: {  	[tilespmem:v46+s16+$0x0] =	vst.idx.add.f32.msk $0xffff, v20  }
0x3ef: {  	v47 =	vor.u32 v15, v19;
	v20 =	vld [tilespmem:s22+$0x5CE0];
	_ =	sdelay $0x4  }
0x3f0: {  	[tilespmem:v47+s16+$0x0] =	vst.idx.add.f32.msk $0xffff, v20  }
0x3f1: {  	v19 =	vor.u32 v16, v19;
	v20 =	vld [tilespmem:s22+$0x5CF0]  }
0x3f2: {  	v48 =	vbroadcast v18, $0xA;
	_ =	sdelay $0x1  }
0x3f3: {  	v49 =	vshll.u32 v48, $0x8;
	v21 =	vshll.u32 v48, $0x7  }
0x3f4: {  	v22 =	vand.u32 $0xFFFFF800, v49;
	v21 =	vand.u32 $0x380, v21  }
0x3f5: {  	[tilespmem:v19+s16+$0x0] =	vst.idx.add.f32.msk $0xffff, v20;
	v19 =	vor.u32 v21, v22  }
0x3f6: {  	v20 =	vld [tilespmem:s22+$0x5900];
	v21 =	vor.u32 v1, v19;
	_ =	sdelay $0x4  }
0x3f7: {  	[tilespmem:v21+s16+$0x0] =	vst.idx.add.f32.msk $0xffff, v20  }
0x3f8: {  	v50 =	vor.u32 v2, v19;
	v20 =	vld [tilespmem:s22+$0x5910];
	_ =	sdelay $0x4  }
0x3f9: {  	[tilespmem:v50+s16+$0x0] =	vst.idx.add.f32.msk $0xffff, v20  }
0x3fa: {  	v51 =	vor.u32 v3, v19;
	v20 =	vld [tilespmem:s22+$0x5920];
	_ =	sdelay $0x4  }
0x3fb: {  	[tilespmem:v51+s16+$0x0] =	vst.idx.add.f32.msk $0xffff, v20  }
0x3fc: {  	v52 =	vor.u32 v4, v19;
	v20 =	vld [tilespmem:s22+$0x5930];
	_ =	sdelay $0x4  }
0x3fd: {  	[tilespmem:v52+s16+$0x0] =	vst.idx.add.f32.msk $0xffff, v20  }
0x3fe: {  	v53 =	vor.u32 v5, v19;
	v20 =	vld [tilespmem:s22+$0x5940];
	_ =	sdelay $0x4  }
0x3ff: {  	[tilespmem:v53+s16+$0x0] =	vst.idx.add.f32.msk $0xffff, v20  }
0x400: {  	v54 =	vor.u32 v6, v19;
	v20 =	vld [tilespmem:s22+$0x5950];
	_ =	sdelay $0x4  }
0x401: {  	[tilespmem:v54+s16+$0x0] =	vst.idx.add.f32.msk $0xffff, v20  }
0x402: {  	v55 =	vor.u32 v7, v19;
	v20 =	vld [tilespmem:s22+$0x5960];
	_ =	sdelay $0x4  }
0x403: {  	[tilespmem:v55+s16+$0x0] =	vst.idx.add.f32.msk $0xffff, v20  }
0x404: {  	v56 =	vor.u32 v8, v19;
	v20 =	vld [tilespmem:s22+$0x5970];
	_ =	sdelay $0x4  }
0x405: {  	[tilespmem:v56+s16+$0x0] =	vst.idx.add.f32.msk $0xffff, v20  }
0x406: {  	v57 =	vor.u32 v9, v19;
	v20 =	vld [tilespmem:s22+$0x5D00];
	_ =	sdelay $0x4  }
0x407: {  	[tilespmem:v57+s16+$0x0] =	vst.idx.add.f32.msk $0xffff, v20  }
0x408: {  	v58 =	vor.u32 v10, v19;
	v20 =	vld [tilespmem:s22+$0x5D10];
	_ =	sdelay $0x4  }
0x409: {  	[tilespmem:v58+s16+$0x0] =	vst.idx.add.f32.msk $0xffff, v20  }
0x40a: {  	v59 =	vor.u32 v11, v19;
	v20 =	vld [tilespmem:s22+$0x5D20];
	_ =	sdelay $0x4  }
0x40b: {  	[tilespmem:v59+s16+$0x0] =	vst.idx.add.f32.msk $0xffff, v20  }
0x40c: {  	v60 =	vor.u32 v12, v19;
	v20 =	vld [tilespmem:s22+$0x5D30];
	_ =	sdelay $0x4  }
0x40d: {  	[tilespmem:v60+s16+$0x0] =	vst.idx.add.f32.msk $0xffff, v20  }
0x40e: {  	v61 =	vor.u32 v13, v19;
	v20 =	vld [tilespmem:s22+$0x5D40];
	_ =	sdelay $0x4  }
0x40f: {  	[tilespmem:v61+s16+$0x0] =	vst.idx.add.f32.msk $0xffff, v20  }
0x410: {  	v62 =	vor.u32 v14, v19;
	v20 =	vld [tilespmem:s22+$0x5D50];
	_ =	sdelay $0x4  }
0x411: {  	[tilespmem:v62+s16+$0x0] =	vst.idx.add.f32.msk $0xffff, v20  }
0x412: {  	v63 =	vor.u32 v15, v19;
	v20 =	vld [tilespmem:s22+$0x5D60];
	_ =	sdelay $0x4  }
0x413: {  	[tilespmem:v63+s16+$0x0] =	vst.idx.add.f32.msk $0xffff, v20  }
0x414: {  	v19 =	vor.u32 v16, v19;
	v20 =	vld [tilespmem:s22+$0x5D70]  }
0x415: {  	v24 =	vbroadcast v18, $0xB;
	_ =	sdelay $0x1  }
0x416: {  	v25 =	vshll.u32 v24, $0x8;
	v21 =	vshll.u32 v24, $0x7  }
0x417: {  	v22 =	vand.u32 $0xFFFFF800, v25;
	v21 =	vand.u32 $0x380, v21  }
0x418: {  	[tilespmem:v19+s16+$0x0] =	vst.idx.add.f32.msk $0xffff, v20;
	v19 =	vor.u32 v21, v22  }
0x419: {  	v20 =	vld [tilespmem:s22+$0x5980];
	v21 =	vor.u32 v1, v19;
	_ =	sdelay $0x4  }
0x41a: {  	[tilespmem:v21+s16+$0x0] =	vst.idx.add.f32.msk $0xffff, v20  }
0x41b: {  	v26 =	vor.u32 v2, v19;
	v20 =	vld [tilespmem:s22+$0x5990];
	_ =	sdelay $0x4  }
0x41c: {  	[tilespmem:v26+s16+$0x0] =	vst.idx.add.f32.msk $0xffff, v20  }
0x41d: {  	v27 =	vor.u32 v3, v19;
	v20 =	vld [tilespmem:s22+$0x59A0];
	_ =	sdelay $0x4  }
0x41e: {  	[tilespmem:v27+s16+$0x0] =	vst.idx.add.f32.msk $0xffff, v20  }
0x41f: {  	v28 =	vor.u32 v4, v19;
	v20 =	vld [tilespmem:s22+$0x59B0];
	_ =	sdelay $0x4  }
0x420: {  	[tilespmem:v28+s16+$0x0] =	vst.idx.add.f32.msk $0xffff, v20  }
0x421: {  	v29 =	vor.u32 v5, v19;
	v20 =	vld [tilespmem:s22+$0x59C0];
	_ =	sdelay $0x4  }
0x422: {  	[tilespmem:v29+s16+$0x0] =	vst.idx.add.f32.msk $0xffff, v20  }
0x423: {  	v30 =	vor.u32 v6, v19;
	v20 =	vld [tilespmem:s22+$0x59D0];
	_ =	sdelay $0x4  }
0x424: {  	[tilespmem:v30+s16+$0x0] =	vst.idx.add.f32.msk $0xffff, v20  }
0x425: {  	v31 =	vor.u32 v7, v19;
	v20 =	vld [tilespmem:s22+$0x59E0];
	_ =	sdelay $0x4  }
0x426: {  	[tilespmem:v31+s16+$0x0] =	vst.idx.add.f32.msk $0xffff, v20  }
0x427: {  	v32 =	vor.u32 v8, v19;
	v20 =	vld [tilespmem:s22+$0x59F0];
	_ =	sdelay $0x4  }
0x428: {  	[tilespmem:v32+s16+$0x0] =	vst.idx.add.f32.msk $0xffff, v20  }
0x429: {  	v33 =	vor.u32 v9, v19;
	v20 =	vld [tilespmem:s22+$0x5D80];
	_ =	sdelay $0x4  }
0x42a: {  	[tilespmem:v33+s16+$0x0] =	vst.idx.add.f32.msk $0xffff, v20  }
0x42b: {  	v34 =	vor.u32 v10, v19;
	v20 =	vld [tilespmem:s22+$0x5D90];
	_ =	sdelay $0x4  }
0x42c: {  	[tilespmem:v34+s16+$0x0] =	vst.idx.add.f32.msk $0xffff, v20  }
0x42d: {  	v35 =	vor.u32 v11, v19;
	v20 =	vld [tilespmem:s22+$0x5DA0];
	_ =	sdelay $0x4  }
0x42e: {  	[tilespmem:v35+s16+$0x0] =	vst.idx.add.f32.msk $0xffff, v20  }
0x42f: {  	v36 =	vor.u32 v12, v19;
	v20 =	vld [tilespmem:s22+$0x5DB0];
	_ =	sdelay $0x4  }
0x430: {  	[tilespmem:v36+s16+$0x0] =	vst.idx.add.f32.msk $0xffff, v20  }
0x431: {  	v37 =	vor.u32 v13, v19;
	v20 =	vld [tilespmem:s22+$0x5DC0];
	_ =	sdelay $0x4  }
0x432: {  	[tilespmem:v37+s16+$0x0] =	vst.idx.add.f32.msk $0xffff, v20  }
0x433: {  	v38 =	vor.u32 v14, v19;
	v20 =	vld [tilespmem:s22+$0x5DD0];
	_ =	sdelay $0x4  }
0x434: {  	[tilespmem:v38+s16+$0x0] =	vst.idx.add.f32.msk $0xffff, v20  }
0x435: {  	v39 =	vor.u32 v15, v19;
	v20 =	vld [tilespmem:s22+$0x5DE0];
	_ =	sdelay $0x4  }
0x436: {  	[tilespmem:v39+s16+$0x0] =	vst.idx.add.f32.msk $0xffff, v20  }
0x437: {  	v19 =	vor.u32 v16, v19;
	v20 =	vld [tilespmem:s22+$0x5DF0]  }
0x438: {  	v40 =	vbroadcast v18, $0xC;
	_ =	sdelay $0x1  }
0x439: {  	v41 =	vshll.u32 v40, $0x8;
	v21 =	vshll.u32 v40, $0x7  }
0x43a: {  	v22 =	vand.u32 $0xFFFFF800, v41;
	v21 =	vand.u32 $0x380, v21  }
0x43b: {  	[tilespmem:v19+s16+$0x0] =	vst.idx.add.f32.msk $0xffff, v20;
	v19 =	vor.u32 v21, v22  }
0x43c: {  	v20 =	vld [tilespmem:s22+$0x5A00];
	v21 =	vor.u32 v1, v19;
	_ =	sdelay $0x4  }
0x43d: {  	[tilespmem:v21+s16+$0x0] =	vst.idx.add.f32.msk $0xffff, v20  }
0x43e: {  	v42 =	vor.u32 v2, v19;
	v20 =	vld [tilespmem:s22+$0x5A10];
	_ =	sdelay $0x4  }
0x43f: {  	[tilespmem:v42+s16+$0x0] =	vst.idx.add.f32.msk $0xffff, v20  }
0x440: {  	v43 =	vor.u32 v3, v19;
	v20 =	vld [tilespmem:s22+$0x5A20];
	_ =	sdelay $0x4  }
0x441: {  	[tilespmem:v43+s16+$0x0] =	vst.idx.add.f32.msk $0xffff, v20  }
0x442: {  	v44 =	vor.u32 v4, v19;
	v20 =	vld [tilespmem:s22+$0x5A30];
	_ =	sdelay $0x4  }
0x443: {  	[tilespmem:v44+s16+$0x0] =	vst.idx.add.f32.msk $0xffff, v20  }
0x444: {  	v45 =	vor.u32 v5, v19;
	v20 =	vld [tilespmem:s22+$0x5A40];
	_ =	sdelay $0x4  }
0x445: {  	[tilespmem:v45+s16+$0x0] =	vst.idx.add.f32.msk $0xffff, v20  }
0x446: {  	v46 =	vor.u32 v6, v19;
	v20 =	vld [tilespmem:s22+$0x5A50];
	_ =	sdelay $0x4  }
0x447: {  	[tilespmem:v46+s16+$0x0] =	vst.idx.add.f32.msk $0xffff, v20  }
0x448: {  	v47 =	vor.u32 v7, v19;
	v20 =	vld [tilespmem:s22+$0x5A60];
	_ =	sdelay $0x4  }
0x449: {  	[tilespmem:v47+s16+$0x0] =	vst.idx.add.f32.msk $0xffff, v20  }
0x44a: {  	v48 =	vor.u32 v8, v19;
	v20 =	vld [tilespmem:s22+$0x5A70];
	_ =	sdelay $0x4  }
0x44b: {  	[tilespmem:v48+s16+$0x0] =	vst.idx.add.f32.msk $0xffff, v20  }
0x44c: {  	v49 =	vor.u32 v9, v19;
	v20 =	vld [tilespmem:s22+$0x5E00];
	_ =	sdelay $0x4  }
0x44d: {  	[tilespmem:v49+s16+$0x0] =	vst.idx.add.f32.msk $0xffff, v20  }
0x44e: {  	v50 =	vor.u32 v10, v19;
	v20 =	vld [tilespmem:s22+$0x5E10];
	_ =	sdelay $0x4  }
0x44f: {  	[tilespmem:v50+s16+$0x0] =	vst.idx.add.f32.msk $0xffff, v20  }
0x450: {  	v51 =	vor.u32 v11, v19;
	v20 =	vld [tilespmem:s22+$0x5E20];
	_ =	sdelay $0x4  }
0x451: {  	[tilespmem:v51+s16+$0x0] =	vst.idx.add.f32.msk $0xffff, v20  }
0x452: {  	v52 =	vor.u32 v12, v19;
	v20 =	vld [tilespmem:s22+$0x5E30];
	_ =	sdelay $0x4  }
0x453: {  	[tilespmem:v52+s16+$0x0] =	vst.idx.add.f32.msk $0xffff, v20  }
0x454: {  	v53 =	vor.u32 v13, v19;
	v20 =	vld [tilespmem:s22+$0x5E40];
	_ =	sdelay $0x4  }
0x455: {  	[tilespmem:v53+s16+$0x0] =	vst.idx.add.f32.msk $0xffff, v20  }
0x456: {  	v54 =	vor.u32 v14, v19;
	v20 =	vld [tilespmem:s22+$0x5E50];
	_ =	sdelay $0x4  }
0x457: {  	[tilespmem:v54+s16+$0x0] =	vst.idx.add.f32.msk $0xffff, v20  }
0x458: {  	v55 =	vor.u32 v15, v19;
	v20 =	vld [tilespmem:s22+$0x5E60];
	_ =	sdelay $0x4  }
0x459: {  	[tilespmem:v55+s16+$0x0] =	vst.idx.add.f32.msk $0xffff, v20  }
0x45a: {  	v19 =	vor.u32 v16, v19;
	v20 =	vld [tilespmem:s22+$0x5E70]  }
0x45b: {  	v56 =	vbroadcast v18, $0xD;
	_ =	sdelay $0x1  }
0x45c: {  	v57 =	vshll.u32 v56, $0x8;
	v21 =	vshll.u32 v56, $0x7  }
0x45d: {  	v22 =	vand.u32 $0xFFFFF800, v57;
	v21 =	vand.u32 $0x380, v21  }
0x45e: {  	[tilespmem:v19+s16+$0x0] =	vst.idx.add.f32.msk $0xffff, v20;
	v19 =	vor.u32 v21, v22  }
0x45f: {  	v20 =	vld [tilespmem:s22+$0x5A80];
	v21 =	vor.u32 v1, v19;
	_ =	sdelay $0x4  }
0x460: {  	[tilespmem:v21+s16+$0x0] =	vst.idx.add.f32.msk $0xffff, v20  }
0x461: {  	v58 =	vor.u32 v2, v19;
	v20 =	vld [tilespmem:s22+$0x5A90];
	_ =	sdelay $0x4  }
0x462: {  	[tilespmem:v58+s16+$0x0] =	vst.idx.add.f32.msk $0xffff, v20  }
0x463: {  	v59 =	vor.u32 v3, v19;
	v20 =	vld [tilespmem:s22+$0x5AA0];
	_ =	sdelay $0x4  }
0x464: {  	[tilespmem:v59+s16+$0x0] =	vst.idx.add.f32.msk $0xffff, v20  }
0x465: {  	v60 =	vor.u32 v4, v19;
	v20 =	vld [tilespmem:s22+$0x5AB0];
	_ =	sdelay $0x4  }
0x466: {  	[tilespmem:v60+s16+$0x0] =	vst.idx.add.f32.msk $0xffff, v20  }
0x467: {  	v61 =	vor.u32 v5, v19;
	v20 =	vld [tilespmem:s22+$0x5AC0];
	_ =	sdelay $0x4  }
0x468: {  	[tilespmem:v61+s16+$0x0] =	vst.idx.add.f32.msk $0xffff, v20  }
0x469: {  	v62 =	vor.u32 v6, v19;
	v20 =	vld [tilespmem:s22+$0x5AD0];
	_ =	sdelay $0x4  }
0x46a: {  	[tilespmem:v62+s16+$0x0] =	vst.idx.add.f32.msk $0xffff, v20  }
0x46b: {  	v63 =	vor.u32 v7, v19;
	v20 =	vld [tilespmem:s22+$0x5AE0];
	_ =	sdelay $0x4  }
0x46c: {  	[tilespmem:v63+s16+$0x0] =	vst.idx.add.f32.msk $0xffff, v20  }
0x46d: {  	v24 =	vor.u32 v8, v19;
	v20 =	vld [tilespmem:s22+$0x5AF0];
	_ =	sdelay $0x4  }
0x46e: {  	[tilespmem:v24+s16+$0x0] =	vst.idx.add.f32.msk $0xffff, v20  }
0x46f: {  	v25 =	vor.u32 v9, v19;
	v20 =	vld [tilespmem:s22+$0x5E80];
	_ =	sdelay $0x4  }
0x470: {  	[tilespmem:v25+s16+$0x0] =	vst.idx.add.f32.msk $0xffff, v20  }
0x471: {  	v26 =	vor.u32 v10, v19;
	v20 =	vld [tilespmem:s22+$0x5E90];
	_ =	sdelay $0x4  }
0x472: {  	[tilespmem:v26+s16+$0x0] =	vst.idx.add.f32.msk $0xffff, v20  }
0x473: {  	v27 =	vor.u32 v11, v19;
	v20 =	vld [tilespmem:s22+$0x5EA0];
	_ =	sdelay $0x4  }
0x474: {  	[tilespmem:v27+s16+$0x0] =	vst.idx.add.f32.msk $0xffff, v20  }
0x475: {  	v28 =	vor.u32 v12, v19;
	v20 =	vld [tilespmem:s22+$0x5EB0];
	_ =	sdelay $0x4  }
0x476: {  	[tilespmem:v28+s16+$0x0] =	vst.idx.add.f32.msk $0xffff, v20  }
0x477: {  	v29 =	vor.u32 v13, v19;
	v20 =	vld [tilespmem:s22+$0x5EC0];
	_ =	sdelay $0x4  }
0x478: {  	[tilespmem:v29+s16+$0x0] =	vst.idx.add.f32.msk $0xffff, v20  }
0x479: {  	v30 =	vor.u32 v14, v19;
	v20 =	vld [tilespmem:s22+$0x5ED0];
	_ =	sdelay $0x4  }
0x47a: {  	[tilespmem:v30+s16+$0x0] =	vst.idx.add.f32.msk $0xffff, v20  }
0x47b: {  	v31 =	vor.u32 v15, v19;
	v20 =	vld [tilespmem:s22+$0x5EE0];
	_ =	sdelay $0x4  }
0x47c: {  	[tilespmem:v31+s16+$0x0] =	vst.idx.add.f32.msk $0xffff, v20  }
0x47d: {  	v19 =	vor.u32 v16, v19;
	v20 =	vld [tilespmem:s22+$0x5EF0]  }
0x47e: {  	v32 =	vbroadcast v18, $0xE;
	_ =	sdelay $0x1  }
0x47f: {  	v33 =	vshll.u32 v32, $0x8;
	v21 =	vshll.u32 v32, $0x7  }
0x480: {  	v22 =	vand.u32 $0xFFFFF800, v33;
	v21 =	vand.u32 $0x380, v21  }
0x481: {  	[tilespmem:v19+s16+$0x0] =	vst.idx.add.f32.msk $0xffff, v20;
	v19 =	vor.u32 v21, v22  }
0x482: {  	v20 =	vld [tilespmem:s22+$0x5B00];
	v21 =	vor.u32 v1, v19;
	_ =	sdelay $0x4  }
0x483: {  	[tilespmem:v21+s16+$0x0] =	vst.idx.add.f32.msk $0xffff, v20  }
0x484: {  	v34 =	vor.u32 v2, v19;
	v20 =	vld [tilespmem:s22+$0x5B10];
	_ =	sdelay $0x4  }
0x485: {  	[tilespmem:v34+s16+$0x0] =	vst.idx.add.f32.msk $0xffff, v20  }
0x486: {  	v35 =	vor.u32 v3, v19;
	v20 =	vld [tilespmem:s22+$0x5B20];
	_ =	sdelay $0x4  }
0x487: {  	[tilespmem:v35+s16+$0x0] =	vst.idx.add.f32.msk $0xffff, v20  }
0x488: {  	v36 =	vor.u32 v4, v19;
	v20 =	vld [tilespmem:s22+$0x5B30];
	_ =	sdelay $0x4  }
0x489: {  	[tilespmem:v36+s16+$0x0] =	vst.idx.add.f32.msk $0xffff, v20  }
0x48a: {  	v37 =	vor.u32 v5, v19;
	v20 =	vld [tilespmem:s22+$0x5B40];
	_ =	sdelay $0x4  }
0x48b: {  	[tilespmem:v37+s16+$0x0] =	vst.idx.add.f32.msk $0xffff, v20  }
0x48c: {  	v38 =	vor.u32 v6, v19;
	v20 =	vld [tilespmem:s22+$0x5B50];
	_ =	sdelay $0x4  }
0x48d: {  	[tilespmem:v38+s16+$0x0] =	vst.idx.add.f32.msk $0xffff, v20  }
0x48e: {  	v39 =	vor.u32 v7, v19;
	v20 =	vld [tilespmem:s22+$0x5B60];
	_ =	sdelay $0x4  }
0x48f: {  	[tilespmem:v39+s16+$0x0] =	vst.idx.add.f32.msk $0xffff, v20  }
0x490: {  	v40 =	vor.u32 v8, v19;
	v20 =	vld [tilespmem:s22+$0x5B70];
	_ =	sdelay $0x4  }
0x491: {  	[tilespmem:v40+s16+$0x0] =	vst.idx.add.f32.msk $0xffff, v20  }
0x492: {  	v41 =	vor.u32 v9, v19;
	v20 =	vld [tilespmem:s22+$0x5F00];
	_ =	sdelay $0x4  }
0x493: {  	[tilespmem:v41+s16+$0x0] =	vst.idx.add.f32.msk $0xffff, v20  }
0x494: {  	v42 =	vor.u32 v10, v19;
	v20 =	vld [tilespmem:s22+$0x5F10];
	_ =	sdelay $0x4  }
0x495: {  	[tilespmem:v42+s16+$0x0] =	vst.idx.add.f32.msk $0xffff, v20  }
0x496: {  	v43 =	vor.u32 v11, v19;
	v20 =	vld [tilespmem:s22+$0x5F20];
	_ =	sdelay $0x4  }
0x497: {  	[tilespmem:v43+s16+$0x0] =	vst.idx.add.f32.msk $0xffff, v20  }
0x498: {  	v44 =	vor.u32 v12, v19;
	v20 =	vld [tilespmem:s22+$0x5F30];
	_ =	sdelay $0x4  }
0x499: {  	[tilespmem:v44+s16+$0x0] =	vst.idx.add.f32.msk $0xffff, v20  }
0x49a: {  	v45 =	vor.u32 v13, v19;
	v20 =	vld [tilespmem:s22+$0x5F40];
	_ =	sdelay $0x4  }
0x49b: {  	[tilespmem:v45+s16+$0x0] =	vst.idx.add.f32.msk $0xffff, v20  }
0x49c: {  	v46 =	vor.u32 v14, v19;
	v20 =	vld [tilespmem:s22+$0x5F50];
	_ =	sdelay $0x4  }
0x49d: {  	[tilespmem:v46+s16+$0x0] =	vst.idx.add.f32.msk $0xffff, v20  }
0x49e: {  	v47 =	vor.u32 v15, v19;
	v20 =	vld [tilespmem:s22+$0x5F60];
	_ =	sdelay $0x4  }
0x49f: {  	[tilespmem:v47+s16+$0x0] =	vst.idx.add.f32.msk $0xffff, v20  }
0x4a0: {  	v19 =	vor.u32 v16, v19;
	v20 =	vld [tilespmem:s22+$0x5F70]  }
0x4a1: {  	v18 =	vbroadcast v18, $0xF;
	_ =	sdelay $0x1  }
0x4a2: {  	v48 =	vshll.u32 v18, $0x8;
	v18 =	vshll.u32 v18, $0x7  }
0x4a3: {  	v18 =	vand.u32 $0x380, v18;
	v21 =	vand.u32 $0xFFFFF800, v48  }
0x4a4: {  	v18 =	vor.u32 v18, v21;
	[tilespmem:v19+s16+$0x0] =	vst.idx.add.f32.msk $0xffff, v20  }
0x4a5: {  	v49 =	vor.u32 v1, v18;
	v19 =	vld [tilespmem:s22+$0x5B80];
	_ =	sdelay $0x4  }
0x4a6: {  	[tilespmem:v49+s16+$0x0] =	vst.idx.add.f32.msk $0xffff, v19  }
0x4a7: {  	v50 =	vor.u32 v2, v18;
	v19 =	vld [tilespmem:s22+$0x5B90];
	_ =	sdelay $0x4  }
0x4a8: {  	[tilespmem:v50+s16+$0x0] =	vst.idx.add.f32.msk $0xffff, v19  }
0x4a9: {  	v51 =	vor.u32 v3, v18;
	v19 =	vld [tilespmem:s22+$0x5BA0];
	_ =	sdelay $0x4  }
0x4aa: {  	[tilespmem:v51+s16+$0x0] =	vst.idx.add.f32.msk $0xffff, v19  }
0x4ab: {  	v52 =	vor.u32 v4, v18;
	v19 =	vld [tilespmem:s22+$0x5BB0];
	_ =	sdelay $0x4  }
0x4ac: {  	[tilespmem:v52+s16+$0x0] =	vst.idx.add.f32.msk $0xffff, v19  }
0x4ad: {  	v53 =	vor.u32 v5, v18;
	v19 =	vld [tilespmem:s22+$0x5BC0];
	_ =	sdelay $0x4  }
0x4ae: {  	[tilespmem:v53+s16+$0x0] =	vst.idx.add.f32.msk $0xffff, v19  }
0x4af: {  	v54 =	vor.u32 v6, v18;
	v19 =	vld [tilespmem:s22+$0x5BD0];
	_ =	sdelay $0x4  }
0x4b0: {  	[tilespmem:v54+s16+$0x0] =	vst.idx.add.f32.msk $0xffff, v19  }
0x4b1: {  	v55 =	vor.u32 v7, v18;
	v19 =	vld [tilespmem:s22+$0x5BE0];
	_ =	sdelay $0x4  }
0x4b2: {  	[tilespmem:v55+s16+$0x0] =	vst.idx.add.f32.msk $0xffff, v19  }
0x4b3: {  	v56 =	vor.u32 v8, v18;
	v19 =	vld [tilespmem:s22+$0x5BF0];
	_ =	sdelay $0x4  }
0x4b4: {  	[tilespmem:v56+s16+$0x0] =	vst.idx.add.f32.msk $0xffff, v19  }
0x4b5: {  	v57 =	vor.u32 v9, v18;
	v19 =	vld [tilespmem:s22+$0x5F80];
	_ =	sdelay $0x4  }
0x4b6: {  	[tilespmem:v57+s16+$0x0] =	vst.idx.add.f32.msk $0xffff, v19  }
0x4b7: {  	v58 =	vor.u32 v10, v18;
	v19 =	vld [tilespmem:s22+$0x5F90];
	_ =	sdelay $0x4  }
0x4b8: {  	[tilespmem:v58+s16+$0x0] =	vst.idx.add.f32.msk $0xffff, v19  }
0x4b9: {  	v59 =	vor.u32 v11, v18;
	v19 =	vld [tilespmem:s22+$0x5FA0];
	_ =	sdelay $0x4  }
0x4ba: {  	[tilespmem:v59+s16+$0x0] =	vst.idx.add.f32.msk $0xffff, v19  }
0x4bb: {  	v60 =	vor.u32 v12, v18;
	v19 =	vld [tilespmem:s22+$0x5FB0];
	_ =	sdelay $0x4  }
0x4bc: {  	[tilespmem:v60+s16+$0x0] =	vst.idx.add.f32.msk $0xffff, v19  }
0x4bd: {  	v61 =	vor.u32 v13, v18;
	v19 =	vld [tilespmem:s22+$0x5FC0];
	_ =	sdelay $0x4  }
0x4be: {  	[tilespmem:v61+s16+$0x0] =	vst.idx.add.f32.msk $0xffff, v19  }
0x4bf: {  	v62 =	vor.u32 v14, v18;
	v19 =	vld [tilespmem:s22+$0x5FD0];
	_ =	sdelay $0x4  }
0x4c0: {  	[tilespmem:v62+s16+$0x0] =	vst.idx.add.f32.msk $0xffff, v19  }
0x4c1: {  	v63 =	vor.u32 v15, v18;
	v19 =	vld [tilespmem:s22+$0x5FE0];
	_ =	sdelay $0x4  }
0x4c2: {  	[tilespmem:v63+s16+$0x0] =	vst.idx.add.f32.msk $0xffff, v19  }
0x4c3: {  	p0 =	sne.s32 s20, $0x3;
	v18 =	vor.u32 v16, v18;
	v19 =	vld [tilespmem:s22+$0x5FF0]  }
.Ltmp2:
0x4c4: {  	_ = 	snop;
	(pc) =	sbr.rel @p0 .LBB2_7-.Ltmp2, $2  }
0x4c5: {  	_ =	sdelay $0x2  }
0x4c6: {  	s20 =	sadd.s32 $0x1, s20;
	[tilespmem:v18+s16+$0x0] =	vst.idx.add.f32.msk $0xffff, v19  }
0x4c7: {  	s19 =	sadd.s32 $0x1, s19  }
0x4c8: {  	p0 =	sne.s32 s19, $0x10  }
.Ltmp3:
0x4c9: {  	_ = 	snop;
	(pc) =	sbr.rel @p0 .LBB2_4-.Ltmp3, $4  }
0x4ca: {  	s20 =	sadd.s32 s21, s9  }
0x4cb: {  	s20 =	sshrl.u32 s20, $0x3  }
0x4cc: {  	s20 =	sadd.s32 s1, s20  }
0x4cd: {  	[tilespmem:s15], [sflag:$0x2] =	stream.strided.gather [hbm4b:s20+s13], $0x4000, s14, s13, $0x38;
	[tilespmem:$0xD000] =	vst v63  }
0x4ce: {  	_ =	swait.ge [sflag:s4], $0x4000  }
0x4cf: {  	[sflag:s4] =	ssyncset.done $0x0  }
0x4d0: {  	[sflag:s4] =	ssyncadd.s32 $0xFFFFC000  }
0x4d1: {  	s18 =	sadd.s32 $0x1, s18;
	_ =	swait.ge [sflag:s17], $0x4000  }
0x4d2: {  	p0 =	sne.s32 s18, s11;
	[sflag:s17] =	ssyncset.done $0x0  }
.Ltmp4:
0x4d3: {  	[sflag:s17] =	ssyncadd.s32 $0xFFFFC000;
	(pc) =	sbr.rel @p0 .LBB2_1-.Ltmp4, $4  }
0x4d4: {  	[hbm4b:s10+s13] =	stream.strided.scatter [tilespmem:s16], [sflag:$0x3], $0x4000, s14, s13, $0x38;
	[tilespmem:$0xD000] =	vst v63  }
0x4d5: {  	_ =	swait.ge [sflag:s12], $0x4000  }
0x4d6: {  	[sflag:s12] =	ssyncset.done $0x0  }
0x4d7: {  	[sflag:s12] =	ssyncadd.s32 $0xFFFFC000  }
0x4d8: {  	_ =	sfence.sel $0x180000  }
0x4d9: {  	[bflag:$0x0] =	sbarrier.arrive $0xFFFF  }
0x4da: {  	p0 =	sne.s32 s0, $0x0;
	_ =	strace $0x90000047  }
0x4db: {  	s0 =	sadd.s32 @!p0 $0x100000, s2;
	[bflag:$0x2] =	sbarrier.arrive $0xFFFF  }
0x4dc: {  	[sflag:s0] =	ssyncadd.tile.s32 @!p0 $0x1;
	_ =	shalt  }
.Lfunc_end2:
_tile_overlayer_lowered:
.L_overlay_start_2:
0x4dd: {  	(tag) =	ssettag $0x2  }
0x4de: {  	s0 =	rddreg [dreg:$0x0];
	s2 =	stileid.u32  }
0x4df: {  	s1 =	rddreg [dreg:$0x1];
	p0 =	sne.s32 s2, $0x0  }
0x4e0: {  	s3 =	rddreg [dreg:$0x2];
	[bflag:$0x3] =	sbarrier.arrive $0xFFFF;
	s2 =	simm.s32 @!p0 $0x1C03  }
0x4e1: {  	[timem:s3], [sflag:s2] =	dma.local @!p0 [hbm:s0], s1  }
0x4e2: {  	s0 =	simm.s32 @!p0 $0x3  }
0x4e3: {  	_ =	swait.ge @!p0 [sflag:s0], s1  }
0x4e4: {  	s1 =	ssub.s32 @!p0 $0x0, s1;
	[sflag:s0] =	ssyncset.done @!p0 $0x0  }
0x4e5: {  	[sflag:s0] =	ssyncadd.s32 @!p0 s1  }
0x4e6: {  	[bflag:$0x3] =	sbarrier.arrive $0xFFFF  }
0x4e7: {  	_ =	shalt  }

</sc_bundles>
